<compile_context>
chip_gen: v7x
topology: tpu7x:2x2x1
jax: 0.10.2.dev20260603
libtpu: 0.0.44.dev20260713+nightly
codegen_flags: <defaults>
</compile_context>

<pallas_src>
import functools

import jax
import jax.numpy as jnp
from jax import lax
from jax.experimental import pallas as pl
from jax.experimental.pallas import tpu as pltpu
from jax.experimental.pallas import tpu_sc as plsc

N_REAL = 10000
NPAD = 10048
E_REAL = 160000
EPAD = 163840
EPT = EPAD // 16
SLAB_A = 632
SLAB_B = 624
BR = 1256



def _mm_first(x, wp, nslab):
    n, k = x.shape
    dout = wp.shape[0]
    w = dout // nslab

    def body(x_ref, w_ref, o_ref):
        i = pl.program_id(0)
        y = lax.dot_general(x_ref[...], w_ref[...], (((1,), (1,)), ((), ())),
                            preferred_element_type=jnp.float32)
        row = i * BR + lax.broadcasted_iota(jnp.int32, (BR, dout), 0)
        y = jnp.where(row < n, y, 0.0)
        for q in range(nslab):
            o_ref[q] = y[:, q * w:(q + 1) * w]

    return pl.pallas_call(
        body,
        grid=(NPAD // BR,),
        in_specs=[pl.BlockSpec((BR, k), lambda i: (i, 0)),
                  pl.BlockSpec((dout, k), lambda i: (0, 0))],
        out_specs=pl.BlockSpec((nslab, BR, w), lambda i: (0, i, 0)),
        out_shape=jax.ShapeDtypeStruct((nslab, NPAD, w), jnp.float32),
    )(x, wp)


def _mm_fused(p, b2d, wp, nslab):
    inslab, n, win = p.shape
    din = inslab * win
    dout = wp.shape[0]
    w = dout // nslab

    def body(p_ref, b_ref, w_ref, o_ref):
        i = pl.program_id(0)
        h = jnp.concatenate([p_ref[q] for q in range(inslab)], axis=1)
        h = jnp.maximum(h + b_ref[...], 0.0)
        y = lax.dot_general(h, w_ref[...], (((1,), (1,)), ((), ())),
                            preferred_element_type=jnp.float32)
        row = i * BR + lax.broadcasted_iota(jnp.int32, (BR, dout), 0)
        y = jnp.where(row < N_REAL, y, 0.0)
        for q in range(nslab):
            o_ref[q] = y[:, q * w:(q + 1) * w]

    return pl.pallas_call(
        body,
        grid=(n // BR,),
        in_specs=[pl.BlockSpec((inslab, BR, win), lambda i: (0, i, 0)),
                  pl.BlockSpec((1, din), lambda i: (0, 0)),
                  pl.BlockSpec((dout, din), lambda i: (0, 0))],
        out_specs=pl.BlockSpec((nslab, BR, w), lambda i: (0, i, 0)),
        out_shape=jax.ShapeDtypeStruct((nslab, n, w), jnp.float32),
    )(p, b2d, wp)


def _final_act(p, b2d, dout):
    inslab, n, win = p.shape
    din = inslab * win

    def body(p_ref, b_ref, o_ref):
        h = jnp.concatenate([p_ref[q] for q in range(inslab)], axis=1)
        h = jnp.maximum(h + b_ref[...], 0.0)
        o_ref[...] = h[:, :dout]

    return pl.pallas_call(
        body,
        grid=(n // BR,),
        in_specs=[pl.BlockSpec((inslab, BR, win), lambda i: (0, i, 0)),
                  pl.BlockSpec((1, din), lambda i: (0, 0))],
        out_specs=pl.BlockSpec((BR, dout), lambda i: (i, 0)),
        out_shape=jax.ShapeDtypeStruct((N_REAL, dout), jnp.float32),
    )(p, b2d)



def _slab_copy(src_ref, dst_ref, s):
    @pl.when(s < 8)
    def _():
        b = pl.multiple_of(s * SLAB_A, 8)
        pltpu.sync_copy(src_ref.at[pl.ds(b, SLAB_A)],
                        dst_ref.at[pl.ds(b, SLAB_A)])

    @pl.when(s >= 8)
    def _():
        b = pl.multiple_of(8 * SLAB_A + (s - 8) * SLAB_B, 8)
        pltpu.sync_copy(src_ref.at[pl.ds(b, SLAB_B)],
                        dst_ref.at[pl.ds(b, SLAB_B)])


def _seg_sum(y, src4, dst4, zeros, w, csz, nslab=2, stage=False):
    mesh = plsc.VectorSubcoreMesh(core_axis_name="c", subcore_axis_name="s")

    nbuf = 4
    chunks = EPT // csz
    spc = nslab // 2

    @functools.partial(
        pl.kernel,
        out_type=jax.ShapeDtypeStruct((nslab, NPAD, w), jnp.float32),
        mesh=mesh,
        scratch_types=(
            [pltpu.VMEM((chunks, 1, csz), jnp.int32),
             pltpu.VMEM((chunks, 1, csz), jnp.int32)]
            + [pltpu.VMEM((csz, w), jnp.float32)] * nbuf
            + [pltpu.VMEM_SHARED((NPAD, w), jnp.float32)]
            + ([pltpu.VMEM_SHARED((NPAD, w), jnp.float32)] if stage else [])
            + [pltpu.SemaphoreType.DMA] * (2 * nbuf)
        ),
        compiler_params=pltpu.CompilerParams(use_tc_tiling_on_sc=False),
    )
    def k(y_hbm, src_hbm, dst_hbm, z_hbm, out, *rest):
        if stage:
            (src_v, dst_v, r0, r1, r2, r3, acc_sh, y_sh,
             g0, g1, g2, g3, s0, s1, s2, s3) = rest
        else:
            (src_v, dst_v, r0, r1, r2, r3, acc_sh,
             g0, g1, g2, g3, s0, s1, s2, s3) = rest
            y_sh = None
        bufs = (r0, r1, r2, r3)
        gsem = (g0, g1, g2, g3)
        ssem = (s0, s1, s2, s3)
        c = lax.axis_index("c")
        s = lax.axis_index("s")
        pltpu.sync_copy(src_hbm.at[s], src_v)
        pltpu.sync_copy(dst_hbm.at[s], dst_v)

        def one_pass(sl):
            _slab_copy(z_hbm, acc_sh, s)
            if stage:
                _slab_copy(y_hbm.at[sl], y_sh, s)
            plsc.subcore_barrier()

            def ysrc(b):
                return y_sh if stage else y_hbm.at[sl]

            def gather_start(j, b):
                pltpu.async_copy(ysrc(b).at[src_v.at[j, 0]], bufs[b],
                                 gsem[b])

            def gather_wait(b):
                pltpu.make_async_copy(ysrc(b).at[src_v.at[0, 0]], bufs[b],
                                      gsem[b]).wait()

            def scatter_start(j, b):
                pltpu.async_copy(bufs[b], acc_sh.at[dst_v.at[j, 0]],
                                 ssem[b], add=True)

            def scatter_wait(b):
                pltpu.make_async_copy(bufs[b], acc_sh.at[dst_v.at[0, 0]],
                                      ssem[b]).wait()

            for b in range(nbuf):
                gather_start(b, b)

            def body(u, carry):
                j = 4 * u
                for b in range(nbuf):
                    gather_wait(b)
                    scatter_start(j + b, b)
                for b in range(nbuf):
                    @pl.when(j + nbuf + b < chunks)
                    def _(b=b):
                        scatter_wait(b)
                        gather_start(j + nbuf + b, b)
                return carry

            lax.fori_loop(0, chunks // 4, body, 0)
            for b in range(nbuf):
                scatter_wait(b)
            plsc.subcore_barrier()
            _slab_copy(acc_sh, out.at[sl], s)

        for q in range(spc):
            one_pass(spc * c + q if spc > 1 else c)

    return k(y, src4, dst4, zeros)



def _pad_w(m, r, c):
    return jnp.pad(m.astype(jnp.float32),
                   ((0, r - m.shape[0]), (0, c - m.shape[1])))


def kernel(features, edge_index, W1, b1, W2, b2, W3, b3):
    f32 = jnp.float32
    d1, d2, d3 = 256, 128, 64

    src = edge_index[0].astype(jnp.int32)
    dst = edge_index[1].astype(jnp.int32)
    pad = jnp.full((EPAD - E_REAL,), N_REAL, jnp.int32)
    src80 = jnp.concatenate([src, pad]).reshape(16, EPT // 80, 1, 80)
    dst80 = jnp.concatenate([dst, pad]).reshape(16, EPT // 80, 1, 80)
    w1p = _pad_w(W1, d1, features.shape[1])
    w2p = _pad_w(W2, d2, d1)
    w3p = _pad_w(W3, d3, d2)
    b1p = jnp.pad(b1.astype(f32), (0, d1 - b1.shape[0])).reshape(1, d1)
    b2p = jnp.pad(b2.astype(f32), (0, d2 - b2.shape[0])).reshape(1, d2)
    b3p = jnp.pad(b3.astype(f32), (0, d3 - b3.shape[0])).reshape(1, d3)

    zeros64 = jnp.zeros((NPAD, 64), f32)
    y1 = _mm_first(features.astype(f32), w1p, 4)
    p = _seg_sum(y1, src80, dst80, zeros64, 64, 80, nslab=4, stage=True)
    y2 = _mm_fused(p, b1p, w2p, 2)
    p = _seg_sum(y2, src80, dst80, zeros64, 64, 80, nslab=2, stage=True)
    y3 = _mm_fused(p, b2p, w3p, 2)
    p = _seg_sum(y3, src80, dst80, jnp.zeros((NPAD, 32), f32),
                 32, 80, nslab=2, stage=True)
    return _final_act(p, b3p, W3.shape[0])

# --- scband reference (transcript-rebuilt; emitter-appended) ---
"""Pipeline reference for scband-gcnnet-27513560498675 (READ-ONLY COPY).

The authoritative reference and input builder live on the scoring server;
editing this copy changes nothing except your own understanding.
"""

import jax, jax.numpy as jnp
import numpy as np

N_NODES = 10000
N_EDGES = 160000
IN_DIM = 256
HIDDEN = [200, 100]
OUT_DIM = 50


def setup_inputs(seed: int = 0) -> dict:
    key = jax.random.key(seed)
    ks = jax.random.split(key, 10)
    features = jax.random.normal(ks[0], (N_NODES, IN_DIM), dtype=jnp.float32)
    edge_index = jax.random.randint(ks[1], (2, N_EDGES), 0, N_NODES, dtype=jnp.int64)
    dims = [IN_DIM] + HIDDEN + [OUT_DIM]
    params = {}
    for i in range(3):
        fan_in = dims[i]
        bound = 1.0 / np.sqrt(fan_in)
        params[f"W{i+1}"] = jax.random.uniform(ks[2 + 2 * i], (dims[i + 1], dims[i]), dtype=jnp.float32, minval=-bound, maxval=bound)
        params[f"b{i+1}"] = jax.random.uniform(ks[3 + 2 * i], (dims[i + 1],), dtype=jnp.float32, minval=-bound, maxval=bound)
    return {"features": features, "edge_index": edge_index, **params}


def _gcn_layer(h, src, dst, W, b):
    # gcn_msg: copy src feature along each edge; gcn_reduce: sum at dst node
    msgs = jnp.take(h, src, axis=0)                      # gather [E, d]
    agg = jax.ops.segment_sum(msgs, dst, num_segments=N_NODES)  # scatter-add [N, d]
    out = agg @ W.T + b                                  # NodeApplyModule linear
    return jax.nn.relu(out)                              # activation


def reference(features, edge_index, W1, b1, W2, b2, W3, b3):
    src = edge_index[0]
    dst = edge_index[1]
    x = _gcn_layer(features, src, dst, W1, b1)
    x = _gcn_layer(x, src, dst, W2, b2)  # dropout_rate=0.0 -> no dropout
    x = _gcn_layer(x, src, dst, W3, b3)
    return x

if __name__ == "__main__":
    import jax
    _d = setup_inputs()
    print(jax.jit(kernel)(*tuple(_d.values())))

</pallas_src>

<mosaic_0001>
#map = affine_map<(d0, d1) -> (0, 0, 0)>
#map1 = affine_map<(d0, d1) -> (0, 0, 0, 0)>
#map2 = affine_map<(d0, d1) -> (0, 0)>
module attributes {stable_mosaic.version = 14 : i64} {
  func.func @k(%arg0: i32, %arg1: i32, %arg2: memref<2x10048x32xf32, #tpu.memory_space<hbm>>, %arg3: memref<16x128x1x80xi32, #tpu.memory_space<hbm>>, %arg4: memref<16x128x1x80xi32, #tpu.memory_space<hbm>>, %arg5: memref<10048x32xf32, #tpu.memory_space<hbm>>, %arg6: memref<2x10048x32xf32, #tpu.memory_space<hbm>>, %arg7: memref<128x1x80xi32, #tpu.memory_space<vmem>>, %arg8: memref<128x1x80xi32, #tpu.memory_space<vmem>>, %arg9: memref<80x32xf32, #tpu.memory_space<vmem>>, %arg10: memref<80x32xf32, #tpu.memory_space<vmem>>, %arg11: memref<80x32xf32, #tpu.memory_space<vmem>>, %arg12: memref<80x32xf32, #tpu.memory_space<vmem>>, %arg13: memref<10048x32xf32, #tpu.memory_space<vmem_shared>>, %arg14: memref<10048x32xf32, #tpu.memory_space<vmem_shared>>, %arg15: memref<!tpu.dma_semaphore, #tpu.memory_space<semaphore_mem>>, %arg16: memref<!tpu.dma_semaphore, #tpu.memory_space<semaphore_mem>>, %arg17: memref<!tpu.dma_semaphore, #tpu.memory_space<semaphore_mem>>, %arg18: memref<!tpu.dma_semaphore, #tpu.memory_space<semaphore_mem>>, %arg19: memref<!tpu.dma_semaphore, #tpu.memory_space<semaphore_mem>>, %arg20: memref<!tpu.dma_semaphore, #tpu.memory_space<semaphore_mem>>, %arg21: memref<!tpu.dma_semaphore, #tpu.memory_space<semaphore_mem>>, %arg22: memref<!tpu.dma_semaphore, #tpu.memory_space<semaphore_mem>>) attributes {dimension_semantics = [#tpu.dimension_semantics<core_parallel>, #tpu.dimension_semantics<subcore_parallel>], iteration_bounds = array<i64: 2, 16>, scalar_prefetch = 0 : i64, scratch_operands = 16 : i64, tpu.core_type = #tpu.core_type<sc_vector_subcore>, window_params = [{transform_indices = #map}, {transform_indices = #map1}, {transform_indices = #map1}, {transform_indices = #map2}, {transform_indices = #map}]} {
    "tpu.region"() ({
      %run_scoped3A = tpu.sem_alloc : memref<!tpu.dma_semaphore, #tpu.memory_space<semaphore_mem>>
      %dma_start3A_94 = arith.constant 0 : i32
      %dma_start3A_95 = arith.constant 0 : i32
      %dma_start3A_96 = arith.constant 0 : i32
      %dma_start3A_97 = tpu.memref_slice %arg3[%arg1, %dma_start3A_94, %dma_start3A_95, %dma_start3A_96] : memref<16x128x1x80xi32, #tpu.memory_space<hbm>> -> memref<1x128x1x80xi32, #tpu.memory_space<hbm>>
      %dma_start3A_98 = tpu.memref_squeeze %dma_start3A_97 : memref<1x128x1x80xi32, #tpu.memory_space<hbm>> -> memref<128x1x80xi32, #tpu.memory_space<hbm>>
      %dma_start3A_99 = arith.constant 0 : i32
      %dma_start3A_100 = arith.constant 0 : i32
      %dma_start3A_101 = arith.constant 0 : i32
      %dma_start3A_102 = tpu.memref_slice %arg3[%arg1, %dma_start3A_99, %dma_start3A_100, %dma_start3A_101] : memref<16x128x1x80xi32, #tpu.memory_space<hbm>> -> memref<1x128x1x80xi32, #tpu.memory_space<hbm>>
      %dma_start3A_103 = tpu.memref_squeeze %dma_start3A_102 : memref<1x128x1x80xi32, #tpu.memory_space<hbm>> -> memref<128x1x80xi32, #tpu.memory_space<hbm>>
      tpu.enqueue_dma source(%dma_start3A_103 : memref<128x1x80xi32, #tpu.memory_space<hbm>>) target(%arg7 : memref<128x1x80xi32, #tpu.memory_space<vmem>>) target_semaphore(%run_scoped3A : memref<!tpu.dma_semaphore, #tpu.memory_space<semaphore_mem>>)
      %dma_wait3A_104 = arith.constant 0 : i32
      %dma_wait3A_105 = arith.constant 0 : i32
      %dma_wait3A_106 = arith.constant 0 : i32
      %dma_wait3A_107 = tpu.memref_slice %arg3[%arg1, %dma_wait3A_104, %dma_wait3A_105, %dma_wait3A_106] : memref<16x128x1x80xi32, #tpu.memory_space<hbm>> -> memref<1x128x1x80xi32, #tpu.memory_space<hbm>>
      %dma_wait3A_108 = tpu.memref_squeeze %dma_wait3A_107 : memref<1x128x1x80xi32, #tpu.memory_space<hbm>> -> memref<128x1x80xi32, #tpu.memory_space<hbm>>
      %dma_wait3A_109 = arith.constant 0 : i32
      %dma_wait3A_110 = arith.constant 0 : i32
      %dma_wait3A_111 = arith.constant 0 : i32
      %dma_wait3A_112 = tpu.memref_slice %arg3[%arg1, %dma_wait3A_109, %dma_wait3A_110, %dma_wait3A_111] : memref<16x128x1x80xi32, #tpu.memory_space<hbm>> -> memref<1x128x1x80xi32, #tpu.memory_space<hbm>>
      %dma_wait3A_113 = tpu.memref_squeeze %dma_wait3A_112 : memref<1x128x1x80xi32, #tpu.memory_space<hbm>> -> memref<128x1x80xi32, #tpu.memory_space<hbm>>
      tpu.wait_dma2 semaphore(%run_scoped3A : memref<!tpu.dma_semaphore, #tpu.memory_space<semaphore_mem>>) src(%dma_wait3A_113 : memref<128x1x80xi32, #tpu.memory_space<hbm>>) dst(%arg7 : memref<128x1x80xi32, #tpu.memory_space<vmem>>)
      tpu.yield
    }) : () -> ()
    "tpu.region"() ({
      %run_scoped3A = tpu.sem_alloc : memref<!tpu.dma_semaphore, #tpu.memory_space<semaphore_mem>>
      %dma_start3A_94 = arith.constant 0 : i32
      %dma_start3A_95 = arith.constant 0 : i32
      %dma_start3A_96 = arith.constant 0 : i32
      %dma_start3A_97 = tpu.memref_slice %arg4[%arg1, %dma_start3A_94, %dma_start3A_95, %dma_start3A_96] : memref<16x128x1x80xi32, #tpu.memory_space<hbm>> -> memref<1x128x1x80xi32, #tpu.memory_space<hbm>>
      %dma_start3A_98 = tpu.memref_squeeze %dma_start3A_97 : memref<1x128x1x80xi32, #tpu.memory_space<hbm>> -> memref<128x1x80xi32, #tpu.memory_space<hbm>>
      %dma_start3A_99 = arith.constant 0 : i32
      %dma_start3A_100 = arith.constant 0 : i32
      %dma_start3A_101 = arith.constant 0 : i32
      %dma_start3A_102 = tpu.memref_slice %arg4[%arg1, %dma_start3A_99, %dma_start3A_100, %dma_start3A_101] : memref<16x128x1x80xi32, #tpu.memory_space<hbm>> -> memref<1x128x1x80xi32, #tpu.memory_space<hbm>>
      %dma_start3A_103 = tpu.memref_squeeze %dma_start3A_102 : memref<1x128x1x80xi32, #tpu.memory_space<hbm>> -> memref<128x1x80xi32, #tpu.memory_space<hbm>>
      tpu.enqueue_dma source(%dma_start3A_103 : memref<128x1x80xi32, #tpu.memory_space<hbm>>) target(%arg8 : memref<128x1x80xi32, #tpu.memory_space<vmem>>) target_semaphore(%run_scoped3A : memref<!tpu.dma_semaphore, #tpu.memory_space<semaphore_mem>>)
      %dma_wait3A_104 = arith.constant 0 : i32
      %dma_wait3A_105 = arith.constant 0 : i32
      %dma_wait3A_106 = arith.constant 0 : i32
      %dma_wait3A_107 = tpu.memref_slice %arg4[%arg1, %dma_wait3A_104, %dma_wait3A_105, %dma_wait3A_106] : memref<16x128x1x80xi32, #tpu.memory_space<hbm>> -> memref<1x128x1x80xi32, #tpu.memory_space<hbm>>
      %dma_wait3A_108 = tpu.memref_squeeze %dma_wait3A_107 : memref<1x128x1x80xi32, #tpu.memory_space<hbm>> -> memref<128x1x80xi32, #tpu.memory_space<hbm>>
      %dma_wait3A_109 = arith.constant 0 : i32
      %dma_wait3A_110 = arith.constant 0 : i32
      %dma_wait3A_111 = arith.constant 0 : i32
      %dma_wait3A_112 = tpu.memref_slice %arg4[%arg1, %dma_wait3A_109, %dma_wait3A_110, %dma_wait3A_111] : memref<16x128x1x80xi32, #tpu.memory_space<hbm>> -> memref<1x128x1x80xi32, #tpu.memory_space<hbm>>
      %dma_wait3A_113 = tpu.memref_squeeze %dma_wait3A_112 : memref<1x128x1x80xi32, #tpu.memory_space<hbm>> -> memref<128x1x80xi32, #tpu.memory_space<hbm>>
      tpu.wait_dma2 semaphore(%run_scoped3A : memref<!tpu.dma_semaphore, #tpu.memory_space<semaphore_mem>>) src(%dma_wait3A_113 : memref<128x1x80xi32, #tpu.memory_space<hbm>>) dst(%arg8 : memref<128x1x80xi32, #tpu.memory_space<vmem>>)
      tpu.yield
    }) : () -> ()
    %lt3A = arith.constant 8 : i32
    %lt3A_0 = arith.cmpi slt, %arg1, %lt3A : i32
    %convert_element_type3A = arith.extui %lt3A_0 : i1 to i32
    %cond3A = arith.constant 0 : i32
    %cond3A_1 = arith.cmpi ne, %convert_element_type3A, %cond3A : i32
    scf.if %cond3A_1 {
      %mul3A = arith.constant 632 : i32
      %mul3A_94 = arith.muli %arg1, %mul3A : i32
      %multiple_of3A = tpu.assume_multiple %mul3A_94, 8 : i32
      "tpu.region"() ({
        %run_scoped3A = tpu.sem_alloc : memref<!tpu.dma_semaphore, #tpu.memory_space<semaphore_mem>>
        %dma_start3A_95 = arith.constant 0 : i32
        %dma_start3A_96 = tpu.memref_slice %arg13[%multiple_of3A, %dma_start3A_95] : memref<10048x32xf32, #tpu.memory_space<vmem_shared>> -> memref<632x32xf32, #tpu.memory_space<vmem_shared>>
        %dma_start3A_97 = arith.constant 0 : i32
        %dma_start3A_98 = tpu.memref_slice %arg5[%multiple_of3A, %dma_start3A_97] : memref<10048x32xf32, #tpu.memory_space<hbm>> -> memref<632x32xf32, #tpu.memory_space<hbm>>
        tpu.enqueue_dma source(%dma_start3A_98 : memref<632x32xf32, #tpu.memory_space<hbm>>) target(%dma_start3A_96 : memref<632x32xf32, #tpu.memory_space<vmem_shared>>) target_semaphore(%run_scoped3A : memref<!tpu.dma_semaphore, #tpu.memory_space<semaphore_mem>>)
        %dma_wait3A_99 = arith.constant 0 : i32
        %dma_wait3A_100 = tpu.memref_slice %arg13[%multiple_of3A, %dma_wait3A_99] : memref<10048x32xf32, #tpu.memory_space<vmem_shared>> -> memref<632x32xf32, #tpu.memory_space<vmem_shared>>
        %dma_wait3A_101 = arith.constant 0 : i32
        %dma_wait3A_102 = tpu.memref_slice %arg5[%multiple_of3A, %dma_wait3A_101] : memref<10048x32xf32, #tpu.memory_space<hbm>> -> memref<632x32xf32, #tpu.memory_space<hbm>>
        tpu.wait_dma2 semaphore(%run_scoped3A : memref<!tpu.dma_semaphore, #tpu.memory_space<semaphore_mem>>) src(%dma_wait3A_102 : memref<632x32xf32, #tpu.memory_space<hbm>>) dst(%dma_wait3A_100 : memref<632x32xf32, #tpu.memory_space<vmem_shared>>)
        tpu.yield
      }) : () -> ()
    } else {
    }
    %ge3A = arith.constant 8 : i32
    %ge3A_2 = arith.cmpi sge, %arg1, %ge3A : i32
    %convert_element_type3A_3 = arith.extui %ge3A_2 : i1 to i32
    %cond3A_4 = arith.constant 0 : i32
    %cond3A_5 = arith.cmpi ne, %convert_element_type3A_3, %cond3A_4 : i32
    scf.if %cond3A_5 {
      %sub3A = arith.constant 8 : i32
      %sub3A_94 = arith.subi %arg1, %sub3A : i32
      %mul3A = arith.constant 624 : i32
      %mul3A_95 = arith.muli %sub3A_94, %mul3A : i32
      %add3A = arith.constant 5056 : i32
      %add3A_96 = arith.addi %add3A, %mul3A_95 : i32
      %multiple_of3A = tpu.assume_multiple %add3A_96, 8 : i32
      "tpu.region"() ({
        %run_scoped3A = tpu.sem_alloc : memref<!tpu.dma_semaphore, #tpu.memory_space<semaphore_mem>>
        %dma_start3A_97 = arith.constant 0 : i32
        %dma_start3A_98 = tpu.memref_slice %arg13[%multiple_of3A, %dma_start3A_97] : memref<10048x32xf32, #tpu.memory_space<vmem_shared>> -> memref<624x32xf32, #tpu.memory_space<vmem_shared>>
        %dma_start3A_99 = arith.constant 0 : i32
        %dma_start3A_100 = tpu.memref_slice %arg5[%multiple_of3A, %dma_start3A_99] : memref<10048x32xf32, #tpu.memory_space<hbm>> -> memref<624x32xf32, #tpu.memory_space<hbm>>
        tpu.enqueue_dma source(%dma_start3A_100 : memref<624x32xf32, #tpu.memory_space<hbm>>) target(%dma_start3A_98 : memref<624x32xf32, #tpu.memory_space<vmem_shared>>) target_semaphore(%run_scoped3A : memref<!tpu.dma_semaphore, #tpu.memory_space<semaphore_mem>>)
        %dma_wait3A_101 = arith.constant 0 : i32
        %dma_wait3A_102 = tpu.memref_slice %arg13[%multiple_of3A, %dma_wait3A_101] : memref<10048x32xf32, #tpu.memory_space<vmem_shared>> -> memref<624x32xf32, #tpu.memory_space<vmem_shared>>
        %dma_wait3A_103 = arith.constant 0 : i32
        %dma_wait3A_104 = tpu.memref_slice %arg5[%multiple_of3A, %dma_wait3A_103] : memref<10048x32xf32, #tpu.memory_space<hbm>> -> memref<624x32xf32, #tpu.memory_space<hbm>>
        tpu.wait_dma2 semaphore(%run_scoped3A : memref<!tpu.dma_semaphore, #tpu.memory_space<semaphore_mem>>) src(%dma_wait3A_104 : memref<624x32xf32, #tpu.memory_space<hbm>>) dst(%dma_wait3A_102 : memref<624x32xf32, #tpu.memory_space<vmem_shared>>)
        tpu.yield
      }) : () -> ()
    } else {
    }
    %lt3A_6 = arith.constant 8 : i32
    %lt3A_7 = arith.cmpi slt, %arg1, %lt3A_6 : i32
    %convert_element_type3A_8 = arith.extui %lt3A_7 : i1 to i32
    %cond3A_9 = arith.constant 0 : i32
    %cond3A_10 = arith.cmpi ne, %convert_element_type3A_8, %cond3A_9 : i32
    scf.if %cond3A_10 {
      %mul3A = arith.constant 632 : i32
      %mul3A_94 = arith.muli %arg1, %mul3A : i32
      %multiple_of3A = tpu.assume_multiple %mul3A_94, 8 : i32
      "tpu.region"() ({
        %run_scoped3A = tpu.sem_alloc : memref<!tpu.dma_semaphore, #tpu.memory_space<semaphore_mem>>
        %dma_start3A_95 = arith.constant 0 : i32
        %dma_start3A_96 = tpu.memref_slice %arg14[%multiple_of3A, %dma_start3A_95] : memref<10048x32xf32, #tpu.memory_space<vmem_shared>> -> memref<632x32xf32, #tpu.memory_space<vmem_shared>>
        %dma_start3A_97 = arith.constant 0 : i32
        %dma_start3A_98 = arith.constant 0 : i32
        %dma_start3A_99 = tpu.memref_slice %arg2[%arg0, %dma_start3A_97, %dma_start3A_98] : memref<2x10048x32xf32, #tpu.memory_space<hbm>> -> memref<1x10048x32xf32, #tpu.memory_space<hbm>>
        %dma_start3A_100 = tpu.memref_squeeze %dma_start3A_99 : memref<1x10048x32xf32, #tpu.memory_space<hbm>> -> memref<10048x32xf32, #tpu.memory_space<hbm>>
        %dma_start3A_101 = arith.constant 0 : i32
        %dma_start3A_102 = tpu.memref_slice %dma_start3A_100[%multiple_of3A, %dma_start3A_101] : memref<10048x32xf32, #tpu.memory_space<hbm>> -> memref<632x32xf32, #tpu.memory_space<hbm>>
        tpu.enqueue_dma source(%dma_start3A_102 : memref<632x32xf32, #tpu.memory_space<hbm>>) target(%dma_start3A_96 : memref<632x32xf32, #tpu.memory_space<vmem_shared>>) target_semaphore(%run_scoped3A : memref<!tpu.dma_semaphore, #tpu.memory_space<semaphore_mem>>)
        %dma_wait3A_103 = arith.constant 0 : i32
        %dma_wait3A_104 = tpu.memref_slice %arg14[%multiple_of3A, %dma_wait3A_103] : memref<10048x32xf32, #tpu.memory_space<vmem_shared>> -> memref<632x32xf32, #tpu.memory_space<vmem_shared>>
        %dma_wait3A_105 = arith.constant 0 : i32
        %dma_wait3A_106 = arith.constant 0 : i32
        %dma_wait3A_107 = tpu.memref_slice %arg2[%arg0, %dma_wait3A_105, %dma_wait3A_106] : memref<2x10048x32xf32, #tpu.memory_space<hbm>> -> memref<1x10048x32xf32, #tpu.memory_space<hbm>>
        %dma_wait3A_108 = tpu.memref_squeeze %dma_wait3A_107 : memref<1x10048x32xf32, #tpu.memory_space<hbm>> -> memref<10048x32xf32, #tpu.memory_space<hbm>>
        %dma_wait3A_109 = arith.constant 0 : i32
        %dma_wait3A_110 = tpu.memref_slice %dma_wait3A_108[%multiple_of3A, %dma_wait3A_109] : memref<10048x32xf32, #tpu.memory_space<hbm>> -> memref<632x32xf32, #tpu.memory_space<hbm>>
        tpu.wait_dma2 semaphore(%run_scoped3A : memref<!tpu.dma_semaphore, #tpu.memory_space<semaphore_mem>>) src(%dma_wait3A_110 : memref<632x32xf32, #tpu.memory_space<hbm>>) dst(%dma_wait3A_104 : memref<632x32xf32, #tpu.memory_space<vmem_shared>>)
        tpu.yield
      }) : () -> ()
    } else {
    }
    %ge3A_11 = arith.constant 8 : i32
    %ge3A_12 = arith.cmpi sge, %arg1, %ge3A_11 : i32
    %convert_element_type3A_13 = arith.extui %ge3A_12 : i1 to i32
    %cond3A_14 = arith.constant 0 : i32
    %cond3A_15 = arith.cmpi ne, %convert_element_type3A_13, %cond3A_14 : i32
    scf.if %cond3A_15 {
      %sub3A = arith.constant 8 : i32
      %sub3A_94 = arith.subi %arg1, %sub3A : i32
      %mul3A = arith.constant 624 : i32
      %mul3A_95 = arith.muli %sub3A_94, %mul3A : i32
      %add3A = arith.constant 5056 : i32
      %add3A_96 = arith.addi %add3A, %mul3A_95 : i32
      %multiple_of3A = tpu.assume_multiple %add3A_96, 8 : i32
      "tpu.region"() ({
        %run_scoped3A = tpu.sem_alloc : memref<!tpu.dma_semaphore, #tpu.memory_space<semaphore_mem>>
        %dma_start3A_97 = arith.constant 0 : i32
        %dma_start3A_98 = tpu.memref_slice %arg14[%multiple_of3A, %dma_start3A_97] : memref<10048x32xf32, #tpu.memory_space<vmem_shared>> -> memref<624x32xf32, #tpu.memory_space<vmem_shared>>
        %dma_start3A_99 = arith.constant 0 : i32
        %dma_start3A_100 = arith.constant 0 : i32
        %dma_start3A_101 = tpu.memref_slice %arg2[%arg0, %dma_start3A_99, %dma_start3A_100] : memref<2x10048x32xf32, #tpu.memory_space<hbm>> -> memref<1x10048x32xf32, #tpu.memory_space<hbm>>
        %dma_start3A_102 = tpu.memref_squeeze %dma_start3A_101 : memref<1x10048x32xf32, #tpu.memory_space<hbm>> -> memref<10048x32xf32, #tpu.memory_space<hbm>>
        %dma_start3A_103 = arith.constant 0 : i32
        %dma_start3A_104 = tpu.memref_slice %dma_start3A_102[%multiple_of3A, %dma_start3A_103] : memref<10048x32xf32, #tpu.memory_space<hbm>> -> memref<624x32xf32, #tpu.memory_space<hbm>>
        tpu.enqueue_dma source(%dma_start3A_104 : memref<624x32xf32, #tpu.memory_space<hbm>>) target(%dma_start3A_98 : memref<624x32xf32, #tpu.memory_space<vmem_shared>>) target_semaphore(%run_scoped3A : memref<!tpu.dma_semaphore, #tpu.memory_space<semaphore_mem>>)
        %dma_wait3A_105 = arith.constant 0 : i32
        %dma_wait3A_106 = tpu.memref_slice %arg14[%multiple_of3A, %dma_wait3A_105] : memref<10048x32xf32, #tpu.memory_space<vmem_shared>> -> memref<624x32xf32, #tpu.memory_space<vmem_shared>>
        %dma_wait3A_107 = arith.constant 0 : i32
        %dma_wait3A_108 = arith.constant 0 : i32
        %dma_wait3A_109 = tpu.memref_slice %arg2[%arg0, %dma_wait3A_107, %dma_wait3A_108] : memref<2x10048x32xf32, #tpu.memory_space<hbm>> -> memref<1x10048x32xf32, #tpu.memory_space<hbm>>
        %dma_wait3A_110 = tpu.memref_squeeze %dma_wait3A_109 : memref<1x10048x32xf32, #tpu.memory_space<hbm>> -> memref<10048x32xf32, #tpu.memory_space<hbm>>
        %dma_wait3A_111 = arith.constant 0 : i32
        %dma_wait3A_112 = tpu.memref_slice %dma_wait3A_110[%multiple_of3A, %dma_wait3A_111] : memref<10048x32xf32, #tpu.memory_space<hbm>> -> memref<624x32xf32, #tpu.memory_space<hbm>>
        tpu.wait_dma2 semaphore(%run_scoped3A : memref<!tpu.dma_semaphore, #tpu.memory_space<semaphore_mem>>) src(%dma_wait3A_112 : memref<624x32xf32, #tpu.memory_space<hbm>>) dst(%dma_wait3A_106 : memref<624x32xf32, #tpu.memory_space<vmem_shared>>)
        tpu.yield
      }) : () -> ()
    } else {
    }
    %barrier3A = arith.constant 0 : index
    tpu.barrier barrier_id(%barrier3A)
    %dma_start3A = arith.constant 0 : i32
    %dma_start3A_16 = arith.constant 0 : i32
    %dma_start3A_17 = arith.constant 0 : i32
    %dma_start3A_18 = tpu.memref_slice %arg7[%dma_start3A, %dma_start3A_16, %dma_start3A_17] : memref<128x1x80xi32, #tpu.memory_space<vmem>> -> memref<1x1x80xi32, #tpu.memory_space<vmem>>
    %dma_start3A_19 = tpu.memref_squeeze %dma_start3A_18 : memref<1x1x80xi32, #tpu.memory_space<vmem>> -> memref<80xi32, #tpu.memory_space<vmem>>
    %dma_start3A_20 = arith.constant 0 : i32
    %dma_start3A_21 = arith.constant 0 : i32
    %dma_start3A_22 = tpu.memref_slice %arg14[%dma_start3A_20, %dma_start3A_21] : memref<10048x32xf32, #tpu.memory_space<vmem_shared>> -> memref<10048x32xf32, #tpu.memory_space<vmem_shared>>
    tpu.enqueue_indirect_dma source(%dma_start3A_22 : memref<10048x32xf32, #tpu.memory_space<vmem_shared>>) target(%arg9 : memref<80x32xf32, #tpu.memory_space<vmem>>) offsets(%dma_start3A_19 : memref<80xi32, #tpu.memory_space<vmem>>) semaphore(%arg15 : memref<!tpu.dma_semaphore, #tpu.memory_space<semaphore_mem>>)
    %dma_start3A_23 = arith.constant 1 : i32
    %dma_start3A_24 = arith.constant 0 : i32
    %dma_start3A_25 = arith.constant 0 : i32
    %dma_start3A_26 = tpu.memref_slice %arg7[%dma_start3A_23, %dma_start3A_24, %dma_start3A_25] : memref<128x1x80xi32, #tpu.memory_space<vmem>> -> memref<1x1x80xi32, #tpu.memory_space<vmem>>
    %dma_start3A_27 = tpu.memref_squeeze %dma_start3A_26 : memref<1x1x80xi32, #tpu.memory_space<vmem>> -> memref<80xi32, #tpu.memory_space<vmem>>
    %dma_start3A_28 = arith.constant 0 : i32
    %dma_start3A_29 = arith.constant 0 : i32
    %dma_start3A_30 = tpu.memref_slice %arg14[%dma_start3A_28, %dma_start3A_29] : memref<10048x32xf32, #tpu.memory_space<vmem_shared>> -> memref<10048x32xf32, #tpu.memory_space<vmem_shared>>
    tpu.enqueue_indirect_dma source(%dma_start3A_30 : memref<10048x32xf32, #tpu.memory_space<vmem_shared>>) target(%arg10 : memref<80x32xf32, #tpu.memory_space<vmem>>) offsets(%dma_start3A_27 : memref<80xi32, #tpu.memory_space<vmem>>) semaphore(%arg16 : memref<!tpu.dma_semaphore, #tpu.memory_space<semaphore_mem>>)
    %dma_start3A_31 = arith.constant 2 : i32
    %dma_start3A_32 = arith.constant 0 : i32
    %dma_start3A_33 = arith.constant 0 : i32
    %dma_start3A_34 = tpu.memref_slice %arg7[%dma_start3A_31, %dma_start3A_32, %dma_start3A_33] : memref<128x1x80xi32, #tpu.memory_space<vmem>> -> memref<1x1x80xi32, #tpu.memory_space<vmem>>
    %dma_start3A_35 = tpu.memref_squeeze %dma_start3A_34 : memref<1x1x80xi32, #tpu.memory_space<vmem>> -> memref<80xi32, #tpu.memory_space<vmem>>
    %dma_start3A_36 = arith.constant 0 : i32
    %dma_start3A_37 = arith.constant 0 : i32
    %dma_start3A_38 = tpu.memref_slice %arg14[%dma_start3A_36, %dma_start3A_37] : memref<10048x32xf32, #tpu.memory_space<vmem_shared>> -> memref<10048x32xf32, #tpu.memory_space<vmem_shared>>
    tpu.enqueue_indirect_dma source(%dma_start3A_38 : memref<10048x32xf32, #tpu.memory_space<vmem_shared>>) target(%arg11 : memref<80x32xf32, #tpu.memory_space<vmem>>) offsets(%dma_start3A_35 : memref<80xi32, #tpu.memory_space<vmem>>) semaphore(%arg17 : memref<!tpu.dma_semaphore, #tpu.memory_space<semaphore_mem>>)
    %dma_start3A_39 = arith.constant 3 : i32
    %dma_start3A_40 = arith.constant 0 : i32
    %dma_start3A_41 = arith.constant 0 : i32
    %dma_start3A_42 = tpu.memref_slice %arg7[%dma_start3A_39, %dma_start3A_40, %dma_start3A_41] : memref<128x1x80xi32, #tpu.memory_space<vmem>> -> memref<1x1x80xi32, #tpu.memory_space<vmem>>
    %dma_start3A_43 = tpu.memref_squeeze %dma_start3A_42 : memref<1x1x80xi32, #tpu.memory_space<vmem>> -> memref<80xi32, #tpu.memory_space<vmem>>
    %dma_start3A_44 = arith.constant 0 : i32
    %dma_start3A_45 = arith.constant 0 : i32
    %dma_start3A_46 = tpu.memref_slice %arg14[%dma_start3A_44, %dma_start3A_45] : memref<10048x32xf32, #tpu.memory_space<vmem_shared>> -> memref<10048x32xf32, #tpu.memory_space<vmem_shared>>
    tpu.enqueue_indirect_dma source(%dma_start3A_46 : memref<10048x32xf32, #tpu.memory_space<vmem_shared>>) target(%arg12 : memref<80x32xf32, #tpu.memory_space<vmem>>) offsets(%dma_start3A_43 : memref<80xi32, #tpu.memory_space<vmem>>) semaphore(%arg18 : memref<!tpu.dma_semaphore, #tpu.memory_space<semaphore_mem>>)
    %scan3A = arith.constant 0 : i32
    %scan3A_47 = arith.constant 0 : i32
    %scan3A_48 = arith.constant 32 : i32
    %scan3A_49 = arith.addi %scan3A_47, %scan3A_48 : i32
    %scan3A_50 = arith.constant 1 : i32
    scf.for %scan3A_94 = %scan3A_47 to %scan3A_49 step %scan3A_50  : i32 {
      %mul3A = arith.constant 4 : i32
      %mul3A_95 = arith.muli %mul3A, %scan3A_94 : i32
      %dma_wait3A_96 = arith.constant 0 : i32
      %dma_wait3A_97 = arith.constant 0 : i32
      %dma_wait3A_98 = arith.constant 0 : i32
      %dma_wait3A_99 = tpu.memref_slice %arg7[%dma_wait3A_96, %dma_wait3A_97, %dma_wait3A_98] : memref<128x1x80xi32, #tpu.memory_space<vmem>> -> memref<1x1x80xi32, #tpu.memory_space<vmem>>
      %dma_wait3A_100 = tpu.memref_squeeze %dma_wait3A_99 : memref<1x1x80xi32, #tpu.memory_space<vmem>> -> memref<80xi32, #tpu.memory_space<vmem>>
      %dma_wait3A_101 = arith.constant 0 : i32
      %dma_wait3A_102 = arith.constant 0 : i32
      %dma_wait3A_103 = tpu.memref_slice %arg14[%dma_wait3A_101, %dma_wait3A_102] : memref<10048x32xf32, #tpu.memory_space<vmem_shared>> -> memref<10048x32xf32, #tpu.memory_space<vmem_shared>>
      tpu.wait_indirect_dma semaphore(%arg15 : memref<!tpu.dma_semaphore, #tpu.memory_space<semaphore_mem>>) src(%dma_wait3A_103 : memref<10048x32xf32, #tpu.memory_space<vmem_shared>>) dst(%arg9 : memref<80x32xf32, #tpu.memory_space<vmem>>)
      %add3A = arith.constant 0 : i32
      %add3A_104 = arith.addi %mul3A_95, %add3A : i32
      %dma_start3A_105 = arith.constant 0 : i32
      %dma_start3A_106 = arith.constant 0 : i32
      %dma_start3A_107 = tpu.memref_slice %arg8[%add3A_104, %dma_start3A_105, %dma_start3A_106] : memref<128x1x80xi32, #tpu.memory_space<vmem>> -> memref<1x1x80xi32, #tpu.memory_space<vmem>>
      %dma_start3A_108 = tpu.memref_squeeze %dma_start3A_107 : memref<1x1x80xi32, #tpu.memory_space<vmem>> -> memref<80xi32, #tpu.memory_space<vmem>>
      %dma_start3A_109 = arith.constant 0 : i32
      %dma_start3A_110 = arith.constant 0 : i32
      %dma_start3A_111 = tpu.memref_slice %arg13[%dma_start3A_109, %dma_start3A_110] : memref<10048x32xf32, #tpu.memory_space<vmem_shared>> -> memref<10048x32xf32, #tpu.memory_space<vmem_shared>>
      tpu.enqueue_indirect_dma source(%arg9 : memref<80x32xf32, #tpu.memory_space<vmem>>) target(%dma_start3A_111 : memref<10048x32xf32, #tpu.memory_space<vmem_shared>>) offsets(%dma_start3A_108 : memref<80xi32, #tpu.memory_space<vmem>>) semaphore(%arg19 : memref<!tpu.dma_semaphore, #tpu.memory_space<semaphore_mem>>) {add = true}
      %dma_wait3A_112 = arith.constant 0 : i32
      %dma_wait3A_113 = arith.constant 0 : i32
      %dma_wait3A_114 = arith.constant 0 : i32
      %dma_wait3A_115 = tpu.memref_slice %arg7[%dma_wait3A_112, %dma_wait3A_113, %dma_wait3A_114] : memref<128x1x80xi32, #tpu.memory_space<vmem>> -> memref<1x1x80xi32, #tpu.memory_space<vmem>>
      %dma_wait3A_116 = tpu.memref_squeeze %dma_wait3A_115 : memref<1x1x80xi32, #tpu.memory_space<vmem>> -> memref<80xi32, #tpu.memory_space<vmem>>
      %dma_wait3A_117 = arith.constant 0 : i32
      %dma_wait3A_118 = arith.constant 0 : i32
      %dma_wait3A_119 = tpu.memref_slice %arg14[%dma_wait3A_117, %dma_wait3A_118] : memref<10048x32xf32, #tpu.memory_space<vmem_shared>> -> memref<10048x32xf32, #tpu.memory_space<vmem_shared>>
      tpu.wait_indirect_dma semaphore(%arg16 : memref<!tpu.dma_semaphore, #tpu.memory_space<semaphore_mem>>) src(%dma_wait3A_119 : memref<10048x32xf32, #tpu.memory_space<vmem_shared>>) dst(%arg10 : memref<80x32xf32, #tpu.memory_space<vmem>>)
      %add3A_120 = arith.constant 1 : i32
      %add3A_121 = arith.addi %mul3A_95, %add3A_120 : i32
      %dma_start3A_122 = arith.constant 0 : i32
      %dma_start3A_123 = arith.constant 0 : i32
      %dma_start3A_124 = tpu.memref_slice %arg8[%add3A_121, %dma_start3A_122, %dma_start3A_123] : memref<128x1x80xi32, #tpu.memory_space<vmem>> -> memref<1x1x80xi32, #tpu.memory_space<vmem>>
      %dma_start3A_125 = tpu.memref_squeeze %dma_start3A_124 : memref<1x1x80xi32, #tpu.memory_space<vmem>> -> memref<80xi32, #tpu.memory_space<vmem>>
      %dma_start3A_126 = arith.constant 0 : i32
      %dma_start3A_127 = arith.constant 0 : i32
      %dma_start3A_128 = tpu.memref_slice %arg13[%dma_start3A_126, %dma_start3A_127] : memref<10048x32xf32, #tpu.memory_space<vmem_shared>> -> memref<10048x32xf32, #tpu.memory_space<vmem_shared>>
      tpu.enqueue_indirect_dma source(%arg10 : memref<80x32xf32, #tpu.memory_space<vmem>>) target(%dma_start3A_128 : memref<10048x32xf32, #tpu.memory_space<vmem_shared>>) offsets(%dma_start3A_125 : memref<80xi32, #tpu.memory_space<vmem>>) semaphore(%arg20 : memref<!tpu.dma_semaphore, #tpu.memory_space<semaphore_mem>>) {add = true}
      %dma_wait3A_129 = arith.constant 0 : i32
      %dma_wait3A_130 = arith.constant 0 : i32
      %dma_wait3A_131 = arith.constant 0 : i32
      %dma_wait3A_132 = tpu.memref_slice %arg7[%dma_wait3A_129, %dma_wait3A_130, %dma_wait3A_131] : memref<128x1x80xi32, #tpu.memory_space<vmem>> -> memref<1x1x80xi32, #tpu.memory_space<vmem>>
      %dma_wait3A_133 = tpu.memref_squeeze %dma_wait3A_132 : memref<1x1x80xi32, #tpu.memory_space<vmem>> -> memref<80xi32, #tpu.memory_space<vmem>>
      %dma_wait3A_134 = arith.constant 0 : i32
      %dma_wait3A_135 = arith.constant 0 : i32
      %dma_wait3A_136 = tpu.memref_slice %arg14[%dma_wait3A_134, %dma_wait3A_135] : memref<10048x32xf32, #tpu.memory_space<vmem_shared>> -> memref<10048x32xf32, #tpu.memory_space<vmem_shared>>
      tpu.wait_indirect_dma semaphore(%arg17 : memref<!tpu.dma_semaphore, #tpu.memory_space<semaphore_mem>>) src(%dma_wait3A_136 : memref<10048x32xf32, #tpu.memory_space<vmem_shared>>) dst(%arg11 : memref<80x32xf32, #tpu.memory_space<vmem>>)
      %add3A_137 = arith.constant 2 : i32
      %add3A_138 = arith.addi %mul3A_95, %add3A_137 : i32
      %dma_start3A_139 = arith.constant 0 : i32
      %dma_start3A_140 = arith.constant 0 : i32
      %dma_start3A_141 = tpu.memref_slice %arg8[%add3A_138, %dma_start3A_139, %dma_start3A_140] : memref<128x1x80xi32, #tpu.memory_space<vmem>> -> memref<1x1x80xi32, #tpu.memory_space<vmem>>
      %dma_start3A_142 = tpu.memref_squeeze %dma_start3A_141 : memref<1x1x80xi32, #tpu.memory_space<vmem>> -> memref<80xi32, #tpu.memory_space<vmem>>
      %dma_start3A_143 = arith.constant 0 : i32
      %dma_start3A_144 = arith.constant 0 : i32
      %dma_start3A_145 = tpu.memref_slice %arg13[%dma_start3A_143, %dma_start3A_144] : memref<10048x32xf32, #tpu.memory_space<vmem_shared>> -> memref<10048x32xf32, #tpu.memory_space<vmem_shared>>
      tpu.enqueue_indirect_dma source(%arg11 : memref<80x32xf32, #tpu.memory_space<vmem>>) target(%dma_start3A_145 : memref<10048x32xf32, #tpu.memory_space<vmem_shared>>) offsets(%dma_start3A_142 : memref<80xi32, #tpu.memory_space<vmem>>) semaphore(%arg21 : memref<!tpu.dma_semaphore, #tpu.memory_space<semaphore_mem>>) {add = true}
      %dma_wait3A_146 = arith.constant 0 : i32
      %dma_wait3A_147 = arith.constant 0 : i32
      %dma_wait3A_148 = arith.constant 0 : i32
      %dma_wait3A_149 = tpu.memref_slice %arg7[%dma_wait3A_146, %dma_wait3A_147, %dma_wait3A_148] : memref<128x1x80xi32, #tpu.memory_space<vmem>> -> memref<1x1x80xi32, #tpu.memory_space<vmem>>
      %dma_wait3A_150 = tpu.memref_squeeze %dma_wait3A_149 : memref<1x1x80xi32, #tpu.memory_space<vmem>> -> memref<80xi32, #tpu.memory_space<vmem>>
      %dma_wait3A_151 = arith.constant 0 : i32
      %dma_wait3A_152 = arith.constant 0 : i32
      %dma_wait3A_153 = tpu.memref_slice %arg14[%dma_wait3A_151, %dma_wait3A_152] : memref<10048x32xf32, #tpu.memory_space<vmem_shared>> -> memref<10048x32xf32, #tpu.memory_space<vmem_shared>>
      tpu.wait_indirect_dma semaphore(%arg18 : memref<!tpu.dma_semaphore, #tpu.memory_space<semaphore_mem>>) src(%dma_wait3A_153 : memref<10048x32xf32, #tpu.memory_space<vmem_shared>>) dst(%arg12 : memref<80x32xf32, #tpu.memory_space<vmem>>)
      %add3A_154 = arith.constant 3 : i32
      %add3A_155 = arith.addi %mul3A_95, %add3A_154 : i32
      %dma_start3A_156 = arith.constant 0 : i32
      %dma_start3A_157 = arith.constant 0 : i32
      %dma_start3A_158 = tpu.memref_slice %arg8[%add3A_155, %dma_start3A_156, %dma_start3A_157] : memref<128x1x80xi32, #tpu.memory_space<vmem>> -> memref<1x1x80xi32, #tpu.memory_space<vmem>>
      %dma_start3A_159 = tpu.memref_squeeze %dma_start3A_158 : memref<1x1x80xi32, #tpu.memory_space<vmem>> -> memref<80xi32, #tpu.memory_space<vmem>>
      %dma_start3A_160 = arith.constant 0 : i32
      %dma_start3A_161 = arith.constant 0 : i32
      %dma_start3A_162 = tpu.memref_slice %arg13[%dma_start3A_160, %dma_start3A_161] : memref<10048x32xf32, #tpu.memory_space<vmem_shared>> -> memref<10048x32xf32, #tpu.memory_space<vmem_shared>>
      tpu.enqueue_indirect_dma source(%arg12 : memref<80x32xf32, #tpu.memory_space<vmem>>) target(%dma_start3A_162 : memref<10048x32xf32, #tpu.memory_space<vmem_shared>>) offsets(%dma_start3A_159 : memref<80xi32, #tpu.memory_space<vmem>>) semaphore(%arg22 : memref<!tpu.dma_semaphore, #tpu.memory_space<semaphore_mem>>) {add = true}
      %add3A_163 = arith.constant 4 : i32
      %add3A_164 = arith.addi %mul3A_95, %add3A_163 : i32
      %add3A_165 = arith.constant 0 : i32
      %add3A_166 = arith.addi %add3A_164, %add3A_165 : i32
      %lt3A_167 = arith.constant 128 : i32
      %lt3A_168 = arith.cmpi slt, %add3A_166, %lt3A_167 : i32
      %convert_element_type3A_169 = arith.extui %lt3A_168 : i1 to i32
      %cond3A_170 = arith.constant 0 : i32
      %cond3A_171 = arith.cmpi ne, %convert_element_type3A_169, %cond3A_170 : i32
      scf.if %cond3A_171 {
        %dma_wait3A_199 = arith.constant 0 : i32
        %dma_wait3A_200 = arith.constant 0 : i32
        %dma_wait3A_201 = arith.constant 0 : i32
        %dma_wait3A_202 = tpu.memref_slice %arg8[%dma_wait3A_199, %dma_wait3A_200, %dma_wait3A_201] : memref<128x1x80xi32, #tpu.memory_space<vmem>> -> memref<1x1x80xi32, #tpu.memory_space<vmem>>
        %dma_wait3A_203 = tpu.memref_squeeze %dma_wait3A_202 : memref<1x1x80xi32, #tpu.memory_space<vmem>> -> memref<80xi32, #tpu.memory_space<vmem>>
        %dma_wait3A_204 = arith.constant 0 : i32
        %dma_wait3A_205 = arith.constant 0 : i32
        %dma_wait3A_206 = tpu.memref_slice %arg13[%dma_wait3A_204, %dma_wait3A_205] : memref<10048x32xf32, #tpu.memory_space<vmem_shared>> -> memref<10048x32xf32, #tpu.memory_space<vmem_shared>>
        tpu.wait_indirect_dma semaphore(%arg19 : memref<!tpu.dma_semaphore, #tpu.memory_space<semaphore_mem>>) src(%arg9 : memref<80x32xf32, #tpu.memory_space<vmem>>) dst(%dma_wait3A_206 : memref<10048x32xf32, #tpu.memory_space<vmem_shared>>)
        %add3A_207 = arith.constant 4 : i32
        %add3A_208 = arith.addi %mul3A_95, %add3A_207 : i32
        %add3A_209 = arith.constant 0 : i32
        %add3A_210 = arith.addi %add3A_208, %add3A_209 : i32
        %dma_start3A_211 = arith.constant 0 : i32
        %dma_start3A_212 = arith.constant 0 : i32
        %dma_start3A_213 = tpu.memref_slice %arg7[%add3A_210, %dma_start3A_211, %dma_start3A_212] : memref<128x1x80xi32, #tpu.memory_space<vmem>> -> memref<1x1x80xi32, #tpu.memory_space<vmem>>
        %dma_start3A_214 = tpu.memref_squeeze %dma_start3A_213 : memref<1x1x80xi32, #tpu.memory_space<vmem>> -> memref<80xi32, #tpu.memory_space<vmem>>
        %dma_start3A_215 = arith.constant 0 : i32
        %dma_start3A_216 = arith.constant 0 : i32
        %dma_start3A_217 = tpu.memref_slice %arg14[%dma_start3A_215, %dma_start3A_216] : memref<10048x32xf32, #tpu.memory_space<vmem_shared>> -> memref<10048x32xf32, #tpu.memory_space<vmem_shared>>
        tpu.enqueue_indirect_dma source(%dma_start3A_217 : memref<10048x32xf32, #tpu.memory_space<vmem_shared>>) target(%arg9 : memref<80x32xf32, #tpu.memory_space<vmem>>) offsets(%dma_start3A_214 : memref<80xi32, #tpu.memory_space<vmem>>) semaphore(%arg15 : memref<!tpu.dma_semaphore, #tpu.memory_space<semaphore_mem>>)
      } else {
      }
      %add3A_172 = arith.constant 4 : i32
      %add3A_173 = arith.addi %mul3A_95, %add3A_172 : i32
      %add3A_174 = arith.constant 1 : i32
      %add3A_175 = arith.addi %add3A_173, %add3A_174 : i32
      %lt3A_176 = arith.constant 128 : i32
      %lt3A_177 = arith.cmpi slt, %add3A_175, %lt3A_176 : i32
      %convert_element_type3A_178 = arith.extui %lt3A_177 : i1 to i32
      %cond3A_179 = arith.constant 0 : i32
      %cond3A_180 = arith.cmpi ne, %convert_element_type3A_178, %cond3A_179 : i32
      scf.if %cond3A_180 {
        %dma_wait3A_199 = arith.constant 0 : i32
        %dma_wait3A_200 = arith.constant 0 : i32
        %dma_wait3A_201 = arith.constant 0 : i32
        %dma_wait3A_202 = tpu.memref_slice %arg8[%dma_wait3A_199, %dma_wait3A_200, %dma_wait3A_201] : memref<128x1x80xi32, #tpu.memory_space<vmem>> -> memref<1x1x80xi32, #tpu.memory_space<vmem>>
        %dma_wait3A_203 = tpu.memref_squeeze %dma_wait3A_202 : memref<1x1x80xi32, #tpu.memory_space<vmem>> -> memref<80xi32, #tpu.memory_space<vmem>>
        %dma_wait3A_204 = arith.constant 0 : i32
        %dma_wait3A_205 = arith.constant 0 : i32
        %dma_wait3A_206 = tpu.memref_slice %arg13[%dma_wait3A_204, %dma_wait3A_205] : memref<10048x32xf32, #tpu.memory_space<vmem_shared>> -> memref<10048x32xf32, #tpu.memory_space<vmem_shared>>
        tpu.wait_indirect_dma semaphore(%arg20 : memref<!tpu.dma_semaphore, #tpu.memory_space<semaphore_mem>>) src(%arg10 : memref<80x32xf32, #tpu.memory_space<vmem>>) dst(%dma_wait3A_206 : memref<10048x32xf32, #tpu.memory_space<vmem_shared>>)
        %add3A_207 = arith.constant 4 : i32
        %add3A_208 = arith.addi %mul3A_95, %add3A_207 : i32
        %add3A_209 = arith.constant 1 : i32
        %add3A_210 = arith.addi %add3A_208, %add3A_209 : i32
        %dma_start3A_211 = arith.constant 0 : i32
        %dma_start3A_212 = arith.constant 0 : i32
        %dma_start3A_213 = tpu.memref_slice %arg7[%add3A_210, %dma_start3A_211, %dma_start3A_212] : memref<128x1x80xi32, #tpu.memory_space<vmem>> -> memref<1x1x80xi32, #tpu.memory_space<vmem>>
        %dma_start3A_214 = tpu.memref_squeeze %dma_start3A_213 : memref<1x1x80xi32, #tpu.memory_space<vmem>> -> memref<80xi32, #tpu.memory_space<vmem>>
        %dma_start3A_215 = arith.constant 0 : i32
        %dma_start3A_216 = arith.constant 0 : i32
        %dma_start3A_217 = tpu.memref_slice %arg14[%dma_start3A_215, %dma_start3A_216] : memref<10048x32xf32, #tpu.memory_space<vmem_shared>> -> memref<10048x32xf32, #tpu.memory_space<vmem_shared>>
        tpu.enqueue_indirect_dma source(%dma_start3A_217 : memref<10048x32xf32, #tpu.memory_space<vmem_shared>>) target(%arg10 : memref<80x32xf32, #tpu.memory_space<vmem>>) offsets(%dma_start3A_214 : memref<80xi32, #tpu.memory_space<vmem>>) semaphore(%arg16 : memref<!tpu.dma_semaphore, #tpu.memory_space<semaphore_mem>>)
      } else {
      }
      %add3A_181 = arith.constant 4 : i32
      %add3A_182 = arith.addi %mul3A_95, %add3A_181 : i32
      %add3A_183 = arith.constant 2 : i32
      %add3A_184 = arith.addi %add3A_182, %add3A_183 : i32
      %lt3A_185 = arith.constant 128 : i32
      %lt3A_186 = arith.cmpi slt, %add3A_184, %lt3A_185 : i32
      %convert_element_type3A_187 = arith.extui %lt3A_186 : i1 to i32
      %cond3A_188 = arith.constant 0 : i32
      %cond3A_189 = arith.cmpi ne, %convert_element_type3A_187, %cond3A_188 : i32
      scf.if %cond3A_189 {
        %dma_wait3A_199 = arith.constant 0 : i32
        %dma_wait3A_200 = arith.constant 0 : i32
        %dma_wait3A_201 = arith.constant 0 : i32
        %dma_wait3A_202 = tpu.memref_slice %arg8[%dma_wait3A_199, %dma_wait3A_200, %dma_wait3A_201] : memref<128x1x80xi32, #tpu.memory_space<vmem>> -> memref<1x1x80xi32, #tpu.memory_space<vmem>>
        %dma_wait3A_203 = tpu.memref_squeeze %dma_wait3A_202 : memref<1x1x80xi32, #tpu.memory_space<vmem>> -> memref<80xi32, #tpu.memory_space<vmem>>
        %dma_wait3A_204 = arith.constant 0 : i32
        %dma_wait3A_205 = arith.constant 0 : i32
        %dma_wait3A_206 = tpu.memref_slice %arg13[%dma_wait3A_204, %dma_wait3A_205] : memref<10048x32xf32, #tpu.memory_space<vmem_shared>> -> memref<10048x32xf32, #tpu.memory_space<vmem_shared>>
        tpu.wait_indirect_dma semaphore(%arg21 : memref<!tpu.dma_semaphore, #tpu.memory_space<semaphore_mem>>) src(%arg11 : memref<80x32xf32, #tpu.memory_space<vmem>>) dst(%dma_wait3A_206 : memref<10048x32xf32, #tpu.memory_space<vmem_shared>>)
        %add3A_207 = arith.constant 4 : i32
        %add3A_208 = arith.addi %mul3A_95, %add3A_207 : i32
        %add3A_209 = arith.constant 2 : i32
        %add3A_210 = arith.addi %add3A_208, %add3A_209 : i32
        %dma_start3A_211 = arith.constant 0 : i32
        %dma_start3A_212 = arith.constant 0 : i32
        %dma_start3A_213 = tpu.memref_slice %arg7[%add3A_210, %dma_start3A_211, %dma_start3A_212] : memref<128x1x80xi32, #tpu.memory_space<vmem>> -> memref<1x1x80xi32, #tpu.memory_space<vmem>>
        %dma_start3A_214 = tpu.memref_squeeze %dma_start3A_213 : memref<1x1x80xi32, #tpu.memory_space<vmem>> -> memref<80xi32, #tpu.memory_space<vmem>>
        %dma_start3A_215 = arith.constant 0 : i32
        %dma_start3A_216 = arith.constant 0 : i32
        %dma_start3A_217 = tpu.memref_slice %arg14[%dma_start3A_215, %dma_start3A_216] : memref<10048x32xf32, #tpu.memory_space<vmem_shared>> -> memref<10048x32xf32, #tpu.memory_space<vmem_shared>>
        tpu.enqueue_indirect_dma source(%dma_start3A_217 : memref<10048x32xf32, #tpu.memory_space<vmem_shared>>) target(%arg11 : memref<80x32xf32, #tpu.memory_space<vmem>>) offsets(%dma_start3A_214 : memref<80xi32, #tpu.memory_space<vmem>>) semaphore(%arg17 : memref<!tpu.dma_semaphore, #tpu.memory_space<semaphore_mem>>)
      } else {
      }
      %add3A_190 = arith.constant 4 : i32
      %add3A_191 = arith.addi %mul3A_95, %add3A_190 : i32
      %add3A_192 = arith.constant 3 : i32
      %add3A_193 = arith.addi %add3A_191, %add3A_192 : i32
      %lt3A_194 = arith.constant 128 : i32
      %lt3A_195 = arith.cmpi slt, %add3A_193, %lt3A_194 : i32
      %convert_element_type3A_196 = arith.extui %lt3A_195 : i1 to i32
      %cond3A_197 = arith.constant 0 : i32
      %cond3A_198 = arith.cmpi ne, %convert_element_type3A_196, %cond3A_197 : i32
      scf.if %cond3A_198 {
        %dma_wait3A_199 = arith.constant 0 : i32
        %dma_wait3A_200 = arith.constant 0 : i32
        %dma_wait3A_201 = arith.constant 0 : i32
        %dma_wait3A_202 = tpu.memref_slice %arg8[%dma_wait3A_199, %dma_wait3A_200, %dma_wait3A_201] : memref<128x1x80xi32, #tpu.memory_space<vmem>> -> memref<1x1x80xi32, #tpu.memory_space<vmem>>
        %dma_wait3A_203 = tpu.memref_squeeze %dma_wait3A_202 : memref<1x1x80xi32, #tpu.memory_space<vmem>> -> memref<80xi32, #tpu.memory_space<vmem>>
        %dma_wait3A_204 = arith.constant 0 : i32
        %dma_wait3A_205 = arith.constant 0 : i32
        %dma_wait3A_206 = tpu.memref_slice %arg13[%dma_wait3A_204, %dma_wait3A_205] : memref<10048x32xf32, #tpu.memory_space<vmem_shared>> -> memref<10048x32xf32, #tpu.memory_space<vmem_shared>>
        tpu.wait_indirect_dma semaphore(%arg22 : memref<!tpu.dma_semaphore, #tpu.memory_space<semaphore_mem>>) src(%arg12 : memref<80x32xf32, #tpu.memory_space<vmem>>) dst(%dma_wait3A_206 : memref<10048x32xf32, #tpu.memory_space<vmem_shared>>)
        %add3A_207 = arith.constant 4 : i32
        %add3A_208 = arith.addi %mul3A_95, %add3A_207 : i32
        %add3A_209 = arith.constant 3 : i32
        %add3A_210 = arith.addi %add3A_208, %add3A_209 : i32
        %dma_start3A_211 = arith.constant 0 : i32
        %dma_start3A_212 = arith.constant 0 : i32
        %dma_start3A_213 = tpu.memref_slice %arg7[%add3A_210, %dma_start3A_211, %dma_start3A_212] : memref<128x1x80xi32, #tpu.memory_space<vmem>> -> memref<1x1x80xi32, #tpu.memory_space<vmem>>
        %dma_start3A_214 = tpu.memref_squeeze %dma_start3A_213 : memref<1x1x80xi32, #tpu.memory_space<vmem>> -> memref<80xi32, #tpu.memory_space<vmem>>
        %dma_start3A_215 = arith.constant 0 : i32
        %dma_start3A_216 = arith.constant 0 : i32
        %dma_start3A_217 = tpu.memref_slice %arg14[%dma_start3A_215, %dma_start3A_216] : memref<10048x32xf32, #tpu.memory_space<vmem_shared>> -> memref<10048x32xf32, #tpu.memory_space<vmem_shared>>
        tpu.enqueue_indirect_dma source(%dma_start3A_217 : memref<10048x32xf32, #tpu.memory_space<vmem_shared>>) target(%arg12 : memref<80x32xf32, #tpu.memory_space<vmem>>) offsets(%dma_start3A_214 : memref<80xi32, #tpu.memory_space<vmem>>) semaphore(%arg18 : memref<!tpu.dma_semaphore, #tpu.memory_space<semaphore_mem>>)
      } else {
      }
    }
    %scan3A_51 = arith.constant 32 : i32
    %dma_wait3A = arith.constant 0 : i32
    %dma_wait3A_52 = arith.constant 0 : i32
    %dma_wait3A_53 = arith.constant 0 : i32
    %dma_wait3A_54 = tpu.memref_slice %arg8[%dma_wait3A, %dma_wait3A_52, %dma_wait3A_53] : memref<128x1x80xi32, #tpu.memory_space<vmem>> -> memref<1x1x80xi32, #tpu.memory_space<vmem>>
    %dma_wait3A_55 = tpu.memref_squeeze %dma_wait3A_54 : memref<1x1x80xi32, #tpu.memory_space<vmem>> -> memref<80xi32, #tpu.memory_space<vmem>>
    %dma_wait3A_56 = arith.constant 0 : i32
    %dma_wait3A_57 = arith.constant 0 : i32
    %dma_wait3A_58 = tpu.memref_slice %arg13[%dma_wait3A_56, %dma_wait3A_57] : memref<10048x32xf32, #tpu.memory_space<vmem_shared>> -> memref<10048x32xf32, #tpu.memory_space<vmem_shared>>
    tpu.wait_indirect_dma semaphore(%arg19 : memref<!tpu.dma_semaphore, #tpu.memory_space<semaphore_mem>>) src(%arg9 : memref<80x32xf32, #tpu.memory_space<vmem>>) dst(%dma_wait3A_58 : memref<10048x32xf32, #tpu.memory_space<vmem_shared>>)
    %dma_wait3A_59 = arith.constant 0 : i32
    %dma_wait3A_60 = arith.constant 0 : i32
    %dma_wait3A_61 = arith.constant 0 : i32
    %dma_wait3A_62 = tpu.memref_slice %arg8[%dma_wait3A_59, %dma_wait3A_60, %dma_wait3A_61] : memref<128x1x80xi32, #tpu.memory_space<vmem>> -> memref<1x1x80xi32, #tpu.memory_space<vmem>>
    %dma_wait3A_63 = tpu.memref_squeeze %dma_wait3A_62 : memref<1x1x80xi32, #tpu.memory_space<vmem>> -> memref<80xi32, #tpu.memory_space<vmem>>
    %dma_wait3A_64 = arith.constant 0 : i32
    %dma_wait3A_65 = arith.constant 0 : i32
    %dma_wait3A_66 = tpu.memref_slice %arg13[%dma_wait3A_64, %dma_wait3A_65] : memref<10048x32xf32, #tpu.memory_space<vmem_shared>> -> memref<10048x32xf32, #tpu.memory_space<vmem_shared>>
    tpu.wait_indirect_dma semaphore(%arg20 : memref<!tpu.dma_semaphore, #tpu.memory_space<semaphore_mem>>) src(%arg10 : memref<80x32xf32, #tpu.memory_space<vmem>>) dst(%dma_wait3A_66 : memref<10048x32xf32, #tpu.memory_space<vmem_shared>>)
    %dma_wait3A_67 = arith.constant 0 : i32
    %dma_wait3A_68 = arith.constant 0 : i32
    %dma_wait3A_69 = arith.constant 0 : i32
    %dma_wait3A_70 = tpu.memref_slice %arg8[%dma_wait3A_67, %dma_wait3A_68, %dma_wait3A_69] : memref<128x1x80xi32, #tpu.memory_space<vmem>> -> memref<1x1x80xi32, #tpu.memory_space<vmem>>
    %dma_wait3A_71 = tpu.memref_squeeze %dma_wait3A_70 : memref<1x1x80xi32, #tpu.memory_space<vmem>> -> memref<80xi32, #tpu.memory_space<vmem>>
    %dma_wait3A_72 = arith.constant 0 : i32
    %dma_wait3A_73 = arith.constant 0 : i32
    %dma_wait3A_74 = tpu.memref_slice %arg13[%dma_wait3A_72, %dma_wait3A_73] : memref<10048x32xf32, #tpu.memory_space<vmem_shared>> -> memref<10048x32xf32, #tpu.memory_space<vmem_shared>>
    tpu.wait_indirect_dma semaphore(%arg21 : memref<!tpu.dma_semaphore, #tpu.memory_space<semaphore_mem>>) src(%arg11 : memref<80x32xf32, #tpu.memory_space<vmem>>) dst(%dma_wait3A_74 : memref<10048x32xf32, #tpu.memory_space<vmem_shared>>)
    %dma_wait3A_75 = arith.constant 0 : i32
    %dma_wait3A_76 = arith.constant 0 : i32
    %dma_wait3A_77 = arith.constant 0 : i32
    %dma_wait3A_78 = tpu.memref_slice %arg8[%dma_wait3A_75, %dma_wait3A_76, %dma_wait3A_77] : memref<128x1x80xi32, #tpu.memory_space<vmem>> -> memref<1x1x80xi32, #tpu.memory_space<vmem>>
    %dma_wait3A_79 = tpu.memref_squeeze %dma_wait3A_78 : memref<1x1x80xi32, #tpu.memory_space<vmem>> -> memref<80xi32, #tpu.memory_space<vmem>>
    %dma_wait3A_80 = arith.constant 0 : i32
    %dma_wait3A_81 = arith.constant 0 : i32
    %dma_wait3A_82 = tpu.memref_slice %arg13[%dma_wait3A_80, %dma_wait3A_81] : memref<10048x32xf32, #tpu.memory_space<vmem_shared>> -> memref<10048x32xf32, #tpu.memory_space<vmem_shared>>
    tpu.wait_indirect_dma semaphore(%arg22 : memref<!tpu.dma_semaphore, #tpu.memory_space<semaphore_mem>>) src(%arg12 : memref<80x32xf32, #tpu.memory_space<vmem>>) dst(%dma_wait3A_82 : memref<10048x32xf32, #tpu.memory_space<vmem_shared>>)
    %barrier3A_83 = arith.constant 0 : index
    tpu.barrier barrier_id(%barrier3A_83)
    %lt3A_84 = arith.constant 8 : i32
    %lt3A_85 = arith.cmpi slt, %arg1, %lt3A_84 : i32
    %convert_element_type3A_86 = arith.extui %lt3A_85 : i1 to i32
    %cond3A_87 = arith.constant 0 : i32
    %cond3A_88 = arith.cmpi ne, %convert_element_type3A_86, %cond3A_87 : i32
    scf.if %cond3A_88 {
      %mul3A = arith.constant 632 : i32
      %mul3A_94 = arith.muli %arg1, %mul3A : i32
      %multiple_of3A = tpu.assume_multiple %mul3A_94, 8 : i32
      "tpu.region"() ({
        %run_scoped3A = tpu.sem_alloc : memref<!tpu.dma_semaphore, #tpu.memory_space<semaphore_mem>>
        %dma_start3A_95 = arith.constant 0 : i32
        %dma_start3A_96 = arith.constant 0 : i32
        %dma_start3A_97 = tpu.memref_slice %arg6[%arg0, %dma_start3A_95, %dma_start3A_96] : memref<2x10048x32xf32, #tpu.memory_space<hbm>> -> memref<1x10048x32xf32, #tpu.memory_space<hbm>>
        %dma_start3A_98 = tpu.memref_squeeze %dma_start3A_97 : memref<1x10048x32xf32, #tpu.memory_space<hbm>> -> memref<10048x32xf32, #tpu.memory_space<hbm>>
        %dma_start3A_99 = arith.constant 0 : i32
        %dma_start3A_100 = tpu.memref_slice %dma_start3A_98[%multiple_of3A, %dma_start3A_99] : memref<10048x32xf32, #tpu.memory_space<hbm>> -> memref<632x32xf32, #tpu.memory_space<hbm>>
        %dma_start3A_101 = arith.constant 0 : i32
        %dma_start3A_102 = tpu.memref_slice %arg13[%multiple_of3A, %dma_start3A_101] : memref<10048x32xf32, #tpu.memory_space<vmem_shared>> -> memref<632x32xf32, #tpu.memory_space<vmem_shared>>
        tpu.enqueue_dma source(%dma_start3A_102 : memref<632x32xf32, #tpu.memory_space<vmem_shared>>) target(%dma_start3A_100 : memref<632x32xf32, #tpu.memory_space<hbm>>) target_semaphore(%run_scoped3A : memref<!tpu.dma_semaphore, #tpu.memory_space<semaphore_mem>>)
        %dma_wait3A_103 = arith.constant 0 : i32
        %dma_wait3A_104 = arith.constant 0 : i32
        %dma_wait3A_105 = tpu.memref_slice %arg6[%arg0, %dma_wait3A_103, %dma_wait3A_104] : memref<2x10048x32xf32, #tpu.memory_space<hbm>> -> memref<1x10048x32xf32, #tpu.memory_space<hbm>>
        %dma_wait3A_106 = tpu.memref_squeeze %dma_wait3A_105 : memref<1x10048x32xf32, #tpu.memory_space<hbm>> -> memref<10048x32xf32, #tpu.memory_space<hbm>>
        %dma_wait3A_107 = arith.constant 0 : i32
        %dma_wait3A_108 = tpu.memref_slice %dma_wait3A_106[%multiple_of3A, %dma_wait3A_107] : memref<10048x32xf32, #tpu.memory_space<hbm>> -> memref<632x32xf32, #tpu.memory_space<hbm>>
        %dma_wait3A_109 = arith.constant 0 : i32
        %dma_wait3A_110 = tpu.memref_slice %arg13[%multiple_of3A, %dma_wait3A_109] : memref<10048x32xf32, #tpu.memory_space<vmem_shared>> -> memref<632x32xf32, #tpu.memory_space<vmem_shared>>
        tpu.wait_dma2 semaphore(%run_scoped3A : memref<!tpu.dma_semaphore, #tpu.memory_space<semaphore_mem>>) src(%dma_wait3A_110 : memref<632x32xf32, #tpu.memory_space<vmem_shared>>) dst(%dma_wait3A_108 : memref<632x32xf32, #tpu.memory_space<hbm>>)
        tpu.yield
      }) : () -> ()
    } else {
    }
    %ge3A_89 = arith.constant 8 : i32
    %ge3A_90 = arith.cmpi sge, %arg1, %ge3A_89 : i32
    %convert_element_type3A_91 = arith.extui %ge3A_90 : i1 to i32
    %cond3A_92 = arith.constant 0 : i32
    %cond3A_93 = arith.cmpi ne, %convert_element_type3A_91, %cond3A_92 : i32
    scf.if %cond3A_93 {
      %sub3A = arith.constant 8 : i32
      %sub3A_94 = arith.subi %arg1, %sub3A : i32
      %mul3A = arith.constant 624 : i32
      %mul3A_95 = arith.muli %sub3A_94, %mul3A : i32
      %add3A = arith.constant 5056 : i32
      %add3A_96 = arith.addi %add3A, %mul3A_95 : i32
      %multiple_of3A = tpu.assume_multiple %add3A_96, 8 : i32
      "tpu.region"() ({
        %run_scoped3A = tpu.sem_alloc : memref<!tpu.dma_semaphore, #tpu.memory_space<semaphore_mem>>
        %dma_start3A_97 = arith.constant 0 : i32
        %dma_start3A_98 = arith.constant 0 : i32
        %dma_start3A_99 = tpu.memref_slice %arg6[%arg0, %dma_start3A_97, %dma_start3A_98] : memref<2x10048x32xf32, #tpu.memory_space<hbm>> -> memref<1x10048x32xf32, #tpu.memory_space<hbm>>
        %dma_start3A_100 = tpu.memref_squeeze %dma_start3A_99 : memref<1x10048x32xf32, #tpu.memory_space<hbm>> -> memref<10048x32xf32, #tpu.memory_space<hbm>>
        %dma_start3A_101 = arith.constant 0 : i32
        %dma_start3A_102 = tpu.memref_slice %dma_start3A_100[%multiple_of3A, %dma_start3A_101] : memref<10048x32xf32, #tpu.memory_space<hbm>> -> memref<624x32xf32, #tpu.memory_space<hbm>>
        %dma_start3A_103 = arith.constant 0 : i32
        %dma_start3A_104 = tpu.memref_slice %arg13[%multiple_of3A, %dma_start3A_103] : memref<10048x32xf32, #tpu.memory_space<vmem_shared>> -> memref<624x32xf32, #tpu.memory_space<vmem_shared>>
        tpu.enqueue_dma source(%dma_start3A_104 : memref<624x32xf32, #tpu.memory_space<vmem_shared>>) target(%dma_start3A_102 : memref<624x32xf32, #tpu.memory_space<hbm>>) target_semaphore(%run_scoped3A : memref<!tpu.dma_semaphore, #tpu.memory_space<semaphore_mem>>)
        %dma_wait3A_105 = arith.constant 0 : i32
        %dma_wait3A_106 = arith.constant 0 : i32
        %dma_wait3A_107 = tpu.memref_slice %arg6[%arg0, %dma_wait3A_105, %dma_wait3A_106] : memref<2x10048x32xf32, #tpu.memory_space<hbm>> -> memref<1x10048x32xf32, #tpu.memory_space<hbm>>
        %dma_wait3A_108 = tpu.memref_squeeze %dma_wait3A_107 : memref<1x10048x32xf32, #tpu.memory_space<hbm>> -> memref<10048x32xf32, #tpu.memory_space<hbm>>
        %dma_wait3A_109 = arith.constant 0 : i32
        %dma_wait3A_110 = tpu.memref_slice %dma_wait3A_108[%multiple_of3A, %dma_wait3A_109] : memref<10048x32xf32, #tpu.memory_space<hbm>> -> memref<624x32xf32, #tpu.memory_space<hbm>>
        %dma_wait3A_111 = arith.constant 0 : i32
        %dma_wait3A_112 = tpu.memref_slice %arg13[%multiple_of3A, %dma_wait3A_111] : memref<10048x32xf32, #tpu.memory_space<vmem_shared>> -> memref<624x32xf32, #tpu.memory_space<vmem_shared>>
        tpu.wait_dma2 semaphore(%run_scoped3A : memref<!tpu.dma_semaphore, #tpu.memory_space<semaphore_mem>>) src(%dma_wait3A_112 : memref<624x32xf32, #tpu.memory_space<vmem_shared>>) dst(%dma_wait3A_110 : memref<624x32xf32, #tpu.memory_space<hbm>>)
        tpu.yield
      }) : () -> ()
    } else {
    }
    return
  }
}

#map = affine_map<(d0, d1) -> (0, 0, 0)>
#map1 = affine_map<(d0, d1) -> (0, 0, 0, 0)>
#map2 = affine_map<(d0, d1) -> (0, 0)>
module attributes {stable_mosaic.version = 14 : i64} {
  func.func @k(%arg0: i32, %arg1: i32, %arg2: memref<4x10048x64xf32, #tpu.memory_space<hbm>>, %arg3: memref<16x128x1x80xi32, #tpu.memory_space<hbm>>, %arg4: memref<16x128x1x80xi32, #tpu.memory_space<hbm>>, %arg5: memref<10048x64xf32, #tpu.memory_space<hbm>>, %arg6: memref<4x10048x64xf32, #tpu.memory_space<hbm>>, %arg7: memref<128x1x80xi32, #tpu.memory_space<vmem>>, %arg8: memref<128x1x80xi32, #tpu.memory_space<vmem>>, %arg9: memref<80x64xf32, #tpu.memory_space<vmem>>, %arg10: memref<80x64xf32, #tpu.memory_space<vmem>>, %arg11: memref<80x64xf32, #tpu.memory_space<vmem>>, %arg12: memref<80x64xf32, #tpu.memory_space<vmem>>, %arg13: memref<10048x64xf32, #tpu.memory_space<vmem_shared>>, %arg14: memref<10048x64xf32, #tpu.memory_space<vmem_shared>>, %arg15: memref<!tpu.dma_semaphore, #tpu.memory_space<semaphore_mem>>, %arg16: memref<!tpu.dma_semaphore, #tpu.memory_space<semaphore_mem>>, %arg17: memref<!tpu.dma_semaphore, #tpu.memory_space<semaphore_mem>>, %arg18: memref<!tpu.dma_semaphore, #tpu.memory_space<semaphore_mem>>, %arg19: memref<!tpu.dma_semaphore, #tpu.memory_space<semaphore_mem>>, %arg20: memref<!tpu.dma_semaphore, #tpu.memory_space<semaphore_mem>>, %arg21: memref<!tpu.dma_semaphore, #tpu.memory_space<semaphore_mem>>, %arg22: memref<!tpu.dma_semaphore, #tpu.memory_space<semaphore_mem>>) attributes {dimension_semantics = [#tpu.dimension_semantics<core_parallel>, #tpu.dimension_semantics<subcore_parallel>], iteration_bounds = array<i64: 2, 16>, scalar_prefetch = 0 : i64, scratch_operands = 16 : i64, tpu.core_type = #tpu.core_type<sc_vector_subcore>, window_params = [{transform_indices = #map}, {transform_indices = #map1}, {transform_indices = #map1}, {transform_indices = #map2}, {transform_indices = #map}]} {
    "tpu.region"() ({
      %run_scoped3A = tpu.sem_alloc : memref<!tpu.dma_semaphore, #tpu.memory_space<semaphore_mem>>
      %dma_start3A_202 = arith.constant 0 : i32
      %dma_start3A_203 = arith.constant 0 : i32
      %dma_start3A_204 = arith.constant 0 : i32
      %dma_start3A_205 = tpu.memref_slice %arg3[%arg1, %dma_start3A_202, %dma_start3A_203, %dma_start3A_204] : memref<16x128x1x80xi32, #tpu.memory_space<hbm>> -> memref<1x128x1x80xi32, #tpu.memory_space<hbm>>
      %dma_start3A_206 = tpu.memref_squeeze %dma_start3A_205 : memref<1x128x1x80xi32, #tpu.memory_space<hbm>> -> memref<128x1x80xi32, #tpu.memory_space<hbm>>
      %dma_start3A_207 = arith.constant 0 : i32
      %dma_start3A_208 = arith.constant 0 : i32
      %dma_start3A_209 = arith.constant 0 : i32
      %dma_start3A_210 = tpu.memref_slice %arg3[%arg1, %dma_start3A_207, %dma_start3A_208, %dma_start3A_209] : memref<16x128x1x80xi32, #tpu.memory_space<hbm>> -> memref<1x128x1x80xi32, #tpu.memory_space<hbm>>
      %dma_start3A_211 = tpu.memref_squeeze %dma_start3A_210 : memref<1x128x1x80xi32, #tpu.memory_space<hbm>> -> memref<128x1x80xi32, #tpu.memory_space<hbm>>
      tpu.enqueue_dma source(%dma_start3A_211 : memref<128x1x80xi32, #tpu.memory_space<hbm>>) target(%arg7 : memref<128x1x80xi32, #tpu.memory_space<vmem>>) target_semaphore(%run_scoped3A : memref<!tpu.dma_semaphore, #tpu.memory_space<semaphore_mem>>)
      %dma_wait3A_212 = arith.constant 0 : i32
      %dma_wait3A_213 = arith.constant 0 : i32
      %dma_wait3A_214 = arith.constant 0 : i32
      %dma_wait3A_215 = tpu.memref_slice %arg3[%arg1, %dma_wait3A_212, %dma_wait3A_213, %dma_wait3A_214] : memref<16x128x1x80xi32, #tpu.memory_space<hbm>> -> memref<1x128x1x80xi32, #tpu.memory_space<hbm>>
      %dma_wait3A_216 = tpu.memref_squeeze %dma_wait3A_215 : memref<1x128x1x80xi32, #tpu.memory_space<hbm>> -> memref<128x1x80xi32, #tpu.memory_space<hbm>>
      %dma_wait3A_217 = arith.constant 0 : i32
      %dma_wait3A_218 = arith.constant 0 : i32
      %dma_wait3A_219 = arith.constant 0 : i32
      %dma_wait3A_220 = tpu.memref_slice %arg3[%arg1, %dma_wait3A_217, %dma_wait3A_218, %dma_wait3A_219] : memref<16x128x1x80xi32, #tpu.memory_space<hbm>> -> memref<1x128x1x80xi32, #tpu.memory_space<hbm>>
      %dma_wait3A_221 = tpu.memref_squeeze %dma_wait3A_220 : memref<1x128x1x80xi32, #tpu.memory_space<hbm>> -> memref<128x1x80xi32, #tpu.memory_space<hbm>>
      tpu.wait_dma2 semaphore(%run_scoped3A : memref<!tpu.dma_semaphore, #tpu.memory_space<semaphore_mem>>) src(%dma_wait3A_221 : memref<128x1x80xi32, #tpu.memory_space<hbm>>) dst(%arg7 : memref<128x1x80xi32, #tpu.memory_space<vmem>>)
      tpu.yield
    }) : () -> ()
    "tpu.region"() ({
      %run_scoped3A = tpu.sem_alloc : memref<!tpu.dma_semaphore, #tpu.memory_space<semaphore_mem>>
      %dma_start3A_202 = arith.constant 0 : i32
      %dma_start3A_203 = arith.constant 0 : i32
      %dma_start3A_204 = arith.constant 0 : i32
      %dma_start3A_205 = tpu.memref_slice %arg4[%arg1, %dma_start3A_202, %dma_start3A_203, %dma_start3A_204] : memref<16x128x1x80xi32, #tpu.memory_space<hbm>> -> memref<1x128x1x80xi32, #tpu.memory_space<hbm>>
      %dma_start3A_206 = tpu.memref_squeeze %dma_start3A_205 : memref<1x128x1x80xi32, #tpu.memory_space<hbm>> -> memref<128x1x80xi32, #tpu.memory_space<hbm>>
      %dma_start3A_207 = arith.constant 0 : i32
      %dma_start3A_208 = arith.constant 0 : i32
      %dma_start3A_209 = arith.constant 0 : i32
      %dma_start3A_210 = tpu.memref_slice %arg4[%arg1, %dma_start3A_207, %dma_start3A_208, %dma_start3A_209] : memref<16x128x1x80xi32, #tpu.memory_space<hbm>> -> memref<1x128x1x80xi32, #tpu.memory_space<hbm>>
      %dma_start3A_211 = tpu.memref_squeeze %dma_start3A_210 : memref<1x128x1x80xi32, #tpu.memory_space<hbm>> -> memref<128x1x80xi32, #tpu.memory_space<hbm>>
      tpu.enqueue_dma source(%dma_start3A_211 : memref<128x1x80xi32, #tpu.memory_space<hbm>>) target(%arg8 : memref<128x1x80xi32, #tpu.memory_space<vmem>>) target_semaphore(%run_scoped3A : memref<!tpu.dma_semaphore, #tpu.memory_space<semaphore_mem>>)
      %dma_wait3A_212 = arith.constant 0 : i32
      %dma_wait3A_213 = arith.constant 0 : i32
      %dma_wait3A_214 = arith.constant 0 : i32
      %dma_wait3A_215 = tpu.memref_slice %arg4[%arg1, %dma_wait3A_212, %dma_wait3A_213, %dma_wait3A_214] : memref<16x128x1x80xi32, #tpu.memory_space<hbm>> -> memref<1x128x1x80xi32, #tpu.memory_space<hbm>>
      %dma_wait3A_216 = tpu.memref_squeeze %dma_wait3A_215 : memref<1x128x1x80xi32, #tpu.memory_space<hbm>> -> memref<128x1x80xi32, #tpu.memory_space<hbm>>
      %dma_wait3A_217 = arith.constant 0 : i32
      %dma_wait3A_218 = arith.constant 0 : i32
      %dma_wait3A_219 = arith.constant 0 : i32
      %dma_wait3A_220 = tpu.memref_slice %arg4[%arg1, %dma_wait3A_217, %dma_wait3A_218, %dma_wait3A_219] : memref<16x128x1x80xi32, #tpu.memory_space<hbm>> -> memref<1x128x1x80xi32, #tpu.memory_space<hbm>>
      %dma_wait3A_221 = tpu.memref_squeeze %dma_wait3A_220 : memref<1x128x1x80xi32, #tpu.memory_space<hbm>> -> memref<128x1x80xi32, #tpu.memory_space<hbm>>
      tpu.wait_dma2 semaphore(%run_scoped3A : memref<!tpu.dma_semaphore, #tpu.memory_space<semaphore_mem>>) src(%dma_wait3A_221 : memref<128x1x80xi32, #tpu.memory_space<hbm>>) dst(%arg8 : memref<128x1x80xi32, #tpu.memory_space<vmem>>)
      tpu.yield
    }) : () -> ()
    %mul3A = arith.constant 2 : i32
    %mul3A_0 = arith.muli %mul3A, %arg0 : i32
    %add3A = arith.constant 0 : i32
    %add3A_1 = arith.addi %mul3A_0, %add3A : i32
    %lt3A = arith.constant 8 : i32
    %lt3A_2 = arith.cmpi slt, %arg1, %lt3A : i32
    %convert_element_type3A = arith.extui %lt3A_2 : i1 to i32
    %cond3A = arith.constant 0 : i32
    %cond3A_3 = arith.cmpi ne, %convert_element_type3A, %cond3A : i32
    scf.if %cond3A_3 {
      %mul3A_202 = arith.constant 632 : i32
      %mul3A_203 = arith.muli %arg1, %mul3A_202 : i32
      %multiple_of3A = tpu.assume_multiple %mul3A_203, 8 : i32
      "tpu.region"() ({
        %run_scoped3A = tpu.sem_alloc : memref<!tpu.dma_semaphore, #tpu.memory_space<semaphore_mem>>
        %dma_start3A_204 = arith.constant 0 : i32
        %dma_start3A_205 = tpu.memref_slice %arg13[%multiple_of3A, %dma_start3A_204] : memref<10048x64xf32, #tpu.memory_space<vmem_shared>> -> memref<632x64xf32, #tpu.memory_space<vmem_shared>>
        %dma_start3A_206 = arith.constant 0 : i32
        %dma_start3A_207 = tpu.memref_slice %arg5[%multiple_of3A, %dma_start3A_206] : memref<10048x64xf32, #tpu.memory_space<hbm>> -> memref<632x64xf32, #tpu.memory_space<hbm>>
        tpu.enqueue_dma source(%dma_start3A_207 : memref<632x64xf32, #tpu.memory_space<hbm>>) target(%dma_start3A_205 : memref<632x64xf32, #tpu.memory_space<vmem_shared>>) target_semaphore(%run_scoped3A : memref<!tpu.dma_semaphore, #tpu.memory_space<semaphore_mem>>)
        %dma_wait3A_208 = arith.constant 0 : i32
        %dma_wait3A_209 = tpu.memref_slice %arg13[%multiple_of3A, %dma_wait3A_208] : memref<10048x64xf32, #tpu.memory_space<vmem_shared>> -> memref<632x64xf32, #tpu.memory_space<vmem_shared>>
        %dma_wait3A_210 = arith.constant 0 : i32
        %dma_wait3A_211 = tpu.memref_slice %arg5[%multiple_of3A, %dma_wait3A_210] : memref<10048x64xf32, #tpu.memory_space<hbm>> -> memref<632x64xf32, #tpu.memory_space<hbm>>
        tpu.wait_dma2 semaphore(%run_scoped3A : memref<!tpu.dma_semaphore, #tpu.memory_space<semaphore_mem>>) src(%dma_wait3A_211 : memref<632x64xf32, #tpu.memory_space<hbm>>) dst(%dma_wait3A_209 : memref<632x64xf32, #tpu.memory_space<vmem_shared>>)
        tpu.yield
      }) : () -> ()
    } else {
    }
    %ge3A = arith.constant 8 : i32
    %ge3A_4 = arith.cmpi sge, %arg1, %ge3A : i32
    %convert_element_type3A_5 = arith.extui %ge3A_4 : i1 to i32
    %cond3A_6 = arith.constant 0 : i32
    %cond3A_7 = arith.cmpi ne, %convert_element_type3A_5, %cond3A_6 : i32
    scf.if %cond3A_7 {
      %sub3A = arith.constant 8 : i32
      %sub3A_202 = arith.subi %arg1, %sub3A : i32
      %mul3A_203 = arith.constant 624 : i32
      %mul3A_204 = arith.muli %sub3A_202, %mul3A_203 : i32
      %add3A_205 = arith.constant 5056 : i32
      %add3A_206 = arith.addi %add3A_205, %mul3A_204 : i32
      %multiple_of3A = tpu.assume_multiple %add3A_206, 8 : i32
      "tpu.region"() ({
        %run_scoped3A = tpu.sem_alloc : memref<!tpu.dma_semaphore, #tpu.memory_space<semaphore_mem>>
        %dma_start3A_207 = arith.constant 0 : i32
        %dma_start3A_208 = tpu.memref_slice %arg13[%multiple_of3A, %dma_start3A_207] : memref<10048x64xf32, #tpu.memory_space<vmem_shared>> -> memref<624x64xf32, #tpu.memory_space<vmem_shared>>
        %dma_start3A_209 = arith.constant 0 : i32
        %dma_start3A_210 = tpu.memref_slice %arg5[%multiple_of3A, %dma_start3A_209] : memref<10048x64xf32, #tpu.memory_space<hbm>> -> memref<624x64xf32, #tpu.memory_space<hbm>>
        tpu.enqueue_dma source(%dma_start3A_210 : memref<624x64xf32, #tpu.memory_space<hbm>>) target(%dma_start3A_208 : memref<624x64xf32, #tpu.memory_space<vmem_shared>>) target_semaphore(%run_scoped3A : memref<!tpu.dma_semaphore, #tpu.memory_space<semaphore_mem>>)
        %dma_wait3A_211 = arith.constant 0 : i32
        %dma_wait3A_212 = tpu.memref_slice %arg13[%multiple_of3A, %dma_wait3A_211] : memref<10048x64xf32, #tpu.memory_space<vmem_shared>> -> memref<624x64xf32, #tpu.memory_space<vmem_shared>>
        %dma_wait3A_213 = arith.constant 0 : i32
        %dma_wait3A_214 = tpu.memref_slice %arg5[%multiple_of3A, %dma_wait3A_213] : memref<10048x64xf32, #tpu.memory_space<hbm>> -> memref<624x64xf32, #tpu.memory_space<hbm>>
        tpu.wait_dma2 semaphore(%run_scoped3A : memref<!tpu.dma_semaphore, #tpu.memory_space<semaphore_mem>>) src(%dma_wait3A_214 : memref<624x64xf32, #tpu.memory_space<hbm>>) dst(%dma_wait3A_212 : memref<624x64xf32, #tpu.memory_space<vmem_shared>>)
        tpu.yield
      }) : () -> ()
    } else {
    }
    %lt3A_8 = arith.constant 8 : i32
    %lt3A_9 = arith.cmpi slt, %arg1, %lt3A_8 : i32
    %convert_element_type3A_10 = arith.extui %lt3A_9 : i1 to i32
    %cond3A_11 = arith.constant 0 : i32
    %cond3A_12 = arith.cmpi ne, %convert_element_type3A_10, %cond3A_11 : i32
    scf.if %cond3A_12 {
      %mul3A_202 = arith.constant 632 : i32
      %mul3A_203 = arith.muli %arg1, %mul3A_202 : i32
      %multiple_of3A = tpu.assume_multiple %mul3A_203, 8 : i32
      "tpu.region"() ({
        %run_scoped3A = tpu.sem_alloc : memref<!tpu.dma_semaphore, #tpu.memory_space<semaphore_mem>>
        %dma_start3A_204 = arith.constant 0 : i32
        %dma_start3A_205 = tpu.memref_slice %arg14[%multiple_of3A, %dma_start3A_204] : memref<10048x64xf32, #tpu.memory_space<vmem_shared>> -> memref<632x64xf32, #tpu.memory_space<vmem_shared>>
        %dma_start3A_206 = arith.constant 0 : i32
        %dma_start3A_207 = arith.constant 0 : i32
        %dma_start3A_208 = tpu.memref_slice %arg2[%add3A_1, %dma_start3A_206, %dma_start3A_207] : memref<4x10048x64xf32, #tpu.memory_space<hbm>> -> memref<1x10048x64xf32, #tpu.memory_space<hbm>>
        %dma_start3A_209 = tpu.memref_squeeze %dma_start3A_208 : memref<1x10048x64xf32, #tpu.memory_space<hbm>> -> memref<10048x64xf32, #tpu.memory_space<hbm>>
        %dma_start3A_210 = arith.constant 0 : i32
        %dma_start3A_211 = tpu.memref_slice %dma_start3A_209[%multiple_of3A, %dma_start3A_210] : memref<10048x64xf32, #tpu.memory_space<hbm>> -> memref<632x64xf32, #tpu.memory_space<hbm>>
        tpu.enqueue_dma source(%dma_start3A_211 : memref<632x64xf32, #tpu.memory_space<hbm>>) target(%dma_start3A_205 : memref<632x64xf32, #tpu.memory_space<vmem_shared>>) target_semaphore(%run_scoped3A : memref<!tpu.dma_semaphore, #tpu.memory_space<semaphore_mem>>)
        %dma_wait3A_212 = arith.constant 0 : i32
        %dma_wait3A_213 = tpu.memref_slice %arg14[%multiple_of3A, %dma_wait3A_212] : memref<10048x64xf32, #tpu.memory_space<vmem_shared>> -> memref<632x64xf32, #tpu.memory_space<vmem_shared>>
        %dma_wait3A_214 = arith.constant 0 : i32
        %dma_wait3A_215 = arith.constant 0 : i32
        %dma_wait3A_216 = tpu.memref_slice %arg2[%add3A_1, %dma_wait3A_214, %dma_wait3A_215] : memref<4x10048x64xf32, #tpu.memory_space<hbm>> -> memref<1x10048x64xf32, #tpu.memory_space<hbm>>
        %dma_wait3A_217 = tpu.memref_squeeze %dma_wait3A_216 : memref<1x10048x64xf32, #tpu.memory_space<hbm>> -> memref<10048x64xf32, #tpu.memory_space<hbm>>
        %dma_wait3A_218 = arith.constant 0 : i32
        %dma_wait3A_219 = tpu.memref_slice %dma_wait3A_217[%multiple_of3A, %dma_wait3A_218] : memref<10048x64xf32, #tpu.memory_space<hbm>> -> memref<632x64xf32, #tpu.memory_space<hbm>>
        tpu.wait_dma2 semaphore(%run_scoped3A : memref<!tpu.dma_semaphore, #tpu.memory_space<semaphore_mem>>) src(%dma_wait3A_219 : memref<632x64xf32, #tpu.memory_space<hbm>>) dst(%dma_wait3A_213 : memref<632x64xf32, #tpu.memory_space<vmem_shared>>)
        tpu.yield
      }) : () -> ()
    } else {
    }
    %ge3A_13 = arith.constant 8 : i32
    %ge3A_14 = arith.cmpi sge, %arg1, %ge3A_13 : i32
    %convert_element_type3A_15 = arith.extui %ge3A_14 : i1 to i32
    %cond3A_16 = arith.constant 0 : i32
    %cond3A_17 = arith.cmpi ne, %convert_element_type3A_15, %cond3A_16 : i32
    scf.if %cond3A_17 {
      %sub3A = arith.constant 8 : i32
      %sub3A_202 = arith.subi %arg1, %sub3A : i32
      %mul3A_203 = arith.constant 624 : i32
      %mul3A_204 = arith.muli %sub3A_202, %mul3A_203 : i32
      %add3A_205 = arith.constant 5056 : i32
      %add3A_206 = arith.addi %add3A_205, %mul3A_204 : i32
      %multiple_of3A = tpu.assume_multiple %add3A_206, 8 : i32
      "tpu.region"() ({
        %run_scoped3A = tpu.sem_alloc : memref<!tpu.dma_semaphore, #tpu.memory_space<semaphore_mem>>
        %dma_start3A_207 = arith.constant 0 : i32
        %dma_start3A_208 = tpu.memref_slice %arg14[%multiple_of3A, %dma_start3A_207] : memref<10048x64xf32, #tpu.memory_space<vmem_shared>> -> memref<624x64xf32, #tpu.memory_space<vmem_shared>>
        %dma_start3A_209 = arith.constant 0 : i32
        %dma_start3A_210 = arith.constant 0 : i32
        %dma_start3A_211 = tpu.memref_slice %arg2[%add3A_1, %dma_start3A_209, %dma_start3A_210] : memref<4x10048x64xf32, #tpu.memory_space<hbm>> -> memref<1x10048x64xf32, #tpu.memory_space<hbm>>
        %dma_start3A_212 = tpu.memref_squeeze %dma_start3A_211 : memref<1x10048x64xf32, #tpu.memory_space<hbm>> -> memref<10048x64xf32, #tpu.memory_space<hbm>>
        %dma_start3A_213 = arith.constant 0 : i32
        %dma_start3A_214 = tpu.memref_slice %dma_start3A_212[%multiple_of3A, %dma_start3A_213] : memref<10048x64xf32, #tpu.memory_space<hbm>> -> memref<624x64xf32, #tpu.memory_space<hbm>>
        tpu.enqueue_dma source(%dma_start3A_214 : memref<624x64xf32, #tpu.memory_space<hbm>>) target(%dma_start3A_208 : memref<624x64xf32, #tpu.memory_space<vmem_shared>>) target_semaphore(%run_scoped3A : memref<!tpu.dma_semaphore, #tpu.memory_space<semaphore_mem>>)
        %dma_wait3A_215 = arith.constant 0 : i32
        %dma_wait3A_216 = tpu.memref_slice %arg14[%multiple_of3A, %dma_wait3A_215] : memref<10048x64xf32, #tpu.memory_space<vmem_shared>> -> memref<624x64xf32, #tpu.memory_space<vmem_shared>>
        %dma_wait3A_217 = arith.constant 0 : i32
        %dma_wait3A_218 = arith.constant 0 : i32
        %dma_wait3A_219 = tpu.memref_slice %arg2[%add3A_1, %dma_wait3A_217, %dma_wait3A_218] : memref<4x10048x64xf32, #tpu.memory_space<hbm>> -> memref<1x10048x64xf32, #tpu.memory_space<hbm>>
        %dma_wait3A_220 = tpu.memref_squeeze %dma_wait3A_219 : memref<1x10048x64xf32, #tpu.memory_space<hbm>> -> memref<10048x64xf32, #tpu.memory_space<hbm>>
        %dma_wait3A_221 = arith.constant 0 : i32
        %dma_wait3A_222 = tpu.memref_slice %dma_wait3A_220[%multiple_of3A, %dma_wait3A_221] : memref<10048x64xf32, #tpu.memory_space<hbm>> -> memref<624x64xf32, #tpu.memory_space<hbm>>
        tpu.wait_dma2 semaphore(%run_scoped3A : memref<!tpu.dma_semaphore, #tpu.memory_space<semaphore_mem>>) src(%dma_wait3A_222 : memref<624x64xf32, #tpu.memory_space<hbm>>) dst(%dma_wait3A_216 : memref<624x64xf32, #tpu.memory_space<vmem_shared>>)
        tpu.yield
      }) : () -> ()
    } else {
    }
    %barrier3A = arith.constant 0 : index
    tpu.barrier barrier_id(%barrier3A)
    %dma_start3A = arith.constant 0 : i32
    %dma_start3A_18 = arith.constant 0 : i32
    %dma_start3A_19 = arith.constant 0 : i32
    %dma_start3A_20 = tpu.memref_slice %arg7[%dma_start3A, %dma_start3A_18, %dma_start3A_19] : memref<128x1x80xi32, #tpu.memory_space<vmem>> -> memref<1x1x80xi32, #tpu.memory_space<vmem>>
    %dma_start3A_21 = tpu.memref_squeeze %dma_start3A_20 : memref<1x1x80xi32, #tpu.memory_space<vmem>> -> memref<80xi32, #tpu.memory_space<vmem>>
    %dma_start3A_22 = arith.constant 0 : i32
    %dma_start3A_23 = arith.constant 0 : i32
    %dma_start3A_24 = tpu.memref_slice %arg14[%dma_start3A_22, %dma_start3A_23] : memref<10048x64xf32, #tpu.memory_space<vmem_shared>> -> memref<10048x64xf32, #tpu.memory_space<vmem_shared>>
    tpu.enqueue_indirect_dma source(%dma_start3A_24 : memref<10048x64xf32, #tpu.memory_space<vmem_shared>>) target(%arg9 : memref<80x64xf32, #tpu.memory_space<vmem>>) offsets(%dma_start3A_21 : memref<80xi32, #tpu.memory_space<vmem>>) semaphore(%arg15 : memref<!tpu.dma_semaphore, #tpu.memory_space<semaphore_mem>>)
    %dma_start3A_25 = arith.constant 1 : i32
    %dma_start3A_26 = arith.constant 0 : i32
    %dma_start3A_27 = arith.constant 0 : i32
    %dma_start3A_28 = tpu.memref_slice %arg7[%dma_start3A_25, %dma_start3A_26, %dma_start3A_27] : memref<128x1x80xi32, #tpu.memory_space<vmem>> -> memref<1x1x80xi32, #tpu.memory_space<vmem>>
    %dma_start3A_29 = tpu.memref_squeeze %dma_start3A_28 : memref<1x1x80xi32, #tpu.memory_space<vmem>> -> memref<80xi32, #tpu.memory_space<vmem>>
    %dma_start3A_30 = arith.constant 0 : i32
    %dma_start3A_31 = arith.constant 0 : i32
    %dma_start3A_32 = tpu.memref_slice %arg14[%dma_start3A_30, %dma_start3A_31] : memref<10048x64xf32, #tpu.memory_space<vmem_shared>> -> memref<10048x64xf32, #tpu.memory_space<vmem_shared>>
    tpu.enqueue_indirect_dma source(%dma_start3A_32 : memref<10048x64xf32, #tpu.memory_space<vmem_shared>>) target(%arg10 : memref<80x64xf32, #tpu.memory_space<vmem>>) offsets(%dma_start3A_29 : memref<80xi32, #tpu.memory_space<vmem>>) semaphore(%arg16 : memref<!tpu.dma_semaphore, #tpu.memory_space<semaphore_mem>>)
    %dma_start3A_33 = arith.constant 2 : i32
    %dma_start3A_34 = arith.constant 0 : i32
    %dma_start3A_35 = arith.constant 0 : i32
    %dma_start3A_36 = tpu.memref_slice %arg7[%dma_start3A_33, %dma_start3A_34, %dma_start3A_35] : memref<128x1x80xi32, #tpu.memory_space<vmem>> -> memref<1x1x80xi32, #tpu.memory_space<vmem>>
    %dma_start3A_37 = tpu.memref_squeeze %dma_start3A_36 : memref<1x1x80xi32, #tpu.memory_space<vmem>> -> memref<80xi32, #tpu.memory_space<vmem>>
    %dma_start3A_38 = arith.constant 0 : i32
    %dma_start3A_39 = arith.constant 0 : i32
    %dma_start3A_40 = tpu.memref_slice %arg14[%dma_start3A_38, %dma_start3A_39] : memref<10048x64xf32, #tpu.memory_space<vmem_shared>> -> memref<10048x64xf32, #tpu.memory_space<vmem_shared>>
    tpu.enqueue_indirect_dma source(%dma_start3A_40 : memref<10048x64xf32, #tpu.memory_space<vmem_shared>>) target(%arg11 : memref<80x64xf32, #tpu.memory_space<vmem>>) offsets(%dma_start3A_37 : memref<80xi32, #tpu.memory_space<vmem>>) semaphore(%arg17 : memref<!tpu.dma_semaphore, #tpu.memory_space<semaphore_mem>>)
    %dma_start3A_41 = arith.constant 3 : i32
    %dma_start3A_42 = arith.constant 0 : i32
    %dma_start3A_43 = arith.constant 0 : i32
    %dma_start3A_44 = tpu.memref_slice %arg7[%dma_start3A_41, %dma_start3A_42, %dma_start3A_43] : memref<128x1x80xi32, #tpu.memory_space<vmem>> -> memref<1x1x80xi32, #tpu.memory_space<vmem>>
    %dma_start3A_45 = tpu.memref_squeeze %dma_start3A_44 : memref<1x1x80xi32, #tpu.memory_space<vmem>> -> memref<80xi32, #tpu.memory_space<vmem>>
    %dma_start3A_46 = arith.constant 0 : i32
    %dma_start3A_47 = arith.constant 0 : i32
    %dma_start3A_48 = tpu.memref_slice %arg14[%dma_start3A_46, %dma_start3A_47] : memref<10048x64xf32, #tpu.memory_space<vmem_shared>> -> memref<10048x64xf32, #tpu.memory_space<vmem_shared>>
    tpu.enqueue_indirect_dma source(%dma_start3A_48 : memref<10048x64xf32, #tpu.memory_space<vmem_shared>>) target(%arg12 : memref<80x64xf32, #tpu.memory_space<vmem>>) offsets(%dma_start3A_45 : memref<80xi32, #tpu.memory_space<vmem>>) semaphore(%arg18 : memref<!tpu.dma_semaphore, #tpu.memory_space<semaphore_mem>>)
    %scan3A = arith.constant 0 : i32
    %scan3A_49 = arith.constant 0 : i32
    %scan3A_50 = arith.constant 32 : i32
    %scan3A_51 = arith.addi %scan3A_49, %scan3A_50 : i32
    %scan3A_52 = arith.constant 1 : i32
    scf.for %scan3A_202 = %scan3A_49 to %scan3A_51 step %scan3A_52  : i32 {
      %mul3A_203 = arith.constant 4 : i32
      %mul3A_204 = arith.muli %mul3A_203, %scan3A_202 : i32
      %dma_wait3A_205 = arith.constant 0 : i32
      %dma_wait3A_206 = arith.constant 0 : i32
      %dma_wait3A_207 = arith.constant 0 : i32
      %dma_wait3A_208 = tpu.memref_slice %arg7[%dma_wait3A_205, %dma_wait3A_206, %dma_wait3A_207] : memref<128x1x80xi32, #tpu.memory_space<vmem>> -> memref<1x1x80xi32, #tpu.memory_space<vmem>>
      %dma_wait3A_209 = tpu.memref_squeeze %dma_wait3A_208 : memref<1x1x80xi32, #tpu.memory_space<vmem>> -> memref<80xi32, #tpu.memory_space<vmem>>
      %dma_wait3A_210 = arith.constant 0 : i32
      %dma_wait3A_211 = arith.constant 0 : i32
      %dma_wait3A_212 = tpu.memref_slice %arg14[%dma_wait3A_210, %dma_wait3A_211] : memref<10048x64xf32, #tpu.memory_space<vmem_shared>> -> memref<10048x64xf32, #tpu.memory_space<vmem_shared>>
      tpu.wait_indirect_dma semaphore(%arg15 : memref<!tpu.dma_semaphore, #tpu.memory_space<semaphore_mem>>) src(%dma_wait3A_212 : memref<10048x64xf32, #tpu.memory_space<vmem_shared>>) dst(%arg9 : memref<80x64xf32, #tpu.memory_space<vmem>>)
      %add3A_213 = arith.constant 0 : i32
      %add3A_214 = arith.addi %mul3A_204, %add3A_213 : i32
      %dma_start3A_215 = arith.constant 0 : i32
      %dma_start3A_216 = arith.constant 0 : i32
      %dma_start3A_217 = tpu.memref_slice %arg8[%add3A_214, %dma_start3A_215, %dma_start3A_216] : memref<128x1x80xi32, #tpu.memory_space<vmem>> -> memref<1x1x80xi32, #tpu.memory_space<vmem>>
      %dma_start3A_218 = tpu.memref_squeeze %dma_start3A_217 : memref<1x1x80xi32, #tpu.memory_space<vmem>> -> memref<80xi32, #tpu.memory_space<vmem>>
      %dma_start3A_219 = arith.constant 0 : i32
      %dma_start3A_220 = arith.constant 0 : i32
      %dma_start3A_221 = tpu.memref_slice %arg13[%dma_start3A_219, %dma_start3A_220] : memref<10048x64xf32, #tpu.memory_space<vmem_shared>> -> memref<10048x64xf32, #tpu.memory_space<vmem_shared>>
      tpu.enqueue_indirect_dma source(%arg9 : memref<80x64xf32, #tpu.memory_space<vmem>>) target(%dma_start3A_221 : memref<10048x64xf32, #tpu.memory_space<vmem_shared>>) offsets(%dma_start3A_218 : memref<80xi32, #tpu.memory_space<vmem>>) semaphore(%arg19 : memref<!tpu.dma_semaphore, #tpu.memory_space<semaphore_mem>>) {add = true}
      %dma_wait3A_222 = arith.constant 0 : i32
      %dma_wait3A_223 = arith.constant 0 : i32
      %dma_wait3A_224 = arith.constant 0 : i32
      %dma_wait3A_225 = tpu.memref_slice %arg7[%dma_wait3A_222, %dma_wait3A_223, %dma_wait3A_224] : memref<128x1x80xi32, #tpu.memory_space<vmem>> -> memref<1x1x80xi32, #tpu.memory_space<vmem>>
      %dma_wait3A_226 = tpu.memref_squeeze %dma_wait3A_225 : memref<1x1x80xi32, #tpu.memory_space<vmem>> -> memref<80xi32, #tpu.memory_space<vmem>>
      %dma_wait3A_227 = arith.constant 0 : i32
      %dma_wait3A_228 = arith.constant 0 : i32
      %dma_wait3A_229 = tpu.memref_slice %arg14[%dma_wait3A_227, %dma_wait3A_228] : memref<10048x64xf32, #tpu.memory_space<vmem_shared>> -> memref<10048x64xf32, #tpu.memory_space<vmem_shared>>
      tpu.wait_indirect_dma semaphore(%arg16 : memref<!tpu.dma_semaphore, #tpu.memory_space<semaphore_mem>>) src(%dma_wait3A_229 : memref<10048x64xf32, #tpu.memory_space<vmem_shared>>) dst(%arg10 : memref<80x64xf32, #tpu.memory_space<vmem>>)
      %add3A_230 = arith.constant 1 : i32
      %add3A_231 = arith.addi %mul3A_204, %add3A_230 : i32
      %dma_start3A_232 = arith.constant 0 : i32
      %dma_start3A_233 = arith.constant 0 : i32
      %dma_start3A_234 = tpu.memref_slice %arg8[%add3A_231, %dma_start3A_232, %dma_start3A_233] : memref<128x1x80xi32, #tpu.memory_space<vmem>> -> memref<1x1x80xi32, #tpu.memory_space<vmem>>
      %dma_start3A_235 = tpu.memref_squeeze %dma_start3A_234 : memref<1x1x80xi32, #tpu.memory_space<vmem>> -> memref<80xi32, #tpu.memory_space<vmem>>
      %dma_start3A_236 = arith.constant 0 : i32
      %dma_start3A_237 = arith.constant 0 : i32
      %dma_start3A_238 = tpu.memref_slice %arg13[%dma_start3A_236, %dma_start3A_237] : memref<10048x64xf32, #tpu.memory_space<vmem_shared>> -> memref<10048x64xf32, #tpu.memory_space<vmem_shared>>
      tpu.enqueue_indirect_dma source(%arg10 : memref<80x64xf32, #tpu.memory_space<vmem>>) target(%dma_start3A_238 : memref<10048x64xf32, #tpu.memory_space<vmem_shared>>) offsets(%dma_start3A_235 : memref<80xi32, #tpu.memory_space<vmem>>) semaphore(%arg20 : memref<!tpu.dma_semaphore, #tpu.memory_space<semaphore_mem>>) {add = true}
      %dma_wait3A_239 = arith.constant 0 : i32
      %dma_wait3A_240 = arith.constant 0 : i32
      %dma_wait3A_241 = arith.constant 0 : i32
      %dma_wait3A_242 = tpu.memref_slice %arg7[%dma_wait3A_239, %dma_wait3A_240, %dma_wait3A_241] : memref<128x1x80xi32, #tpu.memory_space<vmem>> -> memref<1x1x80xi32, #tpu.memory_space<vmem>>
      %dma_wait3A_243 = tpu.memref_squeeze %dma_wait3A_242 : memref<1x1x80xi32, #tpu.memory_space<vmem>> -> memref<80xi32, #tpu.memory_space<vmem>>
      %dma_wait3A_244 = arith.constant 0 : i32
      %dma_wait3A_245 = arith.constant 0 : i32
      %dma_wait3A_246 = tpu.memref_slice %arg14[%dma_wait3A_244, %dma_wait3A_245] : memref<10048x64xf32, #tpu.memory_space<vmem_shared>> -> memref<10048x64xf32, #tpu.memory_space<vmem_shared>>
      tpu.wait_indirect_dma semaphore(%arg17 : memref<!tpu.dma_semaphore, #tpu.memory_space<semaphore_mem>>) src(%dma_wait3A_246 : memref<10048x64xf32, #tpu.memory_space<vmem_shared>>) dst(%arg11 : memref<80x64xf32, #tpu.memory_space<vmem>>)
      %add3A_247 = arith.constant 2 : i32
      %add3A_248 = arith.addi %mul3A_204, %add3A_247 : i32
      %dma_start3A_249 = arith.constant 0 : i32
      %dma_start3A_250 = arith.constant 0 : i32
      %dma_start3A_251 = tpu.memref_slice %arg8[%add3A_248, %dma_start3A_249, %dma_start3A_250] : memref<128x1x80xi32, #tpu.memory_space<vmem>> -> memref<1x1x80xi32, #tpu.memory_space<vmem>>
      %dma_start3A_252 = tpu.memref_squeeze %dma_start3A_251 : memref<1x1x80xi32, #tpu.memory_space<vmem>> -> memref<80xi32, #tpu.memory_space<vmem>>
      %dma_start3A_253 = arith.constant 0 : i32
      %dma_start3A_254 = arith.constant 0 : i32
      %dma_start3A_255 = tpu.memref_slice %arg13[%dma_start3A_253, %dma_start3A_254] : memref<10048x64xf32, #tpu.memory_space<vmem_shared>> -> memref<10048x64xf32, #tpu.memory_space<vmem_shared>>
      tpu.enqueue_indirect_dma source(%arg11 : memref<80x64xf32, #tpu.memory_space<vmem>>) target(%dma_start3A_255 : memref<10048x64xf32, #tpu.memory_space<vmem_shared>>) offsets(%dma_start3A_252 : memref<80xi32, #tpu.memory_space<vmem>>) semaphore(%arg21 : memref<!tpu.dma_semaphore, #tpu.memory_space<semaphore_mem>>) {add = true}
      %dma_wait3A_256 = arith.constant 0 : i32
      %dma_wait3A_257 = arith.constant 0 : i32
      %dma_wait3A_258 = arith.constant 0 : i32
      %dma_wait3A_259 = tpu.memref_slice %arg7[%dma_wait3A_256, %dma_wait3A_257, %dma_wait3A_258] : memref<128x1x80xi32, #tpu.memory_space<vmem>> -> memref<1x1x80xi32, #tpu.memory_space<vmem>>
      %dma_wait3A_260 = tpu.memref_squeeze %dma_wait3A_259 : memref<1x1x80xi32, #tpu.memory_space<vmem>> -> memref<80xi32, #tpu.memory_space<vmem>>
      %dma_wait3A_261 = arith.constant 0 : i32
      %dma_wait3A_262 = arith.constant 0 : i32
      %dma_wait3A_263 = tpu.memref_slice %arg14[%dma_wait3A_261, %dma_wait3A_262] : memref<10048x64xf32, #tpu.memory_space<vmem_shared>> -> memref<10048x64xf32, #tpu.memory_space<vmem_shared>>
      tpu.wait_indirect_dma semaphore(%arg18 : memref<!tpu.dma_semaphore, #tpu.memory_space<semaphore_mem>>) src(%dma_wait3A_263 : memref<10048x64xf32, #tpu.memory_space<vmem_shared>>) dst(%arg12 : memref<80x64xf32, #tpu.memory_space<vmem>>)
      %add3A_264 = arith.constant 3 : i32
      %add3A_265 = arith.addi %mul3A_204, %add3A_264 : i32
      %dma_start3A_266 = arith.constant 0 : i32
      %dma_start3A_267 = arith.constant 0 : i32
      %dma_start3A_268 = tpu.memref_slice %arg8[%add3A_265, %dma_start3A_266, %dma_start3A_267] : memref<128x1x80xi32, #tpu.memory_space<vmem>> -> memref<1x1x80xi32, #tpu.memory_space<vmem>>
      %dma_start3A_269 = tpu.memref_squeeze %dma_start3A_268 : memref<1x1x80xi32, #tpu.memory_space<vmem>> -> memref<80xi32, #tpu.memory_space<vmem>>
      %dma_start3A_270 = arith.constant 0 : i32
      %dma_start3A_271 = arith.constant 0 : i32
      %dma_start3A_272 = tpu.memref_slice %arg13[%dma_start3A_270, %dma_start3A_271] : memref<10048x64xf32, #tpu.memory_space<vmem_shared>> -> memref<10048x64xf32, #tpu.memory_space<vmem_shared>>
      tpu.enqueue_indirect_dma source(%arg12 : memref<80x64xf32, #tpu.memory_space<vmem>>) target(%dma_start3A_272 : memref<10048x64xf32, #tpu.memory_space<vmem_shared>>) offsets(%dma_start3A_269 : memref<80xi32, #tpu.memory_space<vmem>>) semaphore(%arg22 : memref<!tpu.dma_semaphore, #tpu.memory_space<semaphore_mem>>) {add = true}
      %add3A_273 = arith.constant 4 : i32
      %add3A_274 = arith.addi %mul3A_204, %add3A_273 : i32
      %add3A_275 = arith.constant 0 : i32
      %add3A_276 = arith.addi %add3A_274, %add3A_275 : i32
      %lt3A_277 = arith.constant 128 : i32
      %lt3A_278 = arith.cmpi slt, %add3A_276, %lt3A_277 : i32
      %convert_element_type3A_279 = arith.extui %lt3A_278 : i1 to i32
      %cond3A_280 = arith.constant 0 : i32
      %cond3A_281 = arith.cmpi ne, %convert_element_type3A_279, %cond3A_280 : i32
      scf.if %cond3A_281 {
        %dma_wait3A_309 = arith.constant 0 : i32
        %dma_wait3A_310 = arith.constant 0 : i32
        %dma_wait3A_311 = arith.constant 0 : i32
        %dma_wait3A_312 = tpu.memref_slice %arg8[%dma_wait3A_309, %dma_wait3A_310, %dma_wait3A_311] : memref<128x1x80xi32, #tpu.memory_space<vmem>> -> memref<1x1x80xi32, #tpu.memory_space<vmem>>
        %dma_wait3A_313 = tpu.memref_squeeze %dma_wait3A_312 : memref<1x1x80xi32, #tpu.memory_space<vmem>> -> memref<80xi32, #tpu.memory_space<vmem>>
        %dma_wait3A_314 = arith.constant 0 : i32
        %dma_wait3A_315 = arith.constant 0 : i32
        %dma_wait3A_316 = tpu.memref_slice %arg13[%dma_wait3A_314, %dma_wait3A_315] : memref<10048x64xf32, #tpu.memory_space<vmem_shared>> -> memref<10048x64xf32, #tpu.memory_space<vmem_shared>>
        tpu.wait_indirect_dma semaphore(%arg19 : memref<!tpu.dma_semaphore, #tpu.memory_space<semaphore_mem>>) src(%arg9 : memref<80x64xf32, #tpu.memory_space<vmem>>) dst(%dma_wait3A_316 : memref<10048x64xf32, #tpu.memory_space<vmem_shared>>)
        %add3A_317 = arith.constant 4 : i32
        %add3A_318 = arith.addi %mul3A_204, %add3A_317 : i32
        %add3A_319 = arith.constant 0 : i32
        %add3A_320 = arith.addi %add3A_318, %add3A_319 : i32
        %dma_start3A_321 = arith.constant 0 : i32
        %dma_start3A_322 = arith.constant 0 : i32
        %dma_start3A_323 = tpu.memref_slice %arg7[%add3A_320, %dma_start3A_321, %dma_start3A_322] : memref<128x1x80xi32, #tpu.memory_space<vmem>> -> memref<1x1x80xi32, #tpu.memory_space<vmem>>
        %dma_start3A_324 = tpu.memref_squeeze %dma_start3A_323 : memref<1x1x80xi32, #tpu.memory_space<vmem>> -> memref<80xi32, #tpu.memory_space<vmem>>
        %dma_start3A_325 = arith.constant 0 : i32
        %dma_start3A_326 = arith.constant 0 : i32
        %dma_start3A_327 = tpu.memref_slice %arg14[%dma_start3A_325, %dma_start3A_326] : memref<10048x64xf32, #tpu.memory_space<vmem_shared>> -> memref<10048x64xf32, #tpu.memory_space<vmem_shared>>
        tpu.enqueue_indirect_dma source(%dma_start3A_327 : memref<10048x64xf32, #tpu.memory_space<vmem_shared>>) target(%arg9 : memref<80x64xf32, #tpu.memory_space<vmem>>) offsets(%dma_start3A_324 : memref<80xi32, #tpu.memory_space<vmem>>) semaphore(%arg15 : memref<!tpu.dma_semaphore, #tpu.memory_space<semaphore_mem>>)
      } else {
      }
      %add3A_282 = arith.constant 4 : i32
      %add3A_283 = arith.addi %mul3A_204, %add3A_282 : i32
      %add3A_284 = arith.constant 1 : i32
      %add3A_285 = arith.addi %add3A_283, %add3A_284 : i32
      %lt3A_286 = arith.constant 128 : i32
      %lt3A_287 = arith.cmpi slt, %add3A_285, %lt3A_286 : i32
      %convert_element_type3A_288 = arith.extui %lt3A_287 : i1 to i32
      %cond3A_289 = arith.constant 0 : i32
      %cond3A_290 = arith.cmpi ne, %convert_element_type3A_288, %cond3A_289 : i32
      scf.if %cond3A_290 {
        %dma_wait3A_309 = arith.constant 0 : i32
        %dma_wait3A_310 = arith.constant 0 : i32
        %dma_wait3A_311 = arith.constant 0 : i32
        %dma_wait3A_312 = tpu.memref_slice %arg8[%dma_wait3A_309, %dma_wait3A_310, %dma_wait3A_311] : memref<128x1x80xi32, #tpu.memory_space<vmem>> -> memref<1x1x80xi32, #tpu.memory_space<vmem>>
        %dma_wait3A_313 = tpu.memref_squeeze %dma_wait3A_312 : memref<1x1x80xi32, #tpu.memory_space<vmem>> -> memref<80xi32, #tpu.memory_space<vmem>>
        %dma_wait3A_314 = arith.constant 0 : i32
        %dma_wait3A_315 = arith.constant 0 : i32
        %dma_wait3A_316 = tpu.memref_slice %arg13[%dma_wait3A_314, %dma_wait3A_315] : memref<10048x64xf32, #tpu.memory_space<vmem_shared>> -> memref<10048x64xf32, #tpu.memory_space<vmem_shared>>
        tpu.wait_indirect_dma semaphore(%arg20 : memref<!tpu.dma_semaphore, #tpu.memory_space<semaphore_mem>>) src(%arg10 : memref<80x64xf32, #tpu.memory_space<vmem>>) dst(%dma_wait3A_316 : memref<10048x64xf32, #tpu.memory_space<vmem_shared>>)
        %add3A_317 = arith.constant 4 : i32
        %add3A_318 = arith.addi %mul3A_204, %add3A_317 : i32
        %add3A_319 = arith.constant 1 : i32
        %add3A_320 = arith.addi %add3A_318, %add3A_319 : i32
        %dma_start3A_321 = arith.constant 0 : i32
        %dma_start3A_322 = arith.constant 0 : i32
        %dma_start3A_323 = tpu.memref_slice %arg7[%add3A_320, %dma_start3A_321, %dma_start3A_322] : memref<128x1x80xi32, #tpu.memory_space<vmem>> -> memref<1x1x80xi32, #tpu.memory_space<vmem>>
        %dma_start3A_324 = tpu.memref_squeeze %dma_start3A_323 : memref<1x1x80xi32, #tpu.memory_space<vmem>> -> memref<80xi32, #tpu.memory_space<vmem>>
        %dma_start3A_325 = arith.constant 0 : i32
        %dma_start3A_326 = arith.constant 0 : i32
        %dma_start3A_327 = tpu.memref_slice %arg14[%dma_start3A_325, %dma_start3A_326] : memref<10048x64xf32, #tpu.memory_space<vmem_shared>> -> memref<10048x64xf32, #tpu.memory_space<vmem_shared>>
        tpu.enqueue_indirect_dma source(%dma_start3A_327 : memref<10048x64xf32, #tpu.memory_space<vmem_shared>>) target(%arg10 : memref<80x64xf32, #tpu.memory_space<vmem>>) offsets(%dma_start3A_324 : memref<80xi32, #tpu.memory_space<vmem>>) semaphore(%arg16 : memref<!tpu.dma_semaphore, #tpu.memory_space<semaphore_mem>>)
      } else {
      }
      %add3A_291 = arith.constant 4 : i32
      %add3A_292 = arith.addi %mul3A_204, %add3A_291 : i32
      %add3A_293 = arith.constant 2 : i32
      %add3A_294 = arith.addi %add3A_292, %add3A_293 : i32
      %lt3A_295 = arith.constant 128 : i32
      %lt3A_296 = arith.cmpi slt, %add3A_294, %lt3A_295 : i32
      %convert_element_type3A_297 = arith.extui %lt3A_296 : i1 to i32
      %cond3A_298 = arith.constant 0 : i32
      %cond3A_299 = arith.cmpi ne, %convert_element_type3A_297, %cond3A_298 : i32
      scf.if %cond3A_299 {
        %dma_wait3A_309 = arith.constant 0 : i32
        %dma_wait3A_310 = arith.constant 0 : i32
        %dma_wait3A_311 = arith.constant 0 : i32
        %dma_wait3A_312 = tpu.memref_slice %arg8[%dma_wait3A_309, %dma_wait3A_310, %dma_wait3A_311] : memref<128x1x80xi32, #tpu.memory_space<vmem>> -> memref<1x1x80xi32, #tpu.memory_space<vmem>>
        %dma_wait3A_313 = tpu.memref_squeeze %dma_wait3A_312 : memref<1x1x80xi32, #tpu.memory_space<vmem>> -> memref<80xi32, #tpu.memory_space<vmem>>
        %dma_wait3A_314 = arith.constant 0 : i32
        %dma_wait3A_315 = arith.constant 0 : i32
        %dma_wait3A_316 = tpu.memref_slice %arg13[%dma_wait3A_314, %dma_wait3A_315] : memref<10048x64xf32, #tpu.memory_space<vmem_shared>> -> memref<10048x64xf32, #tpu.memory_space<vmem_shared>>
        tpu.wait_indirect_dma semaphore(%arg21 : memref<!tpu.dma_semaphore, #tpu.memory_space<semaphore_mem>>) src(%arg11 : memref<80x64xf32, #tpu.memory_space<vmem>>) dst(%dma_wait3A_316 : memref<10048x64xf32, #tpu.memory_space<vmem_shared>>)
        %add3A_317 = arith.constant 4 : i32
        %add3A_318 = arith.addi %mul3A_204, %add3A_317 : i32
        %add3A_319 = arith.constant 2 : i32
        %add3A_320 = arith.addi %add3A_318, %add3A_319 : i32
        %dma_start3A_321 = arith.constant 0 : i32
        %dma_start3A_322 = arith.constant 0 : i32
        %dma_start3A_323 = tpu.memref_slice %arg7[%add3A_320, %dma_start3A_321, %dma_start3A_322] : memref<128x1x80xi32, #tpu.memory_space<vmem>> -> memref<1x1x80xi32, #tpu.memory_space<vmem>>
        %dma_start3A_324 = tpu.memref_squeeze %dma_start3A_323 : memref<1x1x80xi32, #tpu.memory_space<vmem>> -> memref<80xi32, #tpu.memory_space<vmem>>
        %dma_start3A_325 = arith.constant 0 : i32
        %dma_start3A_326 = arith.constant 0 : i32
        %dma_start3A_327 = tpu.memref_slice %arg14[%dma_start3A_325, %dma_start3A_326] : memref<10048x64xf32, #tpu.memory_space<vmem_shared>> -> memref<10048x64xf32, #tpu.memory_space<vmem_shared>>
        tpu.enqueue_indirect_dma source(%dma_start3A_327 : memref<10048x64xf32, #tpu.memory_space<vmem_shared>>) target(%arg11 : memref<80x64xf32, #tpu.memory_space<vmem>>) offsets(%dma_start3A_324 : memref<80xi32, #tpu.memory_space<vmem>>) semaphore(%arg17 : memref<!tpu.dma_semaphore, #tpu.memory_space<semaphore_mem>>)
      } else {
      }
      %add3A_300 = arith.constant 4 : i32
      %add3A_301 = arith.addi %mul3A_204, %add3A_300 : i32
      %add3A_302 = arith.constant 3 : i32
      %add3A_303 = arith.addi %add3A_301, %add3A_302 : i32
      %lt3A_304 = arith.constant 128 : i32
      %lt3A_305 = arith.cmpi slt, %add3A_303, %lt3A_304 : i32
      %convert_element_type3A_306 = arith.extui %lt3A_305 : i1 to i32
      %cond3A_307 = arith.constant 0 : i32
      %cond3A_308 = arith.cmpi ne, %convert_element_type3A_306, %cond3A_307 : i32
      scf.if %cond3A_308 {
        %dma_wait3A_309 = arith.constant 0 : i32
        %dma_wait3A_310 = arith.constant 0 : i32
        %dma_wait3A_311 = arith.constant 0 : i32
        %dma_wait3A_312 = tpu.memref_slice %arg8[%dma_wait3A_309, %dma_wait3A_310, %dma_wait3A_311] : memref<128x1x80xi32, #tpu.memory_space<vmem>> -> memref<1x1x80xi32, #tpu.memory_space<vmem>>
        %dma_wait3A_313 = tpu.memref_squeeze %dma_wait3A_312 : memref<1x1x80xi32, #tpu.memory_space<vmem>> -> memref<80xi32, #tpu.memory_space<vmem>>
        %dma_wait3A_314 = arith.constant 0 : i32
        %dma_wait3A_315 = arith.constant 0 : i32
        %dma_wait3A_316 = tpu.memref_slice %arg13[%dma_wait3A_314, %dma_wait3A_315] : memref<10048x64xf32, #tpu.memory_space<vmem_shared>> -> memref<10048x64xf32, #tpu.memory_space<vmem_shared>>
        tpu.wait_indirect_dma semaphore(%arg22 : memref<!tpu.dma_semaphore, #tpu.memory_space<semaphore_mem>>) src(%arg12 : memref<80x64xf32, #tpu.memory_space<vmem>>) dst(%dma_wait3A_316 : memref<10048x64xf32, #tpu.memory_space<vmem_shared>>)
        %add3A_317 = arith.constant 4 : i32
        %add3A_318 = arith.addi %mul3A_204, %add3A_317 : i32
        %add3A_319 = arith.constant 3 : i32
        %add3A_320 = arith.addi %add3A_318, %add3A_319 : i32
        %dma_start3A_321 = arith.constant 0 : i32
        %dma_start3A_322 = arith.constant 0 : i32
        %dma_start3A_323 = tpu.memref_slice %arg7[%add3A_320, %dma_start3A_321, %dma_start3A_322] : memref<128x1x80xi32, #tpu.memory_space<vmem>> -> memref<1x1x80xi32, #tpu.memory_space<vmem>>
        %dma_start3A_324 = tpu.memref_squeeze %dma_start3A_323 : memref<1x1x80xi32, #tpu.memory_space<vmem>> -> memref<80xi32, #tpu.memory_space<vmem>>
        %dma_start3A_325 = arith.constant 0 : i32
        %dma_start3A_326 = arith.constant 0 : i32
        %dma_start3A_327 = tpu.memref_slice %arg14[%dma_start3A_325, %dma_start3A_326] : memref<10048x64xf32, #tpu.memory_space<vmem_shared>> -> memref<10048x64xf32, #tpu.memory_space<vmem_shared>>
        tpu.enqueue_indirect_dma source(%dma_start3A_327 : memref<10048x64xf32, #tpu.memory_space<vmem_shared>>) target(%arg12 : memref<80x64xf32, #tpu.memory_space<vmem>>) offsets(%dma_start3A_324 : memref<80xi32, #tpu.memory_space<vmem>>) semaphore(%arg18 : memref<!tpu.dma_semaphore, #tpu.memory_space<semaphore_mem>>)
      } else {
      }
    }
    %scan3A_53 = arith.constant 32 : i32
    %dma_wait3A = arith.constant 0 : i32
    %dma_wait3A_54 = arith.constant 0 : i32
    %dma_wait3A_55 = arith.constant 0 : i32
    %dma_wait3A_56 = tpu.memref_slice %arg8[%dma_wait3A, %dma_wait3A_54, %dma_wait3A_55] : memref<128x1x80xi32, #tpu.memory_space<vmem>> -> memref<1x1x80xi32, #tpu.memory_space<vmem>>
    %dma_wait3A_57 = tpu.memref_squeeze %dma_wait3A_56 : memref<1x1x80xi32, #tpu.memory_space<vmem>> -> memref<80xi32, #tpu.memory_space<vmem>>
    %dma_wait3A_58 = arith.constant 0 : i32
    %dma_wait3A_59 = arith.constant 0 : i32
    %dma_wait3A_60 = tpu.memref_slice %arg13[%dma_wait3A_58, %dma_wait3A_59] : memref<10048x64xf32, #tpu.memory_space<vmem_shared>> -> memref<10048x64xf32, #tpu.memory_space<vmem_shared>>
    tpu.wait_indirect_dma semaphore(%arg19 : memref<!tpu.dma_semaphore, #tpu.memory_space<semaphore_mem>>) src(%arg9 : memref<80x64xf32, #tpu.memory_space<vmem>>) dst(%dma_wait3A_60 : memref<10048x64xf32, #tpu.memory_space<vmem_shared>>)
    %dma_wait3A_61 = arith.constant 0 : i32
    %dma_wait3A_62 = arith.constant 0 : i32
    %dma_wait3A_63 = arith.constant 0 : i32
    %dma_wait3A_64 = tpu.memref_slice %arg8[%dma_wait3A_61, %dma_wait3A_62, %dma_wait3A_63] : memref<128x1x80xi32, #tpu.memory_space<vmem>> -> memref<1x1x80xi32, #tpu.memory_space<vmem>>
    %dma_wait3A_65 = tpu.memref_squeeze %dma_wait3A_64 : memref<1x1x80xi32, #tpu.memory_space<vmem>> -> memref<80xi32, #tpu.memory_space<vmem>>
    %dma_wait3A_66 = arith.constant 0 : i32
    %dma_wait3A_67 = arith.constant 0 : i32
    %dma_wait3A_68 = tpu.memref_slice %arg13[%dma_wait3A_66, %dma_wait3A_67] : memref<10048x64xf32, #tpu.memory_space<vmem_shared>> -> memref<10048x64xf32, #tpu.memory_space<vmem_shared>>
    tpu.wait_indirect_dma semaphore(%arg20 : memref<!tpu.dma_semaphore, #tpu.memory_space<semaphore_mem>>) src(%arg10 : memref<80x64xf32, #tpu.memory_space<vmem>>) dst(%dma_wait3A_68 : memref<10048x64xf32, #tpu.memory_space<vmem_shared>>)
    %dma_wait3A_69 = arith.constant 0 : i32
    %dma_wait3A_70 = arith.constant 0 : i32
    %dma_wait3A_71 = arith.constant 0 : i32
    %dma_wait3A_72 = tpu.memref_slice %arg8[%dma_wait3A_69, %dma_wait3A_70, %dma_wait3A_71] : memref<128x1x80xi32, #tpu.memory_space<vmem>> -> memref<1x1x80xi32, #tpu.memory_space<vmem>>
    %dma_wait3A_73 = tpu.memref_squeeze %dma_wait3A_72 : memref<1x1x80xi32, #tpu.memory_space<vmem>> -> memref<80xi32, #tpu.memory_space<vmem>>
    %dma_wait3A_74 = arith.constant 0 : i32
    %dma_wait3A_75 = arith.constant 0 : i32
    %dma_wait3A_76 = tpu.memref_slice %arg13[%dma_wait3A_74, %dma_wait3A_75] : memref<10048x64xf32, #tpu.memory_space<vmem_shared>> -> memref<10048x64xf32, #tpu.memory_space<vmem_shared>>
    tpu.wait_indirect_dma semaphore(%arg21 : memref<!tpu.dma_semaphore, #tpu.memory_space<semaphore_mem>>) src(%arg11 : memref<80x64xf32, #tpu.memory_space<vmem>>) dst(%dma_wait3A_76 : memref<10048x64xf32, #tpu.memory_space<vmem_shared>>)
    %dma_wait3A_77 = arith.constant 0 : i32
    %dma_wait3A_78 = arith.constant 0 : i32
    %dma_wait3A_79 = arith.constant 0 : i32
    %dma_wait3A_80 = tpu.memref_slice %arg8[%dma_wait3A_77, %dma_wait3A_78, %dma_wait3A_79] : memref<128x1x80xi32, #tpu.memory_space<vmem>> -> memref<1x1x80xi32, #tpu.memory_space<vmem>>
    %dma_wait3A_81 = tpu.memref_squeeze %dma_wait3A_80 : memref<1x1x80xi32, #tpu.memory_space<vmem>> -> memref<80xi32, #tpu.memory_space<vmem>>
    %dma_wait3A_82 = arith.constant 0 : i32
    %dma_wait3A_83 = arith.constant 0 : i32
    %dma_wait3A_84 = tpu.memref_slice %arg13[%dma_wait3A_82, %dma_wait3A_83] : memref<10048x64xf32, #tpu.memory_space<vmem_shared>> -> memref<10048x64xf32, #tpu.memory_space<vmem_shared>>
    tpu.wait_indirect_dma semaphore(%arg22 : memref<!tpu.dma_semaphore, #tpu.memory_space<semaphore_mem>>) src(%arg12 : memref<80x64xf32, #tpu.memory_space<vmem>>) dst(%dma_wait3A_84 : memref<10048x64xf32, #tpu.memory_space<vmem_shared>>)
    %barrier3A_85 = arith.constant 0 : index
    tpu.barrier barrier_id(%barrier3A_85)
    %lt3A_86 = arith.constant 8 : i32
    %lt3A_87 = arith.cmpi slt, %arg1, %lt3A_86 : i32
    %convert_element_type3A_88 = arith.extui %lt3A_87 : i1 to i32
    %cond3A_89 = arith.constant 0 : i32
    %cond3A_90 = arith.cmpi ne, %convert_element_type3A_88, %cond3A_89 : i32
    scf.if %cond3A_90 {
      %mul3A_202 = arith.constant 632 : i32
      %mul3A_203 = arith.muli %arg1, %mul3A_202 : i32
      %multiple_of3A = tpu.assume_multiple %mul3A_203, 8 : i32
      "tpu.region"() ({
        %run_scoped3A = tpu.sem_alloc : memref<!tpu.dma_semaphore, #tpu.memory_space<semaphore_mem>>
        %dma_start3A_204 = arith.constant 0 : i32
        %dma_start3A_205 = arith.constant 0 : i32
        %dma_start3A_206 = tpu.memref_slice %arg6[%add3A_1, %dma_start3A_204, %dma_start3A_205] : memref<4x10048x64xf32, #tpu.memory_space<hbm>> -> memref<1x10048x64xf32, #tpu.memory_space<hbm>>
        %dma_start3A_207 = tpu.memref_squeeze %dma_start3A_206 : memref<1x10048x64xf32, #tpu.memory_space<hbm>> -> memref<10048x64xf32, #tpu.memory_space<hbm>>
        %dma_start3A_208 = arith.constant 0 : i32
        %dma_start3A_209 = tpu.memref_slice %dma_start3A_207[%multiple_of3A, %dma_start3A_208] : memref<10048x64xf32, #tpu.memory_space<hbm>> -> memref<632x64xf32, #tpu.memory_space<hbm>>
        %dma_start3A_210 = arith.constant 0 : i32
        %dma_start3A_211 = tpu.memref_slice %arg13[%multiple_of3A, %dma_start3A_210] : memref<10048x64xf32, #tpu.memory_space<vmem_shared>> -> memref<632x64xf32, #tpu.memory_space<vmem_shared>>
        tpu.enqueue_dma source(%dma_start3A_211 : memref<632x64xf32, #tpu.memory_space<vmem_shared>>) target(%dma_start3A_209 : memref<632x64xf32, #tpu.memory_space<hbm>>) target_semaphore(%run_scoped3A : memref<!tpu.dma_semaphore, #tpu.memory_space<semaphore_mem>>)
        %dma_wait3A_212 = arith.constant 0 : i32
        %dma_wait3A_213 = arith.constant 0 : i32
        %dma_wait3A_214 = tpu.memref_slice %arg6[%add3A_1, %dma_wait3A_212, %dma_wait3A_213] : memref<4x10048x64xf32, #tpu.memory_space<hbm>> -> memref<1x10048x64xf32, #tpu.memory_space<hbm>>
        %dma_wait3A_215 = tpu.memref_squeeze %dma_wait3A_214 : memref<1x10048x64xf32, #tpu.memory_space<hbm>> -> memref<10048x64xf32, #tpu.memory_space<hbm>>
        %dma_wait3A_216 = arith.constant 0 : i32
        %dma_wait3A_217 = tpu.memref_slice %dma_wait3A_215[%multiple_of3A, %dma_wait3A_216] : memref<10048x64xf32, #tpu.memory_space<hbm>> -> memref<632x64xf32, #tpu.memory_space<hbm>>
        %dma_wait3A_218 = arith.constant 0 : i32
        %dma_wait3A_219 = tpu.memref_slice %arg13[%multiple_of3A, %dma_wait3A_218] : memref<10048x64xf32, #tpu.memory_space<vmem_shared>> -> memref<632x64xf32, #tpu.memory_space<vmem_shared>>
        tpu.wait_dma2 semaphore(%run_scoped3A : memref<!tpu.dma_semaphore, #tpu.memory_space<semaphore_mem>>) src(%dma_wait3A_219 : memref<632x64xf32, #tpu.memory_space<vmem_shared>>) dst(%dma_wait3A_217 : memref<632x64xf32, #tpu.memory_space<hbm>>)
        tpu.yield
      }) : () -> ()
    } else {
    }
    %ge3A_91 = arith.constant 8 : i32
    %ge3A_92 = arith.cmpi sge, %arg1, %ge3A_91 : i32
    %convert_element_type3A_93 = arith.extui %ge3A_92 : i1 to i32
    %cond3A_94 = arith.constant 0 : i32
    %cond3A_95 = arith.cmpi ne, %convert_element_type3A_93, %cond3A_94 : i32
    scf.if %cond3A_95 {
      %sub3A = arith.constant 8 : i32
      %sub3A_202 = arith.subi %arg1, %sub3A : i32
      %mul3A_203 = arith.constant 624 : i32
      %mul3A_204 = arith.muli %sub3A_202, %mul3A_203 : i32
      %add3A_205 = arith.constant 5056 : i32
      %add3A_206 = arith.addi %add3A_205, %mul3A_204 : i32
      %multiple_of3A = tpu.assume_multiple %add3A_206, 8 : i32
      "tpu.region"() ({
        %run_scoped3A = tpu.sem_alloc : memref<!tpu.dma_semaphore, #tpu.memory_space<semaphore_mem>>
        %dma_start3A_207 = arith.constant 0 : i32
        %dma_start3A_208 = arith.constant 0 : i32
        %dma_start3A_209 = tpu.memref_slice %arg6[%add3A_1, %dma_start3A_207, %dma_start3A_208] : memref<4x10048x64xf32, #tpu.memory_space<hbm>> -> memref<1x10048x64xf32, #tpu.memory_space<hbm>>
        %dma_start3A_210 = tpu.memref_squeeze %dma_start3A_209 : memref<1x10048x64xf32, #tpu.memory_space<hbm>> -> memref<10048x64xf32, #tpu.memory_space<hbm>>
        %dma_start3A_211 = arith.constant 0 : i32
        %dma_start3A_212 = tpu.memref_slice %dma_start3A_210[%multiple_of3A, %dma_start3A_211] : memref<10048x64xf32, #tpu.memory_space<hbm>> -> memref<624x64xf32, #tpu.memory_space<hbm>>
        %dma_start3A_213 = arith.constant 0 : i32
        %dma_start3A_214 = tpu.memref_slice %arg13[%multiple_of3A, %dma_start3A_213] : memref<10048x64xf32, #tpu.memory_space<vmem_shared>> -> memref<624x64xf32, #tpu.memory_space<vmem_shared>>
        tpu.enqueue_dma source(%dma_start3A_214 : memref<624x64xf32, #tpu.memory_space<vmem_shared>>) target(%dma_start3A_212 : memref<624x64xf32, #tpu.memory_space<hbm>>) target_semaphore(%run_scoped3A : memref<!tpu.dma_semaphore, #tpu.memory_space<semaphore_mem>>)
        %dma_wait3A_215 = arith.constant 0 : i32
        %dma_wait3A_216 = arith.constant 0 : i32
        %dma_wait3A_217 = tpu.memref_slice %arg6[%add3A_1, %dma_wait3A_215, %dma_wait3A_216] : memref<4x10048x64xf32, #tpu.memory_space<hbm>> -> memref<1x10048x64xf32, #tpu.memory_space<hbm>>
        %dma_wait3A_218 = tpu.memref_squeeze %dma_wait3A_217 : memref<1x10048x64xf32, #tpu.memory_space<hbm>> -> memref<10048x64xf32, #tpu.memory_space<hbm>>
        %dma_wait3A_219 = arith.constant 0 : i32
        %dma_wait3A_220 = tpu.memref_slice %dma_wait3A_218[%multiple_of3A, %dma_wait3A_219] : memref<10048x64xf32, #tpu.memory_space<hbm>> -> memref<624x64xf32, #tpu.memory_space<hbm>>
        %dma_wait3A_221 = arith.constant 0 : i32
        %dma_wait3A_222 = tpu.memref_slice %arg13[%multiple_of3A, %dma_wait3A_221] : memref<10048x64xf32, #tpu.memory_space<vmem_shared>> -> memref<624x64xf32, #tpu.memory_space<vmem_shared>>
        tpu.wait_dma2 semaphore(%run_scoped3A : memref<!tpu.dma_semaphore, #tpu.memory_space<semaphore_mem>>) src(%dma_wait3A_222 : memref<624x64xf32, #tpu.memory_space<vmem_shared>>) dst(%dma_wait3A_220 : memref<624x64xf32, #tpu.memory_space<hbm>>)
        tpu.yield
      }) : () -> ()
    } else {
    }
    %mul3A_96 = arith.constant 2 : i32
    %mul3A_97 = arith.muli %mul3A_96, %arg0 : i32
    %add3A_98 = arith.constant 1 : i32
    %add3A_99 = arith.addi %mul3A_97, %add3A_98 : i32
    %lt3A_100 = arith.constant 8 : i32
    %lt3A_101 = arith.cmpi slt, %arg1, %lt3A_100 : i32
    %convert_element_type3A_102 = arith.extui %lt3A_101 : i1 to i32
    %cond3A_103 = arith.constant 0 : i32
    %cond3A_104 = arith.cmpi ne, %convert_element_type3A_102, %cond3A_103 : i32
    scf.if %cond3A_104 {
      %mul3A_202 = arith.constant 632 : i32
      %mul3A_203 = arith.muli %arg1, %mul3A_202 : i32
      %multiple_of3A = tpu.assume_multiple %mul3A_203, 8 : i32
      "tpu.region"() ({
        %run_scoped3A = tpu.sem_alloc : memref<!tpu.dma_semaphore, #tpu.memory_space<semaphore_mem>>
        %dma_start3A_204 = arith.constant 0 : i32
        %dma_start3A_205 = tpu.memref_slice %arg13[%multiple_of3A, %dma_start3A_204] : memref<10048x64xf32, #tpu.memory_space<vmem_shared>> -> memref<632x64xf32, #tpu.memory_space<vmem_shared>>
        %dma_start3A_206 = arith.constant 0 : i32
        %dma_start3A_207 = tpu.memref_slice %arg5[%multiple_of3A, %dma_start3A_206] : memref<10048x64xf32, #tpu.memory_space<hbm>> -> memref<632x64xf32, #tpu.memory_space<hbm>>
        tpu.enqueue_dma source(%dma_start3A_207 : memref<632x64xf32, #tpu.memory_space<hbm>>) target(%dma_start3A_205 : memref<632x64xf32, #tpu.memory_space<vmem_shared>>) target_semaphore(%run_scoped3A : memref<!tpu.dma_semaphore, #tpu.memory_space<semaphore_mem>>)
        %dma_wait3A_208 = arith.constant 0 : i32
        %dma_wait3A_209 = tpu.memref_slice %arg13[%multiple_of3A, %dma_wait3A_208] : memref<10048x64xf32, #tpu.memory_space<vmem_shared>> -> memref<632x64xf32, #tpu.memory_space<vmem_shared>>
        %dma_wait3A_210 = arith.constant 0 : i32
        %dma_wait3A_211 = tpu.memref_slice %arg5[%multiple_of3A, %dma_wait3A_210] : memref<10048x64xf32, #tpu.memory_space<hbm>> -> memref<632x64xf32, #tpu.memory_space<hbm>>
        tpu.wait_dma2 semaphore(%run_scoped3A : memref<!tpu.dma_semaphore, #tpu.memory_space<semaphore_mem>>) src(%dma_wait3A_211 : memref<632x64xf32, #tpu.memory_space<hbm>>) dst(%dma_wait3A_209 : memref<632x64xf32, #tpu.memory_space<vmem_shared>>)
        tpu.yield
      }) : () -> ()
    } else {
    }
    %ge3A_105 = arith.constant 8 : i32
    %ge3A_106 = arith.cmpi sge, %arg1, %ge3A_105 : i32
    %convert_element_type3A_107 = arith.extui %ge3A_106 : i1 to i32
    %cond3A_108 = arith.constant 0 : i32
    %cond3A_109 = arith.cmpi ne, %convert_element_type3A_107, %cond3A_108 : i32
    scf.if %cond3A_109 {
      %sub3A = arith.constant 8 : i32
      %sub3A_202 = arith.subi %arg1, %sub3A : i32
      %mul3A_203 = arith.constant 624 : i32
      %mul3A_204 = arith.muli %sub3A_202, %mul3A_203 : i32
      %add3A_205 = arith.constant 5056 : i32
      %add3A_206 = arith.addi %add3A_205, %mul3A_204 : i32
      %multiple_of3A = tpu.assume_multiple %add3A_206, 8 : i32
      "tpu.region"() ({
        %run_scoped3A = tpu.sem_alloc : memref<!tpu.dma_semaphore, #tpu.memory_space<semaphore_mem>>
        %dma_start3A_207 = arith.constant 0 : i32
        %dma_start3A_208 = tpu.memref_slice %arg13[%multiple_of3A, %dma_start3A_207] : memref<10048x64xf32, #tpu.memory_space<vmem_shared>> -> memref<624x64xf32, #tpu.memory_space<vmem_shared>>
        %dma_start3A_209 = arith.constant 0 : i32
        %dma_start3A_210 = tpu.memref_slice %arg5[%multiple_of3A, %dma_start3A_209] : memref<10048x64xf32, #tpu.memory_space<hbm>> -> memref<624x64xf32, #tpu.memory_space<hbm>>
        tpu.enqueue_dma source(%dma_start3A_210 : memref<624x64xf32, #tpu.memory_space<hbm>>) target(%dma_start3A_208 : memref<624x64xf32, #tpu.memory_space<vmem_shared>>) target_semaphore(%run_scoped3A : memref<!tpu.dma_semaphore, #tpu.memory_space<semaphore_mem>>)
        %dma_wait3A_211 = arith.constant 0 : i32
        %dma_wait3A_212 = tpu.memref_slice %arg13[%multiple_of3A, %dma_wait3A_211] : memref<10048x64xf32, #tpu.memory_space<vmem_shared>> -> memref<624x64xf32, #tpu.memory_space<vmem_shared>>
        %dma_wait3A_213 = arith.constant 0 : i32
        %dma_wait3A_214 = tpu.memref_slice %arg5[%multiple_of3A, %dma_wait3A_213] : memref<10048x64xf32, #tpu.memory_space<hbm>> -> memref<624x64xf32, #tpu.memory_space<hbm>>
        tpu.wait_dma2 semaphore(%run_scoped3A : memref<!tpu.dma_semaphore, #tpu.memory_space<semaphore_mem>>) src(%dma_wait3A_214 : memref<624x64xf32, #tpu.memory_space<hbm>>) dst(%dma_wait3A_212 : memref<624x64xf32, #tpu.memory_space<vmem_shared>>)
        tpu.yield
      }) : () -> ()
    } else {
    }
    %lt3A_110 = arith.constant 8 : i32
    %lt3A_111 = arith.cmpi slt, %arg1, %lt3A_110 : i32
    %convert_element_type3A_112 = arith.extui %lt3A_111 : i1 to i32
    %cond3A_113 = arith.constant 0 : i32
    %cond3A_114 = arith.cmpi ne, %convert_element_type3A_112, %cond3A_113 : i32
    scf.if %cond3A_114 {
      %mul3A_202 = arith.constant 632 : i32
      %mul3A_203 = arith.muli %arg1, %mul3A_202 : i32
      %multiple_of3A = tpu.assume_multiple %mul3A_203, 8 : i32
      "tpu.region"() ({
        %run_scoped3A = tpu.sem_alloc : memref<!tpu.dma_semaphore, #tpu.memory_space<semaphore_mem>>
        %dma_start3A_204 = arith.constant 0 : i32
        %dma_start3A_205 = tpu.memref_slice %arg14[%multiple_of3A, %dma_start3A_204] : memref<10048x64xf32, #tpu.memory_space<vmem_shared>> -> memref<632x64xf32, #tpu.memory_space<vmem_shared>>
        %dma_start3A_206 = arith.constant 0 : i32
        %dma_start3A_207 = arith.constant 0 : i32
        %dma_start3A_208 = tpu.memref_slice %arg2[%add3A_99, %dma_start3A_206, %dma_start3A_207] : memref<4x10048x64xf32, #tpu.memory_space<hbm>> -> memref<1x10048x64xf32, #tpu.memory_space<hbm>>
        %dma_start3A_209 = tpu.memref_squeeze %dma_start3A_208 : memref<1x10048x64xf32, #tpu.memory_space<hbm>> -> memref<10048x64xf32, #tpu.memory_space<hbm>>
        %dma_start3A_210 = arith.constant 0 : i32
        %dma_start3A_211 = tpu.memref_slice %dma_start3A_209[%multiple_of3A, %dma_start3A_210] : memref<10048x64xf32, #tpu.memory_space<hbm>> -> memref<632x64xf32, #tpu.memory_space<hbm>>
        tpu.enqueue_dma source(%dma_start3A_211 : memref<632x64xf32, #tpu.memory_space<hbm>>) target(%dma_start3A_205 : memref<632x64xf32, #tpu.memory_space<vmem_shared>>) target_semaphore(%run_scoped3A : memref<!tpu.dma_semaphore, #tpu.memory_space<semaphore_mem>>)
        %dma_wait3A_212 = arith.constant 0 : i32
        %dma_wait3A_213 = tpu.memref_slice %arg14[%multiple_of3A, %dma_wait3A_212] : memref<10048x64xf32, #tpu.memory_space<vmem_shared>> -> memref<632x64xf32, #tpu.memory_space<vmem_shared>>
        %dma_wait3A_214 = arith.constant 0 : i32
        %dma_wait3A_215 = arith.constant 0 : i32
        %dma_wait3A_216 = tpu.memref_slice %arg2[%add3A_99, %dma_wait3A_214, %dma_wait3A_215] : memref<4x10048x64xf32, #tpu.memory_space<hbm>> -> memref<1x10048x64xf32, #tpu.memory_space<hbm>>
        %dma_wait3A_217 = tpu.memref_squeeze %dma_wait3A_216 : memref<1x10048x64xf32, #tpu.memory_space<hbm>> -> memref<10048x64xf32, #tpu.memory_space<hbm>>
        %dma_wait3A_218 = arith.constant 0 : i32
        %dma_wait3A_219 = tpu.memref_slice %dma_wait3A_217[%multiple_of3A, %dma_wait3A_218] : memref<10048x64xf32, #tpu.memory_space<hbm>> -> memref<632x64xf32, #tpu.memory_space<hbm>>
        tpu.wait_dma2 semaphore(%run_scoped3A : memref<!tpu.dma_semaphore, #tpu.memory_space<semaphore_mem>>) src(%dma_wait3A_219 : memref<632x64xf32, #tpu.memory_space<hbm>>) dst(%dma_wait3A_213 : memref<632x64xf32, #tpu.memory_space<vmem_shared>>)
        tpu.yield
      }) : () -> ()
    } else {
    }
    %ge3A_115 = arith.constant 8 : i32
    %ge3A_116 = arith.cmpi sge, %arg1, %ge3A_115 : i32
    %convert_element_type3A_117 = arith.extui %ge3A_116 : i1 to i32
    %cond3A_118 = arith.constant 0 : i32
    %cond3A_119 = arith.cmpi ne, %convert_element_type3A_117, %cond3A_118 : i32
    scf.if %cond3A_119 {
      %sub3A = arith.constant 8 : i32
      %sub3A_202 = arith.subi %arg1, %sub3A : i32
      %mul3A_203 = arith.constant 624 : i32
      %mul3A_204 = arith.muli %sub3A_202, %mul3A_203 : i32
      %add3A_205 = arith.constant 5056 : i32
      %add3A_206 = arith.addi %add3A_205, %mul3A_204 : i32
      %multiple_of3A = tpu.assume_multiple %add3A_206, 8 : i32
      "tpu.region"() ({
        %run_scoped3A = tpu.sem_alloc : memref<!tpu.dma_semaphore, #tpu.memory_space<semaphore_mem>>
        %dma_start3A_207 = arith.constant 0 : i32
        %dma_start3A_208 = tpu.memref_slice %arg14[%multiple_of3A, %dma_start3A_207] : memref<10048x64xf32, #tpu.memory_space<vmem_shared>> -> memref<624x64xf32, #tpu.memory_space<vmem_shared>>
        %dma_start3A_209 = arith.constant 0 : i32
        %dma_start3A_210 = arith.constant 0 : i32
        %dma_start3A_211 = tpu.memref_slice %arg2[%add3A_99, %dma_start3A_209, %dma_start3A_210] : memref<4x10048x64xf32, #tpu.memory_space<hbm>> -> memref<1x10048x64xf32, #tpu.memory_space<hbm>>
        %dma_start3A_212 = tpu.memref_squeeze %dma_start3A_211 : memref<1x10048x64xf32, #tpu.memory_space<hbm>> -> memref<10048x64xf32, #tpu.memory_space<hbm>>
        %dma_start3A_213 = arith.constant 0 : i32
        %dma_start3A_214 = tpu.memref_slice %dma_start3A_212[%multiple_of3A, %dma_start3A_213] : memref<10048x64xf32, #tpu.memory_space<hbm>> -> memref<624x64xf32, #tpu.memory_space<hbm>>
        tpu.enqueue_dma source(%dma_start3A_214 : memref<624x64xf32, #tpu.memory_space<hbm>>) target(%dma_start3A_208 : memref<624x64xf32, #tpu.memory_space<vmem_shared>>) target_semaphore(%run_scoped3A : memref<!tpu.dma_semaphore, #tpu.memory_space<semaphore_mem>>)
        %dma_wait3A_215 = arith.constant 0 : i32
        %dma_wait3A_216 = tpu.memref_slice %arg14[%multiple_of3A, %dma_wait3A_215] : memref<10048x64xf32, #tpu.memory_space<vmem_shared>> -> memref<624x64xf32, #tpu.memory_space<vmem_shared>>
        %dma_wait3A_217 = arith.constant 0 : i32
        %dma_wait3A_218 = arith.constant 0 : i32
        %dma_wait3A_219 = tpu.memref_slice %arg2[%add3A_99, %dma_wait3A_217, %dma_wait3A_218] : memref<4x10048x64xf32, #tpu.memory_space<hbm>> -> memref<1x10048x64xf32, #tpu.memory_space<hbm>>
        %dma_wait3A_220 = tpu.memref_squeeze %dma_wait3A_219 : memref<1x10048x64xf32, #tpu.memory_space<hbm>> -> memref<10048x64xf32, #tpu.memory_space<hbm>>
        %dma_wait3A_221 = arith.constant 0 : i32
        %dma_wait3A_222 = tpu.memref_slice %dma_wait3A_220[%multiple_of3A, %dma_wait3A_221] : memref<10048x64xf32, #tpu.memory_space<hbm>> -> memref<624x64xf32, #tpu.memory_space<hbm>>
        tpu.wait_dma2 semaphore(%run_scoped3A : memref<!tpu.dma_semaphore, #tpu.memory_space<semaphore_mem>>) src(%dma_wait3A_222 : memref<624x64xf32, #tpu.memory_space<hbm>>) dst(%dma_wait3A_216 : memref<624x64xf32, #tpu.memory_space<vmem_shared>>)
        tpu.yield
      }) : () -> ()
    } else {
    }
    %barrier3A_120 = arith.constant 0 : index
    tpu.barrier barrier_id(%barrier3A_120)
    %dma_start3A_121 = arith.constant 0 : i32
    %dma_start3A_122 = arith.constant 0 : i32
    %dma_start3A_123 = arith.constant 0 : i32
    %dma_start3A_124 = tpu.memref_slice %arg7[%dma_start3A_121, %dma_start3A_122, %dma_start3A_123] : memref<128x1x80xi32, #tpu.memory_space<vmem>> -> memref<1x1x80xi32, #tpu.memory_space<vmem>>
    %dma_start3A_125 = tpu.memref_squeeze %dma_start3A_124 : memref<1x1x80xi32, #tpu.memory_space<vmem>> -> memref<80xi32, #tpu.memory_space<vmem>>
    %dma_start3A_126 = arith.constant 0 : i32
    %dma_start3A_127 = arith.constant 0 : i32
    %dma_start3A_128 = tpu.memref_slice %arg14[%dma_start3A_126, %dma_start3A_127] : memref<10048x64xf32, #tpu.memory_space<vmem_shared>> -> memref<10048x64xf32, #tpu.memory_space<vmem_shared>>
    tpu.enqueue_indirect_dma source(%dma_start3A_128 : memref<10048x64xf32, #tpu.memory_space<vmem_shared>>) target(%arg9 : memref<80x64xf32, #tpu.memory_space<vmem>>) offsets(%dma_start3A_125 : memref<80xi32, #tpu.memory_space<vmem>>) semaphore(%arg15 : memref<!tpu.dma_semaphore, #tpu.memory_space<semaphore_mem>>)
    %dma_start3A_129 = arith.constant 1 : i32
    %dma_start3A_130 = arith.constant 0 : i32
    %dma_start3A_131 = arith.constant 0 : i32
    %dma_start3A_132 = tpu.memref_slice %arg7[%dma_start3A_129, %dma_start3A_130, %dma_start3A_131] : memref<128x1x80xi32, #tpu.memory_space<vmem>> -> memref<1x1x80xi32, #tpu.memory_space<vmem>>
    %dma_start3A_133 = tpu.memref_squeeze %dma_start3A_132 : memref<1x1x80xi32, #tpu.memory_space<vmem>> -> memref<80xi32, #tpu.memory_space<vmem>>
    %dma_start3A_134 = arith.constant 0 : i32
    %dma_start3A_135 = arith.constant 0 : i32
    %dma_start3A_136 = tpu.memref_slice %arg14[%dma_start3A_134, %dma_start3A_135] : memref<10048x64xf32, #tpu.memory_space<vmem_shared>> -> memref<10048x64xf32, #tpu.memory_space<vmem_shared>>
    tpu.enqueue_indirect_dma source(%dma_start3A_136 : memref<10048x64xf32, #tpu.memory_space<vmem_shared>>) target(%arg10 : memref<80x64xf32, #tpu.memory_space<vmem>>) offsets(%dma_start3A_133 : memref<80xi32, #tpu.memory_space<vmem>>) semaphore(%arg16 : memref<!tpu.dma_semaphore, #tpu.memory_space<semaphore_mem>>)
    %dma_start3A_137 = arith.constant 2 : i32
    %dma_start3A_138 = arith.constant 0 : i32
    %dma_start3A_139 = arith.constant 0 : i32
    %dma_start3A_140 = tpu.memref_slice %arg7[%dma_start3A_137, %dma_start3A_138, %dma_start3A_139] : memref<128x1x80xi32, #tpu.memory_space<vmem>> -> memref<1x1x80xi32, #tpu.memory_space<vmem>>
    %dma_start3A_141 = tpu.memref_squeeze %dma_start3A_140 : memref<1x1x80xi32, #tpu.memory_space<vmem>> -> memref<80xi32, #tpu.memory_space<vmem>>
    %dma_start3A_142 = arith.constant 0 : i32
    %dma_start3A_143 = arith.constant 0 : i32
    %dma_start3A_144 = tpu.memref_slice %arg14[%dma_start3A_142, %dma_start3A_143] : memref<10048x64xf32, #tpu.memory_space<vmem_shared>> -> memref<10048x64xf32, #tpu.memory_space<vmem_shared>>
    tpu.enqueue_indirect_dma source(%dma_start3A_144 : memref<10048x64xf32, #tpu.memory_space<vmem_shared>>) target(%arg11 : memref<80x64xf32, #tpu.memory_space<vmem>>) offsets(%dma_start3A_141 : memref<80xi32, #tpu.memory_space<vmem>>) semaphore(%arg17 : memref<!tpu.dma_semaphore, #tpu.memory_space<semaphore_mem>>)
    %dma_start3A_145 = arith.constant 3 : i32
    %dma_start3A_146 = arith.constant 0 : i32
    %dma_start3A_147 = arith.constant 0 : i32
    %dma_start3A_148 = tpu.memref_slice %arg7[%dma_start3A_145, %dma_start3A_146, %dma_start3A_147] : memref<128x1x80xi32, #tpu.memory_space<vmem>> -> memref<1x1x80xi32, #tpu.memory_space<vmem>>
    %dma_start3A_149 = tpu.memref_squeeze %dma_start3A_148 : memref<1x1x80xi32, #tpu.memory_space<vmem>> -> memref<80xi32, #tpu.memory_space<vmem>>
    %dma_start3A_150 = arith.constant 0 : i32
    %dma_start3A_151 = arith.constant 0 : i32
    %dma_start3A_152 = tpu.memref_slice %arg14[%dma_start3A_150, %dma_start3A_151] : memref<10048x64xf32, #tpu.memory_space<vmem_shared>> -> memref<10048x64xf32, #tpu.memory_space<vmem_shared>>
    tpu.enqueue_indirect_dma source(%dma_start3A_152 : memref<10048x64xf32, #tpu.memory_space<vmem_shared>>) target(%arg12 : memref<80x64xf32, #tpu.memory_space<vmem>>) offsets(%dma_start3A_149 : memref<80xi32, #tpu.memory_space<vmem>>) semaphore(%arg18 : memref<!tpu.dma_semaphore, #tpu.memory_space<semaphore_mem>>)
    %scan3A_153 = arith.constant 0 : i32
    %scan3A_154 = arith.constant 0 : i32
    %scan3A_155 = arith.constant 32 : i32
    %scan3A_156 = arith.addi %scan3A_154, %scan3A_155 : i32
    %scan3A_157 = arith.constant 1 : i32
    scf.for %scan3A_202 = %scan3A_154 to %scan3A_156 step %scan3A_157  : i32 {
      %mul3A_203 = arith.constant 4 : i32
      %mul3A_204 = arith.muli %mul3A_203, %scan3A_202 : i32
      %dma_wait3A_205 = arith.constant 0 : i32
      %dma_wait3A_206 = arith.constant 0 : i32
      %dma_wait3A_207 = arith.constant 0 : i32
      %dma_wait3A_208 = tpu.memref_slice %arg7[%dma_wait3A_205, %dma_wait3A_206, %dma_wait3A_207] : memref<128x1x80xi32, #tpu.memory_space<vmem>> -> memref<1x1x80xi32, #tpu.memory_space<vmem>>
      %dma_wait3A_209 = tpu.memref_squeeze %dma_wait3A_208 : memref<1x1x80xi32, #tpu.memory_space<vmem>> -> memref<80xi32, #tpu.memory_space<vmem>>
      %dma_wait3A_210 = arith.constant 0 : i32
      %dma_wait3A_211 = arith.constant 0 : i32
      %dma_wait3A_212 = tpu.memref_slice %arg14[%dma_wait3A_210, %dma_wait3A_211] : memref<10048x64xf32, #tpu.memory_space<vmem_shared>> -> memref<10048x64xf32, #tpu.memory_space<vmem_shared>>
      tpu.wait_indirect_dma semaphore(%arg15 : memref<!tpu.dma_semaphore, #tpu.memory_space<semaphore_mem>>) src(%dma_wait3A_212 : memref<10048x64xf32, #tpu.memory_space<vmem_shared>>) dst(%arg9 : memref<80x64xf32, #tpu.memory_space<vmem>>)
      %add3A_213 = arith.constant 0 : i32
      %add3A_214 = arith.addi %mul3A_204, %add3A_213 : i32
      %dma_start3A_215 = arith.constant 0 : i32
      %dma_start3A_216 = arith.constant 0 : i32
      %dma_start3A_217 = tpu.memref_slice %arg8[%add3A_214, %dma_start3A_215, %dma_start3A_216] : memref<128x1x80xi32, #tpu.memory_space<vmem>> -> memref<1x1x80xi32, #tpu.memory_space<vmem>>
      %dma_start3A_218 = tpu.memref_squeeze %dma_start3A_217 : memref<1x1x80xi32, #tpu.memory_space<vmem>> -> memref<80xi32, #tpu.memory_space<vmem>>
      %dma_start3A_219 = arith.constant 0 : i32
      %dma_start3A_220 = arith.constant 0 : i32
      %dma_start3A_221 = tpu.memref_slice %arg13[%dma_start3A_219, %dma_start3A_220] : memref<10048x64xf32, #tpu.memory_space<vmem_shared>> -> memref<10048x64xf32, #tpu.memory_space<vmem_shared>>
      tpu.enqueue_indirect_dma source(%arg9 : memref<80x64xf32, #tpu.memory_space<vmem>>) target(%dma_start3A_221 : memref<10048x64xf32, #tpu.memory_space<vmem_shared>>) offsets(%dma_start3A_218 : memref<80xi32, #tpu.memory_space<vmem>>) semaphore(%arg19 : memref<!tpu.dma_semaphore, #tpu.memory_space<semaphore_mem>>) {add = true}
      %dma_wait3A_222 = arith.constant 0 : i32
      %dma_wait3A_223 = arith.constant 0 : i32
      %dma_wait3A_224 = arith.constant 0 : i32
      %dma_wait3A_225 = tpu.memref_slice %arg7[%dma_wait3A_222, %dma_wait3A_223, %dma_wait3A_224] : memref<128x1x80xi32, #tpu.memory_space<vmem>> -> memref<1x1x80xi32, #tpu.memory_space<vmem>>
      %dma_wait3A_226 = tpu.memref_squeeze %dma_wait3A_225 : memref<1x1x80xi32, #tpu.memory_space<vmem>> -> memref<80xi32, #tpu.memory_space<vmem>>
      %dma_wait3A_227 = arith.constant 0 : i32
      %dma_wait3A_228 = arith.constant 0 : i32
      %dma_wait3A_229 = tpu.memref_slice %arg14[%dma_wait3A_227, %dma_wait3A_228] : memref<10048x64xf32, #tpu.memory_space<vmem_shared>> -> memref<10048x64xf32, #tpu.memory_space<vmem_shared>>
      tpu.wait_indirect_dma semaphore(%arg16 : memref<!tpu.dma_semaphore, #tpu.memory_space<semaphore_mem>>) src(%dma_wait3A_229 : memref<10048x64xf32, #tpu.memory_space<vmem_shared>>) dst(%arg10 : memref<80x64xf32, #tpu.memory_space<vmem>>)
      %add3A_230 = arith.constant 1 : i32
      %add3A_231 = arith.addi %mul3A_204, %add3A_230 : i32
      %dma_start3A_232 = arith.constant 0 : i32
      %dma_start3A_233 = arith.constant 0 : i32
      %dma_start3A_234 = tpu.memref_slice %arg8[%add3A_231, %dma_start3A_232, %dma_start3A_233] : memref<128x1x80xi32, #tpu.memory_space<vmem>> -> memref<1x1x80xi32, #tpu.memory_space<vmem>>
      %dma_start3A_235 = tpu.memref_squeeze %dma_start3A_234 : memref<1x1x80xi32, #tpu.memory_space<vmem>> -> memref<80xi32, #tpu.memory_space<vmem>>
      %dma_start3A_236 = arith.constant 0 : i32
      %dma_start3A_237 = arith.constant 0 : i32
      %dma_start3A_238 = tpu.memref_slice %arg13[%dma_start3A_236, %dma_start3A_237] : memref<10048x64xf32, #tpu.memory_space<vmem_shared>> -> memref<10048x64xf32, #tpu.memory_space<vmem_shared>>
      tpu.enqueue_indirect_dma source(%arg10 : memref<80x64xf32, #tpu.memory_space<vmem>>) target(%dma_start3A_238 : memref<10048x64xf32, #tpu.memory_space<vmem_shared>>) offsets(%dma_start3A_235 : memref<80xi32, #tpu.memory_space<vmem>>) semaphore(%arg20 : memref<!tpu.dma_semaphore, #tpu.memory_space<semaphore_mem>>) {add = true}
      %dma_wait3A_239 = arith.constant 0 : i32
      %dma_wait3A_240 = arith.constant 0 : i32
      %dma_wait3A_241 = arith.constant 0 : i32
      %dma_wait3A_242 = tpu.memref_slice %arg7[%dma_wait3A_239, %dma_wait3A_240, %dma_wait3A_241] : memref<128x1x80xi32, #tpu.memory_space<vmem>> -> memref<1x1x80xi32, #tpu.memory_space<vmem>>
      %dma_wait3A_243 = tpu.memref_squeeze %dma_wait3A_242 : memref<1x1x80xi32, #tpu.memory_space<vmem>> -> memref<80xi32, #tpu.memory_space<vmem>>
      %dma_wait3A_244 = arith.constant 0 : i32
      %dma_wait3A_245 = arith.constant 0 : i32
      %dma_wait3A_246 = tpu.memref_slice %arg14[%dma_wait3A_244, %dma_wait3A_245] : memref<10048x64xf32, #tpu.memory_space<vmem_shared>> -> memref<10048x64xf32, #tpu.memory_space<vmem_shared>>
      tpu.wait_indirect_dma semaphore(%arg17 : memref<!tpu.dma_semaphore, #tpu.memory_space<semaphore_mem>>) src(%dma_wait3A_246 : memref<10048x64xf32, #tpu.memory_space<vmem_shared>>) dst(%arg11 : memref<80x64xf32, #tpu.memory_space<vmem>>)
      %add3A_247 = arith.constant 2 : i32
      %add3A_248 = arith.addi %mul3A_204, %add3A_247 : i32
      %dma_start3A_249 = arith.constant 0 : i32
      %dma_start3A_250 = arith.constant 0 : i32
      %dma_start3A_251 = tpu.memref_slice %arg8[%add3A_248, %dma_start3A_249, %dma_start3A_250] : memref<128x1x80xi32, #tpu.memory_space<vmem>> -> memref<1x1x80xi32, #tpu.memory_space<vmem>>
      %dma_start3A_252 = tpu.memref_squeeze %dma_start3A_251 : memref<1x1x80xi32, #tpu.memory_space<vmem>> -> memref<80xi32, #tpu.memory_space<vmem>>
      %dma_start3A_253 = arith.constant 0 : i32
      %dma_start3A_254 = arith.constant 0 : i32
      %dma_start3A_255 = tpu.memref_slice %arg13[%dma_start3A_253, %dma_start3A_254] : memref<10048x64xf32, #tpu.memory_space<vmem_shared>> -> memref<10048x64xf32, #tpu.memory_space<vmem_shared>>
      tpu.enqueue_indirect_dma source(%arg11 : memref<80x64xf32, #tpu.memory_space<vmem>>) target(%dma_start3A_255 : memref<10048x64xf32, #tpu.memory_space<vmem_shared>>) offsets(%dma_start3A_252 : memref<80xi32, #tpu.memory_space<vmem>>) semaphore(%arg21 : memref<!tpu.dma_semaphore, #tpu.memory_space<semaphore_mem>>) {add = true}
      %dma_wait3A_256 = arith.constant 0 : i32
      %dma_wait3A_257 = arith.constant 0 : i32
      %dma_wait3A_258 = arith.constant 0 : i32
      %dma_wait3A_259 = tpu.memref_slice %arg7[%dma_wait3A_256, %dma_wait3A_257, %dma_wait3A_258] : memref<128x1x80xi32, #tpu.memory_space<vmem>> -> memref<1x1x80xi32, #tpu.memory_space<vmem>>
      %dma_wait3A_260 = tpu.memref_squeeze %dma_wait3A_259 : memref<1x1x80xi32, #tpu.memory_space<vmem>> -> memref<80xi32, #tpu.memory_space<vmem>>
      %dma_wait3A_261 = arith.constant 0 : i32
      %dma_wait3A_262 = arith.constant 0 : i32
      %dma_wait3A_263 = tpu.memref_slice %arg14[%dma_wait3A_261, %dma_wait3A_262] : memref<10048x64xf32, #tpu.memory_space<vmem_shared>> -> memref<10048x64xf32, #tpu.memory_space<vmem_shared>>
      tpu.wait_indirect_dma semaphore(%arg18 : memref<!tpu.dma_semaphore, #tpu.memory_space<semaphore_mem>>) src(%dma_wait3A_263 : memref<10048x64xf32, #tpu.memory_space<vmem_shared>>) dst(%arg12 : memref<80x64xf32, #tpu.memory_space<vmem>>)
      %add3A_264 = arith.constant 3 : i32
      %add3A_265 = arith.addi %mul3A_204, %add3A_264 : i32
      %dma_start3A_266 = arith.constant 0 : i32
      %dma_start3A_267 = arith.constant 0 : i32
      %dma_start3A_268 = tpu.memref_slice %arg8[%add3A_265, %dma_start3A_266, %dma_start3A_267] : memref<128x1x80xi32, #tpu.memory_space<vmem>> -> memref<1x1x80xi32, #tpu.memory_space<vmem>>
      %dma_start3A_269 = tpu.memref_squeeze %dma_start3A_268 : memref<1x1x80xi32, #tpu.memory_space<vmem>> -> memref<80xi32, #tpu.memory_space<vmem>>
      %dma_start3A_270 = arith.constant 0 : i32
      %dma_start3A_271 = arith.constant 0 : i32
      %dma_start3A_272 = tpu.memref_slice %arg13[%dma_start3A_270, %dma_start3A_271] : memref<10048x64xf32, #tpu.memory_space<vmem_shared>> -> memref<10048x64xf32, #tpu.memory_space<vmem_shared>>
      tpu.enqueue_indirect_dma source(%arg12 : memref<80x64xf32, #tpu.memory_space<vmem>>) target(%dma_start3A_272 : memref<10048x64xf32, #tpu.memory_space<vmem_shared>>) offsets(%dma_start3A_269 : memref<80xi32, #tpu.memory_space<vmem>>) semaphore(%arg22 : memref<!tpu.dma_semaphore, #tpu.memory_space<semaphore_mem>>) {add = true}
      %add3A_273 = arith.constant 4 : i32
      %add3A_274 = arith.addi %mul3A_204, %add3A_273 : i32
      %add3A_275 = arith.constant 0 : i32
      %add3A_276 = arith.addi %add3A_274, %add3A_275 : i32
      %lt3A_277 = arith.constant 128 : i32
      %lt3A_278 = arith.cmpi slt, %add3A_276, %lt3A_277 : i32
      %convert_element_type3A_279 = arith.extui %lt3A_278 : i1 to i32
      %cond3A_280 = arith.constant 0 : i32
      %cond3A_281 = arith.cmpi ne, %convert_element_type3A_279, %cond3A_280 : i32
      scf.if %cond3A_281 {
        %dma_wait3A_309 = arith.constant 0 : i32
        %dma_wait3A_310 = arith.constant 0 : i32
        %dma_wait3A_311 = arith.constant 0 : i32
        %dma_wait3A_312 = tpu.memref_slice %arg8[%dma_wait3A_309, %dma_wait3A_310, %dma_wait3A_311] : memref<128x1x80xi32, #tpu.memory_space<vmem>> -> memref<1x1x80xi32, #tpu.memory_space<vmem>>
        %dma_wait3A_313 = tpu.memref_squeeze %dma_wait3A_312 : memref<1x1x80xi32, #tpu.memory_space<vmem>> -> memref<80xi32, #tpu.memory_space<vmem>>
        %dma_wait3A_314 = arith.constant 0 : i32
        %dma_wait3A_315 = arith.constant 0 : i32
        %dma_wait3A_316 = tpu.memref_slice %arg13[%dma_wait3A_314, %dma_wait3A_315] : memref<10048x64xf32, #tpu.memory_space<vmem_shared>> -> memref<10048x64xf32, #tpu.memory_space<vmem_shared>>
        tpu.wait_indirect_dma semaphore(%arg19 : memref<!tpu.dma_semaphore, #tpu.memory_space<semaphore_mem>>) src(%arg9 : memref<80x64xf32, #tpu.memory_space<vmem>>) dst(%dma_wait3A_316 : memref<10048x64xf32, #tpu.memory_space<vmem_shared>>)
        %add3A_317 = arith.constant 4 : i32
        %add3A_318 = arith.addi %mul3A_204, %add3A_317 : i32
        %add3A_319 = arith.constant 0 : i32
        %add3A_320 = arith.addi %add3A_318, %add3A_319 : i32
        %dma_start3A_321 = arith.constant 0 : i32
        %dma_start3A_322 = arith.constant 0 : i32
        %dma_start3A_323 = tpu.memref_slice %arg7[%add3A_320, %dma_start3A_321, %dma_start3A_322] : memref<128x1x80xi32, #tpu.memory_space<vmem>> -> memref<1x1x80xi32, #tpu.memory_space<vmem>>
        %dma_start3A_324 = tpu.memref_squeeze %dma_start3A_323 : memref<1x1x80xi32, #tpu.memory_space<vmem>> -> memref<80xi32, #tpu.memory_space<vmem>>
        %dma_start3A_325 = arith.constant 0 : i32
        %dma_start3A_326 = arith.constant 0 : i32
        %dma_start3A_327 = tpu.memref_slice %arg14[%dma_start3A_325, %dma_start3A_326] : memref<10048x64xf32, #tpu.memory_space<vmem_shared>> -> memref<10048x64xf32, #tpu.memory_space<vmem_shared>>
        tpu.enqueue_indirect_dma source(%dma_start3A_327 : memref<10048x64xf32, #tpu.memory_space<vmem_shared>>) target(%arg9 : memref<80x64xf32, #tpu.memory_space<vmem>>) offsets(%dma_start3A_324 : memref<80xi32, #tpu.memory_space<vmem>>) semaphore(%arg15 : memref<!tpu.dma_semaphore, #tpu.memory_space<semaphore_mem>>)
      } else {
      }
      %add3A_282 = arith.constant 4 : i32
      %add3A_283 = arith.addi %mul3A_204, %add3A_282 : i32
      %add3A_284 = arith.constant 1 : i32
      %add3A_285 = arith.addi %add3A_283, %add3A_284 : i32
      %lt3A_286 = arith.constant 128 : i32
      %lt3A_287 = arith.cmpi slt, %add3A_285, %lt3A_286 : i32
      %convert_element_type3A_288 = arith.extui %lt3A_287 : i1 to i32
      %cond3A_289 = arith.constant 0 : i32
      %cond3A_290 = arith.cmpi ne, %convert_element_type3A_288, %cond3A_289 : i32
      scf.if %cond3A_290 {
        %dma_wait3A_309 = arith.constant 0 : i32
        %dma_wait3A_310 = arith.constant 0 : i32
        %dma_wait3A_311 = arith.constant 0 : i32
        %dma_wait3A_312 = tpu.memref_slice %arg8[%dma_wait3A_309, %dma_wait3A_310, %dma_wait3A_311] : memref<128x1x80xi32, #tpu.memory_space<vmem>> -> memref<1x1x80xi32, #tpu.memory_space<vmem>>
        %dma_wait3A_313 = tpu.memref_squeeze %dma_wait3A_312 : memref<1x1x80xi32, #tpu.memory_space<vmem>> -> memref<80xi32, #tpu.memory_space<vmem>>
        %dma_wait3A_314 = arith.constant 0 : i32
        %dma_wait3A_315 = arith.constant 0 : i32
        %dma_wait3A_316 = tpu.memref_slice %arg13[%dma_wait3A_314, %dma_wait3A_315] : memref<10048x64xf32, #tpu.memory_space<vmem_shared>> -> memref<10048x64xf32, #tpu.memory_space<vmem_shared>>
        tpu.wait_indirect_dma semaphore(%arg20 : memref<!tpu.dma_semaphore, #tpu.memory_space<semaphore_mem>>) src(%arg10 : memref<80x64xf32, #tpu.memory_space<vmem>>) dst(%dma_wait3A_316 : memref<10048x64xf32, #tpu.memory_space<vmem_shared>>)
        %add3A_317 = arith.constant 4 : i32
        %add3A_318 = arith.addi %mul3A_204, %add3A_317 : i32
        %add3A_319 = arith.constant 1 : i32
        %add3A_320 = arith.addi %add3A_318, %add3A_319 : i32
        %dma_start3A_321 = arith.constant 0 : i32
        %dma_start3A_322 = arith.constant 0 : i32
        %dma_start3A_323 = tpu.memref_slice %arg7[%add3A_320, %dma_start3A_321, %dma_start3A_322] : memref<128x1x80xi32, #tpu.memory_space<vmem>> -> memref<1x1x80xi32, #tpu.memory_space<vmem>>
        %dma_start3A_324 = tpu.memref_squeeze %dma_start3A_323 : memref<1x1x80xi32, #tpu.memory_space<vmem>> -> memref<80xi32, #tpu.memory_space<vmem>>
        %dma_start3A_325 = arith.constant 0 : i32
        %dma_start3A_326 = arith.constant 0 : i32
        %dma_start3A_327 = tpu.memref_slice %arg14[%dma_start3A_325, %dma_start3A_326] : memref<10048x64xf32, #tpu.memory_space<vmem_shared>> -> memref<10048x64xf32, #tpu.memory_space<vmem_shared>>
        tpu.enqueue_indirect_dma source(%dma_start3A_327 : memref<10048x64xf32, #tpu.memory_space<vmem_shared>>) target(%arg10 : memref<80x64xf32, #tpu.memory_space<vmem>>) offsets(%dma_start3A_324 : memref<80xi32, #tpu.memory_space<vmem>>) semaphore(%arg16 : memref<!tpu.dma_semaphore, #tpu.memory_space<semaphore_mem>>)
      } else {
      }
      %add3A_291 = arith.constant 4 : i32
      %add3A_292 = arith.addi %mul3A_204, %add3A_291 : i32
      %add3A_293 = arith.constant 2 : i32
      %add3A_294 = arith.addi %add3A_292, %add3A_293 : i32
      %lt3A_295 = arith.constant 128 : i32
      %lt3A_296 = arith.cmpi slt, %add3A_294, %lt3A_295 : i32
      %convert_element_type3A_297 = arith.extui %lt3A_296 : i1 to i32
      %cond3A_298 = arith.constant 0 : i32
      %cond3A_299 = arith.cmpi ne, %convert_element_type3A_297, %cond3A_298 : i32
      scf.if %cond3A_299 {
        %dma_wait3A_309 = arith.constant 0 : i32
        %dma_wait3A_310 = arith.constant 0 : i32
        %dma_wait3A_311 = arith.constant 0 : i32
        %dma_wait3A_312 = tpu.memref_slice %arg8[%dma_wait3A_309, %dma_wait3A_310, %dma_wait3A_311] : memref<128x1x80xi32, #tpu.memory_space<vmem>> -> memref<1x1x80xi32, #tpu.memory_space<vmem>>
        %dma_wait3A_313 = tpu.memref_squeeze %dma_wait3A_312 : memref<1x1x80xi32, #tpu.memory_space<vmem>> -> memref<80xi32, #tpu.memory_space<vmem>>
        %dma_wait3A_314 = arith.constant 0 : i32
        %dma_wait3A_315 = arith.constant 0 : i32
        %dma_wait3A_316 = tpu.memref_slice %arg13[%dma_wait3A_314, %dma_wait3A_315] : memref<10048x64xf32, #tpu.memory_space<vmem_shared>> -> memref<10048x64xf32, #tpu.memory_space<vmem_shared>>
        tpu.wait_indirect_dma semaphore(%arg21 : memref<!tpu.dma_semaphore, #tpu.memory_space<semaphore_mem>>) src(%arg11 : memref<80x64xf32, #tpu.memory_space<vmem>>) dst(%dma_wait3A_316 : memref<10048x64xf32, #tpu.memory_space<vmem_shared>>)
        %add3A_317 = arith.constant 4 : i32
        %add3A_318 = arith.addi %mul3A_204, %add3A_317 : i32
        %add3A_319 = arith.constant 2 : i32
        %add3A_320 = arith.addi %add3A_318, %add3A_319 : i32
        %dma_start3A_321 = arith.constant 0 : i32
        %dma_start3A_322 = arith.constant 0 : i32
        %dma_start3A_323 = tpu.memref_slice %arg7[%add3A_320, %dma_start3A_321, %dma_start3A_322] : memref<128x1x80xi32, #tpu.memory_space<vmem>> -> memref<1x1x80xi32, #tpu.memory_space<vmem>>
        %dma_start3A_324 = tpu.memref_squeeze %dma_start3A_323 : memref<1x1x80xi32, #tpu.memory_space<vmem>> -> memref<80xi32, #tpu.memory_space<vmem>>
        %dma_start3A_325 = arith.constant 0 : i32
        %dma_start3A_326 = arith.constant 0 : i32
        %dma_start3A_327 = tpu.memref_slice %arg14[%dma_start3A_325, %dma_start3A_326] : memref<10048x64xf32, #tpu.memory_space<vmem_shared>> -> memref<10048x64xf32, #tpu.memory_space<vmem_shared>>
        tpu.enqueue_indirect_dma source(%dma_start3A_327 : memref<10048x64xf32, #tpu.memory_space<vmem_shared>>) target(%arg11 : memref<80x64xf32, #tpu.memory_space<vmem>>) offsets(%dma_start3A_324 : memref<80xi32, #tpu.memory_space<vmem>>) semaphore(%arg17 : memref<!tpu.dma_semaphore, #tpu.memory_space<semaphore_mem>>)
      } else {
      }
      %add3A_300 = arith.constant 4 : i32
      %add3A_301 = arith.addi %mul3A_204, %add3A_300 : i32
      %add3A_302 = arith.constant 3 : i32
      %add3A_303 = arith.addi %add3A_301, %add3A_302 : i32
      %lt3A_304 = arith.constant 128 : i32
      %lt3A_305 = arith.cmpi slt, %add3A_303, %lt3A_304 : i32
      %convert_element_type3A_306 = arith.extui %lt3A_305 : i1 to i32
      %cond3A_307 = arith.constant 0 : i32
      %cond3A_308 = arith.cmpi ne, %convert_element_type3A_306, %cond3A_307 : i32
      scf.if %cond3A_308 {
        %dma_wait3A_309 = arith.constant 0 : i32
        %dma_wait3A_310 = arith.constant 0 : i32
        %dma_wait3A_311 = arith.constant 0 : i32
        %dma_wait3A_312 = tpu.memref_slice %arg8[%dma_wait3A_309, %dma_wait3A_310, %dma_wait3A_311] : memref<128x1x80xi32, #tpu.memory_space<vmem>> -> memref<1x1x80xi32, #tpu.memory_space<vmem>>
        %dma_wait3A_313 = tpu.memref_squeeze %dma_wait3A_312 : memref<1x1x80xi32, #tpu.memory_space<vmem>> -> memref<80xi32, #tpu.memory_space<vmem>>
        %dma_wait3A_314 = arith.constant 0 : i32
        %dma_wait3A_315 = arith.constant 0 : i32
        %dma_wait3A_316 = tpu.memref_slice %arg13[%dma_wait3A_314, %dma_wait3A_315] : memref<10048x64xf32, #tpu.memory_space<vmem_shared>> -> memref<10048x64xf32, #tpu.memory_space<vmem_shared>>
        tpu.wait_indirect_dma semaphore(%arg22 : memref<!tpu.dma_semaphore, #tpu.memory_space<semaphore_mem>>) src(%arg12 : memref<80x64xf32, #tpu.memory_space<vmem>>) dst(%dma_wait3A_316 : memref<10048x64xf32, #tpu.memory_space<vmem_shared>>)
        %add3A_317 = arith.constant 4 : i32
        %add3A_318 = arith.addi %mul3A_204, %add3A_317 : i32
        %add3A_319 = arith.constant 3 : i32
        %add3A_320 = arith.addi %add3A_318, %add3A_319 : i32
        %dma_start3A_321 = arith.constant 0 : i32
        %dma_start3A_322 = arith.constant 0 : i32
        %dma_start3A_323 = tpu.memref_slice %arg7[%add3A_320, %dma_start3A_321, %dma_start3A_322] : memref<128x1x80xi32, #tpu.memory_space<vmem>> -> memref<1x1x80xi32, #tpu.memory_space<vmem>>
        %dma_start3A_324 = tpu.memref_squeeze %dma_start3A_323 : memref<1x1x80xi32, #tpu.memory_space<vmem>> -> memref<80xi32, #tpu.memory_space<vmem>>
        %dma_start3A_325 = arith.constant 0 : i32
        %dma_start3A_326 = arith.constant 0 : i32
        %dma_start3A_327 = tpu.memref_slice %arg14[%dma_start3A_325, %dma_start3A_326] : memref<10048x64xf32, #tpu.memory_space<vmem_shared>> -> memref<10048x64xf32, #tpu.memory_space<vmem_shared>>
        tpu.enqueue_indirect_dma source(%dma_start3A_327 : memref<10048x64xf32, #tpu.memory_space<vmem_shared>>) target(%arg12 : memref<80x64xf32, #tpu.memory_space<vmem>>) offsets(%dma_start3A_324 : memref<80xi32, #tpu.memory_space<vmem>>) semaphore(%arg18 : memref<!tpu.dma_semaphore, #tpu.memory_space<semaphore_mem>>)
      } else {
      }
    }
    %scan3A_158 = arith.constant 32 : i32
    %dma_wait3A_159 = arith.constant 0 : i32
    %dma_wait3A_160 = arith.constant 0 : i32
    %dma_wait3A_161 = arith.constant 0 : i32
    %dma_wait3A_162 = tpu.memref_slice %arg8[%dma_wait3A_159, %dma_wait3A_160, %dma_wait3A_161] : memref<128x1x80xi32, #tpu.memory_space<vmem>> -> memref<1x1x80xi32, #tpu.memory_space<vmem>>
    %dma_wait3A_163 = tpu.memref_squeeze %dma_wait3A_162 : memref<1x1x80xi32, #tpu.memory_space<vmem>> -> memref<80xi32, #tpu.memory_space<vmem>>
    %dma_wait3A_164 = arith.constant 0 : i32
    %dma_wait3A_165 = arith.constant 0 : i32
    %dma_wait3A_166 = tpu.memref_slice %arg13[%dma_wait3A_164, %dma_wait3A_165] : memref<10048x64xf32, #tpu.memory_space<vmem_shared>> -> memref<10048x64xf32, #tpu.memory_space<vmem_shared>>
    tpu.wait_indirect_dma semaphore(%arg19 : memref<!tpu.dma_semaphore, #tpu.memory_space<semaphore_mem>>) src(%arg9 : memref<80x64xf32, #tpu.memory_space<vmem>>) dst(%dma_wait3A_166 : memref<10048x64xf32, #tpu.memory_space<vmem_shared>>)
    %dma_wait3A_167 = arith.constant 0 : i32
    %dma_wait3A_168 = arith.constant 0 : i32
    %dma_wait3A_169 = arith.constant 0 : i32
    %dma_wait3A_170 = tpu.memref_slice %arg8[%dma_wait3A_167, %dma_wait3A_168, %dma_wait3A_169] : memref<128x1x80xi32, #tpu.memory_space<vmem>> -> memref<1x1x80xi32, #tpu.memory_space<vmem>>
    %dma_wait3A_171 = tpu.memref_squeeze %dma_wait3A_170 : memref<1x1x80xi32, #tpu.memory_space<vmem>> -> memref<80xi32, #tpu.memory_space<vmem>>
    %dma_wait3A_172 = arith.constant 0 : i32
    %dma_wait3A_173 = arith.constant 0 : i32
    %dma_wait3A_174 = tpu.memref_slice %arg13[%dma_wait3A_172, %dma_wait3A_173] : memref<10048x64xf32, #tpu.memory_space<vmem_shared>> -> memref<10048x64xf32, #tpu.memory_space<vmem_shared>>
    tpu.wait_indirect_dma semaphore(%arg20 : memref<!tpu.dma_semaphore, #tpu.memory_space<semaphore_mem>>) src(%arg10 : memref<80x64xf32, #tpu.memory_space<vmem>>) dst(%dma_wait3A_174 : memref<10048x64xf32, #tpu.memory_space<vmem_shared>>)
    %dma_wait3A_175 = arith.constant 0 : i32
    %dma_wait3A_176 = arith.constant 0 : i32
    %dma_wait3A_177 = arith.constant 0 : i32
    %dma_wait3A_178 = tpu.memref_slice %arg8[%dma_wait3A_175, %dma_wait3A_176, %dma_wait3A_177] : memref<128x1x80xi32, #tpu.memory_space<vmem>> -> memref<1x1x80xi32, #tpu.memory_space<vmem>>
    %dma_wait3A_179 = tpu.memref_squeeze %dma_wait3A_178 : memref<1x1x80xi32, #tpu.memory_space<vmem>> -> memref<80xi32, #tpu.memory_space<vmem>>
    %dma_wait3A_180 = arith.constant 0 : i32
    %dma_wait3A_181 = arith.constant 0 : i32
    %dma_wait3A_182 = tpu.memref_slice %arg13[%dma_wait3A_180, %dma_wait3A_181] : memref<10048x64xf32, #tpu.memory_space<vmem_shared>> -> memref<10048x64xf32, #tpu.memory_space<vmem_shared>>
    tpu.wait_indirect_dma semaphore(%arg21 : memref<!tpu.dma_semaphore, #tpu.memory_space<semaphore_mem>>) src(%arg11 : memref<80x64xf32, #tpu.memory_space<vmem>>) dst(%dma_wait3A_182 : memref<10048x64xf32, #tpu.memory_space<vmem_shared>>)
    %dma_wait3A_183 = arith.constant 0 : i32
    %dma_wait3A_184 = arith.constant 0 : i32
    %dma_wait3A_185 = arith.constant 0 : i32
    %dma_wait3A_186 = tpu.memref_slice %arg8[%dma_wait3A_183, %dma_wait3A_184, %dma_wait3A_185] : memref<128x1x80xi32, #tpu.memory_space<vmem>> -> memref<1x1x80xi32, #tpu.memory_space<vmem>>
    %dma_wait3A_187 = tpu.memref_squeeze %dma_wait3A_186 : memref<1x1x80xi32, #tpu.memory_space<vmem>> -> memref<80xi32, #tpu.memory_space<vmem>>
    %dma_wait3A_188 = arith.constant 0 : i32
    %dma_wait3A_189 = arith.constant 0 : i32
    %dma_wait3A_190 = tpu.memref_slice %arg13[%dma_wait3A_188, %dma_wait3A_189] : memref<10048x64xf32, #tpu.memory_space<vmem_shared>> -> memref<10048x64xf32, #tpu.memory_space<vmem_shared>>
    tpu.wait_indirect_dma semaphore(%arg22 : memref<!tpu.dma_semaphore, #tpu.memory_space<semaphore_mem>>) src(%arg12 : memref<80x64xf32, #tpu.memory_space<vmem>>) dst(%dma_wait3A_190 : memref<10048x64xf32, #tpu.memory_space<vmem_shared>>)
    %barrier3A_191 = arith.constant 0 : index
    tpu.barrier barrier_id(%barrier3A_191)
    %lt3A_192 = arith.constant 8 : i32
    %lt3A_193 = arith.cmpi slt, %arg1, %lt3A_192 : i32
    %convert_element_type3A_194 = arith.extui %lt3A_193 : i1 to i32
    %cond3A_195 = arith.constant 0 : i32
    %cond3A_196 = arith.cmpi ne, %convert_element_type3A_194, %cond3A_195 : i32
    scf.if %cond3A_196 {
      %mul3A_202 = arith.constant 632 : i32
      %mul3A_203 = arith.muli %arg1, %mul3A_202 : i32
      %multiple_of3A = tpu.assume_multiple %mul3A_203, 8 : i32
      "tpu.region"() ({
        %run_scoped3A = tpu.sem_alloc : memref<!tpu.dma_semaphore, #tpu.memory_space<semaphore_mem>>
        %dma_start3A_204 = arith.constant 0 : i32
        %dma_start3A_205 = arith.constant 0 : i32
        %dma_start3A_206 = tpu.memref_slice %arg6[%add3A_99, %dma_start3A_204, %dma_start3A_205] : memref<4x10048x64xf32, #tpu.memory_space<hbm>> -> memref<1x10048x64xf32, #tpu.memory_space<hbm>>
        %dma_start3A_207 = tpu.memref_squeeze %dma_start3A_206 : memref<1x10048x64xf32, #tpu.memory_space<hbm>> -> memref<10048x64xf32, #tpu.memory_space<hbm>>
        %dma_start3A_208 = arith.constant 0 : i32
        %dma_start3A_209 = tpu.memref_slice %dma_start3A_207[%multiple_of3A, %dma_start3A_208] : memref<10048x64xf32, #tpu.memory_space<hbm>> -> memref<632x64xf32, #tpu.memory_space<hbm>>
        %dma_start3A_210 = arith.constant 0 : i32
        %dma_start3A_211 = tpu.memref_slice %arg13[%multiple_of3A, %dma_start3A_210] : memref<10048x64xf32, #tpu.memory_space<vmem_shared>> -> memref<632x64xf32, #tpu.memory_space<vmem_shared>>
        tpu.enqueue_dma source(%dma_start3A_211 : memref<632x64xf32, #tpu.memory_space<vmem_shared>>) target(%dma_start3A_209 : memref<632x64xf32, #tpu.memory_space<hbm>>) target_semaphore(%run_scoped3A : memref<!tpu.dma_semaphore, #tpu.memory_space<semaphore_mem>>)
        %dma_wait3A_212 = arith.constant 0 : i32
        %dma_wait3A_213 = arith.constant 0 : i32
        %dma_wait3A_214 = tpu.memref_slice %arg6[%add3A_99, %dma_wait3A_212, %dma_wait3A_213] : memref<4x10048x64xf32, #tpu.memory_space<hbm>> -> memref<1x10048x64xf32, #tpu.memory_space<hbm>>
        %dma_wait3A_215 = tpu.memref_squeeze %dma_wait3A_214 : memref<1x10048x64xf32, #tpu.memory_space<hbm>> -> memref<10048x64xf32, #tpu.memory_space<hbm>>
        %dma_wait3A_216 = arith.constant 0 : i32
        %dma_wait3A_217 = tpu.memref_slice %dma_wait3A_215[%multiple_of3A, %dma_wait3A_216] : memref<10048x64xf32, #tpu.memory_space<hbm>> -> memref<632x64xf32, #tpu.memory_space<hbm>>
        %dma_wait3A_218 = arith.constant 0 : i32
        %dma_wait3A_219 = tpu.memref_slice %arg13[%multiple_of3A, %dma_wait3A_218] : memref<10048x64xf32, #tpu.memory_space<vmem_shared>> -> memref<632x64xf32, #tpu.memory_space<vmem_shared>>
        tpu.wait_dma2 semaphore(%run_scoped3A : memref<!tpu.dma_semaphore, #tpu.memory_space<semaphore_mem>>) src(%dma_wait3A_219 : memref<632x64xf32, #tpu.memory_space<vmem_shared>>) dst(%dma_wait3A_217 : memref<632x64xf32, #tpu.memory_space<hbm>>)
        tpu.yield
      }) : () -> ()
    } else {
    }
    %ge3A_197 = arith.constant 8 : i32
    %ge3A_198 = arith.cmpi sge, %arg1, %ge3A_197 : i32
    %convert_element_type3A_199 = arith.extui %ge3A_198 : i1 to i32
    %cond3A_200 = arith.constant 0 : i32
    %cond3A_201 = arith.cmpi ne, %convert_element_type3A_199, %cond3A_200 : i32
    scf.if %cond3A_201 {
      %sub3A = arith.constant 8 : i32
      %sub3A_202 = arith.subi %arg1, %sub3A : i32
      %mul3A_203 = arith.constant 624 : i32
      %mul3A_204 = arith.muli %sub3A_202, %mul3A_203 : i32
      %add3A_205 = arith.constant 5056 : i32
      %add3A_206 = arith.addi %add3A_205, %mul3A_204 : i32
      %multiple_of3A = tpu.assume_multiple %add3A_206, 8 : i32
      "tpu.region"() ({
        %run_scoped3A = tpu.sem_alloc : memref<!tpu.dma_semaphore, #tpu.memory_space<semaphore_mem>>
        %dma_start3A_207 = arith.constant 0 : i32
        %dma_start3A_208 = arith.constant 0 : i32
        %dma_start3A_209 = tpu.memref_slice %arg6[%add3A_99, %dma_start3A_207, %dma_start3A_208] : memref<4x10048x64xf32, #tpu.memory_space<hbm>> -> memref<1x10048x64xf32, #tpu.memory_space<hbm>>
        %dma_start3A_210 = tpu.memref_squeeze %dma_start3A_209 : memref<1x10048x64xf32, #tpu.memory_space<hbm>> -> memref<10048x64xf32, #tpu.memory_space<hbm>>
        %dma_start3A_211 = arith.constant 0 : i32
        %dma_start3A_212 = tpu.memref_slice %dma_start3A_210[%multiple_of3A, %dma_start3A_211] : memref<10048x64xf32, #tpu.memory_space<hbm>> -> memref<624x64xf32, #tpu.memory_space<hbm>>
        %dma_start3A_213 = arith.constant 0 : i32
        %dma_start3A_214 = tpu.memref_slice %arg13[%multiple_of3A, %dma_start3A_213] : memref<10048x64xf32, #tpu.memory_space<vmem_shared>> -> memref<624x64xf32, #tpu.memory_space<vmem_shared>>
        tpu.enqueue_dma source(%dma_start3A_214 : memref<624x64xf32, #tpu.memory_space<vmem_shared>>) target(%dma_start3A_212 : memref<624x64xf32, #tpu.memory_space<hbm>>) target_semaphore(%run_scoped3A : memref<!tpu.dma_semaphore, #tpu.memory_space<semaphore_mem>>)
        %dma_wait3A_215 = arith.constant 0 : i32
        %dma_wait3A_216 = arith.constant 0 : i32
        %dma_wait3A_217 = tpu.memref_slice %arg6[%add3A_99, %dma_wait3A_215, %dma_wait3A_216] : memref<4x10048x64xf32, #tpu.memory_space<hbm>> -> memref<1x10048x64xf32, #tpu.memory_space<hbm>>
        %dma_wait3A_218 = tpu.memref_squeeze %dma_wait3A_217 : memref<1x10048x64xf32, #tpu.memory_space<hbm>> -> memref<10048x64xf32, #tpu.memory_space<hbm>>
        %dma_wait3A_219 = arith.constant 0 : i32
        %dma_wait3A_220 = tpu.memref_slice %dma_wait3A_218[%multiple_of3A, %dma_wait3A_219] : memref<10048x64xf32, #tpu.memory_space<hbm>> -> memref<624x64xf32, #tpu.memory_space<hbm>>
        %dma_wait3A_221 = arith.constant 0 : i32
        %dma_wait3A_222 = tpu.memref_slice %arg13[%multiple_of3A, %dma_wait3A_221] : memref<10048x64xf32, #tpu.memory_space<vmem_shared>> -> memref<624x64xf32, #tpu.memory_space<vmem_shared>>
        tpu.wait_dma2 semaphore(%run_scoped3A : memref<!tpu.dma_semaphore, #tpu.memory_space<semaphore_mem>>) src(%dma_wait3A_222 : memref<624x64xf32, #tpu.memory_space<vmem_shared>>) dst(%dma_wait3A_220 : memref<624x64xf32, #tpu.memory_space<hbm>>)
        tpu.yield
      }) : () -> ()
    } else {
    }
    return
  }
}

#map = affine_map<(d0, d1) -> (0, 0, 0)>
#map1 = affine_map<(d0, d1) -> (0, 0, 0, 0)>
#map2 = affine_map<(d0, d1) -> (0, 0)>
module attributes {stable_mosaic.version = 14 : i64} {
  func.func @k(%arg0: i32, %arg1: i32, %arg2: memref<2x10048x64xf32, #tpu.memory_space<hbm>>, %arg3: memref<16x128x1x80xi32, #tpu.memory_space<hbm>>, %arg4: memref<16x128x1x80xi32, #tpu.memory_space<hbm>>, %arg5: memref<10048x64xf32, #tpu.memory_space<hbm>>, %arg6: memref<2x10048x64xf32, #tpu.memory_space<hbm>>, %arg7: memref<128x1x80xi32, #tpu.memory_space<vmem>>, %arg8: memref<128x1x80xi32, #tpu.memory_space<vmem>>, %arg9: memref<80x64xf32, #tpu.memory_space<vmem>>, %arg10: memref<80x64xf32, #tpu.memory_space<vmem>>, %arg11: memref<80x64xf32, #tpu.memory_space<vmem>>, %arg12: memref<80x64xf32, #tpu.memory_space<vmem>>, %arg13: memref<10048x64xf32, #tpu.memory_space<vmem_shared>>, %arg14: memref<10048x64xf32, #tpu.memory_space<vmem_shared>>, %arg15: memref<!tpu.dma_semaphore, #tpu.memory_space<semaphore_mem>>, %arg16: memref<!tpu.dma_semaphore, #tpu.memory_space<semaphore_mem>>, %arg17: memref<!tpu.dma_semaphore, #tpu.memory_space<semaphore_mem>>, %arg18: memref<!tpu.dma_semaphore, #tpu.memory_space<semaphore_mem>>, %arg19: memref<!tpu.dma_semaphore, #tpu.memory_space<semaphore_mem>>, %arg20: memref<!tpu.dma_semaphore, #tpu.memory_space<semaphore_mem>>, %arg21: memref<!tpu.dma_semaphore, #tpu.memory_space<semaphore_mem>>, %arg22: memref<!tpu.dma_semaphore, #tpu.memory_space<semaphore_mem>>) attributes {dimension_semantics = [#tpu.dimension_semantics<core_parallel>, #tpu.dimension_semantics<subcore_parallel>], iteration_bounds = array<i64: 2, 16>, scalar_prefetch = 0 : i64, scratch_operands = 16 : i64, tpu.core_type = #tpu.core_type<sc_vector_subcore>, window_params = [{transform_indices = #map}, {transform_indices = #map1}, {transform_indices = #map1}, {transform_indices = #map2}, {transform_indices = #map}]} {
    "tpu.region"() ({
      %run_scoped3A = tpu.sem_alloc : memref<!tpu.dma_semaphore, #tpu.memory_space<semaphore_mem>>
      %dma_start3A_94 = arith.constant 0 : i32
      %dma_start3A_95 = arith.constant 0 : i32
      %dma_start3A_96 = arith.constant 0 : i32
      %dma_start3A_97 = tpu.memref_slice %arg3[%arg1, %dma_start3A_94, %dma_start3A_95, %dma_start3A_96] : memref<16x128x1x80xi32, #tpu.memory_space<hbm>> -> memref<1x128x1x80xi32, #tpu.memory_space<hbm>>
      %dma_start3A_98 = tpu.memref_squeeze %dma_start3A_97 : memref<1x128x1x80xi32, #tpu.memory_space<hbm>> -> memref<128x1x80xi32, #tpu.memory_space<hbm>>
      %dma_start3A_99 = arith.constant 0 : i32
      %dma_start3A_100 = arith.constant 0 : i32
      %dma_start3A_101 = arith.constant 0 : i32
      %dma_start3A_102 = tpu.memref_slice %arg3[%arg1, %dma_start3A_99, %dma_start3A_100, %dma_start3A_101] : memref<16x128x1x80xi32, #tpu.memory_space<hbm>> -> memref<1x128x1x80xi32, #tpu.memory_space<hbm>>
      %dma_start3A_103 = tpu.memref_squeeze %dma_start3A_102 : memref<1x128x1x80xi32, #tpu.memory_space<hbm>> -> memref<128x1x80xi32, #tpu.memory_space<hbm>>
      tpu.enqueue_dma source(%dma_start3A_103 : memref<128x1x80xi32, #tpu.memory_space<hbm>>) target(%arg7 : memref<128x1x80xi32, #tpu.memory_space<vmem>>) target_semaphore(%run_scoped3A : memref<!tpu.dma_semaphore, #tpu.memory_space<semaphore_mem>>)
      %dma_wait3A_104 = arith.constant 0 : i32
      %dma_wait3A_105 = arith.constant 0 : i32
      %dma_wait3A_106 = arith.constant 0 : i32
      %dma_wait3A_107 = tpu.memref_slice %arg3[%arg1, %dma_wait3A_104, %dma_wait3A_105, %dma_wait3A_106] : memref<16x128x1x80xi32, #tpu.memory_space<hbm>> -> memref<1x128x1x80xi32, #tpu.memory_space<hbm>>
      %dma_wait3A_108 = tpu.memref_squeeze %dma_wait3A_107 : memref<1x128x1x80xi32, #tpu.memory_space<hbm>> -> memref<128x1x80xi32, #tpu.memory_space<hbm>>
      %dma_wait3A_109 = arith.constant 0 : i32
      %dma_wait3A_110 = arith.constant 0 : i32
      %dma_wait3A_111 = arith.constant 0 : i32
      %dma_wait3A_112 = tpu.memref_slice %arg3[%arg1, %dma_wait3A_109, %dma_wait3A_110, %dma_wait3A_111] : memref<16x128x1x80xi32, #tpu.memory_space<hbm>> -> memref<1x128x1x80xi32, #tpu.memory_space<hbm>>
      %dma_wait3A_113 = tpu.memref_squeeze %dma_wait3A_112 : memref<1x128x1x80xi32, #tpu.memory_space<hbm>> -> memref<128x1x80xi32, #tpu.memory_space<hbm>>
      tpu.wait_dma2 semaphore(%run_scoped3A : memref<!tpu.dma_semaphore, #tpu.memory_space<semaphore_mem>>) src(%dma_wait3A_113 : memref<128x1x80xi32, #tpu.memory_space<hbm>>) dst(%arg7 : memref<128x1x80xi32, #tpu.memory_space<vmem>>)
      tpu.yield
    }) : () -> ()
    "tpu.region"() ({
      %run_scoped3A = tpu.sem_alloc : memref<!tpu.dma_semaphore, #tpu.memory_space<semaphore_mem>>
      %dma_start3A_94 = arith.constant 0 : i32
      %dma_start3A_95 = arith.constant 0 : i32
      %dma_start3A_96 = arith.constant 0 : i32
      %dma_start3A_97 = tpu.memref_slice %arg4[%arg1, %dma_start3A_94, %dma_start3A_95, %dma_start3A_96] : memref<16x128x1x80xi32, #tpu.memory_space<hbm>> -> memref<1x128x1x80xi32, #tpu.memory_space<hbm>>
      %dma_start3A_98 = tpu.memref_squeeze %dma_start3A_97 : memref<1x128x1x80xi32, #tpu.memory_space<hbm>> -> memref<128x1x80xi32, #tpu.memory_space<hbm>>
      %dma_start3A_99 = arith.constant 0 : i32
      %dma_start3A_100 = arith.constant 0 : i32
      %dma_start3A_101 = arith.constant 0 : i32
      %dma_start3A_102 = tpu.memref_slice %arg4[%arg1, %dma_start3A_99, %dma_start3A_100, %dma_start3A_101] : memref<16x128x1x80xi32, #tpu.memory_space<hbm>> -> memref<1x128x1x80xi32, #tpu.memory_space<hbm>>
      %dma_start3A_103 = tpu.memref_squeeze %dma_start3A_102 : memref<1x128x1x80xi32, #tpu.memory_space<hbm>> -> memref<128x1x80xi32, #tpu.memory_space<hbm>>
      tpu.enqueue_dma source(%dma_start3A_103 : memref<128x1x80xi32, #tpu.memory_space<hbm>>) target(%arg8 : memref<128x1x80xi32, #tpu.memory_space<vmem>>) target_semaphore(%run_scoped3A : memref<!tpu.dma_semaphore, #tpu.memory_space<semaphore_mem>>)
      %dma_wait3A_104 = arith.constant 0 : i32
      %dma_wait3A_105 = arith.constant 0 : i32
      %dma_wait3A_106 = arith.constant 0 : i32
      %dma_wait3A_107 = tpu.memref_slice %arg4[%arg1, %dma_wait3A_104, %dma_wait3A_105, %dma_wait3A_106] : memref<16x128x1x80xi32, #tpu.memory_space<hbm>> -> memref<1x128x1x80xi32, #tpu.memory_space<hbm>>
      %dma_wait3A_108 = tpu.memref_squeeze %dma_wait3A_107 : memref<1x128x1x80xi32, #tpu.memory_space<hbm>> -> memref<128x1x80xi32, #tpu.memory_space<hbm>>
      %dma_wait3A_109 = arith.constant 0 : i32
      %dma_wait3A_110 = arith.constant 0 : i32
      %dma_wait3A_111 = arith.constant 0 : i32
      %dma_wait3A_112 = tpu.memref_slice %arg4[%arg1, %dma_wait3A_109, %dma_wait3A_110, %dma_wait3A_111] : memref<16x128x1x80xi32, #tpu.memory_space<hbm>> -> memref<1x128x1x80xi32, #tpu.memory_space<hbm>>
      %dma_wait3A_113 = tpu.memref_squeeze %dma_wait3A_112 : memref<1x128x1x80xi32, #tpu.memory_space<hbm>> -> memref<128x1x80xi32, #tpu.memory_space<hbm>>
      tpu.wait_dma2 semaphore(%run_scoped3A : memref<!tpu.dma_semaphore, #tpu.memory_space<semaphore_mem>>) src(%dma_wait3A_113 : memref<128x1x80xi32, #tpu.memory_space<hbm>>) dst(%arg8 : memref<128x1x80xi32, #tpu.memory_space<vmem>>)
      tpu.yield
    }) : () -> ()
    %lt3A = arith.constant 8 : i32
    %lt3A_0 = arith.cmpi slt, %arg1, %lt3A : i32
    %convert_element_type3A = arith.extui %lt3A_0 : i1 to i32
    %cond3A = arith.constant 0 : i32
    %cond3A_1 = arith.cmpi ne, %convert_element_type3A, %cond3A : i32
    scf.if %cond3A_1 {
      %mul3A = arith.constant 632 : i32
      %mul3A_94 = arith.muli %arg1, %mul3A : i32
      %multiple_of3A = tpu.assume_multiple %mul3A_94, 8 : i32
      "tpu.region"() ({
        %run_scoped3A = tpu.sem_alloc : memref<!tpu.dma_semaphore, #tpu.memory_space<semaphore_mem>>
        %dma_start3A_95 = arith.constant 0 : i32
        %dma_start3A_96 = tpu.memref_slice %arg13[%multiple_of3A, %dma_start3A_95] : memref<10048x64xf32, #tpu.memory_space<vmem_shared>> -> memref<632x64xf32, #tpu.memory_space<vmem_shared>>
        %dma_start3A_97 = arith.constant 0 : i32
        %dma_start3A_98 = tpu.memref_slice %arg5[%multiple_of3A, %dma_start3A_97] : memref<10048x64xf32, #tpu.memory_space<hbm>> -> memref<632x64xf32, #tpu.memory_space<hbm>>
        tpu.enqueue_dma source(%dma_start3A_98 : memref<632x64xf32, #tpu.memory_space<hbm>>) target(%dma_start3A_96 : memref<632x64xf32, #tpu.memory_space<vmem_shared>>) target_semaphore(%run_scoped3A : memref<!tpu.dma_semaphore, #tpu.memory_space<semaphore_mem>>)
        %dma_wait3A_99 = arith.constant 0 : i32
        %dma_wait3A_100 = tpu.memref_slice %arg13[%multiple_of3A, %dma_wait3A_99] : memref<10048x64xf32, #tpu.memory_space<vmem_shared>> -> memref<632x64xf32, #tpu.memory_space<vmem_shared>>
        %dma_wait3A_101 = arith.constant 0 : i32
        %dma_wait3A_102 = tpu.memref_slice %arg5[%multiple_of3A, %dma_wait3A_101] : memref<10048x64xf32, #tpu.memory_space<hbm>> -> memref<632x64xf32, #tpu.memory_space<hbm>>
        tpu.wait_dma2 semaphore(%run_scoped3A : memref<!tpu.dma_semaphore, #tpu.memory_space<semaphore_mem>>) src(%dma_wait3A_102 : memref<632x64xf32, #tpu.memory_space<hbm>>) dst(%dma_wait3A_100 : memref<632x64xf32, #tpu.memory_space<vmem_shared>>)
        tpu.yield
      }) : () -> ()
    } else {
    }
    %ge3A = arith.constant 8 : i32
    %ge3A_2 = arith.cmpi sge, %arg1, %ge3A : i32
    %convert_element_type3A_3 = arith.extui %ge3A_2 : i1 to i32
    %cond3A_4 = arith.constant 0 : i32
    %cond3A_5 = arith.cmpi ne, %convert_element_type3A_3, %cond3A_4 : i32
    scf.if %cond3A_5 {
      %sub3A = arith.constant 8 : i32
      %sub3A_94 = arith.subi %arg1, %sub3A : i32
      %mul3A = arith.constant 624 : i32
      %mul3A_95 = arith.muli %sub3A_94, %mul3A : i32
      %add3A = arith.constant 5056 : i32
      %add3A_96 = arith.addi %add3A, %mul3A_95 : i32
      %multiple_of3A = tpu.assume_multiple %add3A_96, 8 : i32
      "tpu.region"() ({
        %run_scoped3A = tpu.sem_alloc : memref<!tpu.dma_semaphore, #tpu.memory_space<semaphore_mem>>
        %dma_start3A_97 = arith.constant 0 : i32
        %dma_start3A_98 = tpu.memref_slice %arg13[%multiple_of3A, %dma_start3A_97] : memref<10048x64xf32, #tpu.memory_space<vmem_shared>> -> memref<624x64xf32, #tpu.memory_space<vmem_shared>>
        %dma_start3A_99 = arith.constant 0 : i32
        %dma_start3A_100 = tpu.memref_slice %arg5[%multiple_of3A, %dma_start3A_99] : memref<10048x64xf32, #tpu.memory_space<hbm>> -> memref<624x64xf32, #tpu.memory_space<hbm>>
        tpu.enqueue_dma source(%dma_start3A_100 : memref<624x64xf32, #tpu.memory_space<hbm>>) target(%dma_start3A_98 : memref<624x64xf32, #tpu.memory_space<vmem_shared>>) target_semaphore(%run_scoped3A : memref<!tpu.dma_semaphore, #tpu.memory_space<semaphore_mem>>)
        %dma_wait3A_101 = arith.constant 0 : i32
        %dma_wait3A_102 = tpu.memref_slice %arg13[%multiple_of3A, %dma_wait3A_101] : memref<10048x64xf32, #tpu.memory_space<vmem_shared>> -> memref<624x64xf32, #tpu.memory_space<vmem_shared>>
        %dma_wait3A_103 = arith.constant 0 : i32
        %dma_wait3A_104 = tpu.memref_slice %arg5[%multiple_of3A, %dma_wait3A_103] : memref<10048x64xf32, #tpu.memory_space<hbm>> -> memref<624x64xf32, #tpu.memory_space<hbm>>
        tpu.wait_dma2 semaphore(%run_scoped3A : memref<!tpu.dma_semaphore, #tpu.memory_space<semaphore_mem>>) src(%dma_wait3A_104 : memref<624x64xf32, #tpu.memory_space<hbm>>) dst(%dma_wait3A_102 : memref<624x64xf32, #tpu.memory_space<vmem_shared>>)
        tpu.yield
      }) : () -> ()
    } else {
    }
    %lt3A_6 = arith.constant 8 : i32
    %lt3A_7 = arith.cmpi slt, %arg1, %lt3A_6 : i32
    %convert_element_type3A_8 = arith.extui %lt3A_7 : i1 to i32
    %cond3A_9 = arith.constant 0 : i32
    %cond3A_10 = arith.cmpi ne, %convert_element_type3A_8, %cond3A_9 : i32
    scf.if %cond3A_10 {
      %mul3A = arith.constant 632 : i32
      %mul3A_94 = arith.muli %arg1, %mul3A : i32
      %multiple_of3A = tpu.assume_multiple %mul3A_94, 8 : i32
      "tpu.region"() ({
        %run_scoped3A = tpu.sem_alloc : memref<!tpu.dma_semaphore, #tpu.memory_space<semaphore_mem>>
        %dma_start3A_95 = arith.constant 0 : i32
        %dma_start3A_96 = tpu.memref_slice %arg14[%multiple_of3A, %dma_start3A_95] : memref<10048x64xf32, #tpu.memory_space<vmem_shared>> -> memref<632x64xf32, #tpu.memory_space<vmem_shared>>
        %dma_start3A_97 = arith.constant 0 : i32
        %dma_start3A_98 = arith.constant 0 : i32
        %dma_start3A_99 = tpu.memref_slice %arg2[%arg0, %dma_start3A_97, %dma_start3A_98] : memref<2x10048x64xf32, #tpu.memory_space<hbm>> -> memref<1x10048x64xf32, #tpu.memory_space<hbm>>
        %dma_start3A_100 = tpu.memref_squeeze %dma_start3A_99 : memref<1x10048x64xf32, #tpu.memory_space<hbm>> -> memref<10048x64xf32, #tpu.memory_space<hbm>>
        %dma_start3A_101 = arith.constant 0 : i32
        %dma_start3A_102 = tpu.memref_slice %dma_start3A_100[%multiple_of3A, %dma_start3A_101] : memref<10048x64xf32, #tpu.memory_space<hbm>> -> memref<632x64xf32, #tpu.memory_space<hbm>>
        tpu.enqueue_dma source(%dma_start3A_102 : memref<632x64xf32, #tpu.memory_space<hbm>>) target(%dma_start3A_96 : memref<632x64xf32, #tpu.memory_space<vmem_shared>>) target_semaphore(%run_scoped3A : memref<!tpu.dma_semaphore, #tpu.memory_space<semaphore_mem>>)
        %dma_wait3A_103 = arith.constant 0 : i32
        %dma_wait3A_104 = tpu.memref_slice %arg14[%multiple_of3A, %dma_wait3A_103] : memref<10048x64xf32, #tpu.memory_space<vmem_shared>> -> memref<632x64xf32, #tpu.memory_space<vmem_shared>>
        %dma_wait3A_105 = arith.constant 0 : i32
        %dma_wait3A_106 = arith.constant 0 : i32
        %dma_wait3A_107 = tpu.memref_slice %arg2[%arg0, %dma_wait3A_105, %dma_wait3A_106] : memref<2x10048x64xf32, #tpu.memory_space<hbm>> -> memref<1x10048x64xf32, #tpu.memory_space<hbm>>
        %dma_wait3A_108 = tpu.memref_squeeze %dma_wait3A_107 : memref<1x10048x64xf32, #tpu.memory_space<hbm>> -> memref<10048x64xf32, #tpu.memory_space<hbm>>
        %dma_wait3A_109 = arith.constant 0 : i32
        %dma_wait3A_110 = tpu.memref_slice %dma_wait3A_108[%multiple_of3A, %dma_wait3A_109] : memref<10048x64xf32, #tpu.memory_space<hbm>> -> memref<632x64xf32, #tpu.memory_space<hbm>>
        tpu.wait_dma2 semaphore(%run_scoped3A : memref<!tpu.dma_semaphore, #tpu.memory_space<semaphore_mem>>) src(%dma_wait3A_110 : memref<632x64xf32, #tpu.memory_space<hbm>>) dst(%dma_wait3A_104 : memref<632x64xf32, #tpu.memory_space<vmem_shared>>)
        tpu.yield
      }) : () -> ()
    } else {
    }
    %ge3A_11 = arith.constant 8 : i32
    %ge3A_12 = arith.cmpi sge, %arg1, %ge3A_11 : i32
    %convert_element_type3A_13 = arith.extui %ge3A_12 : i1 to i32
    %cond3A_14 = arith.constant 0 : i32
    %cond3A_15 = arith.cmpi ne, %convert_element_type3A_13, %cond3A_14 : i32
    scf.if %cond3A_15 {
      %sub3A = arith.constant 8 : i32
      %sub3A_94 = arith.subi %arg1, %sub3A : i32
      %mul3A = arith.constant 624 : i32
      %mul3A_95 = arith.muli %sub3A_94, %mul3A : i32
      %add3A = arith.constant 5056 : i32
      %add3A_96 = arith.addi %add3A, %mul3A_95 : i32
      %multiple_of3A = tpu.assume_multiple %add3A_96, 8 : i32
      "tpu.region"() ({
        %run_scoped3A = tpu.sem_alloc : memref<!tpu.dma_semaphore, #tpu.memory_space<semaphore_mem>>
        %dma_start3A_97 = arith.constant 0 : i32
        %dma_start3A_98 = tpu.memref_slice %arg14[%multiple_of3A, %dma_start3A_97] : memref<10048x64xf32, #tpu.memory_space<vmem_shared>> -> memref<624x64xf32, #tpu.memory_space<vmem_shared>>
        %dma_start3A_99 = arith.constant 0 : i32
        %dma_start3A_100 = arith.constant 0 : i32
        %dma_start3A_101 = tpu.memref_slice %arg2[%arg0, %dma_start3A_99, %dma_start3A_100] : memref<2x10048x64xf32, #tpu.memory_space<hbm>> -> memref<1x10048x64xf32, #tpu.memory_space<hbm>>
        %dma_start3A_102 = tpu.memref_squeeze %dma_start3A_101 : memref<1x10048x64xf32, #tpu.memory_space<hbm>> -> memref<10048x64xf32, #tpu.memory_space<hbm>>
        %dma_start3A_103 = arith.constant 0 : i32
        %dma_start3A_104 = tpu.memref_slice %dma_start3A_102[%multiple_of3A, %dma_start3A_103] : memref<10048x64xf32, #tpu.memory_space<hbm>> -> memref<624x64xf32, #tpu.memory_space<hbm>>
        tpu.enqueue_dma source(%dma_start3A_104 : memref<624x64xf32, #tpu.memory_space<hbm>>) target(%dma_start3A_98 : memref<624x64xf32, #tpu.memory_space<vmem_shared>>) target_semaphore(%run_scoped3A : memref<!tpu.dma_semaphore, #tpu.memory_space<semaphore_mem>>)
        %dma_wait3A_105 = arith.constant 0 : i32
        %dma_wait3A_106 = tpu.memref_slice %arg14[%multiple_of3A, %dma_wait3A_105] : memref<10048x64xf32, #tpu.memory_space<vmem_shared>> -> memref<624x64xf32, #tpu.memory_space<vmem_shared>>
        %dma_wait3A_107 = arith.constant 0 : i32
        %dma_wait3A_108 = arith.constant 0 : i32
        %dma_wait3A_109 = tpu.memref_slice %arg2[%arg0, %dma_wait3A_107, %dma_wait3A_108] : memref<2x10048x64xf32, #tpu.memory_space<hbm>> -> memref<1x10048x64xf32, #tpu.memory_space<hbm>>
        %dma_wait3A_110 = tpu.memref_squeeze %dma_wait3A_109 : memref<1x10048x64xf32, #tpu.memory_space<hbm>> -> memref<10048x64xf32, #tpu.memory_space<hbm>>
        %dma_wait3A_111 = arith.constant 0 : i32
        %dma_wait3A_112 = tpu.memref_slice %dma_wait3A_110[%multiple_of3A, %dma_wait3A_111] : memref<10048x64xf32, #tpu.memory_space<hbm>> -> memref<624x64xf32, #tpu.memory_space<hbm>>
        tpu.wait_dma2 semaphore(%run_scoped3A : memref<!tpu.dma_semaphore, #tpu.memory_space<semaphore_mem>>) src(%dma_wait3A_112 : memref<624x64xf32, #tpu.memory_space<hbm>>) dst(%dma_wait3A_106 : memref<624x64xf32, #tpu.memory_space<vmem_shared>>)
        tpu.yield
      }) : () -> ()
    } else {
    }
    %barrier3A = arith.constant 0 : index
    tpu.barrier barrier_id(%barrier3A)
    %dma_start3A = arith.constant 0 : i32
    %dma_start3A_16 = arith.constant 0 : i32
    %dma_start3A_17 = arith.constant 0 : i32
    %dma_start3A_18 = tpu.memref_slice %arg7[%dma_start3A, %dma_start3A_16, %dma_start3A_17] : memref<128x1x80xi32, #tpu.memory_space<vmem>> -> memref<1x1x80xi32, #tpu.memory_space<vmem>>
    %dma_start3A_19 = tpu.memref_squeeze %dma_start3A_18 : memref<1x1x80xi32, #tpu.memory_space<vmem>> -> memref<80xi32, #tpu.memory_space<vmem>>
    %dma_start3A_20 = arith.constant 0 : i32
    %dma_start3A_21 = arith.constant 0 : i32
    %dma_start3A_22 = tpu.memref_slice %arg14[%dma_start3A_20, %dma_start3A_21] : memref<10048x64xf32, #tpu.memory_space<vmem_shared>> -> memref<10048x64xf32, #tpu.memory_space<vmem_shared>>
    tpu.enqueue_indirect_dma source(%dma_start3A_22 : memref<10048x64xf32, #tpu.memory_space<vmem_shared>>) target(%arg9 : memref<80x64xf32, #tpu.memory_space<vmem>>) offsets(%dma_start3A_19 : memref<80xi32, #tpu.memory_space<vmem>>) semaphore(%arg15 : memref<!tpu.dma_semaphore, #tpu.memory_space<semaphore_mem>>)
    %dma_start3A_23 = arith.constant 1 : i32
    %dma_start3A_24 = arith.constant 0 : i32
    %dma_start3A_25 = arith.constant 0 : i32
    %dma_start3A_26 = tpu.memref_slice %arg7[%dma_start3A_23, %dma_start3A_24, %dma_start3A_25] : memref<128x1x80xi32, #tpu.memory_space<vmem>> -> memref<1x1x80xi32, #tpu.memory_space<vmem>>
    %dma_start3A_27 = tpu.memref_squeeze %dma_start3A_26 : memref<1x1x80xi32, #tpu.memory_space<vmem>> -> memref<80xi32, #tpu.memory_space<vmem>>
    %dma_start3A_28 = arith.constant 0 : i32
    %dma_start3A_29 = arith.constant 0 : i32
    %dma_start3A_30 = tpu.memref_slice %arg14[%dma_start3A_28, %dma_start3A_29] : memref<10048x64xf32, #tpu.memory_space<vmem_shared>> -> memref<10048x64xf32, #tpu.memory_space<vmem_shared>>
    tpu.enqueue_indirect_dma source(%dma_start3A_30 : memref<10048x64xf32, #tpu.memory_space<vmem_shared>>) target(%arg10 : memref<80x64xf32, #tpu.memory_space<vmem>>) offsets(%dma_start3A_27 : memref<80xi32, #tpu.memory_space<vmem>>) semaphore(%arg16 : memref<!tpu.dma_semaphore, #tpu.memory_space<semaphore_mem>>)
    %dma_start3A_31 = arith.constant 2 : i32
    %dma_start3A_32 = arith.constant 0 : i32
    %dma_start3A_33 = arith.constant 0 : i32
    %dma_start3A_34 = tpu.memref_slice %arg7[%dma_start3A_31, %dma_start3A_32, %dma_start3A_33] : memref<128x1x80xi32, #tpu.memory_space<vmem>> -> memref<1x1x80xi32, #tpu.memory_space<vmem>>
    %dma_start3A_35 = tpu.memref_squeeze %dma_start3A_34 : memref<1x1x80xi32, #tpu.memory_space<vmem>> -> memref<80xi32, #tpu.memory_space<vmem>>
    %dma_start3A_36 = arith.constant 0 : i32
    %dma_start3A_37 = arith.constant 0 : i32
    %dma_start3A_38 = tpu.memref_slice %arg14[%dma_start3A_36, %dma_start3A_37] : memref<10048x64xf32, #tpu.memory_space<vmem_shared>> -> memref<10048x64xf32, #tpu.memory_space<vmem_shared>>
    tpu.enqueue_indirect_dma source(%dma_start3A_38 : memref<10048x64xf32, #tpu.memory_space<vmem_shared>>) target(%arg11 : memref<80x64xf32, #tpu.memory_space<vmem>>) offsets(%dma_start3A_35 : memref<80xi32, #tpu.memory_space<vmem>>) semaphore(%arg17 : memref<!tpu.dma_semaphore, #tpu.memory_space<semaphore_mem>>)
    %dma_start3A_39 = arith.constant 3 : i32
    %dma_start3A_40 = arith.constant 0 : i32
    %dma_start3A_41 = arith.constant 0 : i32
    %dma_start3A_42 = tpu.memref_slice %arg7[%dma_start3A_39, %dma_start3A_40, %dma_start3A_41] : memref<128x1x80xi32, #tpu.memory_space<vmem>> -> memref<1x1x80xi32, #tpu.memory_space<vmem>>
    %dma_start3A_43 = tpu.memref_squeeze %dma_start3A_42 : memref<1x1x80xi32, #tpu.memory_space<vmem>> -> memref<80xi32, #tpu.memory_space<vmem>>
    %dma_start3A_44 = arith.constant 0 : i32
    %dma_start3A_45 = arith.constant 0 : i32
    %dma_start3A_46 = tpu.memref_slice %arg14[%dma_start3A_44, %dma_start3A_45] : memref<10048x64xf32, #tpu.memory_space<vmem_shared>> -> memref<10048x64xf32, #tpu.memory_space<vmem_shared>>
    tpu.enqueue_indirect_dma source(%dma_start3A_46 : memref<10048x64xf32, #tpu.memory_space<vmem_shared>>) target(%arg12 : memref<80x64xf32, #tpu.memory_space<vmem>>) offsets(%dma_start3A_43 : memref<80xi32, #tpu.memory_space<vmem>>) semaphore(%arg18 : memref<!tpu.dma_semaphore, #tpu.memory_space<semaphore_mem>>)
    %scan3A = arith.constant 0 : i32
    %scan3A_47 = arith.constant 0 : i32
    %scan3A_48 = arith.constant 32 : i32
    %scan3A_49 = arith.addi %scan3A_47, %scan3A_48 : i32
    %scan3A_50 = arith.constant 1 : i32
    scf.for %scan3A_94 = %scan3A_47 to %scan3A_49 step %scan3A_50  : i32 {
      %mul3A = arith.constant 4 : i32
      %mul3A_95 = arith.muli %mul3A, %scan3A_94 : i32
      %dma_wait3A_96 = arith.constant 0 : i32
      %dma_wait3A_97 = arith.constant 0 : i32
      %dma_wait3A_98 = arith.constant 0 : i32
      %dma_wait3A_99 = tpu.memref_slice %arg7[%dma_wait3A_96, %dma_wait3A_97, %dma_wait3A_98] : memref<128x1x80xi32, #tpu.memory_space<vmem>> -> memref<1x1x80xi32, #tpu.memory_space<vmem>>
      %dma_wait3A_100 = tpu.memref_squeeze %dma_wait3A_99 : memref<1x1x80xi32, #tpu.memory_space<vmem>> -> memref<80xi32, #tpu.memory_space<vmem>>
      %dma_wait3A_101 = arith.constant 0 : i32
      %dma_wait3A_102 = arith.constant 0 : i32
      %dma_wait3A_103 = tpu.memref_slice %arg14[%dma_wait3A_101, %dma_wait3A_102] : memref<10048x64xf32, #tpu.memory_space<vmem_shared>> -> memref<10048x64xf32, #tpu.memory_space<vmem_shared>>
      tpu.wait_indirect_dma semaphore(%arg15 : memref<!tpu.dma_semaphore, #tpu.memory_space<semaphore_mem>>) src(%dma_wait3A_103 : memref<10048x64xf32, #tpu.memory_space<vmem_shared>>) dst(%arg9 : memref<80x64xf32, #tpu.memory_space<vmem>>)
      %add3A = arith.constant 0 : i32
      %add3A_104 = arith.addi %mul3A_95, %add3A : i32
      %dma_start3A_105 = arith.constant 0 : i32
      %dma_start3A_106 = arith.constant 0 : i32
      %dma_start3A_107 = tpu.memref_slice %arg8[%add3A_104, %dma_start3A_105, %dma_start3A_106] : memref<128x1x80xi32, #tpu.memory_space<vmem>> -> memref<1x1x80xi32, #tpu.memory_space<vmem>>
      %dma_start3A_108 = tpu.memref_squeeze %dma_start3A_107 : memref<1x1x80xi32, #tpu.memory_space<vmem>> -> memref<80xi32, #tpu.memory_space<vmem>>
      %dma_start3A_109 = arith.constant 0 : i32
      %dma_start3A_110 = arith.constant 0 : i32
      %dma_start3A_111 = tpu.memref_slice %arg13[%dma_start3A_109, %dma_start3A_110] : memref<10048x64xf32, #tpu.memory_space<vmem_shared>> -> memref<10048x64xf32, #tpu.memory_space<vmem_shared>>
      tpu.enqueue_indirect_dma source(%arg9 : memref<80x64xf32, #tpu.memory_space<vmem>>) target(%dma_start3A_111 : memref<10048x64xf32, #tpu.memory_space<vmem_shared>>) offsets(%dma_start3A_108 : memref<80xi32, #tpu.memory_space<vmem>>) semaphore(%arg19 : memref<!tpu.dma_semaphore, #tpu.memory_space<semaphore_mem>>) {add = true}
      %dma_wait3A_112 = arith.constant 0 : i32
      %dma_wait3A_113 = arith.constant 0 : i32
      %dma_wait3A_114 = arith.constant 0 : i32
      %dma_wait3A_115 = tpu.memref_slice %arg7[%dma_wait3A_112, %dma_wait3A_113, %dma_wait3A_114] : memref<128x1x80xi32, #tpu.memory_space<vmem>> -> memref<1x1x80xi32, #tpu.memory_space<vmem>>
      %dma_wait3A_116 = tpu.memref_squeeze %dma_wait3A_115 : memref<1x1x80xi32, #tpu.memory_space<vmem>> -> memref<80xi32, #tpu.memory_space<vmem>>
      %dma_wait3A_117 = arith.constant 0 : i32
      %dma_wait3A_118 = arith.constant 0 : i32
      %dma_wait3A_119 = tpu.memref_slice %arg14[%dma_wait3A_117, %dma_wait3A_118] : memref<10048x64xf32, #tpu.memory_space<vmem_shared>> -> memref<10048x64xf32, #tpu.memory_space<vmem_shared>>
      tpu.wait_indirect_dma semaphore(%arg16 : memref<!tpu.dma_semaphore, #tpu.memory_space<semaphore_mem>>) src(%dma_wait3A_119 : memref<10048x64xf32, #tpu.memory_space<vmem_shared>>) dst(%arg10 : memref<80x64xf32, #tpu.memory_space<vmem>>)
      %add3A_120 = arith.constant 1 : i32
      %add3A_121 = arith.addi %mul3A_95, %add3A_120 : i32
      %dma_start3A_122 = arith.constant 0 : i32
      %dma_start3A_123 = arith.constant 0 : i32
      %dma_start3A_124 = tpu.memref_slice %arg8[%add3A_121, %dma_start3A_122, %dma_start3A_123] : memref<128x1x80xi32, #tpu.memory_space<vmem>> -> memref<1x1x80xi32, #tpu.memory_space<vmem>>
      %dma_start3A_125 = tpu.memref_squeeze %dma_start3A_124 : memref<1x1x80xi32, #tpu.memory_space<vmem>> -> memref<80xi32, #tpu.memory_space<vmem>>
      %dma_start3A_126 = arith.constant 0 : i32
      %dma_start3A_127 = arith.constant 0 : i32
      %dma_start3A_128 = tpu.memref_slice %arg13[%dma_start3A_126, %dma_start3A_127] : memref<10048x64xf32, #tpu.memory_space<vmem_shared>> -> memref<10048x64xf32, #tpu.memory_space<vmem_shared>>
      tpu.enqueue_indirect_dma source(%arg10 : memref<80x64xf32, #tpu.memory_space<vmem>>) target(%dma_start3A_128 : memref<10048x64xf32, #tpu.memory_space<vmem_shared>>) offsets(%dma_start3A_125 : memref<80xi32, #tpu.memory_space<vmem>>) semaphore(%arg20 : memref<!tpu.dma_semaphore, #tpu.memory_space<semaphore_mem>>) {add = true}
      %dma_wait3A_129 = arith.constant 0 : i32
      %dma_wait3A_130 = arith.constant 0 : i32
      %dma_wait3A_131 = arith.constant 0 : i32
      %dma_wait3A_132 = tpu.memref_slice %arg7[%dma_wait3A_129, %dma_wait3A_130, %dma_wait3A_131] : memref<128x1x80xi32, #tpu.memory_space<vmem>> -> memref<1x1x80xi32, #tpu.memory_space<vmem>>
      %dma_wait3A_133 = tpu.memref_squeeze %dma_wait3A_132 : memref<1x1x80xi32, #tpu.memory_space<vmem>> -> memref<80xi32, #tpu.memory_space<vmem>>
      %dma_wait3A_134 = arith.constant 0 : i32
      %dma_wait3A_135 = arith.constant 0 : i32
      %dma_wait3A_136 = tpu.memref_slice %arg14[%dma_wait3A_134, %dma_wait3A_135] : memref<10048x64xf32, #tpu.memory_space<vmem_shared>> -> memref<10048x64xf32, #tpu.memory_space<vmem_shared>>
      tpu.wait_indirect_dma semaphore(%arg17 : memref<!tpu.dma_semaphore, #tpu.memory_space<semaphore_mem>>) src(%dma_wait3A_136 : memref<10048x64xf32, #tpu.memory_space<vmem_shared>>) dst(%arg11 : memref<80x64xf32, #tpu.memory_space<vmem>>)
      %add3A_137 = arith.constant 2 : i32
      %add3A_138 = arith.addi %mul3A_95, %add3A_137 : i32
      %dma_start3A_139 = arith.constant 0 : i32
      %dma_start3A_140 = arith.constant 0 : i32
      %dma_start3A_141 = tpu.memref_slice %arg8[%add3A_138, %dma_start3A_139, %dma_start3A_140] : memref<128x1x80xi32, #tpu.memory_space<vmem>> -> memref<1x1x80xi32, #tpu.memory_space<vmem>>
      %dma_start3A_142 = tpu.memref_squeeze %dma_start3A_141 : memref<1x1x80xi32, #tpu.memory_space<vmem>> -> memref<80xi32, #tpu.memory_space<vmem>>
      %dma_start3A_143 = arith.constant 0 : i32
      %dma_start3A_144 = arith.constant 0 : i32
      %dma_start3A_145 = tpu.memref_slice %arg13[%dma_start3A_143, %dma_start3A_144] : memref<10048x64xf32, #tpu.memory_space<vmem_shared>> -> memref<10048x64xf32, #tpu.memory_space<vmem_shared>>
      tpu.enqueue_indirect_dma source(%arg11 : memref<80x64xf32, #tpu.memory_space<vmem>>) target(%dma_start3A_145 : memref<10048x64xf32, #tpu.memory_space<vmem_shared>>) offsets(%dma_start3A_142 : memref<80xi32, #tpu.memory_space<vmem>>) semaphore(%arg21 : memref<!tpu.dma_semaphore, #tpu.memory_space<semaphore_mem>>) {add = true}
      %dma_wait3A_146 = arith.constant 0 : i32
      %dma_wait3A_147 = arith.constant 0 : i32
      %dma_wait3A_148 = arith.constant 0 : i32
      %dma_wait3A_149 = tpu.memref_slice %arg7[%dma_wait3A_146, %dma_wait3A_147, %dma_wait3A_148] : memref<128x1x80xi32, #tpu.memory_space<vmem>> -> memref<1x1x80xi32, #tpu.memory_space<vmem>>
      %dma_wait3A_150 = tpu.memref_squeeze %dma_wait3A_149 : memref<1x1x80xi32, #tpu.memory_space<vmem>> -> memref<80xi32, #tpu.memory_space<vmem>>
      %dma_wait3A_151 = arith.constant 0 : i32
      %dma_wait3A_152 = arith.constant 0 : i32
      %dma_wait3A_153 = tpu.memref_slice %arg14[%dma_wait3A_151, %dma_wait3A_152] : memref<10048x64xf32, #tpu.memory_space<vmem_shared>> -> memref<10048x64xf32, #tpu.memory_space<vmem_shared>>
      tpu.wait_indirect_dma semaphore(%arg18 : memref<!tpu.dma_semaphore, #tpu.memory_space<semaphore_mem>>) src(%dma_wait3A_153 : memref<10048x64xf32, #tpu.memory_space<vmem_shared>>) dst(%arg12 : memref<80x64xf32, #tpu.memory_space<vmem>>)
      %add3A_154 = arith.constant 3 : i32
      %add3A_155 = arith.addi %mul3A_95, %add3A_154 : i32
      %dma_start3A_156 = arith.constant 0 : i32
      %dma_start3A_157 = arith.constant 0 : i32
      %dma_start3A_158 = tpu.memref_slice %arg8[%add3A_155, %dma_start3A_156, %dma_start3A_157] : memref<128x1x80xi32, #tpu.memory_space<vmem>> -> memref<1x1x80xi32, #tpu.memory_space<vmem>>
      %dma_start3A_159 = tpu.memref_squeeze %dma_start3A_158 : memref<1x1x80xi32, #tpu.memory_space<vmem>> -> memref<80xi32, #tpu.memory_space<vmem>>
      %dma_start3A_160 = arith.constant 0 : i32
      %dma_start3A_161 = arith.constant 0 : i32
      %dma_start3A_162 = tpu.memref_slice %arg13[%dma_start3A_160, %dma_start3A_161] : memref<10048x64xf32, #tpu.memory_space<vmem_shared>> -> memref<10048x64xf32, #tpu.memory_space<vmem_shared>>
      tpu.enqueue_indirect_dma source(%arg12 : memref<80x64xf32, #tpu.memory_space<vmem>>) target(%dma_start3A_162 : memref<10048x64xf32, #tpu.memory_space<vmem_shared>>) offsets(%dma_start3A_159 : memref<80xi32, #tpu.memory_space<vmem>>) semaphore(%arg22 : memref<!tpu.dma_semaphore, #tpu.memory_space<semaphore_mem>>) {add = true}
      %add3A_163 = arith.constant 4 : i32
      %add3A_164 = arith.addi %mul3A_95, %add3A_163 : i32
      %add3A_165 = arith.constant 0 : i32
      %add3A_166 = arith.addi %add3A_164, %add3A_165 : i32
      %lt3A_167 = arith.constant 128 : i32
      %lt3A_168 = arith.cmpi slt, %add3A_166, %lt3A_167 : i32
      %convert_element_type3A_169 = arith.extui %lt3A_168 : i1 to i32
      %cond3A_170 = arith.constant 0 : i32
      %cond3A_171 = arith.cmpi ne, %convert_element_type3A_169, %cond3A_170 : i32
      scf.if %cond3A_171 {
        %dma_wait3A_199 = arith.constant 0 : i32
        %dma_wait3A_200 = arith.constant 0 : i32
        %dma_wait3A_201 = arith.constant 0 : i32
        %dma_wait3A_202 = tpu.memref_slice %arg8[%dma_wait3A_199, %dma_wait3A_200, %dma_wait3A_201] : memref<128x1x80xi32, #tpu.memory_space<vmem>> -> memref<1x1x80xi32, #tpu.memory_space<vmem>>
        %dma_wait3A_203 = tpu.memref_squeeze %dma_wait3A_202 : memref<1x1x80xi32, #tpu.memory_space<vmem>> -> memref<80xi32, #tpu.memory_space<vmem>>
        %dma_wait3A_204 = arith.constant 0 : i32
        %dma_wait3A_205 = arith.constant 0 : i32
        %dma_wait3A_206 = tpu.memref_slice %arg13[%dma_wait3A_204, %dma_wait3A_205] : memref<10048x64xf32, #tpu.memory_space<vmem_shared>> -> memref<10048x64xf32, #tpu.memory_space<vmem_shared>>
        tpu.wait_indirect_dma semaphore(%arg19 : memref<!tpu.dma_semaphore, #tpu.memory_space<semaphore_mem>>) src(%arg9 : memref<80x64xf32, #tpu.memory_space<vmem>>) dst(%dma_wait3A_206 : memref<10048x64xf32, #tpu.memory_space<vmem_shared>>)
        %add3A_207 = arith.constant 4 : i32
        %add3A_208 = arith.addi %mul3A_95, %add3A_207 : i32
        %add3A_209 = arith.constant 0 : i32
        %add3A_210 = arith.addi %add3A_208, %add3A_209 : i32
        %dma_start3A_211 = arith.constant 0 : i32
        %dma_start3A_212 = arith.constant 0 : i32
        %dma_start3A_213 = tpu.memref_slice %arg7[%add3A_210, %dma_start3A_211, %dma_start3A_212] : memref<128x1x80xi32, #tpu.memory_space<vmem>> -> memref<1x1x80xi32, #tpu.memory_space<vmem>>
        %dma_start3A_214 = tpu.memref_squeeze %dma_start3A_213 : memref<1x1x80xi32, #tpu.memory_space<vmem>> -> memref<80xi32, #tpu.memory_space<vmem>>
        %dma_start3A_215 = arith.constant 0 : i32
        %dma_start3A_216 = arith.constant 0 : i32
        %dma_start3A_217 = tpu.memref_slice %arg14[%dma_start3A_215, %dma_start3A_216] : memref<10048x64xf32, #tpu.memory_space<vmem_shared>> -> memref<10048x64xf32, #tpu.memory_space<vmem_shared>>
        tpu.enqueue_indirect_dma source(%dma_start3A_217 : memref<10048x64xf32, #tpu.memory_space<vmem_shared>>) target(%arg9 : memref<80x64xf32, #tpu.memory_space<vmem>>) offsets(%dma_start3A_214 : memref<80xi32, #tpu.memory_space<vmem>>) semaphore(%arg15 : memref<!tpu.dma_semaphore, #tpu.memory_space<semaphore_mem>>)
      } else {
      }
      %add3A_172 = arith.constant 4 : i32
      %add3A_173 = arith.addi %mul3A_95, %add3A_172 : i32
      %add3A_174 = arith.constant 1 : i32
      %add3A_175 = arith.addi %add3A_173, %add3A_174 : i32
      %lt3A_176 = arith.constant 128 : i32
      %lt3A_177 = arith.cmpi slt, %add3A_175, %lt3A_176 : i32
      %convert_element_type3A_178 = arith.extui %lt3A_177 : i1 to i32
      %cond3A_179 = arith.constant 0 : i32
      %cond3A_180 = arith.cmpi ne, %convert_element_type3A_178, %cond3A_179 : i32
      scf.if %cond3A_180 {
        %dma_wait3A_199 = arith.constant 0 : i32
        %dma_wait3A_200 = arith.constant 0 : i32
        %dma_wait3A_201 = arith.constant 0 : i32
        %dma_wait3A_202 = tpu.memref_slice %arg8[%dma_wait3A_199, %dma_wait3A_200, %dma_wait3A_201] : memref<128x1x80xi32, #tpu.memory_space<vmem>> -> memref<1x1x80xi32, #tpu.memory_space<vmem>>
        %dma_wait3A_203 = tpu.memref_squeeze %dma_wait3A_202 : memref<1x1x80xi32, #tpu.memory_space<vmem>> -> memref<80xi32, #tpu.memory_space<vmem>>
        %dma_wait3A_204 = arith.constant 0 : i32
        %dma_wait3A_205 = arith.constant 0 : i32
        %dma_wait3A_206 = tpu.memref_slice %arg13[%dma_wait3A_204, %dma_wait3A_205] : memref<10048x64xf32, #tpu.memory_space<vmem_shared>> -> memref<10048x64xf32, #tpu.memory_space<vmem_shared>>
        tpu.wait_indirect_dma semaphore(%arg20 : memref<!tpu.dma_semaphore, #tpu.memory_space<semaphore_mem>>) src(%arg10 : memref<80x64xf32, #tpu.memory_space<vmem>>) dst(%dma_wait3A_206 : memref<10048x64xf32, #tpu.memory_space<vmem_shared>>)
        %add3A_207 = arith.constant 4 : i32
        %add3A_208 = arith.addi %mul3A_95, %add3A_207 : i32
        %add3A_209 = arith.constant 1 : i32
        %add3A_210 = arith.addi %add3A_208, %add3A_209 : i32
        %dma_start3A_211 = arith.constant 0 : i32
        %dma_start3A_212 = arith.constant 0 : i32
        %dma_start3A_213 = tpu.memref_slice %arg7[%add3A_210, %dma_start3A_211, %dma_start3A_212] : memref<128x1x80xi32, #tpu.memory_space<vmem>> -> memref<1x1x80xi32, #tpu.memory_space<vmem>>
        %dma_start3A_214 = tpu.memref_squeeze %dma_start3A_213 : memref<1x1x80xi32, #tpu.memory_space<vmem>> -> memref<80xi32, #tpu.memory_space<vmem>>
        %dma_start3A_215 = arith.constant 0 : i32
        %dma_start3A_216 = arith.constant 0 : i32
        %dma_start3A_217 = tpu.memref_slice %arg14[%dma_start3A_215, %dma_start3A_216] : memref<10048x64xf32, #tpu.memory_space<vmem_shared>> -> memref<10048x64xf32, #tpu.memory_space<vmem_shared>>
        tpu.enqueue_indirect_dma source(%dma_start3A_217 : memref<10048x64xf32, #tpu.memory_space<vmem_shared>>) target(%arg10 : memref<80x64xf32, #tpu.memory_space<vmem>>) offsets(%dma_start3A_214 : memref<80xi32, #tpu.memory_space<vmem>>) semaphore(%arg16 : memref<!tpu.dma_semaphore, #tpu.memory_space<semaphore_mem>>)
      } else {
      }
      %add3A_181 = arith.constant 4 : i32
      %add3A_182 = arith.addi %mul3A_95, %add3A_181 : i32
      %add3A_183 = arith.constant 2 : i32
      %add3A_184 = arith.addi %add3A_182, %add3A_183 : i32
      %lt3A_185 = arith.constant 128 : i32
      %lt3A_186 = arith.cmpi slt, %add3A_184, %lt3A_185 : i32
      %convert_element_type3A_187 = arith.extui %lt3A_186 : i1 to i32
      %cond3A_188 = arith.constant 0 : i32
      %cond3A_189 = arith.cmpi ne, %convert_element_type3A_187, %cond3A_188 : i32
      scf.if %cond3A_189 {
        %dma_wait3A_199 = arith.constant 0 : i32
        %dma_wait3A_200 = arith.constant 0 : i32
        %dma_wait3A_201 = arith.constant 0 : i32
        %dma_wait3A_202 = tpu.memref_slice %arg8[%dma_wait3A_199, %dma_wait3A_200, %dma_wait3A_201] : memref<128x1x80xi32, #tpu.memory_space<vmem>> -> memref<1x1x80xi32, #tpu.memory_space<vmem>>
        %dma_wait3A_203 = tpu.memref_squeeze %dma_wait3A_202 : memref<1x1x80xi32, #tpu.memory_space<vmem>> -> memref<80xi32, #tpu.memory_space<vmem>>
        %dma_wait3A_204 = arith.constant 0 : i32
        %dma_wait3A_205 = arith.constant 0 : i32
        %dma_wait3A_206 = tpu.memref_slice %arg13[%dma_wait3A_204, %dma_wait3A_205] : memref<10048x64xf32, #tpu.memory_space<vmem_shared>> -> memref<10048x64xf32, #tpu.memory_space<vmem_shared>>
        tpu.wait_indirect_dma semaphore(%arg21 : memref<!tpu.dma_semaphore, #tpu.memory_space<semaphore_mem>>) src(%arg11 : memref<80x64xf32, #tpu.memory_space<vmem>>) dst(%dma_wait3A_206 : memref<10048x64xf32, #tpu.memory_space<vmem_shared>>)
        %add3A_207 = arith.constant 4 : i32
        %add3A_208 = arith.addi %mul3A_95, %add3A_207 : i32
        %add3A_209 = arith.constant 2 : i32
        %add3A_210 = arith.addi %add3A_208, %add3A_209 : i32
        %dma_start3A_211 = arith.constant 0 : i32
        %dma_start3A_212 = arith.constant 0 : i32
        %dma_start3A_213 = tpu.memref_slice %arg7[%add3A_210, %dma_start3A_211, %dma_start3A_212] : memref<128x1x80xi32, #tpu.memory_space<vmem>> -> memref<1x1x80xi32, #tpu.memory_space<vmem>>
        %dma_start3A_214 = tpu.memref_squeeze %dma_start3A_213 : memref<1x1x80xi32, #tpu.memory_space<vmem>> -> memref<80xi32, #tpu.memory_space<vmem>>
        %dma_start3A_215 = arith.constant 0 : i32
        %dma_start3A_216 = arith.constant 0 : i32
        %dma_start3A_217 = tpu.memref_slice %arg14[%dma_start3A_215, %dma_start3A_216] : memref<10048x64xf32, #tpu.memory_space<vmem_shared>> -> memref<10048x64xf32, #tpu.memory_space<vmem_shared>>
        tpu.enqueue_indirect_dma source(%dma_start3A_217 : memref<10048x64xf32, #tpu.memory_space<vmem_shared>>) target(%arg11 : memref<80x64xf32, #tpu.memory_space<vmem>>) offsets(%dma_start3A_214 : memref<80xi32, #tpu.memory_space<vmem>>) semaphore(%arg17 : memref<!tpu.dma_semaphore, #tpu.memory_space<semaphore_mem>>)
      } else {
      }
      %add3A_190 = arith.constant 4 : i32
      %add3A_191 = arith.addi %mul3A_95, %add3A_190 : i32
      %add3A_192 = arith.constant 3 : i32
      %add3A_193 = arith.addi %add3A_191, %add3A_192 : i32
      %lt3A_194 = arith.constant 128 : i32
      %lt3A_195 = arith.cmpi slt, %add3A_193, %lt3A_194 : i32
      %convert_element_type3A_196 = arith.extui %lt3A_195 : i1 to i32
      %cond3A_197 = arith.constant 0 : i32
      %cond3A_198 = arith.cmpi ne, %convert_element_type3A_196, %cond3A_197 : i32
      scf.if %cond3A_198 {
        %dma_wait3A_199 = arith.constant 0 : i32
        %dma_wait3A_200 = arith.constant 0 : i32
        %dma_wait3A_201 = arith.constant 0 : i32
        %dma_wait3A_202 = tpu.memref_slice %arg8[%dma_wait3A_199, %dma_wait3A_200, %dma_wait3A_201] : memref<128x1x80xi32, #tpu.memory_space<vmem>> -> memref<1x1x80xi32, #tpu.memory_space<vmem>>
        %dma_wait3A_203 = tpu.memref_squeeze %dma_wait3A_202 : memref<1x1x80xi32, #tpu.memory_space<vmem>> -> memref<80xi32, #tpu.memory_space<vmem>>
        %dma_wait3A_204 = arith.constant 0 : i32
        %dma_wait3A_205 = arith.constant 0 : i32
        %dma_wait3A_206 = tpu.memref_slice %arg13[%dma_wait3A_204, %dma_wait3A_205] : memref<10048x64xf32, #tpu.memory_space<vmem_shared>> -> memref<10048x64xf32, #tpu.memory_space<vmem_shared>>
        tpu.wait_indirect_dma semaphore(%arg22 : memref<!tpu.dma_semaphore, #tpu.memory_space<semaphore_mem>>) src(%arg12 : memref<80x64xf32, #tpu.memory_space<vmem>>) dst(%dma_wait3A_206 : memref<10048x64xf32, #tpu.memory_space<vmem_shared>>)
        %add3A_207 = arith.constant 4 : i32
        %add3A_208 = arith.addi %mul3A_95, %add3A_207 : i32
        %add3A_209 = arith.constant 3 : i32
        %add3A_210 = arith.addi %add3A_208, %add3A_209 : i32
        %dma_start3A_211 = arith.constant 0 : i32
        %dma_start3A_212 = arith.constant 0 : i32
        %dma_start3A_213 = tpu.memref_slice %arg7[%add3A_210, %dma_start3A_211, %dma_start3A_212] : memref<128x1x80xi32, #tpu.memory_space<vmem>> -> memref<1x1x80xi32, #tpu.memory_space<vmem>>
        %dma_start3A_214 = tpu.memref_squeeze %dma_start3A_213 : memref<1x1x80xi32, #tpu.memory_space<vmem>> -> memref<80xi32, #tpu.memory_space<vmem>>
        %dma_start3A_215 = arith.constant 0 : i32
        %dma_start3A_216 = arith.constant 0 : i32
        %dma_start3A_217 = tpu.memref_slice %arg14[%dma_start3A_215, %dma_start3A_216] : memref<10048x64xf32, #tpu.memory_space<vmem_shared>> -> memref<10048x64xf32, #tpu.memory_space<vmem_shared>>
        tpu.enqueue_indirect_dma source(%dma_start3A_217 : memref<10048x64xf32, #tpu.memory_space<vmem_shared>>) target(%arg12 : memref<80x64xf32, #tpu.memory_space<vmem>>) offsets(%dma_start3A_214 : memref<80xi32, #tpu.memory_space<vmem>>) semaphore(%arg18 : memref<!tpu.dma_semaphore, #tpu.memory_space<semaphore_mem>>)
      } else {
      }
    }
    %scan3A_51 = arith.constant 32 : i32
    %dma_wait3A = arith.constant 0 : i32
    %dma_wait3A_52 = arith.constant 0 : i32
    %dma_wait3A_53 = arith.constant 0 : i32
    %dma_wait3A_54 = tpu.memref_slice %arg8[%dma_wait3A, %dma_wait3A_52, %dma_wait3A_53] : memref<128x1x80xi32, #tpu.memory_space<vmem>> -> memref<1x1x80xi32, #tpu.memory_space<vmem>>
    %dma_wait3A_55 = tpu.memref_squeeze %dma_wait3A_54 : memref<1x1x80xi32, #tpu.memory_space<vmem>> -> memref<80xi32, #tpu.memory_space<vmem>>
    %dma_wait3A_56 = arith.constant 0 : i32
    %dma_wait3A_57 = arith.constant 0 : i32
    %dma_wait3A_58 = tpu.memref_slice %arg13[%dma_wait3A_56, %dma_wait3A_57] : memref<10048x64xf32, #tpu.memory_space<vmem_shared>> -> memref<10048x64xf32, #tpu.memory_space<vmem_shared>>
    tpu.wait_indirect_dma semaphore(%arg19 : memref<!tpu.dma_semaphore, #tpu.memory_space<semaphore_mem>>) src(%arg9 : memref<80x64xf32, #tpu.memory_space<vmem>>) dst(%dma_wait3A_58 : memref<10048x64xf32, #tpu.memory_space<vmem_shared>>)
    %dma_wait3A_59 = arith.constant 0 : i32
    %dma_wait3A_60 = arith.constant 0 : i32
    %dma_wait3A_61 = arith.constant 0 : i32
    %dma_wait3A_62 = tpu.memref_slice %arg8[%dma_wait3A_59, %dma_wait3A_60, %dma_wait3A_61] : memref<128x1x80xi32, #tpu.memory_space<vmem>> -> memref<1x1x80xi32, #tpu.memory_space<vmem>>
    %dma_wait3A_63 = tpu.memref_squeeze %dma_wait3A_62 : memref<1x1x80xi32, #tpu.memory_space<vmem>> -> memref<80xi32, #tpu.memory_space<vmem>>
    %dma_wait3A_64 = arith.constant 0 : i32
    %dma_wait3A_65 = arith.constant 0 : i32
    %dma_wait3A_66 = tpu.memref_slice %arg13[%dma_wait3A_64, %dma_wait3A_65] : memref<10048x64xf32, #tpu.memory_space<vmem_shared>> -> memref<10048x64xf32, #tpu.memory_space<vmem_shared>>
    tpu.wait_indirect_dma semaphore(%arg20 : memref<!tpu.dma_semaphore, #tpu.memory_space<semaphore_mem>>) src(%arg10 : memref<80x64xf32, #tpu.memory_space<vmem>>) dst(%dma_wait3A_66 : memref<10048x64xf32, #tpu.memory_space<vmem_shared>>)
    %dma_wait3A_67 = arith.constant 0 : i32
    %dma_wait3A_68 = arith.constant 0 : i32
    %dma_wait3A_69 = arith.constant 0 : i32
    %dma_wait3A_70 = tpu.memref_slice %arg8[%dma_wait3A_67, %dma_wait3A_68, %dma_wait3A_69] : memref<128x1x80xi32, #tpu.memory_space<vmem>> -> memref<1x1x80xi32, #tpu.memory_space<vmem>>
    %dma_wait3A_71 = tpu.memref_squeeze %dma_wait3A_70 : memref<1x1x80xi32, #tpu.memory_space<vmem>> -> memref<80xi32, #tpu.memory_space<vmem>>
    %dma_wait3A_72 = arith.constant 0 : i32
    %dma_wait3A_73 = arith.constant 0 : i32
    %dma_wait3A_74 = tpu.memref_slice %arg13[%dma_wait3A_72, %dma_wait3A_73] : memref<10048x64xf32, #tpu.memory_space<vmem_shared>> -> memref<10048x64xf32, #tpu.memory_space<vmem_shared>>
    tpu.wait_indirect_dma semaphore(%arg21 : memref<!tpu.dma_semaphore, #tpu.memory_space<semaphore_mem>>) src(%arg11 : memref<80x64xf32, #tpu.memory_space<vmem>>) dst(%dma_wait3A_74 : memref<10048x64xf32, #tpu.memory_space<vmem_shared>>)
    %dma_wait3A_75 = arith.constant 0 : i32
    %dma_wait3A_76 = arith.constant 0 : i32
    %dma_wait3A_77 = arith.constant 0 : i32
    %dma_wait3A_78 = tpu.memref_slice %arg8[%dma_wait3A_75, %dma_wait3A_76, %dma_wait3A_77] : memref<128x1x80xi32, #tpu.memory_space<vmem>> -> memref<1x1x80xi32, #tpu.memory_space<vmem>>
    %dma_wait3A_79 = tpu.memref_squeeze %dma_wait3A_78 : memref<1x1x80xi32, #tpu.memory_space<vmem>> -> memref<80xi32, #tpu.memory_space<vmem>>
    %dma_wait3A_80 = arith.constant 0 : i32
    %dma_wait3A_81 = arith.constant 0 : i32
    %dma_wait3A_82 = tpu.memref_slice %arg13[%dma_wait3A_80, %dma_wait3A_81] : memref<10048x64xf32, #tpu.memory_space<vmem_shared>> -> memref<10048x64xf32, #tpu.memory_space<vmem_shared>>
    tpu.wait_indirect_dma semaphore(%arg22 : memref<!tpu.dma_semaphore, #tpu.memory_space<semaphore_mem>>) src(%arg12 : memref<80x64xf32, #tpu.memory_space<vmem>>) dst(%dma_wait3A_82 : memref<10048x64xf32, #tpu.memory_space<vmem_shared>>)
    %barrier3A_83 = arith.constant 0 : index
    tpu.barrier barrier_id(%barrier3A_83)
    %lt3A_84 = arith.constant 8 : i32
    %lt3A_85 = arith.cmpi slt, %arg1, %lt3A_84 : i32
    %convert_element_type3A_86 = arith.extui %lt3A_85 : i1 to i32
    %cond3A_87 = arith.constant 0 : i32
    %cond3A_88 = arith.cmpi ne, %convert_element_type3A_86, %cond3A_87 : i32
    scf.if %cond3A_88 {
      %mul3A = arith.constant 632 : i32
      %mul3A_94 = arith.muli %arg1, %mul3A : i32
      %multiple_of3A = tpu.assume_multiple %mul3A_94, 8 : i32
      "tpu.region"() ({
        %run_scoped3A = tpu.sem_alloc : memref<!tpu.dma_semaphore, #tpu.memory_space<semaphore_mem>>
        %dma_start3A_95 = arith.constant 0 : i32
        %dma_start3A_96 = arith.constant 0 : i32
        %dma_start3A_97 = tpu.memref_slice %arg6[%arg0, %dma_start3A_95, %dma_start3A_96] : memref<2x10048x64xf32, #tpu.memory_space<hbm>> -> memref<1x10048x64xf32, #tpu.memory_space<hbm>>
        %dma_start3A_98 = tpu.memref_squeeze %dma_start3A_97 : memref<1x10048x64xf32, #tpu.memory_space<hbm>> -> memref<10048x64xf32, #tpu.memory_space<hbm>>
        %dma_start3A_99 = arith.constant 0 : i32
        %dma_start3A_100 = tpu.memref_slice %dma_start3A_98[%multiple_of3A, %dma_start3A_99] : memref<10048x64xf32, #tpu.memory_space<hbm>> -> memref<632x64xf32, #tpu.memory_space<hbm>>
        %dma_start3A_101 = arith.constant 0 : i32
        %dma_start3A_102 = tpu.memref_slice %arg13[%multiple_of3A, %dma_start3A_101] : memref<10048x64xf32, #tpu.memory_space<vmem_shared>> -> memref<632x64xf32, #tpu.memory_space<vmem_shared>>
        tpu.enqueue_dma source(%dma_start3A_102 : memref<632x64xf32, #tpu.memory_space<vmem_shared>>) target(%dma_start3A_100 : memref<632x64xf32, #tpu.memory_space<hbm>>) target_semaphore(%run_scoped3A : memref<!tpu.dma_semaphore, #tpu.memory_space<semaphore_mem>>)
        %dma_wait3A_103 = arith.constant 0 : i32
        %dma_wait3A_104 = arith.constant 0 : i32
        %dma_wait3A_105 = tpu.memref_slice %arg6[%arg0, %dma_wait3A_103, %dma_wait3A_104] : memref<2x10048x64xf32, #tpu.memory_space<hbm>> -> memref<1x10048x64xf32, #tpu.memory_space<hbm>>
        %dma_wait3A_106 = tpu.memref_squeeze %dma_wait3A_105 : memref<1x10048x64xf32, #tpu.memory_space<hbm>> -> memref<10048x64xf32, #tpu.memory_space<hbm>>
        %dma_wait3A_107 = arith.constant 0 : i32
        %dma_wait3A_108 = tpu.memref_slice %dma_wait3A_106[%multiple_of3A, %dma_wait3A_107] : memref<10048x64xf32, #tpu.memory_space<hbm>> -> memref<632x64xf32, #tpu.memory_space<hbm>>
        %dma_wait3A_109 = arith.constant 0 : i32
        %dma_wait3A_110 = tpu.memref_slice %arg13[%multiple_of3A, %dma_wait3A_109] : memref<10048x64xf32, #tpu.memory_space<vmem_shared>> -> memref<632x64xf32, #tpu.memory_space<vmem_shared>>
        tpu.wait_dma2 semaphore(%run_scoped3A : memref<!tpu.dma_semaphore, #tpu.memory_space<semaphore_mem>>) src(%dma_wait3A_110 : memref<632x64xf32, #tpu.memory_space<vmem_shared>>) dst(%dma_wait3A_108 : memref<632x64xf32, #tpu.memory_space<hbm>>)
        tpu.yield
      }) : () -> ()
    } else {
    }
    %ge3A_89 = arith.constant 8 : i32
    %ge3A_90 = arith.cmpi sge, %arg1, %ge3A_89 : i32
    %convert_element_type3A_91 = arith.extui %ge3A_90 : i1 to i32
    %cond3A_92 = arith.constant 0 : i32
    %cond3A_93 = arith.cmpi ne, %convert_element_type3A_91, %cond3A_92 : i32
    scf.if %cond3A_93 {
      %sub3A = arith.constant 8 : i32
      %sub3A_94 = arith.subi %arg1, %sub3A : i32
      %mul3A = arith.constant 624 : i32
      %mul3A_95 = arith.muli %sub3A_94, %mul3A : i32
      %add3A = arith.constant 5056 : i32
      %add3A_96 = arith.addi %add3A, %mul3A_95 : i32
      %multiple_of3A = tpu.assume_multiple %add3A_96, 8 : i32
      "tpu.region"() ({
        %run_scoped3A = tpu.sem_alloc : memref<!tpu.dma_semaphore, #tpu.memory_space<semaphore_mem>>
        %dma_start3A_97 = arith.constant 0 : i32
        %dma_start3A_98 = arith.constant 0 : i32
        %dma_start3A_99 = tpu.memref_slice %arg6[%arg0, %dma_start3A_97, %dma_start3A_98] : memref<2x10048x64xf32, #tpu.memory_space<hbm>> -> memref<1x10048x64xf32, #tpu.memory_space<hbm>>
        %dma_start3A_100 = tpu.memref_squeeze %dma_start3A_99 : memref<1x10048x64xf32, #tpu.memory_space<hbm>> -> memref<10048x64xf32, #tpu.memory_space<hbm>>
        %dma_start3A_101 = arith.constant 0 : i32
        %dma_start3A_102 = tpu.memref_slice %dma_start3A_100[%multiple_of3A, %dma_start3A_101] : memref<10048x64xf32, #tpu.memory_space<hbm>> -> memref<624x64xf32, #tpu.memory_space<hbm>>
        %dma_start3A_103 = arith.constant 0 : i32
        %dma_start3A_104 = tpu.memref_slice %arg13[%multiple_of3A, %dma_start3A_103] : memref<10048x64xf32, #tpu.memory_space<vmem_shared>> -> memref<624x64xf32, #tpu.memory_space<vmem_shared>>
        tpu.enqueue_dma source(%dma_start3A_104 : memref<624x64xf32, #tpu.memory_space<vmem_shared>>) target(%dma_start3A_102 : memref<624x64xf32, #tpu.memory_space<hbm>>) target_semaphore(%run_scoped3A : memref<!tpu.dma_semaphore, #tpu.memory_space<semaphore_mem>>)
        %dma_wait3A_105 = arith.constant 0 : i32
        %dma_wait3A_106 = arith.constant 0 : i32
        %dma_wait3A_107 = tpu.memref_slice %arg6[%arg0, %dma_wait3A_105, %dma_wait3A_106] : memref<2x10048x64xf32, #tpu.memory_space<hbm>> -> memref<1x10048x64xf32, #tpu.memory_space<hbm>>
        %dma_wait3A_108 = tpu.memref_squeeze %dma_wait3A_107 : memref<1x10048x64xf32, #tpu.memory_space<hbm>> -> memref<10048x64xf32, #tpu.memory_space<hbm>>
        %dma_wait3A_109 = arith.constant 0 : i32
        %dma_wait3A_110 = tpu.memref_slice %dma_wait3A_108[%multiple_of3A, %dma_wait3A_109] : memref<10048x64xf32, #tpu.memory_space<hbm>> -> memref<624x64xf32, #tpu.memory_space<hbm>>
        %dma_wait3A_111 = arith.constant 0 : i32
        %dma_wait3A_112 = tpu.memref_slice %arg13[%multiple_of3A, %dma_wait3A_111] : memref<10048x64xf32, #tpu.memory_space<vmem_shared>> -> memref<624x64xf32, #tpu.memory_space<vmem_shared>>
        tpu.wait_dma2 semaphore(%run_scoped3A : memref<!tpu.dma_semaphore, #tpu.memory_space<semaphore_mem>>) src(%dma_wait3A_112 : memref<624x64xf32, #tpu.memory_space<vmem_shared>>) dst(%dma_wait3A_110 : memref<624x64xf32, #tpu.memory_space<hbm>>)
        tpu.yield
      }) : () -> ()
    } else {
    }
    return
  }
}

module attributes {stable_mosaic.version = 14 : i64} {
  func.func @body(%arg0: i32, %arg1: memref<1256x256xf32, #tpu.memory_space<vmem>>, %arg2: memref<256x256xf32, #tpu.memory_space<vmem>>, %arg3: memref<4x1256x64xf32, #tpu.memory_space<vmem>>) attributes {dimension_semantics = [#tpu.dimension_semantics<arbitrary>], iteration_bounds = array<i64: 8>, scalar_prefetch = 0 : i64, scratch_operands = 0 : i64, tpu.core_type = #tpu.core_type<tc>, window_params = [{transform_indices = @transform_0, window_bounds = array<i64: 1256, 256>}, {pipeline_mode = #tpu.pipeline_mode<synchronous>, transform_indices = @transform_1, window_bounds = array<i64: 256, 256>}, {transform_indices = @transform_2, window_bounds = array<i64: 4, 1256, 64>}]} {
    %get3A = arith.constant 0 : index
    %get3A_0 = arith.constant 0 : index
    %get3A_1 = vector.load %arg1[%get3A, %get3A_0] : memref<1256x256xf32, #tpu.memory_space<vmem>>, vector<1256x256xf32>
    %get3A_2 = arith.constant 0 : index
    %get3A_3 = arith.constant 0 : index
    %get3A_4 = vector.load %arg2[%get3A_2, %get3A_3] : memref<256x256xf32, #tpu.memory_space<vmem>>, vector<256x256xf32>
    %dot_general3A = arith.constant dense<0.000000e+00> : vector<1256x256xf32>
    %dot_general3A_5 = tpu.matmul %get3A_1, %get3A_4, %dot_general3A {dimension_numbers = #tpu.dot_dimension_numbers<[1], [1], [0], [0], [0, 0, 1, 0], [], []>, transpose_lhs_hint = false} : vector<1256x256xf32>, vector<256x256xf32>, vector<1256x256xf32> -> vector<1256x256xf32>
    %mul3A = arith.constant 1256 : i32
    %mul3A_6 = arith.muli %arg0, %mul3A : i32
    %iota3A = tpu.iota {dimensions = array<i32: 0>} : vector<1256x256xi32>
    %add3A = vector.broadcast %mul3A_6 : i32 to vector<1256x256xi32>
    %add3A_7 = arith.addi %add3A, %iota3A : vector<1256x256xi32>
    %lt3A = arith.constant 10000 : i32
    %lt3A_8 = vector.broadcast %lt3A : i32 to vector<1256x256xi32>
    %lt3A_9 = arith.cmpi slt, %add3A_7, %lt3A_8 : vector<1256x256xi32>
    %jit3A = arith.constant 0.000000e+00 : f32
    %broadcast_in_dim3A = vector.broadcast %jit3A : f32 to vector<1256x256xf32>
    %select_n3A = arith.select %lt3A_9, %dot_general3A_5, %broadcast_in_dim3A : vector<1256x256xi1>, vector<1256x256xf32>
    %slice3A = vector.extract_strided_slice %select_n3A {offsets = [0, 0], sizes = [1256, 64], strides = [1, 1]} : vector<1256x256xf32> to vector<1256x64xf32>
    %swap3A = arith.constant 0 : index
    %swap3A_10 = arith.constant 0 : index
    %swap3A_11 = arith.constant 0 : index
    %swap3A_12 = vector.load %arg3[%swap3A, %swap3A_10, %swap3A_11] : memref<4x1256x64xf32, #tpu.memory_space<vmem>>, vector<1x1256x64xf32>
    %swap3A_13 = vector.shape_cast %swap3A_12 : vector<1x1256x64xf32> to vector<1256x64xf32>
    %swap3A_14 = vector.shape_cast %slice3A : vector<1256x64xf32> to vector<1x1256x64xf32>
    tpu.vector_store %arg3[%swap3A, %swap3A_10, %swap3A_11], %swap3A_14 {strides = array<i32>} : memref<4x1256x64xf32, #tpu.memory_space<vmem>>, vector<1x1256x64xf32>,
    %slice3A_15 = vector.extract_strided_slice %select_n3A {offsets = [0, 64], sizes = [1256, 64], strides = [1, 1]} : vector<1256x256xf32> to vector<1256x64xf32>
    %swap3A_16 = arith.constant 1 : index
    %swap3A_17 = arith.constant 0 : index
    %swap3A_18 = arith.constant 0 : index
    %swap3A_19 = vector.load %arg3[%swap3A_16, %swap3A_17, %swap3A_18] : memref<4x1256x64xf32, #tpu.memory_space<vmem>>, vector<1x1256x64xf32>
    %swap3A_20 = vector.shape_cast %swap3A_19 : vector<1x1256x64xf32> to vector<1256x64xf32>
    %swap3A_21 = vector.shape_cast %slice3A_15 : vector<1256x64xf32> to vector<1x1256x64xf32>
    tpu.vector_store %arg3[%swap3A_16, %swap3A_17, %swap3A_18], %swap3A_21 {strides = array<i32>} : memref<4x1256x64xf32, #tpu.memory_space<vmem>>, vector<1x1256x64xf32>,
    %slice3A_22 = vector.extract_strided_slice %select_n3A {offsets = [0, 128], sizes = [1256, 64], strides = [1, 1]} : vector<1256x256xf32> to vector<1256x64xf32>
    %swap3A_23 = arith.constant 2 : index
    %swap3A_24 = arith.constant 0 : index
    %swap3A_25 = arith.constant 0 : index
    %swap3A_26 = vector.load %arg3[%swap3A_23, %swap3A_24, %swap3A_25] : memref<4x1256x64xf32, #tpu.memory_space<vmem>>, vector<1x1256x64xf32>
    %swap3A_27 = vector.shape_cast %swap3A_26 : vector<1x1256x64xf32> to vector<1256x64xf32>
    %swap3A_28 = vector.shape_cast %slice3A_22 : vector<1256x64xf32> to vector<1x1256x64xf32>
    tpu.vector_store %arg3[%swap3A_23, %swap3A_24, %swap3A_25], %swap3A_28 {strides = array<i32>} : memref<4x1256x64xf32, #tpu.memory_space<vmem>>, vector<1x1256x64xf32>,
    %slice3A_29 = vector.extract_strided_slice %select_n3A {offsets = [0, 192], sizes = [1256, 64], strides = [1, 1]} : vector<1256x256xf32> to vector<1256x64xf32>
    %swap3A_30 = arith.constant 3 : index
    %swap3A_31 = arith.constant 0 : index
    %swap3A_32 = arith.constant 0 : index
    %swap3A_33 = vector.load %arg3[%swap3A_30, %swap3A_31, %swap3A_32] : memref<4x1256x64xf32, #tpu.memory_space<vmem>>, vector<1x1256x64xf32>
    %swap3A_34 = vector.shape_cast %swap3A_33 : vector<1x1256x64xf32> to vector<1256x64xf32>
    %swap3A_35 = vector.shape_cast %slice3A_29 : vector<1256x64xf32> to vector<1x1256x64xf32>
    tpu.vector_store %arg3[%swap3A_30, %swap3A_31, %swap3A_32], %swap3A_35 {strides = array<i32>} : memref<4x1256x64xf32, #tpu.memory_space<vmem>>, vector<1x1256x64xf32>,
    return
  }
  func.func @transform_0(%arg0: i32) -> (i32, i32) {
    %c0_i32 = arith.constant 0 : i32
    %c0_i32_0 = arith.constant 0 : i32
    return %arg0, %c0_i32 : i32, i32
  }
  func.func @transform_1(%arg0: i32) -> (i32, i32) {
    %c0_i32 = arith.constant 0 : i32
    %c0_i32_0 = arith.constant 0 : i32
    %c0_i32_1 = arith.constant 0 : i32
    return %c0_i32, %c0_i32_0 : i32, i32
  }
  func.func @transform_2(%arg0: i32) -> (i32, i32, i32) {
    %c0_i32 = arith.constant 0 : i32
    %c0_i32_0 = arith.constant 0 : i32
    %c0_i32_1 = arith.constant 0 : i32
    return %c0_i32, %arg0, %c0_i32_0 : i32, i32, i32
  }
}

module attributes {stable_mosaic.version = 14 : i64} {
  func.func @body(%arg0: i32, %arg1: memref<4x1256x64xf32, #tpu.memory_space<vmem>>, %arg2: memref<1x256xf32, #tpu.memory_space<vmem>>, %arg3: memref<128x256xf32, #tpu.memory_space<vmem>>, %arg4: memref<2x1256x64xf32, #tpu.memory_space<vmem>>) attributes {dimension_semantics = [#tpu.dimension_semantics<arbitrary>], iteration_bounds = array<i64: 8>, scalar_prefetch = 0 : i64, scratch_operands = 0 : i64, tpu.core_type = #tpu.core_type<tc>, window_params = [{transform_indices = @transform_0, window_bounds = array<i64: 4, 1256, 64>}, {pipeline_mode = #tpu.pipeline_mode<synchronous>, transform_indices = @transform_1, window_bounds = array<i64: 1, 256>}, {pipeline_mode = #tpu.pipeline_mode<synchronous>, transform_indices = @transform_2, window_bounds = array<i64: 128, 256>}, {transform_indices = @transform_3, window_bounds = array<i64: 2, 1256, 64>}]} {
    %get3A = arith.constant 0 : index
    %get3A_0 = arith.constant 0 : index
    %get3A_1 = arith.constant 0 : index
    %get3A_2 = vector.load %arg1[%get3A, %get3A_0, %get3A_1] : memref<4x1256x64xf32, #tpu.memory_space<vmem>>, vector<1x1256x64xf32>
    %get3A_3 = vector.shape_cast %get3A_2 : vector<1x1256x64xf32> to vector<1256x64xf32>
    %get3A_4 = arith.constant 1 : index
    %get3A_5 = arith.constant 0 : index
    %get3A_6 = arith.constant 0 : index
    %get3A_7 = vector.load %arg1[%get3A_4, %get3A_5, %get3A_6] : memref<4x1256x64xf32, #tpu.memory_space<vmem>>, vector<1x1256x64xf32>
    %get3A_8 = vector.shape_cast %get3A_7 : vector<1x1256x64xf32> to vector<1256x64xf32>
    %get3A_9 = arith.constant 2 : index
    %get3A_10 = arith.constant 0 : index
    %get3A_11 = arith.constant 0 : index
    %get3A_12 = vector.load %arg1[%get3A_9, %get3A_10, %get3A_11] : memref<4x1256x64xf32, #tpu.memory_space<vmem>>, vector<1x1256x64xf32>
    %get3A_13 = vector.shape_cast %get3A_12 : vector<1x1256x64xf32> to vector<1256x64xf32>
    %get3A_14 = arith.constant 3 : index
    %get3A_15 = arith.constant 0 : index
    %get3A_16 = arith.constant 0 : index
    %get3A_17 = vector.load %arg1[%get3A_14, %get3A_15, %get3A_16] : memref<4x1256x64xf32, #tpu.memory_space<vmem>>, vector<1x1256x64xf32>
    %get3A_18 = vector.shape_cast %get3A_17 : vector<1x1256x64xf32> to vector<1256x64xf32>
    %concatenate3A = tpu.concatenate %get3A_3, %get3A_8, %get3A_13, %get3A_18 in 1 : vector<1256x64xf32>, vector<1256x64xf32>, vector<1256x64xf32>, vector<1256x64xf32> -> vector<1256x256xf32>
    %get3A_19 = arith.constant 0 : index
    %get3A_20 = arith.constant 0 : index
    %get3A_21 = vector.load %arg2[%get3A_19, %get3A_20] : memref<1x256xf32, #tpu.memory_space<vmem>>, vector<1x256xf32>
    %add3A = vector.broadcast %get3A_21 : vector<1x256xf32> to vector<1256x256xf32>
    %add3A_22 = arith.addf %concatenate3A, %add3A : vector<1256x256xf32>
    %max3A = arith.constant 0.000000e+00 : f32
    %max3A_23 = vector.broadcast %max3A : f32 to vector<1256x256xf32>
    %max3A_24 = arith.maximumf %add3A_22, %max3A_23 : vector<1256x256xf32>
    %get3A_25 = arith.constant 0 : index
    %get3A_26 = arith.constant 0 : index
    %get3A_27 = vector.load %arg3[%get3A_25, %get3A_26] : memref<128x256xf32, #tpu.memory_space<vmem>>, vector<128x256xf32>
    %dot_general3A = arith.constant dense<0.000000e+00> : vector<1256x128xf32>
    %dot_general3A_28 = tpu.matmul %max3A_24, %get3A_27, %dot_general3A {dimension_numbers = #tpu.dot_dimension_numbers<[1], [1], [0], [0], [0, 0, 1, 0], [], []>, transpose_lhs_hint = false} : vector<1256x256xf32>, vector<128x256xf32>, vector<1256x128xf32> -> vector<1256x128xf32>
    %mul3A = arith.constant 1256 : i32
    %mul3A_29 = arith.muli %arg0, %mul3A : i32
    %iota3A = tpu.iota {dimensions = array<i32: 0>} : vector<1256x128xi32>
    %add3A_30 = vector.broadcast %mul3A_29 : i32 to vector<1256x128xi32>
    %add3A_31 = arith.addi %add3A_30, %iota3A : vector<1256x128xi32>
    %lt3A = arith.constant 10000 : i32
    %lt3A_32 = vector.broadcast %lt3A : i32 to vector<1256x128xi32>
    %lt3A_33 = arith.cmpi slt, %add3A_31, %lt3A_32 : vector<1256x128xi32>
    %jit3A = arith.constant 0.000000e+00 : f32
    %broadcast_in_dim3A = vector.broadcast %jit3A : f32 to vector<1256x128xf32>
    %select_n3A = arith.select %lt3A_33, %dot_general3A_28, %broadcast_in_dim3A : vector<1256x128xi1>, vector<1256x128xf32>
    %slice3A = vector.extract_strided_slice %select_n3A {offsets = [0, 0], sizes = [1256, 64], strides = [1, 1]} : vector<1256x128xf32> to vector<1256x64xf32>
    %swap3A = arith.constant 0 : index
    %swap3A_34 = arith.constant 0 : index
    %swap3A_35 = arith.constant 0 : index
    %swap3A_36 = vector.load %arg4[%swap3A, %swap3A_34, %swap3A_35] : memref<2x1256x64xf32, #tpu.memory_space<vmem>>, vector<1x1256x64xf32>
    %swap3A_37 = vector.shape_cast %swap3A_36 : vector<1x1256x64xf32> to vector<1256x64xf32>
    %swap3A_38 = vector.shape_cast %slice3A : vector<1256x64xf32> to vector<1x1256x64xf32>
    tpu.vector_store %arg4[%swap3A, %swap3A_34, %swap3A_35], %swap3A_38 {strides = array<i32>} : memref<2x1256x64xf32, #tpu.memory_space<vmem>>, vector<1x1256x64xf32>,
    %slice3A_39 = vector.extract_strided_slice %select_n3A {offsets = [0, 64], sizes = [1256, 64], strides = [1, 1]} : vector<1256x128xf32> to vector<1256x64xf32>
    %swap3A_40 = arith.constant 1 : index
    %swap3A_41 = arith.constant 0 : index
    %swap3A_42 = arith.constant 0 : index
    %swap3A_43 = vector.load %arg4[%swap3A_40, %swap3A_41, %swap3A_42] : memref<2x1256x64xf32, #tpu.memory_space<vmem>>, vector<1x1256x64xf32>
    %swap3A_44 = vector.shape_cast %swap3A_43 : vector<1x1256x64xf32> to vector<1256x64xf32>
    %swap3A_45 = vector.shape_cast %slice3A_39 : vector<1256x64xf32> to vector<1x1256x64xf32>
    tpu.vector_store %arg4[%swap3A_40, %swap3A_41, %swap3A_42], %swap3A_45 {strides = array<i32>} : memref<2x1256x64xf32, #tpu.memory_space<vmem>>, vector<1x1256x64xf32>,
    return
  }
  func.func @transform_0(%arg0: i32) -> (i32, i32, i32) {
    %c0_i32 = arith.constant 0 : i32
    %c0_i32_0 = arith.constant 0 : i32
    %c0_i32_1 = arith.constant 0 : i32
    return %c0_i32, %arg0, %c0_i32_0 : i32, i32, i32
  }
  func.func @transform_1(%arg0: i32) -> (i32, i32) {
    %c0_i32 = arith.constant 0 : i32
    %c0_i32_0 = arith.constant 0 : i32
    %c0_i32_1 = arith.constant 0 : i32
    return %c0_i32, %c0_i32_0 : i32, i32
  }
  func.func @transform_2(%arg0: i32) -> (i32, i32) {
    %c0_i32 = arith.constant 0 : i32
    %c0_i32_0 = arith.constant 0 : i32
    %c0_i32_1 = arith.constant 0 : i32
    return %c0_i32, %c0_i32_0 : i32, i32
  }
  func.func @transform_3(%arg0: i32) -> (i32, i32, i32) {
    %c0_i32 = arith.constant 0 : i32
    %c0_i32_0 = arith.constant 0 : i32
    %c0_i32_1 = arith.constant 0 : i32
    return %c0_i32, %arg0, %c0_i32_0 : i32, i32, i32
  }
}

module attributes {stable_mosaic.version = 14 : i64} {
  func.func @body(%arg0: i32, %arg1: memref<2x1256x64xf32, #tpu.memory_space<vmem>>, %arg2: memref<1x128xf32, #tpu.memory_space<vmem>>, %arg3: memref<64x128xf32, #tpu.memory_space<vmem>>, %arg4: memref<2x1256x32xf32, #tpu.memory_space<vmem>>) attributes {dimension_semantics = [#tpu.dimension_semantics<arbitrary>], iteration_bounds = array<i64: 8>, scalar_prefetch = 0 : i64, scratch_operands = 0 : i64, tpu.core_type = #tpu.core_type<tc>, window_params = [{transform_indices = @transform_0, window_bounds = array<i64: 2, 1256, 64>}, {pipeline_mode = #tpu.pipeline_mode<synchronous>, transform_indices = @transform_1, window_bounds = array<i64: 1, 128>}, {pipeline_mode = #tpu.pipeline_mode<synchronous>, transform_indices = @transform_2, window_bounds = array<i64: 64, 128>}, {transform_indices = @transform_3, window_bounds = array<i64: 2, 1256, 32>}]} {
    %get3A = arith.constant 0 : index
    %get3A_0 = arith.constant 0 : index
    %get3A_1 = arith.constant 0 : index
    %get3A_2 = vector.load %arg1[%get3A, %get3A_0, %get3A_1] : memref<2x1256x64xf32, #tpu.memory_space<vmem>>, vector<1x1256x64xf32>
    %get3A_3 = vector.shape_cast %get3A_2 : vector<1x1256x64xf32> to vector<1256x64xf32>
    %get3A_4 = arith.constant 1 : index
    %get3A_5 = arith.constant 0 : index
    %get3A_6 = arith.constant 0 : index
    %get3A_7 = vector.load %arg1[%get3A_4, %get3A_5, %get3A_6] : memref<2x1256x64xf32, #tpu.memory_space<vmem>>, vector<1x1256x64xf32>
    %get3A_8 = vector.shape_cast %get3A_7 : vector<1x1256x64xf32> to vector<1256x64xf32>
    %concatenate3A = tpu.concatenate %get3A_3, %get3A_8 in 1 : vector<1256x64xf32>, vector<1256x64xf32> -> vector<1256x128xf32>
    %get3A_9 = arith.constant 0 : index
    %get3A_10 = arith.constant 0 : index
    %get3A_11 = vector.load %arg2[%get3A_9, %get3A_10] : memref<1x128xf32, #tpu.memory_space<vmem>>, vector<1x128xf32>
    %add3A = vector.broadcast %get3A_11 : vector<1x128xf32> to vector<1256x128xf32>
    %add3A_12 = arith.addf %concatenate3A, %add3A : vector<1256x128xf32>
    %max3A = arith.constant 0.000000e+00 : f32
    %max3A_13 = vector.broadcast %max3A : f32 to vector<1256x128xf32>
    %max3A_14 = arith.maximumf %add3A_12, %max3A_13 : vector<1256x128xf32>
    %get3A_15 = arith.constant 0 : index
    %get3A_16 = arith.constant 0 : index
    %get3A_17 = vector.load %arg3[%get3A_15, %get3A_16] : memref<64x128xf32, #tpu.memory_space<vmem>>, vector<64x128xf32>
    %dot_general3A = arith.constant dense<0.000000e+00> : vector<1256x64xf32>
    %dot_general3A_18 = tpu.matmul %max3A_14, %get3A_17, %dot_general3A {dimension_numbers = #tpu.dot_dimension_numbers<[1], [1], [0], [0], [0, 0, 1, 0], [], []>, transpose_lhs_hint = false} : vector<1256x128xf32>, vector<64x128xf32>, vector<1256x64xf32> -> vector<1256x64xf32>
    %mul3A = arith.constant 1256 : i32
    %mul3A_19 = arith.muli %arg0, %mul3A : i32
    %iota3A = tpu.iota {dimensions = array<i32: 0>} : vector<1256x64xi32>
    %add3A_20 = vector.broadcast %mul3A_19 : i32 to vector<1256x64xi32>
    %add3A_21 = arith.addi %add3A_20, %iota3A : vector<1256x64xi32>
    %lt3A = arith.constant 10000 : i32
    %lt3A_22 = vector.broadcast %lt3A : i32 to vector<1256x64xi32>
    %lt3A_23 = arith.cmpi slt, %add3A_21, %lt3A_22 : vector<1256x64xi32>
    %jit3A = arith.constant 0.000000e+00 : f32
    %broadcast_in_dim3A = vector.broadcast %jit3A : f32 to vector<1256x64xf32>
    %select_n3A = arith.select %lt3A_23, %dot_general3A_18, %broadcast_in_dim3A : vector<1256x64xi1>, vector<1256x64xf32>
    %slice3A = vector.extract_strided_slice %select_n3A {offsets = [0, 0], sizes = [1256, 32], strides = [1, 1]} : vector<1256x64xf32> to vector<1256x32xf32>
    %swap3A = arith.constant 0 : index
    %swap3A_24 = arith.constant 0 : index
    %swap3A_25 = arith.constant 0 : index
    %swap3A_26 = vector.load %arg4[%swap3A, %swap3A_24, %swap3A_25] : memref<2x1256x32xf32, #tpu.memory_space<vmem>>, vector<1x1256x32xf32>
    %swap3A_27 = vector.shape_cast %swap3A_26 : vector<1x1256x32xf32> to vector<1256x32xf32>
    %swap3A_28 = vector.shape_cast %slice3A : vector<1256x32xf32> to vector<1x1256x32xf32>
    tpu.vector_store %arg4[%swap3A, %swap3A_24, %swap3A_25], %swap3A_28 {strides = array<i32>} : memref<2x1256x32xf32, #tpu.memory_space<vmem>>, vector<1x1256x32xf32>,
    %slice3A_29 = vector.extract_strided_slice %select_n3A {offsets = [0, 32], sizes = [1256, 32], strides = [1, 1]} : vector<1256x64xf32> to vector<1256x32xf32>
    %swap3A_30 = arith.constant 1 : index
    %swap3A_31 = arith.constant 0 : index
    %swap3A_32 = arith.constant 0 : index
    %swap3A_33 = vector.load %arg4[%swap3A_30, %swap3A_31, %swap3A_32] : memref<2x1256x32xf32, #tpu.memory_space<vmem>>, vector<1x1256x32xf32>
    %swap3A_34 = vector.shape_cast %swap3A_33 : vector<1x1256x32xf32> to vector<1256x32xf32>
    %swap3A_35 = vector.shape_cast %slice3A_29 : vector<1256x32xf32> to vector<1x1256x32xf32>
    tpu.vector_store %arg4[%swap3A_30, %swap3A_31, %swap3A_32], %swap3A_35 {strides = array<i32>} : memref<2x1256x32xf32, #tpu.memory_space<vmem>>, vector<1x1256x32xf32>,
    return
  }
  func.func @transform_0(%arg0: i32) -> (i32, i32, i32) {
    %c0_i32 = arith.constant 0 : i32
    %c0_i32_0 = arith.constant 0 : i32
    %c0_i32_1 = arith.constant 0 : i32
    return %c0_i32, %arg0, %c0_i32_0 : i32, i32, i32
  }
  func.func @transform_1(%arg0: i32) -> (i32, i32) {
    %c0_i32 = arith.constant 0 : i32
    %c0_i32_0 = arith.constant 0 : i32
    %c0_i32_1 = arith.constant 0 : i32
    return %c0_i32, %c0_i32_0 : i32, i32
  }
  func.func @transform_2(%arg0: i32) -> (i32, i32) {
    %c0_i32 = arith.constant 0 : i32
    %c0_i32_0 = arith.constant 0 : i32
    %c0_i32_1 = arith.constant 0 : i32
    return %c0_i32, %c0_i32_0 : i32, i32
  }
  func.func @transform_3(%arg0: i32) -> (i32, i32, i32) {
    %c0_i32 = arith.constant 0 : i32
    %c0_i32_0 = arith.constant 0 : i32
    %c0_i32_1 = arith.constant 0 : i32
    return %c0_i32, %arg0, %c0_i32_0 : i32, i32, i32
  }
}

module attributes {stable_mosaic.version = 14 : i64} {
  func.func @body(%arg0: i32, %arg1: memref<2x1256x32xf32, #tpu.memory_space<vmem>>, %arg2: memref<1x64xf32, #tpu.memory_space<vmem>>, %arg3: memref<1256x50xf32, #tpu.memory_space<vmem>>) attributes {dimension_semantics = [#tpu.dimension_semantics<arbitrary>], iteration_bounds = array<i64: 8>, scalar_prefetch = 0 : i64, scratch_operands = 0 : i64, tpu.core_type = #tpu.core_type<tc>, window_params = [{transform_indices = @transform_0, window_bounds = array<i64: 2, 1256, 32>}, {pipeline_mode = #tpu.pipeline_mode<synchronous>, transform_indices = @transform_1, window_bounds = array<i64: 1, 64>}, {transform_indices = @transform_2, window_bounds = array<i64: 1256, 50>}]} {
    %get3A = arith.constant 0 : index
    %get3A_0 = arith.constant 0 : index
    %get3A_1 = arith.constant 0 : index
    %get3A_2 = vector.load %arg1[%get3A, %get3A_0, %get3A_1] : memref<2x1256x32xf32, #tpu.memory_space<vmem>>, vector<1x1256x32xf32>
    %get3A_3 = vector.shape_cast %get3A_2 : vector<1x1256x32xf32> to vector<1256x32xf32>
    %get3A_4 = arith.constant 1 : index
    %get3A_5 = arith.constant 0 : index
    %get3A_6 = arith.constant 0 : index
    %get3A_7 = vector.load %arg1[%get3A_4, %get3A_5, %get3A_6] : memref<2x1256x32xf32, #tpu.memory_space<vmem>>, vector<1x1256x32xf32>
    %get3A_8 = vector.shape_cast %get3A_7 : vector<1x1256x32xf32> to vector<1256x32xf32>
    %concatenate3A = tpu.concatenate %get3A_3, %get3A_8 in 1 : vector<1256x32xf32>, vector<1256x32xf32> -> vector<1256x64xf32>
    %get3A_9 = arith.constant 0 : index
    %get3A_10 = arith.constant 0 : index
    %get3A_11 = vector.load %arg2[%get3A_9, %get3A_10] : memref<1x64xf32, #tpu.memory_space<vmem>>, vector<1x64xf32>
    %add3A = vector.broadcast %get3A_11 : vector<1x64xf32> to vector<1256x64xf32>
    %add3A_12 = arith.addf %concatenate3A, %add3A : vector<1256x64xf32>
    %max3A = arith.constant 0.000000e+00 : f32
    %max3A_13 = vector.broadcast %max3A : f32 to vector<1256x64xf32>
    %max3A_14 = arith.maximumf %add3A_12, %max3A_13 : vector<1256x64xf32>
    %slice3A = vector.extract_strided_slice %max3A_14 {offsets = [0, 0], sizes = [1256, 50], strides = [1, 1]} : vector<1256x64xf32> to vector<1256x50xf32>
    %swap3A = arith.constant 0 : index
    %swap3A_15 = arith.constant 0 : index
    %swap3A_16 = vector.load %arg3[%swap3A, %swap3A_15] : memref<1256x50xf32, #tpu.memory_space<vmem>>, vector<1256x50xf32>
    tpu.vector_store %arg3[%swap3A, %swap3A_15], %slice3A {strides = array<i32>} : memref<1256x50xf32, #tpu.memory_space<vmem>>, vector<1256x50xf32>,
    return
  }
  func.func @transform_0(%arg0: i32) -> (i32, i32, i32) {
    %c0_i32 = arith.constant 0 : i32
    %c0_i32_0 = arith.constant 0 : i32
    %c0_i32_1 = arith.constant 0 : i32
    return %c0_i32, %arg0, %c0_i32_0 : i32, i32, i32
  }
  func.func @transform_1(%arg0: i32) -> (i32, i32) {
    %c0_i32 = arith.constant 0 : i32
    %c0_i32_0 = arith.constant 0 : i32
    %c0_i32_1 = arith.constant 0 : i32
    return %c0_i32, %c0_i32_0 : i32, i32
  }
  func.func @transform_2(%arg0: i32) -> (i32, i32) {
    %c0_i32 = arith.constant 0 : i32
    %c0_i32_0 = arith.constant 0 : i32
    return %arg0, %c0_i32 : i32, i32
  }
}

</mosaic_0001>

<sc_bundles>
// kernel: kernel.12.cloned.1.call-start
scs
__scs_entry_jumppad:
0x0: {  	(pc) =	sbr.rel $0x88, $3  }
0x1: {  	(tag) =	ssettag $0x0;
	lr =	simm.s32 $0x1  }
0x2: {  	[smem:$0x3F99] =	sst lr;
	_ =	strace $0xD0000000  }
0x3: {  	_ = 	snop  }
0x4: {  	_ = 	snop  }
0x5: {  	_ = 	snop  }
0x6: {  	_ = 	snop  }
0x7: {  	_ = 	snop  }
__scs_overlays_trampoline_lowered:
0x8: {  	[smem:$0x3FA8] =	sst s0  }
0x9: {  	[smem:$0x3FA9] =	sst s1  }
0xa: {  	[smem:$0x3FAA] =	sst s2  }
0xb: {  	[smem:$0x3FAB] =	sst s3  }
0xc: {  	[smem:$0x3FAC] =	sst s4  }
0xd: {  	[smem:$0x3FAD] =	sst s5  }
0xe: {  	[smem:$0x3FAE] =	sst s6  }
0xf: {  	[smem:$0x3FAF] =	sst s7  }
0x10: {  	[smem:$0x3FB0] =	sst s8  }
0x11: {  	[smem:$0x3FB1] =	sst s9;
	s0 =	simm.s32 @!p0 $0x0  }
0x12: {  	s1 =	sld [smem:$0x3F97];
	s0 =	simm.s32 @p0 $0x1  }
0x13: {  	[smem:$0x3FB2] =	sst s0;
	s0 =	simm.s32 @!p1 $0x0  }
0x14: {  	s2 =	sld [smem:$0x3F96];
	s0 =	simm.s32 @p1 $0x1  }
0x15: {  	[smem:$0x3FB3] =	sst s0;
	s0 =	simm.s32 @!p2 $0x0  }
0x16: {  	s3 =	sld [smem:$0x3FDB];
	s0 =	simm.s32 @p2 $0x1  }
0x17: {  	s4 =	simm.s32 $0x1BF5;
	[smem:$0x3FB5] =	sst s0  }
0x18: {  	s0 =	sld [smem:$0x3F98];
	_ =	swait.ge [sflag:s4], $0x0  }
0x19: {  	s7 =	sld [smem:$0x3F99]  }
0x1a: {  	s8 =	sadd.s32 $0xFFFFE003, lr  }
0x1b: {  	s9 =	sadd.s32 $0xFFFFFEF7, lr;
	s5 =	simm.s32 $0xFFFFFFFF;
	p2 =	slt.u32 s8, $0xFFFFF086  }
0x1c: {  	p1 =	slt.u32 s9, $0xF7A;
	s5 =	simm.s32 @!p2 $0x0  }
0x1d: {  	s5 =	simm.s32 @p1 $0x1;
	p0 =	seq.s32 s7, s2  }
0x1e: {  	s7 =	smul.u32 @!p0 $0xF7A, s2;
	p2 =	seq.s32 @!p0 s5, $0x0  }
0x1f: {  	s9 =	smul.u32 $0xF7A, s1;
	s8 =	simm.s32 @!p0 $0x1BF5;
	p2 =	por !p2, p0  }
0x20: {  	[sflag:s8] =	ssyncset.s32 @!p0 $0xFFFFF086;
	s6 =	sadd.s32 @!p0 s3, s7;
	s7 =	simm.s32 @!p0 $0x108  }
0x21: {  	s3 =	sadd.s32 s3, s9;
	s6 =	sadd.s32 @!p0 $0x88, s6;
	s7 =	simm.s32 @p2 $0x1082  }
0x22: {  	[simem:s7], [sflag:s8] =	dma.local @!p0 [hbm:s6], $0xF7A  }
0x23: {  	s9 =	sor.u32 $0xD0000000, s2;
	s6 =	simm.s32 $0x108;
	_ =	swait.ge @!p0 [sflag:s8], $0x0  }
0x24: {  	s3 =	sadd.s32 $0x88, s3;
	s6 =	simm.s32 @!p1 $0x1082;
	[sflag:s4] =	ssyncset.s32 $0xFFFFF086  }
0x25: {  	[simem:s6], [sflag:s4] =	dma.local [hbm:s3], $0xF7A  }
0x26: {  	[smem:$0x3F99] =	sst s1;
	(tag) =	ssettag s2;
	_ =	strace s9  }
0x27: {  	s1 =	sld [smem:$0x3FA9]  }
0x28: {  	s2 =	sld [smem:$0x3FAA]  }
0x29: {  	s4 =	sld [smem:$0x3FAC]  }
0x2a: {  	p0 =	seq.s32 s5, $0x0;
	s5 =	sld [smem:$0x3FAD]  }
0x2b: {  	s6 =	sld [smem:$0x3FAE]  }
0x2c: {  	s7 =	sld [smem:$0x3FAF]  }
0x2d: {  	s3 =	simm.s32 $0x108;
	s8 =	sld [smem:$0x3FB0]  }
0x2e: {  	s3 =	simm.s32 @!p0 $0x1082;
	s9 =	sld [smem:$0x3FB1]  }
0x2f: {  	lr =	sadd.s32 s0, s3;
	s0 =	sld [smem:$0x3FA8]  }
0x30: {  	s3 =	sld [smem:$0x3FAB]  }
0x31: {  	[smem:$0x3FB4] =	sst s10  }
0x32: {  	s10 =	sld [smem:$0x3FB2];
	_ =	sdelay $0x3  }
0x33: {  	p0 =	seq.s32 s10, $0x1;
	s10 =	sld [smem:$0x3FB4];
	_ =	sdelay $0x3  }
0x34: {  	[smem:$0x3FB4] =	sst s10  }
0x35: {  	s10 =	sld [smem:$0x3FB3];
	_ =	sdelay $0x3  }
0x36: {  	p1 =	seq.s32 s10, $0x1;
	s10 =	sld [smem:$0x3FB4];
	_ =	sdelay $0x3  }
0x37: {  	[smem:$0x3FB4] =	sst s10  }
0x38: {  	s10 =	sld [smem:$0x3FB5]  }
0x39: {  	_ = 	snop;
	(pc) =	sbr.ind lr, $3  }
0x3a: {  	_ = 	snop  }
0x3b: {  	_ = 	snop  }
0x3c: {  	p2 =	seq.s32 s10, $0x1;
	s10 =	sld [smem:$0x3FB4]  }
0x3d: {  	_ =	shalt  }
0x3e: {  	_ =	shalt  }
0x3f: {  	_ =	shalt  }
0x40: {  	_ =	shalt  }
0x41: {  	_ =	shalt  }
0x42: {  	_ =	shalt  }
0x43: {  	_ =	shalt  }
0x44: {  	_ =	shalt  }
0x45: {  	_ =	shalt  }
0x46: {  	_ =	shalt  }
0x47: {  	_ =	shalt  }
0x48: {  	_ =	shalt  }
0x49: {  	_ =	shalt  }
0x4a: {  	_ =	shalt  }
0x4b: {  	_ =	shalt  }
0x4c: {  	_ =	shalt  }
0x4d: {  	_ =	shalt  }
0x4e: {  	_ =	shalt  }
0x4f: {  	_ =	shalt  }
0x50: {  	_ =	shalt  }
0x51: {  	_ =	shalt  }
0x52: {  	_ =	shalt  }
0x53: {  	_ =	shalt  }
0x54: {  	_ =	shalt  }
0x55: {  	_ =	shalt  }
0x56: {  	_ =	shalt  }
0x57: {  	_ =	shalt  }
0x58: {  	_ =	shalt  }
0x59: {  	_ =	shalt  }
0x5a: {  	_ =	shalt  }
0x5b: {  	_ =	shalt  }
0x5c: {  	_ =	shalt  }
0x5d: {  	_ =	shalt  }
0x5e: {  	_ =	shalt  }
0x5f: {  	_ =	shalt  }
0x60: {  	_ =	shalt  }
0x61: {  	_ =	shalt  }
0x62: {  	_ =	shalt  }
0x63: {  	_ =	shalt  }
0x64: {  	_ =	shalt  }
0x65: {  	_ =	shalt  }
0x66: {  	_ =	shalt  }
0x67: {  	_ =	shalt  }
0x68: {  	_ =	shalt  }
0x69: {  	_ =	shalt  }
0x6a: {  	_ =	shalt  }
0x6b: {  	_ =	shalt  }
0x6c: {  	_ =	shalt  }
0x6d: {  	_ =	shalt  }
0x6e: {  	_ =	shalt  }
0x6f: {  	_ =	shalt  }
0x70: {  	_ =	shalt  }
0x71: {  	_ =	shalt  }
0x72: {  	_ =	shalt  }
0x73: {  	_ =	shalt  }
0x74: {  	_ =	shalt  }
0x75: {  	_ =	shalt  }
0x76: {  	_ =	shalt  }
0x77: {  	_ =	shalt  }
0x78: {  	_ =	shalt  }
0x79: {  	_ =	shalt  }
0x7a: {  	_ =	shalt  }
0x7b: {  	_ =	shalt  }
0x7c: {  	_ =	shalt  }
0x7d: {  	_ =	shalt  }
0x7e: {  	_ =	shalt  }
0x7f: {  	_ =	shalt  }
0x80: {  	_ =	shalt  }
0x81: {  	_ =	shalt  }
0x82: {  	_ =	shalt  }
0x83: {  	_ =	shalt  }
0x84: {  	_ =	shalt  }
0x85: {  	_ =	shalt  }
0x86: {  	_ =	shalt  }
0x87: {  	_ =	shalt  }
.Lfunc_end0:
.L_simem_size_0:
called_computation.1_lowered:
.L_overlay_start_0:
0x88: {  	s2 =	sld [smem:$0x3FD9]  }
0x89: {  	s3 =	sld [smem:$0x3FFE];
	_ =	sdelay $0x1  }
0x8a: {  	s1 =	srdreg.scid  }
0x8b: {  	s0 =	sand.u32 $0x1, s1  }
0x8c: {  	s16 =	sshll.u32 s0, $0xA;
	s2 =	sadd.s32 s3, s2  }
0x8d: {  	s2 =	sadd.s32 s2, s16  }
0x8e: {  	[smem:$0x3FC0] =	sst s2  }
0x8f: {  	_ = 	snop  }
0x90: {  	(tm) =	ssettm $0x1  }
0x91: {  	s17 =	sld [smem:$0x3FFB];
	_ =	sdelay $0x3  }
0x92: {  	_ =	strace s17  }
0x93: {  	s2 =	sld [smem:$0x3FFC];
	_ =	sdelay $0x3  }
0x94: {  	_ =	strace s2  }
0x95: {  	s2 =	sld [smem:$0x3FFD];
	_ =	sdelay $0x3  }
0x96: {  	_ =	strace s2  }
0x97: {  	_ =	strace $0x8FFFFFFF  }
0x98: {  	s18 =	sld [smem:$0x3FDB];
	_ =	sdelay $0x1  }
0x99: {  	s19 =	simm.s32 $_scs_section_size  }
0x9a: {  	s4 =	simm.s32 $_size__tile_overlayer_lowered;
	s5 =	simm.s32 $_tile_overlayer_lowered  }
0x9b: {  	s22 =	simm.s32 $0x1BFF;
	s21 =	sshll.u32 s5, $0x1;
	s2 =	sadd.s32 s19, s18  }
0x9c: {  	s6 =	simm.s32 $0x0;
	s20 =	sshll.u32 s4, $0x1;
	s4 =	sadd.s32 s21, s2  }
0x9d: {  	[timem:s6], [sflag:s22] =	dma.local [hbm:s4], s20  }
0x9e: {  	_ =	swait.ge [sflag:s22], s20  }
0x9f: {  	s3 =	ssub.s32 $0x0, s20;
	[sflag:s22] =	ssyncset.done $0x0  }
0xa0: {  	[sflag:s22] =	ssyncadd.s32 s3;
	_ =	sdelay $0x1  }
0xa1: {  	s23 =	simm.s32 $0x1B8B  }
0xa2: {  	_ =	swait.ge [sflag:s23], $0x1  }
0xa3: {  	[sflag:s23] =	ssyncset.done $0x0  }
0xa4: {  	s25 =	simm.s32 $0x1B8E;
	s24 =	sld [smem:$0x3FFE];
	[sflag:s23] =	ssyncadd.s32 $0xFFFFFFFF  }
0xa5: {  	s26 =	simm.s32 $execute0_lowered;
	[smem:$0x3FD2] =	sst s25  }
0xa6: {  	s4 =	sshll.u32 s26, $0x1;
	_ =	strace $0x80000049;
	[dreg:$0x1] =	wrdreg $0xFFFFFFFF  }
0xa7: {  	s28 =	simm.s32 $_size_execute0_lowered;
	s2 =	sadd.s32 s2, s4;
	[dreg:$0x0] =	wrdreg $0x0  }
0xa8: {  	s4 =	sshll.u32 s28, $0x1;
	[dreg:$0x2] =	wrdreg s2  }
0xa9: {  	[dreg:$0x3] =	wrdreg s4  }
0xaa: {  	[dreg:$0x4] =	wrdreg $0xC0  }
0xab: {  	_ =	task [dreg:s6], $0x5FFFF  }
0xac: {  	[dreg:$0x1] =	wrdreg $0xFFFFFFFF  }
0xad: {  	[dreg:$0x0] =	wrdreg $0x60  }
0xae: {  	[dreg:$0x2] =	wrdreg s24  }
0xaf: {  	[dreg:$0x3] =	wrdreg $0xA0000  }
0xb0: {  	[dreg:$0x4] =	wrdreg $0x13D000  }
0xb1: {  	[dreg:$0x5] =	wrdreg $0x9  }
0xb2: {  	_ =	task.clear_ibuf [dreg:s6], $0x6FFFF;
	_ =	strace $0x90000049  }
0xb3: {  	s29 =	simm.s32 $0x9;
	_ =	strace $0x8000004B  }
0xb4: {  	_ =	swait.ge [sflag:s29], $0x1  }
0xb5: {  	[sflag:s29] =	ssyncadd.s32 $0xFFFFFFFF  }
0xb6: {  	_ =	strace $0x9000004B  }
0xb7: {  	_ =	sfence  }
0xb8: {  	s30 =	sld [smem:$0x0];
	_ =	sdelay $0x2  }
0xb9: {  	s31 =	sshll.u32 s1, $0xD;
	s1 =	sshrl.u32 s1, $0x2  }
0xba: {  	s3 =	sand.u32 $0x4000, s31;
	s1 =	sadd.s32 s1, s30  }
0xbb: {  	s0 =	sor.u32 s3, s0;
	s1 =	sshll.u32 s1, $0x11  }
0xbc: {  	s0 =	sor.u32 s1, s0  }
0xbd: {  	s0 =	sadd.s32 $0x8F2B, s0  }
0xbe: {  	[sflag:s0] =	ssyncadd.remote.s32 $0x1  }
0xbf: {  	_ =	sfence.sel $0xFFFF  }
0xc0: {  	[dreg:$0x0] =	wrdreg $0xFFFFFFFF;
	(pc) =	sbr.abs _section_cstart, $3  }
0xc1: {  	[dreg:$0x1] =	wrdreg $0xFFFFFFFF  }
0xc2: {  	_ =	task.clear_ibuf [dreg:s6], $0x2FFFF;
	_ =	strace $0x9FFFFFFF  }
0xc3: {  	(tm) =	ssettm $0x7FFFFFFF  }
tec
execute0_lowered:
.L_overlay_start_1:
0x0: {  	(tag) =	ssettag $0x1  }
0x1: {  	s0 =	rddreg [dreg:$0x0]  }
0x2: {  	s2 =	rddreg [dreg:$0x1]  }
0x3: {  	s3 =	rddreg [dreg:$0x2]  }
0x4: {  	s4 =	simm.s32 $0x0;
	s10 =	stileid.u32;
	s1 =	srdreg.scid  }
0x5: {  	s15 =	simm.s32 $0x9;
	s29 =	simm.s32 $0x8C00;
	s30 =	simm.s32 $0x1  }
0x6: {  	s31 =	simm.s32 $0x2;
	s16 =	simm.s32 $0x4;
	s5 =	smul.u32 $0x500, s10  }
0x7: {  	s28 =	simm.s32 $0x7;
	[smem:$0x7FF] =	sst s4;
	s9 =	smul.u32 $0x9E00, s10  }
0x8: {  	s1 =	sand.u32 $0x1, s1;
	s7 =	sadd.s32 $0xA600, s0;
	s23 =	smul.u32 $0x9C00, s10  }
0x9: {  	p0 =	sgt.u32 s10, $0x7;
	s6 =	smul.u32 $0x13A00, s1;
	s1 =	ssub.s32 $0x2, s1  }
0xa: {  	_ =	strace $0x8000004A;
	s5 =	sadd.s32 s5, s0;
	s21 =	sshrl.u32 s1, $0x1  }
0xb: {  	s24 =	sadd.s32 s9, s2;
	s8 =	sshrl.u32 s9, $0x3;
	s0 =	sadd.s32 s6, s0  }
0xc: {  	s1 =	ssub.s32 s1, s21;
	s22 =	sadd.s32 $0x5600, s5;
	[dreg:$0x6] =	wrdreg s24  }
0xd: {  	s5 =	sadd.s32 $0x600, s5;
	s25 =	sadd.s32 s7, s8;
	[dreg:$0x4] =	wrdreg s22  }
0xe: {  	s6 =	sadd.s32 $0x1000, s23;
	s23 =	simm.s32 $0x5000;
	[dreg:$0x5] =	wrdreg s5  }
0xf: {  	s24 =	simm.s32 $0x6400;
	[dreg:$0x7] =	wrdreg s25;
	s5 =	sadd.s32 s9, s3  }
0x10: {  	s12 =	sadd.s32 $0x1E000, s0;
	s9 =	sadd.s32 s6, s2;
	s11 =	sshrl.u32 s6, $0x3  }
0x11: {  	s6 =	sadd.s32 s6, s3;
	s13 =	sadd.s32 $0x45400, s0;
	s26 =	smax.u32 s1, $0x1  }
0x12: {  	s0 =	sshll.u32 @p0 s10, $0x6;
	s22 =	simm.s32 $0x50;
	s1 =	simm.s32 $0x5  }
0x13: {  	s25 =	simm.s32 $0x6;
	s7 =	sadd.s32 s7, s11;
	[dreg:$0x9] =	wrdreg s26  }
0x14: {  	s17 =	sor.u32 @p0 $0x1C09, s0;
	s18 =	sshrl.u32 @p0 s9, $0x3;
	s19 =	smov.u32 s12  }
0x15: {  	s0 =	sadd.s32 @p0 s11, s12;
	s20 =	sshrl.u32 @p0 s6, $0x3;
	s21 =	sshrl.u32 @!p0 s5, $0x3  }
0x16: {  	s26 =	simm.s32 $0x7800;
	s5 =	simm.s32 $0x8;
	[dreg:$0x8] =	wrdreg s7  }
0x17: {  	s6 =	simm.s32 $0x0;
	[dreg:$0xa] =	wrdreg s0;
	s0 =	simm.s32 $0x3  }
.LBB2_1:
0x18: {  	s7 =	rddreg [dreg:$0x4]  }
0x19: {  	[tilespmem:s4], [sflag:$0x9] =	stream.linear.gather [hbm4b:s7+s4], $0x2800, $0x38;
	[tilespmem:$0x1DA00] =	vst v63  }
0x1a: {  	_ =	swait.ge [sflag:s15], $0x2800  }
0x1b: {  	[sflag:s15] =	ssyncset.done $0x0  }
0x1c: {  	s9 =	simm.s32 $0x2800;
	s12 =	rddreg [dreg:$0x5];
	[sflag:s15] =	ssyncadd.s32 $0xFFFFD800  }
0x1d: {  	[tilespmem:s9], [sflag:$0x9] =	stream.linear.gather [hbm4b:s12+s4], $0x2800, $0x38;
	[tilespmem:$0x1DA00] =	vst v63  }
0x1e: {  	_ =	swait.ge [sflag:s15], $0x2800  }
0x1f: {  	[sflag:s15] =	ssyncset.done $0x0  }
0x20: {  	s7 =	rddreg [dreg:$0x8];
	[sflag:s15] =	ssyncadd.s32 $0xFFFFD800  }
0x21: {  	[spmem:s18], [sflag:s17] =	dma.local @p0 [hbm:s7], $0x1380  }
0x22: {  	s7 =	simm.s32 @p0 $0x9  }
0x23: {  	_ =	swait.ge @p0 [sflag:s7], $0x1380  }
0x24: {  	[sflag:s7] =	ssyncset.done @p0 $0x0  }
0x25: {  	s9 =	rddreg [dreg:$0xa];
	[sflag:s7] =	ssyncadd.s32 @p0 $0xFFFFEC80  }
0x26: {  	[spmem:s20], [sflag:s17] =	dma.local @p0 [hbm:s9], $0x1380  }
0x27: {  	s9 =	stileid.u32;
	_ =	swait.ge @p0 [sflag:s7], $0x1380  }
0x28: {  	s9 =	sshll.u32 @!p0 s9, $0x6;
	[sflag:s7] =	ssyncset.done @p0 $0x0  }
0x29: {  	[sflag:s7] =	ssyncadd.s32 @p0 $0xFFFFEC80;
	s7 =	sor.u32 @!p0 $0x1C09, s9;
	s9 =	rddreg [dreg:$0x6]  }
0x2a: {  	s12 =	simm.s32 @!p0 $0x9;
	s10 =	rddreg [dreg:$0x7];
	s9 =	sshrl.u32 @!p0 s9, $0x3  }
0x2b: {  	[spmem:s9], [sflag:s7] =	dma.local @!p0 [hbm:s10], $0x13C0  }
0x2c: {  	_ =	swait.ge @!p0 [sflag:s12], $0x13C0  }
0x2d: {  	[sflag:s12] =	ssyncset.done @!p0 $0x0  }
0x2e: {  	s14 =	sadd.s32 @!p0 s8, s19;
	[sflag:s12] =	ssyncadd.s32 @!p0 $0xFFFFEC40  }
0x2f: {  	[spmem:s21], [sflag:s7] =	dma.local @!p0 [hbm:s14], $0x13C0  }
0x30: {  	_ =	swait.ge @!p0 [sflag:s12], $0x13C0  }
0x31: {  	[sflag:s12] =	ssyncset.done @!p0 $0x0  }
0x32: {  	[sflag:s12] =	ssyncadd.s32 @!p0 $0xFFFFEC40  }
0x33: {  	[bflag:$0x0] =	sbarrier.arrive $0xFFFF  }
0x34: {  	[tilespmem:s23], [sflag:$0x1] =	stream.indirect.gather [spmem:s3], $0x40, s4, s22, $0xb8;
	[tilespmem:$0x1DA00] =	vst v63  }
0x35: {  	_ = 	snop  }
0x36: {  	[tilespmem:s24], [sflag:$0x2] =	stream.indirect.gather [spmem:s3], $0x40, s22, s22, $0xb8;
	[tilespmem:$0x1DA00] =	vst v63  }
0x37: {  	s14 =	simm.s32 $0xA0  }
0x38: {  	[tilespmem:s26], [sflag:$0x3] =	stream.indirect.gather [spmem:s3], $0x40, s14, s22, $0xb8;
	[tilespmem:$0x1DA00] =	vst v63  }
0x39: {  	s12 =	simm.s32 $0xF0  }
0x3a: {  	[tilespmem:s29], [sflag:$0x4] =	stream.indirect.gather [spmem:s3], $0x40, s12, s22, $0xb8;
	[tilespmem:$0x1DA00] =	vst v63  }
0x3b: {  	_ =	swait.ge [sflag:s30], $0x1400  }
0x3c: {  	[sflag:s30] =	ssyncset.done $0x0  }
0x3d: {  	s14 =	simm.s32 $0x2800;
	[sflag:s30] =	ssyncadd.s32 $0xFFFFEC00  }
0x3e: {  	[spmem:s2] =	stream.indirect.scatter.add.f32 [tilespmem:s23], [sflag:$0x5], $0x40, s14, s22, $0xb8;
	[tilespmem:$0x1DA00] =	vst v63  }
0x3f: {  	_ =	swait.ge [sflag:s31], $0x1400  }
0x40: {  	[sflag:s31] =	ssyncset.done $0x0  }
0x41: {  	s10 =	simm.s32 $0x2850;
	[sflag:s31] =	ssyncadd.s32 $0xFFFFEC00  }
0x42: {  	[spmem:s2] =	stream.indirect.scatter.add.f32 [tilespmem:s24], [sflag:$0x6], $0x40, s10, s22, $0xb8;
	[tilespmem:$0x1DA00] =	vst v63  }
0x43: {  	_ =	swait.ge [sflag:s0], $0x1400  }
0x44: {  	[sflag:s0] =	ssyncset.done $0x0  }
0x45: {  	s14 =	simm.s32 $0x28A0;
	[sflag:s0] =	ssyncadd.s32 $0xFFFFEC00  }
0x46: {  	[spmem:s2] =	stream.indirect.scatter.add.f32 [tilespmem:s26], [sflag:$0x7], $0x40, s14, s22, $0xb8;
	[tilespmem:$0x1DA00] =	vst v63  }
0x47: {  	_ =	swait.ge [sflag:s16], $0x1400  }
0x48: {  	[sflag:s16] =	ssyncset.done $0x0  }
0x49: {  	s10 =	simm.s32 $0x28F0;
	[sflag:s16] =	ssyncadd.s32 $0xFFFFEC00  }
0x4a: {  	[spmem:s2] =	stream.indirect.scatter.add.f32 [tilespmem:s29], [sflag:$0x8], $0x40, s10, s22, $0xb8;
	[tilespmem:$0x1DA00] =	vst v63  }
0x4b: {  	_ =	swait.ge [sflag:s1], $0x1400  }
0x4c: {  	[sflag:s1] =	ssyncset.done $0x0  }
0x4d: {  	s14 =	simm.s32 $0x140;
	[sflag:s1] =	ssyncadd.s32 $0xFFFFEC00  }
0x4e: {  	[tilespmem:s23], [sflag:$0x1] =	stream.indirect.gather [spmem:s3], $0x40, s14, s22, $0xb8;
	[tilespmem:$0x1DA00] =	vst v63  }
0x4f: {  	_ =	swait.ge [sflag:s25], $0x1400  }
0x50: {  	[sflag:s25] =	ssyncset.done $0x0  }
0x51: {  	s10 =	simm.s32 $0x190;
	[sflag:s25] =	ssyncadd.s32 $0xFFFFEC00  }
0x52: {  	[tilespmem:s24], [sflag:$0x2] =	stream.indirect.gather [spmem:s3], $0x40, s10, s22, $0xb8;
	[tilespmem:$0x1DA00] =	vst v63  }
0x53: {  	_ =	swait.ge [sflag:s28], $0x1400  }
0x54: {  	[sflag:s28] =	ssyncset.done $0x0  }
0x55: {  	s14 =	simm.s32 $0x1E0;
	[sflag:s28] =	ssyncadd.s32 $0xFFFFEC00  }
0x56: {  	[tilespmem:s26], [sflag:$0x3] =	stream.indirect.gather [spmem:s3], $0x40, s14, s22, $0xb8;
	[tilespmem:$0x1DA00] =	vst v63  }
0x57: {  	_ =	swait.ge [sflag:s5], $0x1400  }
0x58: {  	[sflag:s5] =	ssyncset.done $0x0  }
0x59: {  	s12 =	simm.s32 $0x500;
	s14 =	simm.s32 $0x230;
	[sflag:s5] =	ssyncadd.s32 $0xFFFFEC00  }
.LBB2_2:
0x5a: {  	[tilespmem:s29], [sflag:$0x4] =	stream.indirect.gather [spmem:s3], $0x40, s14, s22, $0xb8;
	[tilespmem:$0x1DA00] =	vst v63  }
0x5b: {  	s14 =	smov.u32 s12  }
0x5c: {  	p1 =	sne.s32 s12, $0x9600;
	s12 =	sadd.s32 $0x500, s12;
	_ =	swait.ge [sflag:s30], $0x1400  }
0x5d: {  	s14 =	sshra.s32 s14, $0x2;
	[sflag:s30] =	ssyncset.done $0x0  }
0x5e: {  	s10 =	sadd.s32 $0x2800, s14;
	[sflag:s30] =	ssyncadd.s32 $0xFFFFEC00  }
0x5f: {  	[spmem:s2] =	stream.indirect.scatter.add.f32 [tilespmem:s23], [sflag:$0x5], $0x40, s10, s22, $0xb8;
	[tilespmem:$0x1DA00] =	vst v63  }
0x60: {  	_ =	swait.ge [sflag:s31], $0x1400  }
0x61: {  	[sflag:s31] =	ssyncset.done $0x0  }
0x62: {  	s10 =	sadd.s32 $0x2850, s14;
	[sflag:s31] =	ssyncadd.s32 $0xFFFFEC00  }
0x63: {  	[spmem:s2] =	stream.indirect.scatter.add.f32 [tilespmem:s24], [sflag:$0x6], $0x40, s10, s22, $0xb8;
	[tilespmem:$0x1DA00] =	vst v63  }
0x64: {  	_ =	swait.ge [sflag:s0], $0x1400  }
0x65: {  	[sflag:s0] =	ssyncset.done $0x0  }
0x66: {  	s10 =	sadd.s32 $0x28A0, s14;
	[sflag:s0] =	ssyncadd.s32 $0xFFFFEC00  }
0x67: {  	[spmem:s2] =	stream.indirect.scatter.add.f32 [tilespmem:s26], [sflag:$0x7], $0x40, s10, s22, $0xb8;
	[tilespmem:$0x1DA00] =	vst v63  }
0x68: {  	_ =	swait.ge [sflag:s16], $0x1400  }
0x69: {  	[sflag:s16] =	ssyncset.done $0x0  }
0x6a: {  	s10 =	sadd.s32 $0x28F0, s14;
	[sflag:s16] =	ssyncadd.s32 $0xFFFFEC00  }
0x6b: {  	[spmem:s2] =	stream.indirect.scatter.add.f32 [tilespmem:s29], [sflag:$0x8], $0x40, s10, s22, $0xb8;
	[tilespmem:$0x1DA00] =	vst v63  }
0x6c: {  	_ =	swait.ge [sflag:s1], $0x1400  }
0x6d: {  	[sflag:s1] =	ssyncset.done $0x0  }
0x6e: {  	s10 =	sadd.s32 $0x140, s14;
	[sflag:s1] =	ssyncadd.s32 $0xFFFFEC00  }
0x6f: {  	[tilespmem:s23], [sflag:$0x1] =	stream.indirect.gather [spmem:s3], $0x40, s10, s22, $0xb8;
	[tilespmem:$0x1DA00] =	vst v63  }
0x70: {  	_ =	swait.ge [sflag:s25], $0x1400  }
0x71: {  	[sflag:s25] =	ssyncset.done $0x0  }
0x72: {  	s10 =	sadd.s32 $0x190, s14;
	[sflag:s25] =	ssyncadd.s32 $0xFFFFEC00  }
0x73: {  	[tilespmem:s24], [sflag:$0x2] =	stream.indirect.gather [spmem:s3], $0x40, s10, s22, $0xb8;
	[tilespmem:$0x1DA00] =	vst v63  }
0x74: {  	_ =	swait.ge [sflag:s28], $0x1400  }
0x75: {  	[sflag:s28] =	ssyncset.done $0x0  }
.Ltmp0:
0x76: {  	s10 =	sadd.s32 $0x1E0, s14;
	[sflag:s28] =	ssyncadd.s32 $0xFFFFEC00;
	(pc) =	sbr.rel @p1 .LBB2_2-.Ltmp0, $4  }
0x77: {  	[tilespmem:s26], [sflag:$0x3] =	stream.indirect.gather [spmem:s3], $0x40, s10, s22, $0xb8;
	[tilespmem:$0x1DA00] =	vst v63  }
0x78: {  	_ =	swait.ge [sflag:s5], $0x1400  }
0x79: {  	[sflag:s5] =	ssyncset.done $0x0  }
0x7a: {  	s14 =	sadd.s32 $0x230, s14;
	[sflag:s5] =	ssyncadd.s32 $0xFFFFEC00  }
0x7b: {  	[tilespmem:s29], [sflag:$0x4] =	stream.indirect.gather [spmem:s3], $0x40, s14, s22, $0xb8;
	[tilespmem:$0x1DA00] =	vst v63  }
0x7c: {  	_ =	swait.ge [sflag:s30], $0x1400  }
0x7d: {  	[sflag:s30] =	ssyncset.done $0x0  }
0x7e: {  	s10 =	simm.s32 $0x4EC0;
	[sflag:s30] =	ssyncadd.s32 $0xFFFFEC00  }
0x7f: {  	[spmem:s2] =	stream.indirect.scatter.add.f32 [tilespmem:s23], [sflag:$0x5], $0x40, s10, s22, $0xb8;
	[tilespmem:$0x1DA00] =	vst v63  }
0x80: {  	_ =	swait.ge [sflag:s31], $0x1400  }
0x81: {  	[sflag:s31] =	ssyncset.done $0x0  }
0x82: {  	s12 =	simm.s32 $0x4F10;
	[sflag:s31] =	ssyncadd.s32 $0xFFFFEC00  }
0x83: {  	[spmem:s2] =	stream.indirect.scatter.add.f32 [tilespmem:s24], [sflag:$0x6], $0x40, s12, s22, $0xb8;
	[tilespmem:$0x1DA00] =	vst v63  }
0x84: {  	_ =	swait.ge [sflag:s0], $0x1400  }
0x85: {  	[sflag:s0] =	ssyncset.done $0x0  }
0x86: {  	s14 =	simm.s32 $0x4F60;
	[sflag:s0] =	ssyncadd.s32 $0xFFFFEC00  }
0x87: {  	[spmem:s2] =	stream.indirect.scatter.add.f32 [tilespmem:s26], [sflag:$0x7], $0x40, s14, s22, $0xb8;
	[tilespmem:$0x1DA00] =	vst v63  }
0x88: {  	_ =	swait.ge [sflag:s16], $0x1400  }
0x89: {  	[sflag:s16] =	ssyncset.done $0x0  }
0x8a: {  	s12 =	simm.s32 $0x4FB0;
	[sflag:s16] =	ssyncadd.s32 $0xFFFFEC00  }
0x8b: {  	[spmem:s2] =	stream.indirect.scatter.add.f32 [tilespmem:s29], [sflag:$0x8], $0x40, s12, s22, $0xb8;
	[tilespmem:$0x1DA00] =	vst v63  }
0x8c: {  	_ =	swait.ge [sflag:s1], $0x1400  }
0x8d: {  	[sflag:s1] =	ssyncset.done $0x0  }
0x8e: {  	[sflag:s1] =	ssyncadd.s32 $0xFFFFEC00  }
0x8f: {  	_ =	swait.ge [sflag:s25], $0x1400  }
0x90: {  	[sflag:s25] =	ssyncset.done $0x0  }
0x91: {  	[sflag:s25] =	ssyncadd.s32 $0xFFFFEC00  }
0x92: {  	_ =	swait.ge [sflag:s28], $0x1400  }
0x93: {  	[sflag:s28] =	ssyncset.done $0x0  }
0x94: {  	[sflag:s28] =	ssyncadd.s32 $0xFFFFEC00  }
0x95: {  	_ =	swait.ge [sflag:s5], $0x1400  }
0x96: {  	[sflag:s5] =	ssyncset.done $0x0  }
0x97: {  	[sflag:s5] =	ssyncadd.s32 $0xFFFFEC00  }
0x98: {  	s10 =	sadd.s32 @p0 s11, s13;
	[bflag:$0x0] =	sbarrier.arrive $0xFFFF  }
0x99: {  	[hbm:s10], [sflag:s17] =	dma.local @p0 [spmem:s18], $0x1380  }
0x9a: {  	s10 =	simm.s32 @p0 $0x9  }
0x9b: {  	_ =	swait.ge @p0 [sflag:s10], $0x1380  }
0x9c: {  	[sflag:s10] =	ssyncset.done @p0 $0x0  }
0x9d: {  	[sflag:s10] =	ssyncadd.s32 @p0 $0xFFFFEC80;
	s10 =	sadd.s32 @!p0 s8, s13  }
0x9e: {  	[hbm:s10], [sflag:s7] =	dma.local @!p0 [spmem:s9], $0x13C0  }
0x9f: {  	s7 =	simm.s32 @!p0 $0x9  }
0xa0: {  	_ =	swait.ge @!p0 [sflag:s7], $0x13C0  }
0xa1: {  	s6 =	sadd.s32 $0x1, s6;
	s14 =	rddreg [dreg:$0x9]  }
0xa2: {  	p1 =	sne.s32 s6, s14  }
.Ltmp1:
0xa3: {  	_ = 	snop;
	(pc) =	sbr.rel @p1 .LBB2_1-.Ltmp1, $3  }
0xa4: {  	_ =	sdelay $0x1  }
0xa5: {  	[sflag:s7] =	ssyncset.done @!p0 $0x0  }
0xa6: {  	[sflag:s7] =	ssyncadd.s32 @!p0 $0xFFFFEC40  }
0xa7: {  	_ =	sfence.sel $0x180000  }
0xa8: {  	[bflag:$0x0] =	sbarrier.arrive $0xFFFF  }
0xa9: {  	_ =	strace $0x9000004A  }
0xaa: {  	s0 =	stileid.u32;
	[bflag:$0x2] =	sbarrier.arrive $0xFFFF  }
0xab: {  	p0 =	sne.s32 s0, $0x0;
	s0 =	rddreg [dreg:$0x3]  }
0xac: {  	s0 =	sadd.s32 @!p0 $0x100000, s0  }
0xad: {  	[sflag:s0] =	ssyncadd.tile.s32 @!p0 $0x1;
	_ =	shalt  }
.Lfunc_end2:
_tile_overlayer_lowered:
.L_overlay_start_2:
0xae: {  	(tag) =	ssettag $0x2  }
0xaf: {  	s0 =	rddreg [dreg:$0x0];
	s2 =	stileid.u32  }
0xb0: {  	s1 =	rddreg [dreg:$0x1];
	p0 =	sne.s32 s2, $0x0  }
0xb1: {  	s3 =	rddreg [dreg:$0x2];
	[bflag:$0x3] =	sbarrier.arrive $0xFFFF;
	s2 =	simm.s32 @!p0 $0x1C09  }
0xb2: {  	[timem:s3], [sflag:s2] =	dma.local @!p0 [hbm:s0], s1  }
0xb3: {  	s0 =	simm.s32 @!p0 $0x9  }
0xb4: {  	_ =	swait.ge @!p0 [sflag:s0], s1  }
0xb5: {  	s1 =	ssub.s32 @!p0 $0x0, s1;
	[sflag:s0] =	ssyncset.done @!p0 $0x0  }
0xb6: {  	[sflag:s0] =	ssyncadd.s32 @!p0 s1  }
0xb7: {  	[bflag:$0x3] =	sbarrier.arrive $0xFFFF  }
0xb8: {  	_ =	shalt  }

// kernel: kernel.15.cloned.1.call-start
scs
__scs_entry_jumppad:
0x0: {  	(pc) =	sbr.rel $0x88, $3  }
0x1: {  	(tag) =	ssettag $0x0;
	lr =	simm.s32 $0x1  }
0x2: {  	[smem:$0x3F99] =	sst lr;
	_ =	strace $0xD0000000  }
0x3: {  	_ = 	snop  }
0x4: {  	_ = 	snop  }
0x5: {  	_ = 	snop  }
0x6: {  	_ = 	snop  }
0x7: {  	_ = 	snop  }
__scs_overlays_trampoline_lowered:
0x8: {  	[smem:$0x3FA8] =	sst s0  }
0x9: {  	[smem:$0x3FA9] =	sst s1  }
0xa: {  	[smem:$0x3FAA] =	sst s2  }
0xb: {  	[smem:$0x3FAB] =	sst s3  }
0xc: {  	[smem:$0x3FAC] =	sst s4  }
0xd: {  	[smem:$0x3FAD] =	sst s5  }
0xe: {  	[smem:$0x3FAE] =	sst s6  }
0xf: {  	[smem:$0x3FAF] =	sst s7  }
0x10: {  	[smem:$0x3FB0] =	sst s8  }
0x11: {  	[smem:$0x3FB1] =	sst s9;
	s0 =	simm.s32 @!p0 $0x0  }
0x12: {  	s1 =	sld [smem:$0x3F97];
	s0 =	simm.s32 @p0 $0x1  }
0x13: {  	[smem:$0x3FB2] =	sst s0;
	s0 =	simm.s32 @!p1 $0x0  }
0x14: {  	s2 =	sld [smem:$0x3F96];
	s0 =	simm.s32 @p1 $0x1  }
0x15: {  	[smem:$0x3FB3] =	sst s0;
	s0 =	simm.s32 @!p2 $0x0  }
0x16: {  	s3 =	sld [smem:$0x3FDB];
	s0 =	simm.s32 @p2 $0x1  }
0x17: {  	s4 =	simm.s32 $0x1BF5;
	[smem:$0x3FB5] =	sst s0  }
0x18: {  	s0 =	sld [smem:$0x3F98];
	_ =	swait.ge [sflag:s4], $0x0  }
0x19: {  	s7 =	sld [smem:$0x3F99]  }
0x1a: {  	s8 =	sadd.s32 $0xFFFFE003, lr  }
0x1b: {  	s9 =	sadd.s32 $0xFFFFFEF7, lr;
	s5 =	simm.s32 $0xFFFFFFFF;
	p2 =	slt.u32 s8, $0xFFFFF086  }
0x1c: {  	p1 =	slt.u32 s9, $0xF7A;
	s5 =	simm.s32 @!p2 $0x0  }
0x1d: {  	s5 =	simm.s32 @p1 $0x1;
	p0 =	seq.s32 s7, s2  }
0x1e: {  	s7 =	smul.u32 @!p0 $0xF7A, s2;
	p2 =	seq.s32 @!p0 s5, $0x0  }
0x1f: {  	s9 =	smul.u32 $0xF7A, s1;
	s8 =	simm.s32 @!p0 $0x1BF5;
	p2 =	por !p2, p0  }
0x20: {  	[sflag:s8] =	ssyncset.s32 @!p0 $0xFFFFF086;
	s6 =	sadd.s32 @!p0 s3, s7;
	s7 =	simm.s32 @!p0 $0x108  }
0x21: {  	s3 =	sadd.s32 s3, s9;
	s6 =	sadd.s32 @!p0 $0x88, s6;
	s7 =	simm.s32 @p2 $0x1082  }
0x22: {  	[simem:s7], [sflag:s8] =	dma.local @!p0 [hbm:s6], $0xF7A  }
0x23: {  	s9 =	sor.u32 $0xD0000000, s2;
	s6 =	simm.s32 $0x108;
	_ =	swait.ge @!p0 [sflag:s8], $0x0  }
0x24: {  	s3 =	sadd.s32 $0x88, s3;
	s6 =	simm.s32 @!p1 $0x1082;
	[sflag:s4] =	ssyncset.s32 $0xFFFFF086  }
0x25: {  	[simem:s6], [sflag:s4] =	dma.local [hbm:s3], $0xF7A  }
0x26: {  	[smem:$0x3F99] =	sst s1;
	(tag) =	ssettag s2;
	_ =	strace s9  }
0x27: {  	s1 =	sld [smem:$0x3FA9]  }
0x28: {  	s2 =	sld [smem:$0x3FAA]  }
0x29: {  	s4 =	sld [smem:$0x3FAC]  }
0x2a: {  	p0 =	seq.s32 s5, $0x0;
	s5 =	sld [smem:$0x3FAD]  }
0x2b: {  	s6 =	sld [smem:$0x3FAE]  }
0x2c: {  	s7 =	sld [smem:$0x3FAF]  }
0x2d: {  	s3 =	simm.s32 $0x108;
	s8 =	sld [smem:$0x3FB0]  }
0x2e: {  	s3 =	simm.s32 @!p0 $0x1082;
	s9 =	sld [smem:$0x3FB1]  }
0x2f: {  	lr =	sadd.s32 s0, s3;
	s0 =	sld [smem:$0x3FA8]  }
0x30: {  	s3 =	sld [smem:$0x3FAB]  }
0x31: {  	[smem:$0x3FB4] =	sst s10  }
0x32: {  	s10 =	sld [smem:$0x3FB2];
	_ =	sdelay $0x3  }
0x33: {  	p0 =	seq.s32 s10, $0x1;
	s10 =	sld [smem:$0x3FB4];
	_ =	sdelay $0x3  }
0x34: {  	[smem:$0x3FB4] =	sst s10  }
0x35: {  	s10 =	sld [smem:$0x3FB3];
	_ =	sdelay $0x3  }
0x36: {  	p1 =	seq.s32 s10, $0x1;
	s10 =	sld [smem:$0x3FB4];
	_ =	sdelay $0x3  }
0x37: {  	[smem:$0x3FB4] =	sst s10  }
0x38: {  	s10 =	sld [smem:$0x3FB5]  }
0x39: {  	_ = 	snop;
	(pc) =	sbr.ind lr, $3  }
0x3a: {  	_ = 	snop  }
0x3b: {  	_ = 	snop  }
0x3c: {  	p2 =	seq.s32 s10, $0x1;
	s10 =	sld [smem:$0x3FB4]  }
0x3d: {  	_ =	shalt  }
0x3e: {  	_ =	shalt  }
0x3f: {  	_ =	shalt  }
0x40: {  	_ =	shalt  }
0x41: {  	_ =	shalt  }
0x42: {  	_ =	shalt  }
0x43: {  	_ =	shalt  }
0x44: {  	_ =	shalt  }
0x45: {  	_ =	shalt  }
0x46: {  	_ =	shalt  }
0x47: {  	_ =	shalt  }
0x48: {  	_ =	shalt  }
0x49: {  	_ =	shalt  }
0x4a: {  	_ =	shalt  }
0x4b: {  	_ =	shalt  }
0x4c: {  	_ =	shalt  }
0x4d: {  	_ =	shalt  }
0x4e: {  	_ =	shalt  }
0x4f: {  	_ =	shalt  }
0x50: {  	_ =	shalt  }
0x51: {  	_ =	shalt  }
0x52: {  	_ =	shalt  }
0x53: {  	_ =	shalt  }
0x54: {  	_ =	shalt  }
0x55: {  	_ =	shalt  }
0x56: {  	_ =	shalt  }
0x57: {  	_ =	shalt  }
0x58: {  	_ =	shalt  }
0x59: {  	_ =	shalt  }
0x5a: {  	_ =	shalt  }
0x5b: {  	_ =	shalt  }
0x5c: {  	_ =	shalt  }
0x5d: {  	_ =	shalt  }
0x5e: {  	_ =	shalt  }
0x5f: {  	_ =	shalt  }
0x60: {  	_ =	shalt  }
0x61: {  	_ =	shalt  }
0x62: {  	_ =	shalt  }
0x63: {  	_ =	shalt  }
0x64: {  	_ =	shalt  }
0x65: {  	_ =	shalt  }
0x66: {  	_ =	shalt  }
0x67: {  	_ =	shalt  }
0x68: {  	_ =	shalt  }
0x69: {  	_ =	shalt  }
0x6a: {  	_ =	shalt  }
0x6b: {  	_ =	shalt  }
0x6c: {  	_ =	shalt  }
0x6d: {  	_ =	shalt  }
0x6e: {  	_ =	shalt  }
0x6f: {  	_ =	shalt  }
0x70: {  	_ =	shalt  }
0x71: {  	_ =	shalt  }
0x72: {  	_ =	shalt  }
0x73: {  	_ =	shalt  }
0x74: {  	_ =	shalt  }
0x75: {  	_ =	shalt  }
0x76: {  	_ =	shalt  }
0x77: {  	_ =	shalt  }
0x78: {  	_ =	shalt  }
0x79: {  	_ =	shalt  }
0x7a: {  	_ =	shalt  }
0x7b: {  	_ =	shalt  }
0x7c: {  	_ =	shalt  }
0x7d: {  	_ =	shalt  }
0x7e: {  	_ =	shalt  }
0x7f: {  	_ =	shalt  }
0x80: {  	_ =	shalt  }
0x81: {  	_ =	shalt  }
0x82: {  	_ =	shalt  }
0x83: {  	_ =	shalt  }
0x84: {  	_ =	shalt  }
0x85: {  	_ =	shalt  }
0x86: {  	_ =	shalt  }
0x87: {  	_ =	shalt  }
.Lfunc_end0:
.L_simem_size_0:
called_computation.2_lowered:
.L_overlay_start_0:
0x88: {  	s2 =	sld [smem:$0x3FD9]  }
0x89: {  	s3 =	sld [smem:$0x3FFE];
	_ =	sdelay $0x1  }
0x8a: {  	s1 =	srdreg.scid  }
0x8b: {  	s0 =	sand.u32 $0x1, s1  }
0x8c: {  	s17 =	sshll.u32 s0, $0xA;
	s2 =	sadd.s32 s3, s2  }
0x8d: {  	s2 =	sadd.s32 s2, s17  }
0x8e: {  	[smem:$0x3FC0] =	sst s2  }
0x8f: {  	_ = 	snop  }
0x90: {  	s2 =	sld [smem:$0x3FD0];
	(tm) =	ssettm $0x1  }
0x91: {  	s18 =	sld [smem:$0x3FFB];
	_ =	sdelay $0x3  }
0x92: {  	_ =	strace s18  }
0x93: {  	s3 =	sld [smem:$0x3FFC];
	_ =	sdelay $0x3  }
0x94: {  	_ =	strace s3  }
0x95: {  	s3 =	sld [smem:$0x3FFD];
	_ =	sdelay $0x3  }
0x96: {  	_ =	strace s3  }
0x97: {  	_ =	strace $0x8FFFFFFF  }
0x98: {  	s19 =	sld [smem:$0x3FDB];
	_ =	sdelay $0x1  }
0x99: {  	s4 =	simm.s32 $_scs_section_size  }
0x9a: {  	s5 =	simm.s32 $_size__tile_overlayer_lowered;
	s6 =	simm.s32 $_tile_overlayer_lowered  }
0x9b: {  	s22 =	simm.s32 $0x1BFF;
	s21 =	sshll.u32 s6, $0x1;
	s3 =	sadd.s32 s4, s19  }
0x9c: {  	s7 =	simm.s32 $0x0;
	s20 =	sshll.u32 s5, $0x1;
	s5 =	sadd.s32 s21, s3  }
0x9d: {  	[timem:s7], [sflag:s22] =	dma.local [hbm:s5], s20  }
0x9e: {  	_ =	swait.ge [sflag:s22], s20  }
0x9f: {  	s4 =	ssub.s32 $0x0, s20;
	[sflag:s22] =	ssyncset.done $0x0  }
0xa0: {  	[sflag:s22] =	ssyncadd.s32 s4;
	_ =	sdelay $0x1  }
0xa1: {  	s23 =	simm.s32 $0x1B8B  }
0xa2: {  	_ =	swait.ge [sflag:s23], $0x1  }
0xa3: {  	[sflag:s23] =	ssyncset.done $0x0  }
0xa4: {  	s25 =	simm.s32 $0x1B8E;
	s24 =	sld [smem:$0x3FFE];
	[sflag:s23] =	ssyncadd.s32 $0xFFFFFFFF  }
0xa5: {  	s26 =	simm.s32 $execute0_lowered;
	[smem:$0x3FD2] =	sst s25  }
0xa6: {  	s5 =	sshll.u32 s26, $0x1;
	_ =	strace $0x8000004C;
	[dreg:$0x1] =	wrdreg $0xFFFFFFFF  }
0xa7: {  	s28 =	simm.s32 $_size_execute0_lowered;
	s3 =	sadd.s32 s3, s5;
	[dreg:$0x0] =	wrdreg $0x0  }
0xa8: {  	s5 =	sshll.u32 s28, $0x1;
	[dreg:$0x2] =	wrdreg s3  }
0xa9: {  	[dreg:$0x3] =	wrdreg s5  }
0xaa: {  	[dreg:$0x4] =	wrdreg $0xC0  }
0xab: {  	_ =	task [dreg:s7], $0x5FFFF  }
0xac: {  	[dreg:$0x1] =	wrdreg $0xFFFFFFFF  }
0xad: {  	[dreg:$0x0] =	wrdreg $0x60  }
0xae: {  	[dreg:$0x2] =	wrdreg s24  }
0xaf: {  	[dreg:$0x3] =	wrdreg s2  }
0xb0: {  	[dreg:$0x4] =	wrdreg $0x78000  }
0xb1: {  	[dreg:$0x5] =	wrdreg $0xC6800  }
0xb2: {  	[dreg:$0x6] =	wrdreg $0x9  }
0xb3: {  	_ =	task.clear_ibuf [dreg:s7], $0x7FFFF;
	_ =	strace $0x9000004C  }
0xb4: {  	s29 =	simm.s32 $0x9;
	_ =	strace $0x8000004E  }
0xb5: {  	_ =	swait.ge [sflag:s29], $0x1  }
0xb6: {  	[sflag:s29] =	ssyncadd.s32 $0xFFFFFFFF  }
0xb7: {  	_ =	strace $0x9000004E  }
0xb8: {  	_ =	sfence  }
0xb9: {  	s30 =	sld [smem:$0x0];
	_ =	sdelay $0x2  }
0xba: {  	s31 =	sshll.u32 s1, $0xD;
	s1 =	sshrl.u32 s1, $0x2  }
0xbb: {  	s3 =	sand.u32 $0x4000, s31;
	s1 =	sadd.s32 s1, s30  }
0xbc: {  	s0 =	sor.u32 s3, s0;
	s1 =	sshll.u32 s1, $0x11  }
0xbd: {  	s0 =	sor.u32 s1, s0  }
0xbe: {  	s0 =	sadd.s32 $0x8F2B, s0  }
0xbf: {  	[sflag:s0] =	ssyncadd.remote.s32 $0x1  }
0xc0: {  	_ =	sfence.sel $0xFFFF  }
0xc1: {  	[dreg:$0x0] =	wrdreg $0xFFFFFFFF;
	(pc) =	sbr.abs _section_cstart, $3  }
0xc2: {  	[dreg:$0x1] =	wrdreg $0xFFFFFFFF  }
0xc3: {  	_ =	task.clear_ibuf [dreg:s7], $0x2FFFF;
	_ =	strace $0x9FFFFFFF  }
0xc4: {  	(tm) =	ssettm $0x7FFFFFFF  }
0xc5: {  	_ =	shalt  }
tec
execute0_lowered:
.L_overlay_start_1:
0x0: {  	(tag) =	ssettag $0x1  }
0x1: {  	s0 =	rddreg [dreg:$0x0]  }
0x2: {  	s1 =	rddreg [dreg:$0x1]  }
0x3: {  	s2 =	rddreg [dreg:$0x2]  }
0x4: {  	s3 =	rddreg [dreg:$0x3]  }
0x5: {  	s10 =	stileid.u32;
	s5 =	srdreg.scid  }
0x6: {  	s4 =	simm.s32 $0x0;
	s15 =	simm.s32 $0x9;
	s29 =	simm.s32 $0x6E00  }
0x7: {  	s30 =	simm.s32 $0x1;
	s31 =	simm.s32 $0x2;
	s6 =	smul.u32 $0x500, s10  }
0x8: {  	s16 =	simm.s32 $0x4;
	s28 =	simm.s32 $0x7;
	s9 =	smul.u32 $0x4F00, s10  }
0x9: {  	s5 =	sand.u32 $0x1, s5;
	[smem:$0x7FF] =	sst s4;
	s23 =	smul.u32 $0x4E00, s10  }
0xa: {  	p0 =	sgt.u32 s10, $0x7;
	s7 =	smul.u32 $0x9D00, s5;
	s5 =	ssub.s32 $0x2, s5  }
0xb: {  	_ =	strace $0x8000004D;
	s6 =	sadd.s32 s6, s0;
	s21 =	sshrl.u32 s5, $0x1  }
0xc: {  	s24 =	sadd.s32 s9, s2;
	s8 =	sshrl.u32 s9, $0x3;
	s0 =	sadd.s32 s7, s0  }
0xd: {  	s5 =	ssub.s32 s5, s21;
	s22 =	sadd.s32 $0x5600, s6;
	[dreg:$0x7] =	wrdreg s24  }
0xe: {  	s6 =	sadd.s32 $0x600, s6;
	s25 =	sadd.s32 s1, s8;
	[dreg:$0x5] =	wrdreg s22  }
0xf: {  	s7 =	sadd.s32 $0x800, s23;
	s23 =	simm.s32 $0x5000;
	[dreg:$0x6] =	wrdreg s6  }
0x10: {  	s24 =	simm.s32 $0x5A00;
	[dreg:$0x8] =	wrdreg s25;
	s6 =	sadd.s32 s9, s3  }
0x11: {  	s12 =	sadd.s32 $0xA600, s0;
	s9 =	sadd.s32 s7, s2;
	s11 =	sshrl.u32 s7, $0x3  }
0x12: {  	s13 =	sadd.s32 $0x1E000, s0;
	s26 =	smax.u32 s5, $0x1;
	s0 =	sshll.u32 @p0 s10, $0x6  }
0x13: {  	s22 =	simm.s32 $0x50;
	s25 =	simm.s32 $0x6;
	s5 =	simm.s32 $0x8  }
0x14: {  	s1 =	sadd.s32 s1, s11;
	[dreg:$0xa] =	wrdreg s26;
	s17 =	sor.u32 @p0 $0x1C09, s0  }
0x15: {  	s18 =	sshrl.u32 @p0 s9, $0x3;
	s19 =	smov.u32 s12;
	s0 =	sadd.s32 @p0 s11, s12  }
0x16: {  	s21 =	sshrl.u32 @!p0 s6, $0x3;
	s26 =	simm.s32 $0x6400;
	[dreg:$0x9] =	wrdreg s1  }
0x17: {  	s6 =	simm.s32 $0x0;
	s1 =	sadd.s32 s7, s3;
	[dreg:$0xb] =	wrdreg s0  }
0x18: {  	s0 =	simm.s32 $0x3;
	s20 =	sshrl.u32 @p0 s1, $0x3;
	s1 =	simm.s32 $0x5  }
.LBB2_1:
0x19: {  	s7 =	rddreg [dreg:$0x5]  }
0x1a: {  	[tilespmem:s4], [sflag:$0x9] =	stream.linear.gather [hbm4b:s7+s4], $0x2800, $0x38;
	[tilespmem:$0x11500] =	vst v63  }
0x1b: {  	_ =	swait.ge [sflag:s15], $0x2800  }
0x1c: {  	[sflag:s15] =	ssyncset.done $0x0  }
0x1d: {  	s9 =	simm.s32 $0x2800;
	s12 =	rddreg [dreg:$0x6];
	[sflag:s15] =	ssyncadd.s32 $0xFFFFD800  }
0x1e: {  	[tilespmem:s9], [sflag:$0x9] =	stream.linear.gather [hbm4b:s12+s4], $0x2800, $0x38;
	[tilespmem:$0x11500] =	vst v63  }
0x1f: {  	_ =	swait.ge [sflag:s15], $0x2800  }
0x20: {  	[sflag:s15] =	ssyncset.done $0x0  }
0x21: {  	s7 =	rddreg [dreg:$0x9];
	[sflag:s15] =	ssyncadd.s32 $0xFFFFD800  }
0x22: {  	[spmem:s18], [sflag:s17] =	dma.local @p0 [hbm:s7], $0x9C0  }
0x23: {  	s7 =	simm.s32 @p0 $0x9  }
0x24: {  	_ =	swait.ge @p0 [sflag:s7], $0x9C0  }
0x25: {  	[sflag:s7] =	ssyncset.done @p0 $0x0  }
0x26: {  	s9 =	rddreg [dreg:$0xb];
	[sflag:s7] =	ssyncadd.s32 @p0 $0xFFFFF640  }
0x27: {  	[spmem:s20], [sflag:s17] =	dma.local @p0 [hbm:s9], $0x9C0  }
0x28: {  	s9 =	stileid.u32;
	_ =	swait.ge @p0 [sflag:s7], $0x9C0  }
0x29: {  	s9 =	sshll.u32 @!p0 s9, $0x6;
	[sflag:s7] =	ssyncset.done @p0 $0x0  }
0x2a: {  	[sflag:s7] =	ssyncadd.s32 @p0 $0xFFFFF640;
	s7 =	sor.u32 @!p0 $0x1C09, s9;
	s9 =	rddreg [dreg:$0x7]  }
0x2b: {  	s12 =	simm.s32 @!p0 $0x9;
	s10 =	rddreg [dreg:$0x8];
	s9 =	sshrl.u32 @!p0 s9, $0x3  }
0x2c: {  	[spmem:s9], [sflag:s7] =	dma.local @!p0 [hbm:s10], $0x9E0  }
0x2d: {  	_ =	swait.ge @!p0 [sflag:s12], $0x9E0  }
0x2e: {  	[sflag:s12] =	ssyncset.done @!p0 $0x0  }
0x2f: {  	s14 =	sadd.s32 @!p0 s8, s19;
	[sflag:s12] =	ssyncadd.s32 @!p0 $0xFFFFF620  }
0x30: {  	[spmem:s21], [sflag:s7] =	dma.local @!p0 [hbm:s14], $0x9E0  }
0x31: {  	_ =	swait.ge @!p0 [sflag:s12], $0x9E0  }
0x32: {  	[sflag:s12] =	ssyncset.done @!p0 $0x0  }
0x33: {  	[sflag:s12] =	ssyncadd.s32 @!p0 $0xFFFFF620  }
0x34: {  	[bflag:$0x0] =	sbarrier.arrive $0xFFFF  }
0x35: {  	[tilespmem:s23], [sflag:$0x1] =	stream.indirect.gather [spmem:s3], $0x20, s4, s22, $0xb8;
	[tilespmem:$0x11500] =	vst v63  }
0x36: {  	_ = 	snop  }
0x37: {  	[tilespmem:s24], [sflag:$0x2] =	stream.indirect.gather [spmem:s3], $0x20, s22, s22, $0xb8;
	[tilespmem:$0x11500] =	vst v63  }
0x38: {  	s14 =	simm.s32 $0xA0  }
0x39: {  	[tilespmem:s26], [sflag:$0x3] =	stream.indirect.gather [spmem:s3], $0x20, s14, s22, $0xb8;
	[tilespmem:$0x11500] =	vst v63  }
0x3a: {  	s12 =	simm.s32 $0xF0  }
0x3b: {  	[tilespmem:s29], [sflag:$0x4] =	stream.indirect.gather [spmem:s3], $0x20, s12, s22, $0xb8;
	[tilespmem:$0x11500] =	vst v63  }
0x3c: {  	_ =	swait.ge [sflag:s30], $0xA00  }
0x3d: {  	[sflag:s30] =	ssyncset.done $0x0  }
0x3e: {  	s14 =	simm.s32 $0x2800;
	[sflag:s30] =	ssyncadd.s32 $0xFFFFF600  }
0x3f: {  	[spmem:s2] =	stream.indirect.scatter.add.f32 [tilespmem:s23], [sflag:$0x5], $0x20, s14, s22, $0xb8;
	[tilespmem:$0x11500] =	vst v63  }
0x40: {  	_ =	swait.ge [sflag:s31], $0xA00  }
0x41: {  	[sflag:s31] =	ssyncset.done $0x0  }
0x42: {  	s10 =	simm.s32 $0x2850;
	[sflag:s31] =	ssyncadd.s32 $0xFFFFF600  }
0x43: {  	[spmem:s2] =	stream.indirect.scatter.add.f32 [tilespmem:s24], [sflag:$0x6], $0x20, s10, s22, $0xb8;
	[tilespmem:$0x11500] =	vst v63  }
0x44: {  	_ =	swait.ge [sflag:s0], $0xA00  }
0x45: {  	[sflag:s0] =	ssyncset.done $0x0  }
0x46: {  	s14 =	simm.s32 $0x28A0;
	[sflag:s0] =	ssyncadd.s32 $0xFFFFF600  }
0x47: {  	[spmem:s2] =	stream.indirect.scatter.add.f32 [tilespmem:s26], [sflag:$0x7], $0x20, s14, s22, $0xb8;
	[tilespmem:$0x11500] =	vst v63  }
0x48: {  	_ =	swait.ge [sflag:s16], $0xA00  }
0x49: {  	[sflag:s16] =	ssyncset.done $0x0  }
0x4a: {  	s10 =	simm.s32 $0x28F0;
	[sflag:s16] =	ssyncadd.s32 $0xFFFFF600  }
0x4b: {  	[spmem:s2] =	stream.indirect.scatter.add.f32 [tilespmem:s29], [sflag:$0x8], $0x20, s10, s22, $0xb8;
	[tilespmem:$0x11500] =	vst v63  }
0x4c: {  	_ =	swait.ge [sflag:s1], $0xA00  }
0x4d: {  	[sflag:s1] =	ssyncset.done $0x0  }
0x4e: {  	s14 =	simm.s32 $0x140;
	[sflag:s1] =	ssyncadd.s32 $0xFFFFF600  }
0x4f: {  	[tilespmem:s23], [sflag:$0x1] =	stream.indirect.gather [spmem:s3], $0x20, s14, s22, $0xb8;
	[tilespmem:$0x11500] =	vst v63  }
0x50: {  	_ =	swait.ge [sflag:s25], $0xA00  }
0x51: {  	[sflag:s25] =	ssyncset.done $0x0  }
0x52: {  	s10 =	simm.s32 $0x190;
	[sflag:s25] =	ssyncadd.s32 $0xFFFFF600  }
0x53: {  	[tilespmem:s24], [sflag:$0x2] =	stream.indirect.gather [spmem:s3], $0x20, s10, s22, $0xb8;
	[tilespmem:$0x11500] =	vst v63  }
0x54: {  	_ =	swait.ge [sflag:s28], $0xA00  }
0x55: {  	[sflag:s28] =	ssyncset.done $0x0  }
0x56: {  	s14 =	simm.s32 $0x1E0;
	[sflag:s28] =	ssyncadd.s32 $0xFFFFF600  }
0x57: {  	[tilespmem:s26], [sflag:$0x3] =	stream.indirect.gather [spmem:s3], $0x20, s14, s22, $0xb8;
	[tilespmem:$0x11500] =	vst v63  }
0x58: {  	_ =	swait.ge [sflag:s5], $0xA00  }
0x59: {  	[sflag:s5] =	ssyncset.done $0x0  }
0x5a: {  	s12 =	simm.s32 $0x500;
	s14 =	simm.s32 $0x230;
	[sflag:s5] =	ssyncadd.s32 $0xFFFFF600  }
.LBB2_2:
0x5b: {  	[tilespmem:s29], [sflag:$0x4] =	stream.indirect.gather [spmem:s3], $0x20, s14, s22, $0xb8;
	[tilespmem:$0x11500] =	vst v63  }
0x5c: {  	s14 =	smov.u32 s12  }
0x5d: {  	p1 =	sne.s32 s12, $0x9600;
	s12 =	sadd.s32 $0x500, s12;
	_ =	swait.ge [sflag:s30], $0xA00  }
0x5e: {  	s14 =	sshra.s32 s14, $0x2;
	[sflag:s30] =	ssyncset.done $0x0  }
0x5f: {  	s10 =	sadd.s32 $0x2800, s14;
	[sflag:s30] =	ssyncadd.s32 $0xFFFFF600  }
0x60: {  	[spmem:s2] =	stream.indirect.scatter.add.f32 [tilespmem:s23], [sflag:$0x5], $0x20, s10, s22, $0xb8;
	[tilespmem:$0x11500] =	vst v63  }
0x61: {  	_ =	swait.ge [sflag:s31], $0xA00  }
0x62: {  	[sflag:s31] =	ssyncset.done $0x0  }
0x63: {  	s10 =	sadd.s32 $0x2850, s14;
	[sflag:s31] =	ssyncadd.s32 $0xFFFFF600  }
0x64: {  	[spmem:s2] =	stream.indirect.scatter.add.f32 [tilespmem:s24], [sflag:$0x6], $0x20, s10, s22, $0xb8;
	[tilespmem:$0x11500] =	vst v63  }
0x65: {  	_ =	swait.ge [sflag:s0], $0xA00  }
0x66: {  	[sflag:s0] =	ssyncset.done $0x0  }
0x67: {  	s10 =	sadd.s32 $0x28A0, s14;
	[sflag:s0] =	ssyncadd.s32 $0xFFFFF600  }
0x68: {  	[spmem:s2] =	stream.indirect.scatter.add.f32 [tilespmem:s26], [sflag:$0x7], $0x20, s10, s22, $0xb8;
	[tilespmem:$0x11500] =	vst v63  }
0x69: {  	_ =	swait.ge [sflag:s16], $0xA00  }
0x6a: {  	[sflag:s16] =	ssyncset.done $0x0  }
0x6b: {  	s10 =	sadd.s32 $0x28F0, s14;
	[sflag:s16] =	ssyncadd.s32 $0xFFFFF600  }
0x6c: {  	[spmem:s2] =	stream.indirect.scatter.add.f32 [tilespmem:s29], [sflag:$0x8], $0x20, s10, s22, $0xb8;
	[tilespmem:$0x11500] =	vst v63  }
0x6d: {  	_ =	swait.ge [sflag:s1], $0xA00  }
0x6e: {  	[sflag:s1] =	ssyncset.done $0x0  }
0x6f: {  	s10 =	sadd.s32 $0x140, s14;
	[sflag:s1] =	ssyncadd.s32 $0xFFFFF600  }
0x70: {  	[tilespmem:s23], [sflag:$0x1] =	stream.indirect.gather [spmem:s3], $0x20, s10, s22, $0xb8;
	[tilespmem:$0x11500] =	vst v63  }
0x71: {  	_ =	swait.ge [sflag:s25], $0xA00  }
0x72: {  	[sflag:s25] =	ssyncset.done $0x0  }
0x73: {  	s10 =	sadd.s32 $0x190, s14;
	[sflag:s25] =	ssyncadd.s32 $0xFFFFF600  }
0x74: {  	[tilespmem:s24], [sflag:$0x2] =	stream.indirect.gather [spmem:s3], $0x20, s10, s22, $0xb8;
	[tilespmem:$0x11500] =	vst v63  }
0x75: {  	_ =	swait.ge [sflag:s28], $0xA00  }
0x76: {  	[sflag:s28] =	ssyncset.done $0x0  }
.Ltmp0:
0x77: {  	s10 =	sadd.s32 $0x1E0, s14;
	[sflag:s28] =	ssyncadd.s32 $0xFFFFF600;
	(pc) =	sbr.rel @p1 .LBB2_2-.Ltmp0, $4  }
0x78: {  	[tilespmem:s26], [sflag:$0x3] =	stream.indirect.gather [spmem:s3], $0x20, s10, s22, $0xb8;
	[tilespmem:$0x11500] =	vst v63  }
0x79: {  	_ =	swait.ge [sflag:s5], $0xA00  }
0x7a: {  	[sflag:s5] =	ssyncset.done $0x0  }
0x7b: {  	s14 =	sadd.s32 $0x230, s14;
	[sflag:s5] =	ssyncadd.s32 $0xFFFFF600  }
0x7c: {  	[tilespmem:s29], [sflag:$0x4] =	stream.indirect.gather [spmem:s3], $0x20, s14, s22, $0xb8;
	[tilespmem:$0x11500] =	vst v63  }
0x7d: {  	_ =	swait.ge [sflag:s30], $0xA00  }
0x7e: {  	[sflag:s30] =	ssyncset.done $0x0  }
0x7f: {  	s10 =	simm.s32 $0x4EC0;
	[sflag:s30] =	ssyncadd.s32 $0xFFFFF600  }
0x80: {  	[spmem:s2] =	stream.indirect.scatter.add.f32 [tilespmem:s23], [sflag:$0x5], $0x20, s10, s22, $0xb8;
	[tilespmem:$0x11500] =	vst v63  }
0x81: {  	_ =	swait.ge [sflag:s31], $0xA00  }
0x82: {  	[sflag:s31] =	ssyncset.done $0x0  }
0x83: {  	s12 =	simm.s32 $0x4F10;
	[sflag:s31] =	ssyncadd.s32 $0xFFFFF600  }
0x84: {  	[spmem:s2] =	stream.indirect.scatter.add.f32 [tilespmem:s24], [sflag:$0x6], $0x20, s12, s22, $0xb8;
	[tilespmem:$0x11500] =	vst v63  }
0x85: {  	_ =	swait.ge [sflag:s0], $0xA00  }
0x86: {  	[sflag:s0] =	ssyncset.done $0x0  }
0x87: {  	s14 =	simm.s32 $0x4F60;
	[sflag:s0] =	ssyncadd.s32 $0xFFFFF600  }
0x88: {  	[spmem:s2] =	stream.indirect.scatter.add.f32 [tilespmem:s26], [sflag:$0x7], $0x20, s14, s22, $0xb8;
	[tilespmem:$0x11500] =	vst v63  }
0x89: {  	_ =	swait.ge [sflag:s16], $0xA00  }
0x8a: {  	[sflag:s16] =	ssyncset.done $0x0  }
0x8b: {  	s12 =	simm.s32 $0x4FB0;
	[sflag:s16] =	ssyncadd.s32 $0xFFFFF600  }
0x8c: {  	[spmem:s2] =	stream.indirect.scatter.add.f32 [tilespmem:s29], [sflag:$0x8], $0x20, s12, s22, $0xb8;
	[tilespmem:$0x11500] =	vst v63  }
0x8d: {  	_ =	swait.ge [sflag:s1], $0xA00  }
0x8e: {  	[sflag:s1] =	ssyncset.done $0x0  }
0x8f: {  	[sflag:s1] =	ssyncadd.s32 $0xFFFFF600  }
0x90: {  	_ =	swait.ge [sflag:s25], $0xA00  }
0x91: {  	[sflag:s25] =	ssyncset.done $0x0  }
0x92: {  	[sflag:s25] =	ssyncadd.s32 $0xFFFFF600  }
0x93: {  	_ =	swait.ge [sflag:s28], $0xA00  }
0x94: {  	[sflag:s28] =	ssyncset.done $0x0  }
0x95: {  	[sflag:s28] =	ssyncadd.s32 $0xFFFFF600  }
0x96: {  	_ =	swait.ge [sflag:s5], $0xA00  }
0x97: {  	[sflag:s5] =	ssyncset.done $0x0  }
0x98: {  	[sflag:s5] =	ssyncadd.s32 $0xFFFFF600  }
0x99: {  	s10 =	sadd.s32 @p0 s11, s13;
	[bflag:$0x0] =	sbarrier.arrive $0xFFFF  }
0x9a: {  	[hbm:s10], [sflag:s17] =	dma.local @p0 [spmem:s18], $0x9C0  }
0x9b: {  	s10 =	simm.s32 @p0 $0x9  }
0x9c: {  	_ =	swait.ge @p0 [sflag:s10], $0x9C0  }
0x9d: {  	[sflag:s10] =	ssyncset.done @p0 $0x0  }
0x9e: {  	[sflag:s10] =	ssyncadd.s32 @p0 $0xFFFFF640;
	s10 =	sadd.s32 @!p0 s8, s13  }
0x9f: {  	[hbm:s10], [sflag:s7] =	dma.local @!p0 [spmem:s9], $0x9E0  }
0xa0: {  	s7 =	simm.s32 @!p0 $0x9  }
0xa1: {  	_ =	swait.ge @!p0 [sflag:s7], $0x9E0  }
0xa2: {  	s6 =	sadd.s32 $0x1, s6;
	s14 =	rddreg [dreg:$0xa]  }
0xa3: {  	p1 =	sne.s32 s6, s14  }
.Ltmp1:
0xa4: {  	_ = 	snop;
	(pc) =	sbr.rel @p1 .LBB2_1-.Ltmp1, $3  }
0xa5: {  	_ =	sdelay $0x1  }
0xa6: {  	[sflag:s7] =	ssyncset.done @!p0 $0x0  }
0xa7: {  	[sflag:s7] =	ssyncadd.s32 @!p0 $0xFFFFF620  }
0xa8: {  	_ =	sfence.sel $0x180000  }
0xa9: {  	[bflag:$0x0] =	sbarrier.arrive $0xFFFF  }
0xaa: {  	_ =	strace $0x9000004D  }
0xab: {  	s0 =	stileid.u32;
	[bflag:$0x2] =	sbarrier.arrive $0xFFFF  }
0xac: {  	p0 =	sne.s32 s0, $0x0;
	s0 =	rddreg [dreg:$0x4]  }
0xad: {  	s0 =	sadd.s32 @!p0 $0x100000, s0  }
0xae: {  	[sflag:s0] =	ssyncadd.tile.s32 @!p0 $0x1;
	_ =	shalt  }
.Lfunc_end2:
_tile_overlayer_lowered:
.L_overlay_start_2:
0xaf: {  	(tag) =	ssettag $0x2  }
0xb0: {  	s0 =	rddreg [dreg:$0x0];
	s2 =	stileid.u32  }
0xb1: {  	s1 =	rddreg [dreg:$0x1];
	p0 =	sne.s32 s2, $0x0  }
0xb2: {  	s3 =	rddreg [dreg:$0x2];
	[bflag:$0x3] =	sbarrier.arrive $0xFFFF;
	s2 =	simm.s32 @!p0 $0x1C09  }
0xb3: {  	[timem:s3], [sflag:s2] =	dma.local @!p0 [hbm:s0], s1  }
0xb4: {  	s0 =	simm.s32 @!p0 $0x9  }
0xb5: {  	_ =	swait.ge @!p0 [sflag:s0], s1  }
0xb6: {  	s1 =	ssub.s32 @!p0 $0x0, s1;
	[sflag:s0] =	ssyncset.done @!p0 $0x0  }
0xb7: {  	[sflag:s0] =	ssyncadd.s32 @!p0 s1  }
0xb8: {  	[bflag:$0x3] =	sbarrier.arrive $0xFFFF  }
0xb9: {  	_ =	shalt  }

// kernel: kernel.9.cloned.1.call-start
scs
__scs_entry_jumppad:
0x0: {  	(pc) =	sbr.rel $0x88, $3  }
0x1: {  	(tag) =	ssettag $0x0;
	lr =	simm.s32 $0x1  }
0x2: {  	[smem:$0x3F99] =	sst lr;
	_ =	strace $0xD0000000  }
0x3: {  	_ = 	snop  }
0x4: {  	_ = 	snop  }
0x5: {  	_ = 	snop  }
0x6: {  	_ = 	snop  }
0x7: {  	_ = 	snop  }
__scs_overlays_trampoline_lowered:
0x8: {  	[smem:$0x3FA8] =	sst s0  }
0x9: {  	[smem:$0x3FA9] =	sst s1  }
0xa: {  	[smem:$0x3FAA] =	sst s2  }
0xb: {  	[smem:$0x3FAB] =	sst s3  }
0xc: {  	[smem:$0x3FAC] =	sst s4  }
0xd: {  	[smem:$0x3FAD] =	sst s5  }
0xe: {  	[smem:$0x3FAE] =	sst s6  }
0xf: {  	[smem:$0x3FAF] =	sst s7  }
0x10: {  	[smem:$0x3FB0] =	sst s8  }
0x11: {  	[smem:$0x3FB1] =	sst s9;
	s0 =	simm.s32 @!p0 $0x0  }
0x12: {  	s1 =	sld [smem:$0x3F97];
	s0 =	simm.s32 @p0 $0x1  }
0x13: {  	[smem:$0x3FB2] =	sst s0;
	s0 =	simm.s32 @!p1 $0x0  }
0x14: {  	s2 =	sld [smem:$0x3F96];
	s0 =	simm.s32 @p1 $0x1  }
0x15: {  	[smem:$0x3FB3] =	sst s0;
	s0 =	simm.s32 @!p2 $0x0  }
0x16: {  	s3 =	sld [smem:$0x3FDB];
	s0 =	simm.s32 @p2 $0x1  }
0x17: {  	s4 =	simm.s32 $0x1BF5;
	[smem:$0x3FB5] =	sst s0  }
0x18: {  	s0 =	sld [smem:$0x3F98];
	_ =	swait.ge [sflag:s4], $0x0  }
0x19: {  	s7 =	sld [smem:$0x3F99]  }
0x1a: {  	s8 =	sadd.s32 $0xFFFFE003, lr  }
0x1b: {  	s9 =	sadd.s32 $0xFFFFFEF7, lr;
	s5 =	simm.s32 $0xFFFFFFFF;
	p2 =	slt.u32 s8, $0xFFFFF086  }
0x1c: {  	p1 =	slt.u32 s9, $0xF7A;
	s5 =	simm.s32 @!p2 $0x0  }
0x1d: {  	s5 =	simm.s32 @p1 $0x1;
	p0 =	seq.s32 s7, s2  }
0x1e: {  	s7 =	smul.u32 @!p0 $0xF7A, s2;
	p2 =	seq.s32 @!p0 s5, $0x0  }
0x1f: {  	s9 =	smul.u32 $0xF7A, s1;
	s8 =	simm.s32 @!p0 $0x1BF5;
	p2 =	por !p2, p0  }
0x20: {  	[sflag:s8] =	ssyncset.s32 @!p0 $0xFFFFF086;
	s6 =	sadd.s32 @!p0 s3, s7;
	s7 =	simm.s32 @!p0 $0x108  }
0x21: {  	s3 =	sadd.s32 s3, s9;
	s6 =	sadd.s32 @!p0 $0x88, s6;
	s7 =	simm.s32 @p2 $0x1082  }
0x22: {  	[simem:s7], [sflag:s8] =	dma.local @!p0 [hbm:s6], $0xF7A  }
0x23: {  	s9 =	sor.u32 $0xD0000000, s2;
	s6 =	simm.s32 $0x108;
	_ =	swait.ge @!p0 [sflag:s8], $0x0  }
0x24: {  	s3 =	sadd.s32 $0x88, s3;
	s6 =	simm.s32 @!p1 $0x1082;
	[sflag:s4] =	ssyncset.s32 $0xFFFFF086  }
0x25: {  	[simem:s6], [sflag:s4] =	dma.local [hbm:s3], $0xF7A  }
0x26: {  	[smem:$0x3F99] =	sst s1;
	(tag) =	ssettag s2;
	_ =	strace s9  }
0x27: {  	s1 =	sld [smem:$0x3FA9]  }
0x28: {  	s2 =	sld [smem:$0x3FAA]  }
0x29: {  	s4 =	sld [smem:$0x3FAC]  }
0x2a: {  	p0 =	seq.s32 s5, $0x0;
	s5 =	sld [smem:$0x3FAD]  }
0x2b: {  	s6 =	sld [smem:$0x3FAE]  }
0x2c: {  	s7 =	sld [smem:$0x3FAF]  }
0x2d: {  	s3 =	simm.s32 $0x108;
	s8 =	sld [smem:$0x3FB0]  }
0x2e: {  	s3 =	simm.s32 @!p0 $0x1082;
	s9 =	sld [smem:$0x3FB1]  }
0x2f: {  	lr =	sadd.s32 s0, s3;
	s0 =	sld [smem:$0x3FA8]  }
0x30: {  	s3 =	sld [smem:$0x3FAB]  }
0x31: {  	[smem:$0x3FB4] =	sst s10  }
0x32: {  	s10 =	sld [smem:$0x3FB2];
	_ =	sdelay $0x3  }
0x33: {  	p0 =	seq.s32 s10, $0x1;
	s10 =	sld [smem:$0x3FB4];
	_ =	sdelay $0x3  }
0x34: {  	[smem:$0x3FB4] =	sst s10  }
0x35: {  	s10 =	sld [smem:$0x3FB3];
	_ =	sdelay $0x3  }
0x36: {  	p1 =	seq.s32 s10, $0x1;
	s10 =	sld [smem:$0x3FB4];
	_ =	sdelay $0x3  }
0x37: {  	[smem:$0x3FB4] =	sst s10  }
0x38: {  	s10 =	sld [smem:$0x3FB5]  }
0x39: {  	_ = 	snop;
	(pc) =	sbr.ind lr, $3  }
0x3a: {  	_ = 	snop  }
0x3b: {  	_ = 	snop  }
0x3c: {  	p2 =	seq.s32 s10, $0x1;
	s10 =	sld [smem:$0x3FB4]  }
0x3d: {  	_ =	shalt  }
0x3e: {  	_ =	shalt  }
0x3f: {  	_ =	shalt  }
0x40: {  	_ =	shalt  }
0x41: {  	_ =	shalt  }
0x42: {  	_ =	shalt  }
0x43: {  	_ =	shalt  }
0x44: {  	_ =	shalt  }
0x45: {  	_ =	shalt  }
0x46: {  	_ =	shalt  }
0x47: {  	_ =	shalt  }
0x48: {  	_ =	shalt  }
0x49: {  	_ =	shalt  }
0x4a: {  	_ =	shalt  }
0x4b: {  	_ =	shalt  }
0x4c: {  	_ =	shalt  }
0x4d: {  	_ =	shalt  }
0x4e: {  	_ =	shalt  }
0x4f: {  	_ =	shalt  }
0x50: {  	_ =	shalt  }
0x51: {  	_ =	shalt  }
0x52: {  	_ =	shalt  }
0x53: {  	_ =	shalt  }
0x54: {  	_ =	shalt  }
0x55: {  	_ =	shalt  }
0x56: {  	_ =	shalt  }
0x57: {  	_ =	shalt  }
0x58: {  	_ =	shalt  }
0x59: {  	_ =	shalt  }
0x5a: {  	_ =	shalt  }
0x5b: {  	_ =	shalt  }
0x5c: {  	_ =	shalt  }
0x5d: {  	_ =	shalt  }
0x5e: {  	_ =	shalt  }
0x5f: {  	_ =	shalt  }
0x60: {  	_ =	shalt  }
0x61: {  	_ =	shalt  }
0x62: {  	_ =	shalt  }
0x63: {  	_ =	shalt  }
0x64: {  	_ =	shalt  }
0x65: {  	_ =	shalt  }
0x66: {  	_ =	shalt  }
0x67: {  	_ =	shalt  }
0x68: {  	_ =	shalt  }
0x69: {  	_ =	shalt  }
0x6a: {  	_ =	shalt  }
0x6b: {  	_ =	shalt  }
0x6c: {  	_ =	shalt  }
0x6d: {  	_ =	shalt  }
0x6e: {  	_ =	shalt  }
0x6f: {  	_ =	shalt  }
0x70: {  	_ =	shalt  }
0x71: {  	_ =	shalt  }
0x72: {  	_ =	shalt  }
0x73: {  	_ =	shalt  }
0x74: {  	_ =	shalt  }
0x75: {  	_ =	shalt  }
0x76: {  	_ =	shalt  }
0x77: {  	_ =	shalt  }
0x78: {  	_ =	shalt  }
0x79: {  	_ =	shalt  }
0x7a: {  	_ =	shalt  }
0x7b: {  	_ =	shalt  }
0x7c: {  	_ =	shalt  }
0x7d: {  	_ =	shalt  }
0x7e: {  	_ =	shalt  }
0x7f: {  	_ =	shalt  }
0x80: {  	_ =	shalt  }
0x81: {  	_ =	shalt  }
0x82: {  	_ =	shalt  }
0x83: {  	_ =	shalt  }
0x84: {  	_ =	shalt  }
0x85: {  	_ =	shalt  }
0x86: {  	_ =	shalt  }
0x87: {  	_ =	shalt  }
.Lfunc_end0:
.L_simem_size_0:
called_computation_lowered:
.L_overlay_start_0:
0x88: {  	s2 =	sld [smem:$0x3FD9]  }
0x89: {  	s3 =	sld [smem:$0x3FFE];
	_ =	sdelay $0x1  }
0x8a: {  	s1 =	srdreg.scid  }
0x8b: {  	s0 =	sand.u32 $0x1, s1  }
0x8c: {  	s16 =	sshll.u32 s0, $0xA;
	s2 =	sadd.s32 s3, s2  }
0x8d: {  	s2 =	sadd.s32 s2, s16  }
0x8e: {  	[smem:$0x3FC0] =	sst s2  }
0x8f: {  	_ = 	snop  }
0x90: {  	(tm) =	ssettm $0x1  }
0x91: {  	s17 =	sld [smem:$0x3FFB];
	_ =	sdelay $0x3  }
0x92: {  	_ =	strace s17  }
0x93: {  	s2 =	sld [smem:$0x3FFC];
	_ =	sdelay $0x3  }
0x94: {  	_ =	strace s2  }
0x95: {  	s2 =	sld [smem:$0x3FFD];
	_ =	sdelay $0x3  }
0x96: {  	_ =	strace s2  }
0x97: {  	_ =	strace $0x8FFFFFFF  }
0x98: {  	s18 =	sld [smem:$0x3FDB];
	_ =	sdelay $0x1  }
0x99: {  	s19 =	simm.s32 $_scs_section_size  }
0x9a: {  	s4 =	simm.s32 $_size__tile_overlayer_lowered;
	s5 =	simm.s32 $_tile_overlayer_lowered  }
0x9b: {  	s22 =	simm.s32 $0x1BFF;
	s21 =	sshll.u32 s5, $0x1;
	s2 =	sadd.s32 s19, s18  }
0x9c: {  	s6 =	simm.s32 $0x0;
	s20 =	sshll.u32 s4, $0x1;
	s4 =	sadd.s32 s21, s2  }
0x9d: {  	[timem:s6], [sflag:s22] =	dma.local [hbm:s4], s20  }
0x9e: {  	_ =	swait.ge [sflag:s22], s20  }
0x9f: {  	s3 =	ssub.s32 $0x0, s20;
	[sflag:s22] =	ssyncset.done $0x0  }
0xa0: {  	[sflag:s22] =	ssyncadd.s32 s3;
	_ =	sdelay $0x1  }
0xa1: {  	s23 =	simm.s32 $0x1B8B  }
0xa2: {  	_ =	swait.ge [sflag:s23], $0x1  }
0xa3: {  	[sflag:s23] =	ssyncset.done $0x0  }
0xa4: {  	s25 =	simm.s32 $0x1B8E;
	s24 =	sld [smem:$0x3FFE];
	[sflag:s23] =	ssyncadd.s32 $0xFFFFFFFF  }
0xa5: {  	s26 =	simm.s32 $execute0_lowered;
	[smem:$0x3FD2] =	sst s25  }
0xa6: {  	s4 =	sshll.u32 s26, $0x1;
	_ =	strace $0x80000046;
	[dreg:$0x1] =	wrdreg $0xFFFFFFFF  }
0xa7: {  	s28 =	simm.s32 $_size_execute0_lowered;
	s2 =	sadd.s32 s2, s4;
	[dreg:$0x0] =	wrdreg $0x0  }
0xa8: {  	s4 =	sshll.u32 s28, $0x1;
	[dreg:$0x2] =	wrdreg s2  }
0xa9: {  	[dreg:$0x3] =	wrdreg s4  }
0xaa: {  	[dreg:$0x4] =	wrdreg $0xC0  }
0xab: {  	_ =	task [dreg:s6], $0x5FFFF  }
0xac: {  	[dreg:$0x1] =	wrdreg $0xFFFFFFFF  }
0xad: {  	[dreg:$0x0] =	wrdreg $0x60  }
0xae: {  	[dreg:$0x2] =	wrdreg s24  }
0xaf: {  	[dreg:$0x3] =	wrdreg $0xA0000  }
0xb0: {  	[dreg:$0x4] =	wrdreg $0x13D000  }
0xb1: {  	[dreg:$0x5] =	wrdreg $0x9  }
0xb2: {  	_ =	task.clear_ibuf [dreg:s6], $0x6FFFF;
	_ =	strace $0x90000046  }
0xb3: {  	s29 =	simm.s32 $0x9;
	_ =	strace $0x80000048  }
0xb4: {  	_ =	swait.ge [sflag:s29], $0x1  }
0xb5: {  	[sflag:s29] =	ssyncadd.s32 $0xFFFFFFFF  }
0xb6: {  	_ =	strace $0x90000048  }
0xb7: {  	_ =	sfence  }
0xb8: {  	s30 =	sld [smem:$0x0];
	_ =	sdelay $0x2  }
0xb9: {  	s31 =	sshll.u32 s1, $0xD;
	s1 =	sshrl.u32 s1, $0x2  }
0xba: {  	s3 =	sand.u32 $0x4000, s31;
	s1 =	sadd.s32 s1, s30  }
0xbb: {  	s0 =	sor.u32 s3, s0;
	s1 =	sshll.u32 s1, $0x11  }
0xbc: {  	s0 =	sor.u32 s1, s0  }
0xbd: {  	s0 =	sadd.s32 $0x8F2B, s0  }
0xbe: {  	[sflag:s0] =	ssyncadd.remote.s32 $0x1  }
0xbf: {  	_ =	sfence.sel $0xFFFF  }
0xc0: {  	[dreg:$0x0] =	wrdreg $0xFFFFFFFF;
	(pc) =	sbr.abs _section_cstart, $3  }
0xc1: {  	[dreg:$0x1] =	wrdreg $0xFFFFFFFF  }
0xc2: {  	_ =	task.clear_ibuf [dreg:s6], $0x2FFFF;
	_ =	strace $0x9FFFFFFF  }
0xc3: {  	(tm) =	ssettm $0x7FFFFFFF  }
tec
execute0_lowered:
.L_overlay_start_1:
0x0: {  	(tag) =	ssettag $0x1  }
0x1: {  	s0 =	rddreg [dreg:$0x0]  }
0x2: {  	s2 =	rddreg [dreg:$0x1]  }
0x3: {  	s3 =	rddreg [dreg:$0x2]  }
0x4: {  	s4 =	simm.s32 $0x0;
	s10 =	stileid.u32;
	s1 =	srdreg.scid  }
0x5: {  	s29 =	simm.s32 $0x8C00;
	s30 =	simm.s32 $0x1;
	s31 =	simm.s32 $0x2  }
0x6: {  	[smem:$0x7FF] =	sst s4;
	s20 =	smul.u32 $0x500, s10;
	s1 =	sand.u32 $0x1, s1  }
0x7: {  	s5 =	sadd.s32 $0xA7600, s0;
	s7 =	sadd.s32 $0xA600, s0;
	s9 =	smul.u32 $0x9E00, s10  }
0x8: {  	s22 =	smul.u32 $0x9C00, s10;
	p0 =	sgt.u32 s10, $0x7;
	s10 =	simm.s32 $0x8  }
0x9: {  	_ =	strace $0x80000047;
	s6 =	ssub.s32 $0x2, s1;
	s1 =	smul.u32 $0x27400, s1  }
0xa: {  	s4 =	sadd.s32 s20, s0;
	s8 =	sshrl.u32 s6, $0x1;
	s0 =	sadd.s32 $0x1E000, s0  }
0xb: {  	s23 =	sadd.s32 s9, s2;
	s20 =	simm.s32 $0x9;
	s6 =	ssub.s32 s6, s8  }
0xc: {  	s21 =	sadd.s32 $0x5600, s4;
	s4 =	sadd.s32 $0x600, s4;
	[dreg:$0x6] =	wrdreg s23  }
0xd: {  	s8 =	sshrl.u32 s9, $0x3;
	s9 =	sadd.s32 s9, s3;
	[dreg:$0x4] =	wrdreg s21  }
0xe: {  	s24 =	sadd.s32 s5, s1;
	s26 =	sadd.s32 $0x13A00, s1;
	[dreg:$0x5] =	wrdreg s4  }
0xf: {  	s16 =	sadd.s32 s0, s1;
	s23 =	simm.s32 $0x5000;
	[dreg:$0x8] =	wrdreg s9  }
0x10: {  	s11 =	sadd.s32 s7, s8;
	s4 =	sadd.s32 $0x1000, s22;
	[dreg:$0x9] =	wrdreg s24  }
0x11: {  	s17 =	sadd.s32 s5, s26;
	s18 =	sadd.s32 s0, s26;
	s28 =	smax.u32 s6, $0x1  }
0x12: {  	s22 =	simm.s32 $0x50;
	s24 =	simm.s32 $0x6400;
	s26 =	simm.s32 $0x7800  }
0x13: {  	s0 =	simm.s32 $0x3;
	s21 =	simm.s32 $0x4;
	[dreg:$0x7] =	wrdreg s11  }
0x14: {  	s5 =	simm.s32 $0x5;
	s25 =	sadd.s32 s4, s2;
	[dreg:$0xd] =	wrdreg s28  }
0x15: {  	s13 =	sshrl.u32 s4, $0x3;
	s4 =	sadd.s32 s4, s3;
	[dreg:$0xa] =	wrdreg s25  }
0x16: {  	s6 =	simm.s32 $0x6;
	s7 =	sadd.s32 s7, s13;
	[dreg:$0xc] =	wrdreg s4  }
0x17: {  	s25 =	simm.s32 $0x0;
	[dreg:$0xb] =	wrdreg s7;
	s7 =	simm.s32 $0x7  }
.LBB2_1:
0x18: {  	s14 =	simm.s32 $0x0;
	s1 =	rddreg [dreg:$0x4]  }
0x19: {  	[tilespmem:s14], [sflag:$0x9] =	stream.linear.gather [hbm4b:s1+s14], $0x2800, $0x38;
	[tilespmem:$0x1DA00] =	vst v63  }
0x1a: {  	_ =	swait.ge [sflag:s20], $0x2800  }
0x1b: {  	[sflag:s20] =	ssyncset.done $0x0  }
0x1c: {  	s4 =	simm.s32 $0x2800;
	s12 =	rddreg [dreg:$0x5];
	[sflag:s20] =	ssyncadd.s32 $0xFFFFD800  }
0x1d: {  	[tilespmem:s4], [sflag:$0x9] =	stream.linear.gather [hbm4b:s12+s14], $0x2800, $0x38;
	[tilespmem:$0x1DA00] =	vst v63  }
0x1e: {  	s12 =	stileid.u32  }
0x1f: {  	s9 =	simm.s32 @p0 $0x9;
	_ =	swait.ge [sflag:s20], $0x2800;
	s1 =	sshll.u32 @p0 s12, $0x6  }
0x20: {  	[sflag:s20] =	ssyncset.done $0x0;
	s28 =	sor.u32 @p0 $0x1C09, s1;
	s1 =	rddreg [dreg:$0xa]  }
0x21: {  	s4 =	rddreg [dreg:$0xb];
	[sflag:s20] =	ssyncadd.s32 $0xFFFFD800;
	s1 =	sshrl.u32 @p0 s1, $0x3  }
0x22: {  	[spmem:s1], [sflag:s28] =	dma.local @p0 [hbm:s4], $0x1380  }
0x23: {  	_ =	swait.ge @p0 [sflag:s9], $0x1380  }
0x24: {  	s19 =	rddreg [dreg:$0x9]  }
0x25: {  	[sflag:s9] =	ssyncset.done @p0 $0x0;
	s4 =	rddreg [dreg:$0xc]  }
0x26: {  	[sflag:s9] =	ssyncadd.s32 @p0 $0xFFFFEC80;
	s11 =	sadd.s32 @p0 s13, s19;
	s4 =	sshrl.u32 @p0 s4, $0x3  }
0x27: {  	[spmem:s4], [sflag:s28] =	dma.local @p0 [hbm:s11], $0x1380  }
0x28: {  	_ =	swait.ge @p0 [sflag:s9], $0x1380  }
0x29: {  	[sflag:s9] =	ssyncset.done @p0 $0x0  }
0x2a: {  	s11 =	sshll.u32 @!p0 s12, $0x6;
	[sflag:s9] =	ssyncadd.s32 @p0 $0xFFFFEC80;
	s9 =	rddreg [dreg:$0x6]  }
0x2b: {  	s12 =	sor.u32 @!p0 $0x1C09, s11;
	s15 =	sshrl.u32 @!p0 s9, $0x3;
	s9 =	rddreg [dreg:$0x7]  }
0x2c: {  	[spmem:s15], [sflag:s12] =	dma.local @!p0 [hbm:s9], $0x13C0  }
0x2d: {  	s9 =	simm.s32 @!p0 $0x9  }
0x2e: {  	_ =	swait.ge @!p0 [sflag:s9], $0x13C0  }
0x2f: {  	s11 =	sadd.s32 @!p0 s8, s19;
	[sflag:s9] =	ssyncset.done @!p0 $0x0;
	s19 =	rddreg [dreg:$0x8]  }
0x30: {  	[sflag:s9] =	ssyncadd.s32 @!p0 $0xFFFFEC40;
	s19 =	sshrl.u32 @!p0 s19, $0x3  }
0x31: {  	[spmem:s19], [sflag:s12] =	dma.local @!p0 [hbm:s11], $0x13C0  }
0x32: {  	_ =	swait.ge @!p0 [sflag:s9], $0x13C0  }
0x33: {  	[sflag:s9] =	ssyncset.done @!p0 $0x0  }
0x34: {  	[sflag:s9] =	ssyncadd.s32 @!p0 $0xFFFFEC40  }
0x35: {  	[bflag:$0x0] =	sbarrier.arrive $0xFFFF  }
0x36: {  	[tilespmem:s23], [sflag:$0x1] =	stream.indirect.gather [spmem:s3], $0x40, s14, s22, $0xb8;
	[tilespmem:$0x1DA00] =	vst v63  }
0x37: {  	_ = 	snop  }
0x38: {  	[tilespmem:s24], [sflag:$0x2] =	stream.indirect.gather [spmem:s3], $0x40, s22, s22, $0xb8;
	[tilespmem:$0x1DA00] =	vst v63  }
0x39: {  	s14 =	simm.s32 $0xA0  }
0x3a: {  	[tilespmem:s26], [sflag:$0x3] =	stream.indirect.gather [spmem:s3], $0x40, s14, s22, $0xb8;
	[tilespmem:$0x1DA00] =	vst v63  }
0x3b: {  	s11 =	simm.s32 $0xF0  }
0x3c: {  	[tilespmem:s29], [sflag:$0x4] =	stream.indirect.gather [spmem:s3], $0x40, s11, s22, $0xb8;
	[tilespmem:$0x1DA00] =	vst v63  }
0x3d: {  	_ =	swait.ge [sflag:s30], $0x1400  }
0x3e: {  	[sflag:s30] =	ssyncset.done $0x0  }
0x3f: {  	s14 =	simm.s32 $0x2800;
	[sflag:s30] =	ssyncadd.s32 $0xFFFFEC00  }
0x40: {  	[spmem:s2] =	stream.indirect.scatter.add.f32 [tilespmem:s23], [sflag:$0x5], $0x40, s14, s22, $0xb8;
	[tilespmem:$0x1DA00] =	vst v63  }
0x41: {  	_ =	swait.ge [sflag:s31], $0x1400  }
0x42: {  	[sflag:s31] =	ssyncset.done $0x0  }
0x43: {  	s11 =	simm.s32 $0x2850;
	[sflag:s31] =	ssyncadd.s32 $0xFFFFEC00  }
0x44: {  	[spmem:s2] =	stream.indirect.scatter.add.f32 [tilespmem:s24], [sflag:$0x6], $0x40, s11, s22, $0xb8;
	[tilespmem:$0x1DA00] =	vst v63  }
0x45: {  	_ =	swait.ge [sflag:s0], $0x1400  }
0x46: {  	[sflag:s0] =	ssyncset.done $0x0  }
0x47: {  	s14 =	simm.s32 $0x28A0;
	[sflag:s0] =	ssyncadd.s32 $0xFFFFEC00  }
0x48: {  	[spmem:s2] =	stream.indirect.scatter.add.f32 [tilespmem:s26], [sflag:$0x7], $0x40, s14, s22, $0xb8;
	[tilespmem:$0x1DA00] =	vst v63  }
0x49: {  	_ =	swait.ge [sflag:s21], $0x1400  }
0x4a: {  	[sflag:s21] =	ssyncset.done $0x0  }
0x4b: {  	s11 =	simm.s32 $0x28F0;
	[sflag:s21] =	ssyncadd.s32 $0xFFFFEC00  }
0x4c: {  	[spmem:s2] =	stream.indirect.scatter.add.f32 [tilespmem:s29], [sflag:$0x8], $0x40, s11, s22, $0xb8;
	[tilespmem:$0x1DA00] =	vst v63  }
0x4d: {  	_ =	swait.ge [sflag:s5], $0x1400  }
0x4e: {  	[sflag:s5] =	ssyncset.done $0x0  }
0x4f: {  	s14 =	simm.s32 $0x140;
	[sflag:s5] =	ssyncadd.s32 $0xFFFFEC00  }
0x50: {  	[tilespmem:s23], [sflag:$0x1] =	stream.indirect.gather [spmem:s3], $0x40, s14, s22, $0xb8;
	[tilespmem:$0x1DA00] =	vst v63  }
0x51: {  	_ =	swait.ge [sflag:s6], $0x1400  }
0x52: {  	[sflag:s6] =	ssyncset.done $0x0  }
0x53: {  	s11 =	simm.s32 $0x190;
	[sflag:s6] =	ssyncadd.s32 $0xFFFFEC00  }
0x54: {  	[tilespmem:s24], [sflag:$0x2] =	stream.indirect.gather [spmem:s3], $0x40, s11, s22, $0xb8;
	[tilespmem:$0x1DA00] =	vst v63  }
0x55: {  	_ =	swait.ge [sflag:s7], $0x1400  }
0x56: {  	[sflag:s7] =	ssyncset.done $0x0  }
0x57: {  	s14 =	simm.s32 $0x1E0;
	[sflag:s7] =	ssyncadd.s32 $0xFFFFEC00  }
0x58: {  	[tilespmem:s26], [sflag:$0x3] =	stream.indirect.gather [spmem:s3], $0x40, s14, s22, $0xb8;
	[tilespmem:$0x1DA00] =	vst v63  }
0x59: {  	_ =	swait.ge [sflag:s10], $0x1400  }
0x5a: {  	[sflag:s10] =	ssyncset.done $0x0  }
0x5b: {  	s9 =	simm.s32 $0x500;
	s11 =	simm.s32 $0x230;
	[sflag:s10] =	ssyncadd.s32 $0xFFFFEC00  }
.LBB2_2:
0x5c: {  	[tilespmem:s29], [sflag:$0x4] =	stream.indirect.gather [spmem:s3], $0x40, s11, s22, $0xb8;
	[tilespmem:$0x1DA00] =	vst v63  }
0x5d: {  	s11 =	smov.u32 s9  }
0x5e: {  	p1 =	sne.s32 s9, $0x9600;
	s9 =	sadd.s32 $0x500, s9;
	_ =	swait.ge [sflag:s30], $0x1400  }
0x5f: {  	s11 =	sshra.s32 s11, $0x2;
	[sflag:s30] =	ssyncset.done $0x0  }
0x60: {  	s14 =	sadd.s32 $0x2800, s11;
	[sflag:s30] =	ssyncadd.s32 $0xFFFFEC00  }
0x61: {  	[spmem:s2] =	stream.indirect.scatter.add.f32 [tilespmem:s23], [sflag:$0x5], $0x40, s14, s22, $0xb8;
	[tilespmem:$0x1DA00] =	vst v63  }
0x62: {  	_ =	swait.ge [sflag:s31], $0x1400  }
0x63: {  	[sflag:s31] =	ssyncset.done $0x0  }
0x64: {  	s14 =	sadd.s32 $0x2850, s11;
	[sflag:s31] =	ssyncadd.s32 $0xFFFFEC00  }
0x65: {  	[spmem:s2] =	stream.indirect.scatter.add.f32 [tilespmem:s24], [sflag:$0x6], $0x40, s14, s22, $0xb8;
	[tilespmem:$0x1DA00] =	vst v63  }
0x66: {  	_ =	swait.ge [sflag:s0], $0x1400  }
0x67: {  	[sflag:s0] =	ssyncset.done $0x0  }
0x68: {  	s14 =	sadd.s32 $0x28A0, s11;
	[sflag:s0] =	ssyncadd.s32 $0xFFFFEC00  }
0x69: {  	[spmem:s2] =	stream.indirect.scatter.add.f32 [tilespmem:s26], [sflag:$0x7], $0x40, s14, s22, $0xb8;
	[tilespmem:$0x1DA00] =	vst v63  }
0x6a: {  	_ =	swait.ge [sflag:s21], $0x1400  }
0x6b: {  	[sflag:s21] =	ssyncset.done $0x0  }
0x6c: {  	s14 =	sadd.s32 $0x28F0, s11;
	[sflag:s21] =	ssyncadd.s32 $0xFFFFEC00  }
0x6d: {  	[spmem:s2] =	stream.indirect.scatter.add.f32 [tilespmem:s29], [sflag:$0x8], $0x40, s14, s22, $0xb8;
	[tilespmem:$0x1DA00] =	vst v63  }
0x6e: {  	_ =	swait.ge [sflag:s5], $0x1400  }
0x6f: {  	[sflag:s5] =	ssyncset.done $0x0  }
0x70: {  	s14 =	sadd.s32 $0x140, s11;
	[sflag:s5] =	ssyncadd.s32 $0xFFFFEC00  }
0x71: {  	[tilespmem:s23], [sflag:$0x1] =	stream.indirect.gather [spmem:s3], $0x40, s14, s22, $0xb8;
	[tilespmem:$0x1DA00] =	vst v63  }
0x72: {  	_ =	swait.ge [sflag:s6], $0x1400  }
0x73: {  	[sflag:s6] =	ssyncset.done $0x0  }
0x74: {  	s14 =	sadd.s32 $0x190, s11;
	[sflag:s6] =	ssyncadd.s32 $0xFFFFEC00  }
0x75: {  	[tilespmem:s24], [sflag:$0x2] =	stream.indirect.gather [spmem:s3], $0x40, s14, s22, $0xb8;
	[tilespmem:$0x1DA00] =	vst v63  }
0x76: {  	_ =	swait.ge [sflag:s7], $0x1400  }
0x77: {  	[sflag:s7] =	ssyncset.done $0x0  }
.Ltmp0:
0x78: {  	s14 =	sadd.s32 $0x1E0, s11;
	[sflag:s7] =	ssyncadd.s32 $0xFFFFEC00;
	(pc) =	sbr.rel @p1 .LBB2_2-.Ltmp0, $4  }
0x79: {  	[tilespmem:s26], [sflag:$0x3] =	stream.indirect.gather [spmem:s3], $0x40, s14, s22, $0xb8;
	[tilespmem:$0x1DA00] =	vst v63  }
0x7a: {  	_ =	swait.ge [sflag:s10], $0x1400  }
0x7b: {  	[sflag:s10] =	ssyncset.done $0x0  }
0x7c: {  	s11 =	sadd.s32 $0x230, s11;
	[sflag:s10] =	ssyncadd.s32 $0xFFFFEC00  }
0x7d: {  	[tilespmem:s29], [sflag:$0x4] =	stream.indirect.gather [spmem:s3], $0x40, s11, s22, $0xb8;
	[tilespmem:$0x1DA00] =	vst v63  }
0x7e: {  	_ =	swait.ge [sflag:s30], $0x1400  }
0x7f: {  	[sflag:s30] =	ssyncset.done $0x0  }
0x80: {  	s14 =	simm.s32 $0x4EC0;
	[sflag:s30] =	ssyncadd.s32 $0xFFFFEC00  }
0x81: {  	[spmem:s2] =	stream.indirect.scatter.add.f32 [tilespmem:s23], [sflag:$0x5], $0x40, s14, s22, $0xb8;
	[tilespmem:$0x1DA00] =	vst v63  }
0x82: {  	_ =	swait.ge [sflag:s31], $0x1400  }
0x83: {  	[sflag:s31] =	ssyncset.done $0x0  }
0x84: {  	s9 =	simm.s32 $0x4F10;
	[sflag:s31] =	ssyncadd.s32 $0xFFFFEC00  }
0x85: {  	[spmem:s2] =	stream.indirect.scatter.add.f32 [tilespmem:s24], [sflag:$0x6], $0x40, s9, s22, $0xb8;
	[tilespmem:$0x1DA00] =	vst v63  }
0x86: {  	_ =	swait.ge [sflag:s0], $0x1400  }
0x87: {  	[sflag:s0] =	ssyncset.done $0x0  }
0x88: {  	s11 =	simm.s32 $0x4F60;
	[sflag:s0] =	ssyncadd.s32 $0xFFFFEC00  }
0x89: {  	[spmem:s2] =	stream.indirect.scatter.add.f32 [tilespmem:s26], [sflag:$0x7], $0x40, s11, s22, $0xb8;
	[tilespmem:$0x1DA00] =	vst v63  }
0x8a: {  	_ =	swait.ge [sflag:s21], $0x1400  }
0x8b: {  	[sflag:s21] =	ssyncset.done $0x0  }
0x8c: {  	s11 =	simm.s32 $0x4FB0;
	[sflag:s21] =	ssyncadd.s32 $0xFFFFEC00  }
0x8d: {  	[spmem:s2] =	stream.indirect.scatter.add.f32 [tilespmem:s29], [sflag:$0x8], $0x40, s11, s22, $0xb8;
	[tilespmem:$0x1DA00] =	vst v63  }
0x8e: {  	_ =	swait.ge [sflag:s5], $0x1400  }
0x8f: {  	[sflag:s5] =	ssyncset.done $0x0  }
0x90: {  	[sflag:s5] =	ssyncadd.s32 $0xFFFFEC00  }
0x91: {  	_ =	swait.ge [sflag:s6], $0x1400  }
0x92: {  	[sflag:s6] =	ssyncset.done $0x0  }
0x93: {  	[sflag:s6] =	ssyncadd.s32 $0xFFFFEC00  }
0x94: {  	_ =	swait.ge [sflag:s7], $0x1400  }
0x95: {  	[sflag:s7] =	ssyncset.done $0x0  }
0x96: {  	[sflag:s7] =	ssyncadd.s32 $0xFFFFEC00  }
0x97: {  	_ =	swait.ge [sflag:s10], $0x1400  }
0x98: {  	[sflag:s10] =	ssyncset.done $0x0  }
0x99: {  	[sflag:s10] =	ssyncadd.s32 $0xFFFFEC00  }
0x9a: {  	s9 =	sadd.s32 @p0 s13, s16;
	[bflag:$0x0] =	sbarrier.arrive $0xFFFF  }
0x9b: {  	[hbm:s9], [sflag:s28] =	dma.local @p0 [spmem:s1], $0x1380  }
0x9c: {  	s9 =	simm.s32 @p0 $0x9  }
0x9d: {  	_ =	swait.ge @p0 [sflag:s9], $0x1380  }
0x9e: {  	[sflag:s9] =	ssyncset.done @p0 $0x0  }
0x9f: {  	s11 =	rddreg [dreg:$0xb];
	[sflag:s9] =	ssyncadd.s32 @p0 $0xFFFFEC80  }
0xa0: {  	[spmem:s1], [sflag:s28] =	dma.local @p0 [hbm:s11], $0x1380  }
0xa1: {  	_ =	swait.ge @p0 [sflag:s9], $0x1380  }
0xa2: {  	[sflag:s9] =	ssyncset.done @p0 $0x0  }
0xa3: {  	s11 =	sadd.s32 @p0 s13, s17;
	[sflag:s9] =	ssyncadd.s32 @p0 $0xFFFFEC80  }
0xa4: {  	[spmem:s4], [sflag:s28] =	dma.local @p0 [hbm:s11], $0x1380  }
0xa5: {  	_ =	swait.ge @p0 [sflag:s9], $0x1380  }
0xa6: {  	[sflag:s9] =	ssyncset.done @p0 $0x0  }
0xa7: {  	s4 =	sadd.s32 @!p0 s8, s16;
	[sflag:s9] =	ssyncadd.s32 @p0 $0xFFFFEC80  }
0xa8: {  	[hbm:s4], [sflag:s12] =	dma.local @!p0 [spmem:s15], $0x13C0  }
0xa9: {  	s4 =	simm.s32 @!p0 $0x9  }
0xaa: {  	_ =	swait.ge @!p0 [sflag:s4], $0x13C0  }
0xab: {  	[sflag:s4] =	ssyncset.done @!p0 $0x0  }
0xac: {  	s9 =	rddreg [dreg:$0x7];
	[sflag:s4] =	ssyncadd.s32 @!p0 $0xFFFFEC40  }
0xad: {  	[spmem:s15], [sflag:s12] =	dma.local @!p0 [hbm:s9], $0x13C0  }
0xae: {  	_ =	swait.ge @!p0 [sflag:s4], $0x13C0  }
0xaf: {  	[sflag:s4] =	ssyncset.done @!p0 $0x0  }
0xb0: {  	s9 =	sadd.s32 @!p0 s8, s17;
	[sflag:s4] =	ssyncadd.s32 @!p0 $0xFFFFEC40  }
0xb1: {  	[spmem:s19], [sflag:s12] =	dma.local @!p0 [hbm:s9], $0x13C0  }
0xb2: {  	_ =	swait.ge @!p0 [sflag:s4], $0x13C0  }
0xb3: {  	[sflag:s4] =	ssyncset.done @!p0 $0x0  }
0xb4: {  	[sflag:s4] =	ssyncadd.s32 @!p0 $0xFFFFEC40  }
0xb5: {  	s19 =	simm.s32 $0x0;
	[bflag:$0x0] =	sbarrier.arrive $0xFFFF  }
0xb6: {  	[tilespmem:s23], [sflag:$0x1] =	stream.indirect.gather [spmem:s3], $0x40, s19, s22, $0xb8;
	[tilespmem:$0x1DA00] =	vst v63  }
0xb7: {  	_ = 	snop  }
0xb8: {  	[tilespmem:s24], [sflag:$0x2] =	stream.indirect.gather [spmem:s3], $0x40, s22, s22, $0xb8;
	[tilespmem:$0x1DA00] =	vst v63  }
0xb9: {  	s9 =	simm.s32 $0xA0  }
0xba: {  	[tilespmem:s26], [sflag:$0x3] =	stream.indirect.gather [spmem:s3], $0x40, s9, s22, $0xb8;
	[tilespmem:$0x1DA00] =	vst v63  }
0xbb: {  	s11 =	simm.s32 $0xF0  }
0xbc: {  	[tilespmem:s29], [sflag:$0x4] =	stream.indirect.gather [spmem:s3], $0x40, s11, s22, $0xb8;
	[tilespmem:$0x1DA00] =	vst v63  }
0xbd: {  	_ =	swait.ge [sflag:s30], $0x1400  }
0xbe: {  	[sflag:s30] =	ssyncset.done $0x0  }
0xbf: {  	s19 =	simm.s32 $0x2800;
	[sflag:s30] =	ssyncadd.s32 $0xFFFFEC00  }
0xc0: {  	[spmem:s2] =	stream.indirect.scatter.add.f32 [tilespmem:s23], [sflag:$0x5], $0x40, s19, s22, $0xb8;
	[tilespmem:$0x1DA00] =	vst v63  }
0xc1: {  	_ =	swait.ge [sflag:s31], $0x1400  }
0xc2: {  	[sflag:s31] =	ssyncset.done $0x0  }
0xc3: {  	s9 =	simm.s32 $0x2850;
	[sflag:s31] =	ssyncadd.s32 $0xFFFFEC00  }
0xc4: {  	[spmem:s2] =	stream.indirect.scatter.add.f32 [tilespmem:s24], [sflag:$0x6], $0x40, s9, s22, $0xb8;
	[tilespmem:$0x1DA00] =	vst v63  }
0xc5: {  	_ =	swait.ge [sflag:s0], $0x1400  }
0xc6: {  	[sflag:s0] =	ssyncset.done $0x0  }
0xc7: {  	s11 =	simm.s32 $0x28A0;
	[sflag:s0] =	ssyncadd.s32 $0xFFFFEC00  }
0xc8: {  	[spmem:s2] =	stream.indirect.scatter.add.f32 [tilespmem:s26], [sflag:$0x7], $0x40, s11, s22, $0xb8;
	[tilespmem:$0x1DA00] =	vst v63  }
0xc9: {  	_ =	swait.ge [sflag:s21], $0x1400  }
0xca: {  	[sflag:s21] =	ssyncset.done $0x0  }
0xcb: {  	s19 =	simm.s32 $0x28F0;
	[sflag:s21] =	ssyncadd.s32 $0xFFFFEC00  }
0xcc: {  	[spmem:s2] =	stream.indirect.scatter.add.f32 [tilespmem:s29], [sflag:$0x8], $0x40, s19, s22, $0xb8;
	[tilespmem:$0x1DA00] =	vst v63  }
0xcd: {  	_ =	swait.ge [sflag:s5], $0x1400  }
0xce: {  	[sflag:s5] =	ssyncset.done $0x0  }
0xcf: {  	s9 =	simm.s32 $0x140;
	[sflag:s5] =	ssyncadd.s32 $0xFFFFEC00  }
0xd0: {  	[tilespmem:s23], [sflag:$0x1] =	stream.indirect.gather [spmem:s3], $0x40, s9, s22, $0xb8;
	[tilespmem:$0x1DA00] =	vst v63  }
0xd1: {  	_ =	swait.ge [sflag:s6], $0x1400  }
0xd2: {  	[sflag:s6] =	ssyncset.done $0x0  }
0xd3: {  	s11 =	simm.s32 $0x190;
	[sflag:s6] =	ssyncadd.s32 $0xFFFFEC00  }
0xd4: {  	[tilespmem:s24], [sflag:$0x2] =	stream.indirect.gather [spmem:s3], $0x40, s11, s22, $0xb8;
	[tilespmem:$0x1DA00] =	vst v63  }
0xd5: {  	_ =	swait.ge [sflag:s7], $0x1400  }
0xd6: {  	[sflag:s7] =	ssyncset.done $0x0  }
0xd7: {  	s19 =	simm.s32 $0x1E0;
	[sflag:s7] =	ssyncadd.s32 $0xFFFFEC00  }
0xd8: {  	[tilespmem:s26], [sflag:$0x3] =	stream.indirect.gather [spmem:s3], $0x40, s19, s22, $0xb8;
	[tilespmem:$0x1DA00] =	vst v63  }
0xd9: {  	_ =	swait.ge [sflag:s10], $0x1400  }
0xda: {  	[sflag:s10] =	ssyncset.done $0x0  }
0xdb: {  	s4 =	simm.s32 $0x500;
	s9 =	simm.s32 $0x230;
	[sflag:s10] =	ssyncadd.s32 $0xFFFFEC00  }
.LBB2_4:
0xdc: {  	[tilespmem:s29], [sflag:$0x4] =	stream.indirect.gather [spmem:s3], $0x40, s9, s22, $0xb8;
	[tilespmem:$0x1DA00] =	vst v63  }
0xdd: {  	s9 =	smov.u32 s4  }
0xde: {  	p1 =	sne.s32 s4, $0x9600;
	s4 =	sadd.s32 $0x500, s4;
	_ =	swait.ge [sflag:s30], $0x1400  }
0xdf: {  	s9 =	sshra.s32 s9, $0x2;
	[sflag:s30] =	ssyncset.done $0x0  }
0xe0: {  	s11 =	sadd.s32 $0x2800, s9;
	[sflag:s30] =	ssyncadd.s32 $0xFFFFEC00  }
0xe1: {  	[spmem:s2] =	stream.indirect.scatter.add.f32 [tilespmem:s23], [sflag:$0x5], $0x40, s11, s22, $0xb8;
	[tilespmem:$0x1DA00] =	vst v63  }
0xe2: {  	_ =	swait.ge [sflag:s31], $0x1400  }
0xe3: {  	[sflag:s31] =	ssyncset.done $0x0  }
0xe4: {  	s11 =	sadd.s32 $0x2850, s9;
	[sflag:s31] =	ssyncadd.s32 $0xFFFFEC00  }
0xe5: {  	[spmem:s2] =	stream.indirect.scatter.add.f32 [tilespmem:s24], [sflag:$0x6], $0x40, s11, s22, $0xb8;
	[tilespmem:$0x1DA00] =	vst v63  }
0xe6: {  	_ =	swait.ge [sflag:s0], $0x1400  }
0xe7: {  	[sflag:s0] =	ssyncset.done $0x0  }
0xe8: {  	s11 =	sadd.s32 $0x28A0, s9;
	[sflag:s0] =	ssyncadd.s32 $0xFFFFEC00  }
0xe9: {  	[spmem:s2] =	stream.indirect.scatter.add.f32 [tilespmem:s26], [sflag:$0x7], $0x40, s11, s22, $0xb8;
	[tilespmem:$0x1DA00] =	vst v63  }
0xea: {  	_ =	swait.ge [sflag:s21], $0x1400  }
0xeb: {  	[sflag:s21] =	ssyncset.done $0x0  }
0xec: {  	s11 =	sadd.s32 $0x28F0, s9;
	[sflag:s21] =	ssyncadd.s32 $0xFFFFEC00  }
0xed: {  	[spmem:s2] =	stream.indirect.scatter.add.f32 [tilespmem:s29], [sflag:$0x8], $0x40, s11, s22, $0xb8;
	[tilespmem:$0x1DA00] =	vst v63  }
0xee: {  	_ =	swait.ge [sflag:s5], $0x1400  }
0xef: {  	[sflag:s5] =	ssyncset.done $0x0  }
0xf0: {  	s11 =	sadd.s32 $0x140, s9;
	[sflag:s5] =	ssyncadd.s32 $0xFFFFEC00  }
0xf1: {  	[tilespmem:s23], [sflag:$0x1] =	stream.indirect.gather [spmem:s3], $0x40, s11, s22, $0xb8;
	[tilespmem:$0x1DA00] =	vst v63  }
0xf2: {  	_ =	swait.ge [sflag:s6], $0x1400  }
0xf3: {  	[sflag:s6] =	ssyncset.done $0x0  }
0xf4: {  	s11 =	sadd.s32 $0x190, s9;
	[sflag:s6] =	ssyncadd.s32 $0xFFFFEC00  }
0xf5: {  	[tilespmem:s24], [sflag:$0x2] =	stream.indirect.gather [spmem:s3], $0x40, s11, s22, $0xb8;
	[tilespmem:$0x1DA00] =	vst v63  }
0xf6: {  	_ =	swait.ge [sflag:s7], $0x1400  }
0xf7: {  	[sflag:s7] =	ssyncset.done $0x0  }
.Ltmp1:
0xf8: {  	s11 =	sadd.s32 $0x1E0, s9;
	[sflag:s7] =	ssyncadd.s32 $0xFFFFEC00;
	(pc) =	sbr.rel @p1 .LBB2_4-.Ltmp1, $4  }
0xf9: {  	[tilespmem:s26], [sflag:$0x3] =	stream.indirect.gather [spmem:s3], $0x40, s11, s22, $0xb8;
	[tilespmem:$0x1DA00] =	vst v63  }
0xfa: {  	_ =	swait.ge [sflag:s10], $0x1400  }
0xfb: {  	[sflag:s10] =	ssyncset.done $0x0  }
0xfc: {  	s9 =	sadd.s32 $0x230, s9;
	[sflag:s10] =	ssyncadd.s32 $0xFFFFEC00  }
0xfd: {  	[tilespmem:s29], [sflag:$0x4] =	stream.indirect.gather [spmem:s3], $0x40, s9, s22, $0xb8;
	[tilespmem:$0x1DA00] =	vst v63  }
0xfe: {  	_ =	swait.ge [sflag:s30], $0x1400  }
0xff: {  	[sflag:s30] =	ssyncset.done $0x0  }
0x100: {  	[sflag:s30] =	ssyncadd.s32 $0xFFFFEC00  }
0x101: {  	[spmem:s2] =	stream.indirect.scatter.add.f32 [tilespmem:s23], [sflag:$0x5], $0x40, s14, s22, $0xb8;
	[tilespmem:$0x1DA00] =	vst v63  }
0x102: {  	_ =	swait.ge [sflag:s31], $0x1400  }
0x103: {  	[sflag:s31] =	ssyncset.done $0x0  }
0x104: {  	s4 =	simm.s32 $0x4F10;
	[sflag:s31] =	ssyncadd.s32 $0xFFFFEC00  }
0x105: {  	[spmem:s2] =	stream.indirect.scatter.add.f32 [tilespmem:s24], [sflag:$0x6], $0x40, s4, s22, $0xb8;
	[tilespmem:$0x1DA00] =	vst v63  }
0x106: {  	_ =	swait.ge [sflag:s0], $0x1400  }
0x107: {  	[sflag:s0] =	ssyncset.done $0x0  }
0x108: {  	s14 =	simm.s32 $0x4F60;
	[sflag:s0] =	ssyncadd.s32 $0xFFFFEC00  }
0x109: {  	[spmem:s2] =	stream.indirect.scatter.add.f32 [tilespmem:s26], [sflag:$0x7], $0x40, s14, s22, $0xb8;
	[tilespmem:$0x1DA00] =	vst v63  }
0x10a: {  	_ =	swait.ge [sflag:s21], $0x1400  }
0x10b: {  	[sflag:s21] =	ssyncset.done $0x0  }
0x10c: {  	s19 =	simm.s32 $0x4FB0;
	[sflag:s21] =	ssyncadd.s32 $0xFFFFEC00  }
0x10d: {  	[spmem:s2] =	stream.indirect.scatter.add.f32 [tilespmem:s29], [sflag:$0x8], $0x40, s19, s22, $0xb8;
	[tilespmem:$0x1DA00] =	vst v63  }
0x10e: {  	_ =	swait.ge [sflag:s5], $0x1400  }
0x10f: {  	[sflag:s5] =	ssyncset.done $0x0  }
0x110: {  	[sflag:s5] =	ssyncadd.s32 $0xFFFFEC00  }
0x111: {  	_ =	swait.ge [sflag:s6], $0x1400  }
0x112: {  	[sflag:s6] =	ssyncset.done $0x0  }
0x113: {  	[sflag:s6] =	ssyncadd.s32 $0xFFFFEC00  }
0x114: {  	_ =	swait.ge [sflag:s7], $0x1400  }
0x115: {  	[sflag:s7] =	ssyncset.done $0x0  }
0x116: {  	[sflag:s7] =	ssyncadd.s32 $0xFFFFEC00  }
0x117: {  	_ =	swait.ge [sflag:s10], $0x1400  }
0x118: {  	[sflag:s10] =	ssyncset.done $0x0  }
0x119: {  	[sflag:s10] =	ssyncadd.s32 $0xFFFFEC00  }
0x11a: {  	s4 =	sadd.s32 @p0 s13, s18;
	[bflag:$0x0] =	sbarrier.arrive $0xFFFF  }
0x11b: {  	[hbm:s4], [sflag:s28] =	dma.local @p0 [spmem:s1], $0x1380  }
0x11c: {  	s1 =	simm.s32 @p0 $0x9  }
0x11d: {  	_ =	swait.ge @p0 [sflag:s1], $0x1380  }
0x11e: {  	[sflag:s1] =	ssyncset.done @p0 $0x0  }
0x11f: {  	[sflag:s1] =	ssyncadd.s32 @p0 $0xFFFFEC80;
	s1 =	sadd.s32 @!p0 s8, s18  }
0x120: {  	[hbm:s1], [sflag:s12] =	dma.local @!p0 [spmem:s15], $0x13C0  }
0x121: {  	s1 =	simm.s32 @!p0 $0x9  }
0x122: {  	_ =	swait.ge @!p0 [sflag:s1], $0x13C0  }
0x123: {  	s25 =	sadd.s32 $0x1, s25;
	s28 =	rddreg [dreg:$0xd]  }
0x124: {  	p1 =	sne.s32 s25, s28  }
.Ltmp2:
0x125: {  	_ = 	snop;
	(pc) =	sbr.rel @p1 .LBB2_1-.Ltmp2, $3  }
0x126: {  	_ =	sdelay $0x1  }
0x127: {  	[sflag:s1] =	ssyncset.done @!p0 $0x0  }
0x128: {  	[sflag:s1] =	ssyncadd.s32 @!p0 $0xFFFFEC40  }
0x129: {  	_ =	sfence.sel $0x180000  }
0x12a: {  	[bflag:$0x0] =	sbarrier.arrive $0xFFFF  }
0x12b: {  	_ =	strace $0x90000047  }
0x12c: {  	s0 =	stileid.u32;
	[bflag:$0x2] =	sbarrier.arrive $0xFFFF  }
0x12d: {  	p0 =	sne.s32 s0, $0x0;
	s0 =	rddreg [dreg:$0x3]  }
0x12e: {  	s0 =	sadd.s32 @!p0 $0x100000, s0  }
0x12f: {  	[sflag:s0] =	ssyncadd.tile.s32 @!p0 $0x1;
	_ =	shalt  }
.Lfunc_end2:
_tile_overlayer_lowered:
.L_overlay_start_2:
0x130: {  	(tag) =	ssettag $0x2  }
0x131: {  	s0 =	rddreg [dreg:$0x0];
	s2 =	stileid.u32  }
0x132: {  	s1 =	rddreg [dreg:$0x1];
	p0 =	sne.s32 s2, $0x0  }
0x133: {  	s3 =	rddreg [dreg:$0x2];
	[bflag:$0x3] =	sbarrier.arrive $0xFFFF;
	s2 =	simm.s32 @!p0 $0x1C09  }
0x134: {  	[timem:s3], [sflag:s2] =	dma.local @!p0 [hbm:s0], s1  }
0x135: {  	s0 =	simm.s32 @!p0 $0x9  }
0x136: {  	_ =	swait.ge @!p0 [sflag:s0], s1  }
0x137: {  	s1 =	ssub.s32 @!p0 $0x0, s1;
	[sflag:s0] =	ssyncset.done @!p0 $0x0  }
0x138: {  	[sflag:s0] =	ssyncadd.s32 @!p0 s1  }
0x139: {  	[bflag:$0x3] =	sbarrier.arrive $0xFFFF  }
0x13a: {  	_ =	shalt  }

</sc_bundles>
